<compile_context>
chip_gen: v7x
topology: tpu7x:2x2x1
jax: 0.10.2.dev20260603
libtpu: 0.0.44.dev20260713+nightly
codegen_flags: <defaults>
</compile_context>

<pallas_src>
import functools

import jax
import jax.numpy as jnp
from jax import lax
from jax.experimental import pallas as pl
from jax.experimental.pallas import tpu as pltpu
from jax.experimental.pallas import tpu_sc as plsc

_B, _S, _D = 4, 2048, 2048
_NC, _NS, _L = 2, 16, 16
_W = _NC * _NS
_ROWS_W = _S // _W
_R = 8
_NCHUNK = _ROWS_W // _R
_SEG = _R * _D // _L
_UNROLL = 8
_NIT = _NCHUNK * _B
_SEG_PER_ROW = _D // _L


_RING = 5
_PD = 2


def _sc_body(in_hbm, tab_hbm, out_hbm,
             in0, in1, in2, in3, in4, tb0, tb1,
             si0, si1, si2, si3, si4,
             so0, so1, so2, so3, so4, st0, st1):
    ins = (in0, in1, in2, in3, in4)
    tabs = (tb0, tb1)
    sin = (si0, si1, si2, si3, si4)
    sout = (so0, so1, so2, so3, so4)
    stab = (st0, st1)

    wid = lax.axis_index("s") * _NC + lax.axis_index("c")
    row0 = wid * _ROWS_W

    idesc = [None] * _NIT
    odesc = [None] * _NIT
    tdesc = [None] * _NCHUNK
    out_waited = [False] * _NIT

    def start_in(t):
        c, b = divmod(t, _B)
        r = row0 + c * _R
        idesc[t] = pltpu.async_copy(
            in_hbm.at[b, pl.ds(r, _R)], ins[t % _RING], sin[t % _RING])

    def start_tab(c):
        r = row0 + c * _R
        tdesc[c] = pltpu.async_copy(
            tab_hbm.at[pl.ds(r, _R)], tabs[c % 2], stab[c % 2])

    start_tab(0)
    for t in range(min(_PD + 1, _NIT)):
        start_in(t)

    for t in range(_NIT):
        c, b = divmod(t, _B)
        cur = t % _RING

        if t + _PD + 1 < _NIT:
            prev = t + _PD + 1 - _RING
            if prev >= 0:
                odesc[prev].wait()
                out_waited[prev] = True
            start_in(t + _PD + 1)
        if b == 0 and c + 1 < _NCHUNK:
            start_tab(c + 1)
        if b == 0:
            tdesc[c].wait()

        idesc[t].wait()
        iv = ins[cur]
        tv = tabs[c % 2]

        @plsc.parallel_loop(0, _SEG, 1, unroll=_UNROLL)
        def body(i):
            r = i // _SEG_PER_ROW
            sl = pl.ds((i % _SEG_PER_ROW) * _L, _L)
            iv[r, sl] = iv[r, sl] + tv[r, sl]

        r = row0 + c * _R
        odesc[t] = pltpu.async_copy(
            iv, out_hbm.at[b, pl.ds(r, _R)], sout[cur])

    for t in range(_NIT):
        if not out_waited[t]:
            odesc[t].wait()


_sc_add = functools.partial(
    pl.kernel,
    out_type=jax.ShapeDtypeStruct((_B, _S, _D), jnp.float32),
    mesh=plsc.VectorSubcoreMesh(core_axis_name="c", subcore_axis_name="s"),
    compiler_params=pltpu.CompilerParams(use_tc_tiling_on_sc=True),
    scratch_types=(
        [pltpu.VMEM((_R, _D), jnp.float32)] * (_RING + 2)
        + [pltpu.SemaphoreType.DMA] * (2 * _RING + 2)
    ),
)(_sc_body)


def kernel(inputs, embedding_table):
    return _sc_add(inputs, embedding_table)

# --- scband reference (transcript-rebuilt; emitter-appended) ---
"""Pipeline reference for scband-local-position-encoding-17085379903809 (READ-ONLY COPY).

The authoritative reference and input builder live on the scoring server;
editing this copy changes nothing except your own understanding.
"""

import jax, jax.numpy as jnp
import numpy as np


def setup_inputs(seed: int = 0) -> dict:
    key = jax.random.key(seed)
    k1, k2 = jax.random.split(key)
    inputs = jax.random.normal(k1, (4, 2048, 2048), dtype=jnp.float32)
    # Embedding table sized per config: [token_sequence_length, layer_width]
    embedding_table = jax.random.normal(k2, (2048, 2048), dtype=jnp.float32) * 0.02
    return {"inputs": inputs, "embedding_table": embedding_table}


def reference(inputs, embedding_table):
    # LocalPositionEncoding.call: pos = range(input_size); inputs + embedding(pos)
    input_size = inputs.shape[1]
    pos = jnp.arange(0, input_size, dtype=jnp.int32)
    pos_emb = jnp.take(embedding_table, pos, axis=0)  # [S, layer_width]
    return inputs + pos_emb[None, :, :]

if __name__ == "__main__":
    import jax
    _d = setup_inputs()
    print(jax.jit(kernel)(*tuple(_d.values())))

</pallas_src>

<mosaic_0001>
#map = affine_map<(d0, d1) -> (0, 0, 0)>
#map1 = affine_map<(d0, d1) -> (0, 0)>
module attributes {stable_mosaic.version = 14 : i64} {
  func.func @_sc_body(%arg0: i32, %arg1: i32, %arg2: memref<4x2048x2048xf32, #tpu.memory_space<hbm>>, %arg3: memref<2048x2048xf32, #tpu.memory_space<hbm>>, %arg4: memref<4x2048x2048xf32, #tpu.memory_space<hbm>>, %arg5: memref<8x2048xf32, #tpu.memory_space<vmem>>, %arg6: memref<8x2048xf32, #tpu.memory_space<vmem>>, %arg7: memref<8x2048xf32, #tpu.memory_space<vmem>>, %arg8: memref<8x2048xf32, #tpu.memory_space<vmem>>, %arg9: memref<8x2048xf32, #tpu.memory_space<vmem>>, %arg10: memref<8x2048xf32, #tpu.memory_space<vmem>>, %arg11: memref<8x2048xf32, #tpu.memory_space<vmem>>, %arg12: memref<!tpu.dma_semaphore, #tpu.memory_space<semaphore_mem>>, %arg13: memref<!tpu.dma_semaphore, #tpu.memory_space<semaphore_mem>>, %arg14: memref<!tpu.dma_semaphore, #tpu.memory_space<semaphore_mem>>, %arg15: memref<!tpu.dma_semaphore, #tpu.memory_space<semaphore_mem>>, %arg16: memref<!tpu.dma_semaphore, #tpu.memory_space<semaphore_mem>>, %arg17: memref<!tpu.dma_semaphore, #tpu.memory_space<semaphore_mem>>, %arg18: memref<!tpu.dma_semaphore, #tpu.memory_space<semaphore_mem>>, %arg19: memref<!tpu.dma_semaphore, #tpu.memory_space<semaphore_mem>>, %arg20: memref<!tpu.dma_semaphore, #tpu.memory_space<semaphore_mem>>, %arg21: memref<!tpu.dma_semaphore, #tpu.memory_space<semaphore_mem>>, %arg22: memref<!tpu.dma_semaphore, #tpu.memory_space<semaphore_mem>>, %arg23: memref<!tpu.dma_semaphore, #tpu.memory_space<semaphore_mem>>) attributes {dimension_semantics = [#tpu.dimension_semantics<core_parallel>, #tpu.dimension_semantics<subcore_parallel>], iteration_bounds = array<i64: 2, 16>, scalar_prefetch = 0 : i64, scratch_operands = 19 : i64, tpu.core_type = #tpu.core_type<sc_vector_subcore>, window_params = [{transform_indices = #map}, {transform_indices = #map1}, {transform_indices = #map}]} {
    %mul3A = arith.constant 2 : i32
    %mul3A_0 = arith.muli %arg1, %mul3A : i32
    %add3A = arith.addi %mul3A_0, %arg0 : i32
    %mul3A_1 = arith.constant 64 : i32
    %mul3A_2 = arith.muli %add3A, %mul3A_1 : i32
    %add3A_3 = arith.constant 0 : i32
    %add3A_4 = arith.addi %mul3A_2, %add3A_3 : i32
    %dma_start3A = arith.constant 0 : i32
    %dma_start3A_5 = tpu.memref_slice %arg3[%add3A_4, %dma_start3A] : memref<2048x2048xf32, #tpu.memory_space<hbm>> -> memref<8x2048xf32, #tpu.memory_space<hbm>>
    %dma_start3A_6 = arith.constant 0 : i32
    %dma_start3A_7 = tpu.memref_slice %arg3[%add3A_4, %dma_start3A_6] : memref<2048x2048xf32, #tpu.memory_space<hbm>> -> memref<8x2048xf32, #tpu.memory_space<hbm>>
    tpu.enqueue_dma source(%dma_start3A_7 : memref<8x2048xf32, #tpu.memory_space<hbm>>) target(%arg10 : memref<8x2048xf32, #tpu.memory_space<vmem>>) target_semaphore(%arg22 : memref<!tpu.dma_semaphore, #tpu.memory_space<semaphore_mem>>)
    %add3A_8 = arith.constant 0 : i32
    %add3A_9 = arith.addi %mul3A_2, %add3A_8 : i32
    %dma_start3A_10 = arith.constant 0 : i32
    %dma_start3A_11 = arith.constant 0 : i32
    %dma_start3A_12 = tpu.memref_slice %arg2[%dma_start3A_10, %add3A_9, %dma_start3A_11] : memref<4x2048x2048xf32, #tpu.memory_space<hbm>> -> memref<1x8x2048xf32, #tpu.memory_space<hbm>>
    %dma_start3A_13 = tpu.memref_squeeze %dma_start3A_12 : memref<1x8x2048xf32, #tpu.memory_space<hbm>> -> memref<8x2048xf32, #tpu.memory_space<hbm>>
    %dma_start3A_14 = arith.constant 0 : i32
    %dma_start3A_15 = tpu.memref_slice %arg2[%dma_start3A_10, %add3A_9, %dma_start3A_14] : memref<4x2048x2048xf32, #tpu.memory_space<hbm>> -> memref<1x8x2048xf32, #tpu.memory_space<hbm>>
    %dma_start3A_16 = tpu.memref_squeeze %dma_start3A_15 : memref<1x8x2048xf32, #tpu.memory_space<hbm>> -> memref<8x2048xf32, #tpu.memory_space<hbm>>
    tpu.enqueue_dma source(%dma_start3A_16 : memref<8x2048xf32, #tpu.memory_space<hbm>>) target(%arg5 : memref<8x2048xf32, #tpu.memory_space<vmem>>) target_semaphore(%arg12 : memref<!tpu.dma_semaphore, #tpu.memory_space<semaphore_mem>>)
    %add3A_17 = arith.constant 0 : i32
    %add3A_18 = arith.addi %mul3A_2, %add3A_17 : i32
    %dma_start3A_19 = arith.constant 1 : i32
    %dma_start3A_20 = arith.constant 0 : i32
    %dma_start3A_21 = tpu.memref_slice %arg2[%dma_start3A_19, %add3A_18, %dma_start3A_20] : memref<4x2048x2048xf32, #tpu.memory_space<hbm>> -> memref<1x8x2048xf32, #tpu.memory_space<hbm>>
    %dma_start3A_22 = tpu.memref_squeeze %dma_start3A_21 : memref<1x8x2048xf32, #tpu.memory_space<hbm>> -> memref<8x2048xf32, #tpu.memory_space<hbm>>
    %dma_start3A_23 = arith.constant 0 : i32
    %dma_start3A_24 = tpu.memref_slice %arg2[%dma_start3A_19, %add3A_18, %dma_start3A_23] : memref<4x2048x2048xf32, #tpu.memory_space<hbm>> -> memref<1x8x2048xf32, #tpu.memory_space<hbm>>
    %dma_start3A_25 = tpu.memref_squeeze %dma_start3A_24 : memref<1x8x2048xf32, #tpu.memory_space<hbm>> -> memref<8x2048xf32, #tpu.memory_space<hbm>>
    tpu.enqueue_dma source(%dma_start3A_25 : memref<8x2048xf32, #tpu.memory_space<hbm>>) target(%arg6 : memref<8x2048xf32, #tpu.memory_space<vmem>>) target_semaphore(%arg13 : memref<!tpu.dma_semaphore, #tpu.memory_space<semaphore_mem>>)
    %add3A_26 = arith.constant 0 : i32
    %add3A_27 = arith.addi %mul3A_2, %add3A_26 : i32
    %dma_start3A_28 = arith.constant 2 : i32
    %dma_start3A_29 = arith.constant 0 : i32
    %dma_start3A_30 = tpu.memref_slice %arg2[%dma_start3A_28, %add3A_27, %dma_start3A_29] : memref<4x2048x2048xf32, #tpu.memory_space<hbm>> -> memref<1x8x2048xf32, #tpu.memory_space<hbm>>
    %dma_start3A_31 = tpu.memref_squeeze %dma_start3A_30 : memref<1x8x2048xf32, #tpu.memory_space<hbm>> -> memref<8x2048xf32, #tpu.memory_space<hbm>>
    %dma_start3A_32 = arith.constant 0 : i32
    %dma_start3A_33 = tpu.memref_slice %arg2[%dma_start3A_28, %add3A_27, %dma_start3A_32] : memref<4x2048x2048xf32, #tpu.memory_space<hbm>> -> memref<1x8x2048xf32, #tpu.memory_space<hbm>>
    %dma_start3A_34 = tpu.memref_squeeze %dma_start3A_33 : memref<1x8x2048xf32, #tpu.memory_space<hbm>> -> memref<8x2048xf32, #tpu.memory_space<hbm>>
    tpu.enqueue_dma source(%dma_start3A_34 : memref<8x2048xf32, #tpu.memory_space<hbm>>) target(%arg7 : memref<8x2048xf32, #tpu.memory_space<vmem>>) target_semaphore(%arg14 : memref<!tpu.dma_semaphore, #tpu.memory_space<semaphore_mem>>)
    %add3A_35 = arith.constant 0 : i32
    %add3A_36 = arith.addi %mul3A_2, %add3A_35 : i32
    %dma_start3A_37 = arith.constant 3 : i32
    %dma_start3A_38 = arith.constant 0 : i32
    %dma_start3A_39 = tpu.memref_slice %arg2[%dma_start3A_37, %add3A_36, %dma_start3A_38] : memref<4x2048x2048xf32, #tpu.memory_space<hbm>> -> memref<1x8x2048xf32, #tpu.memory_space<hbm>>
    %dma_start3A_40 = tpu.memref_squeeze %dma_start3A_39 : memref<1x8x2048xf32, #tpu.memory_space<hbm>> -> memref<8x2048xf32, #tpu.memory_space<hbm>>
    %dma_start3A_41 = arith.constant 0 : i32
    %dma_start3A_42 = tpu.memref_slice %arg2[%dma_start3A_37, %add3A_36, %dma_start3A_41] : memref<4x2048x2048xf32, #tpu.memory_space<hbm>> -> memref<1x8x2048xf32, #tpu.memory_space<hbm>>
    %dma_start3A_43 = tpu.memref_squeeze %dma_start3A_42 : memref<1x8x2048xf32, #tpu.memory_space<hbm>> -> memref<8x2048xf32, #tpu.memory_space<hbm>>
    tpu.enqueue_dma source(%dma_start3A_43 : memref<8x2048xf32, #tpu.memory_space<hbm>>) target(%arg8 : memref<8x2048xf32, #tpu.memory_space<vmem>>) target_semaphore(%arg15 : memref<!tpu.dma_semaphore, #tpu.memory_space<semaphore_mem>>)
    %add3A_44 = arith.constant 8 : i32
    %add3A_45 = arith.addi %mul3A_2, %add3A_44 : i32
    %dma_start3A_46 = arith.constant 0 : i32
    %dma_start3A_47 = tpu.memref_slice %arg3[%add3A_45, %dma_start3A_46] : memref<2048x2048xf32, #tpu.memory_space<hbm>> -> memref<8x2048xf32, #tpu.memory_space<hbm>>
    %dma_start3A_48 = arith.constant 0 : i32
    %dma_start3A_49 = tpu.memref_slice %arg3[%add3A_45, %dma_start3A_48] : memref<2048x2048xf32, #tpu.memory_space<hbm>> -> memref<8x2048xf32, #tpu.memory_space<hbm>>
    tpu.enqueue_dma source(%dma_start3A_49 : memref<8x2048xf32, #tpu.memory_space<hbm>>) target(%arg11 : memref<8x2048xf32, #tpu.memory_space<vmem>>) target_semaphore(%arg23 : memref<!tpu.dma_semaphore, #tpu.memory_space<semaphore_mem>>)
    %dma_wait3A = arith.constant 0 : i32
    %dma_wait3A_50 = tpu.memref_slice %arg3[%add3A_4, %dma_wait3A] : memref<2048x2048xf32, #tpu.memory_space<hbm>> -> memref<8x2048xf32, #tpu.memory_space<hbm>>
    %dma_wait3A_51 = arith.constant 0 : i32
    %dma_wait3A_52 = tpu.memref_slice %arg3[%add3A_4, %dma_wait3A_51] : memref<2048x2048xf32, #tpu.memory_space<hbm>> -> memref<8x2048xf32, #tpu.memory_space<hbm>>
    tpu.wait_dma2 semaphore(%arg22 : memref<!tpu.dma_semaphore, #tpu.memory_space<semaphore_mem>>) src(%dma_wait3A_52 : memref<8x2048xf32, #tpu.memory_space<hbm>>) dst(%arg10 : memref<8x2048xf32, #tpu.memory_space<vmem>>)
    %dma_wait3A_53 = arith.constant 0 : i32
    %dma_wait3A_54 = arith.constant 0 : i32
    %dma_wait3A_55 = tpu.memref_slice %arg2[%dma_wait3A_53, %add3A_9, %dma_wait3A_54] : memref<4x2048x2048xf32, #tpu.memory_space<hbm>> -> memref<1x8x2048xf32, #tpu.memory_space<hbm>>
    %dma_wait3A_56 = tpu.memref_squeeze %dma_wait3A_55 : memref<1x8x2048xf32, #tpu.memory_space<hbm>> -> memref<8x2048xf32, #tpu.memory_space<hbm>>
    %dma_wait3A_57 = arith.constant 0 : i32
    %dma_wait3A_58 = tpu.memref_slice %arg2[%dma_wait3A_53, %add3A_9, %dma_wait3A_57] : memref<4x2048x2048xf32, #tpu.memory_space<hbm>> -> memref<1x8x2048xf32, #tpu.memory_space<hbm>>
    %dma_wait3A_59 = tpu.memref_squeeze %dma_wait3A_58 : memref<1x8x2048xf32, #tpu.memory_space<hbm>> -> memref<8x2048xf32, #tpu.memory_space<hbm>>
    tpu.wait_dma2 semaphore(%arg12 : memref<!tpu.dma_semaphore, #tpu.memory_space<semaphore_mem>>) src(%dma_wait3A_59 : memref<8x2048xf32, #tpu.memory_space<hbm>>) dst(%arg5 : memref<8x2048xf32, #tpu.memory_space<vmem>>)
    %parallel_loop3A = arith.constant 0 : i32
    %parallel_loop3A_60 = arith.constant 1024 : i32
    %parallel_loop3A_61 = arith.constant 1 : i32
    scf.for %parallel_loop3A_1200 = %parallel_loop3A to %parallel_loop3A_60 step %parallel_loop3A_61  : i32 {
      %parallel_loop3A_1201 = arith.constant 128 : i32
      %parallel_loop3A_1202 = arith.divsi %parallel_loop3A_1200, %parallel_loop3A_1201 : i32
      %parallel_loop3A_1203 = arith.constant 0 : i32
      %parallel_loop3A_1204 = arith.cmpi sgt, %parallel_loop3A_1200, %parallel_loop3A_1203 : i32
      %parallel_loop3A_1205 = arith.extui %parallel_loop3A_1204 : i1 to i32
      %parallel_loop3A_1206 = arith.constant 0 : i32
      %parallel_loop3A_1207 = arith.cmpi slt, %parallel_loop3A_1200, %parallel_loop3A_1206 : i32
      %parallel_loop3A_1208 = arith.extui %parallel_loop3A_1207 : i1 to i32
      %parallel_loop3A_1209 = arith.subi %parallel_loop3A_1205, %parallel_loop3A_1208 : i32
      %parallel_loop3A_1210 = arith.constant 0 : i32
      %parallel_loop3A_1211 = arith.cmpi sgt, %parallel_loop3A_1201, %parallel_loop3A_1210 : i32
      %parallel_loop3A_1212 = arith.extui %parallel_loop3A_1211 : i1 to i32
      %parallel_loop3A_1213 = arith.constant 0 : i32
      %parallel_loop3A_1214 = arith.cmpi slt, %parallel_loop3A_1201, %parallel_loop3A_1213 : i32
      %parallel_loop3A_1215 = arith.extui %parallel_loop3A_1214 : i1 to i32
      %parallel_loop3A_1216 = arith.subi %parallel_loop3A_1212, %parallel_loop3A_1215 : i32
      %parallel_loop3A_1217 = arith.cmpi ne, %parallel_loop3A_1209, %parallel_loop3A_1216 : i32
      %parallel_loop3A_1218 = arith.remsi %parallel_loop3A_1200, %parallel_loop3A_1201 : i32
      %parallel_loop3A_1219 = arith.constant 0 : i32
      %parallel_loop3A_1220 = arith.cmpi ne, %parallel_loop3A_1218, %parallel_loop3A_1219 : i32
      %parallel_loop3A_1221 = arith.andi %parallel_loop3A_1217, %parallel_loop3A_1220 : i1
      %parallel_loop3A_1222 = arith.constant 1 : i32
      %parallel_loop3A_1223 = arith.subi %parallel_loop3A_1202, %parallel_loop3A_1222 : i32
      %parallel_loop3A_1224 = arith.select %parallel_loop3A_1221, %parallel_loop3A_1223, %parallel_loop3A_1202 : i32
      %parallel_loop3A_1225 = arith.constant 128 : i32
      %parallel_loop3A_1226 = arith.constant 0 : i32
      %parallel_loop3A_1227 = arith.cmpi eq, %parallel_loop3A_1225, %parallel_loop3A_1226 : i32
      %parallel_loop3A_1228 = arith.constant 1 : i32
      %parallel_loop3A_1229 = arith.select %parallel_loop3A_1227, %parallel_loop3A_1228, %parallel_loop3A_1225 : i32
      %parallel_loop3A_1230 = arith.remsi %parallel_loop3A_1200, %parallel_loop3A_1229 : i32
      %parallel_loop3A_1231 = arith.constant 0 : i32
      %parallel_loop3A_1232 = arith.cmpi ne, %parallel_loop3A_1230, %parallel_loop3A_1231 : i32
      %parallel_loop3A_1233 = arith.constant 0 : i32
      %parallel_loop3A_1234 = arith.cmpi slt, %parallel_loop3A_1230, %parallel_loop3A_1233 : i32
      %parallel_loop3A_1235 = arith.constant 0 : i32
      %parallel_loop3A_1236 = arith.cmpi slt, %parallel_loop3A_1229, %parallel_loop3A_1235 : i32
      %parallel_loop3A_1237 = arith.xori %parallel_loop3A_1234, %parallel_loop3A_1236 : i1
      %parallel_loop3A_1238 = arith.andi %parallel_loop3A_1237, %parallel_loop3A_1232 : i1
      %parallel_loop3A_1239 = arith.addi %parallel_loop3A_1230, %parallel_loop3A_1229 : i32
      %parallel_loop3A_1240 = arith.select %parallel_loop3A_1238, %parallel_loop3A_1239, %parallel_loop3A_1230 : i32
      %parallel_loop3A_1241 = arith.constant 16 : i32
      %parallel_loop3A_1242 = arith.muli %parallel_loop3A_1240, %parallel_loop3A_1241 : i32
      %parallel_loop3A_1243 = arith.index_cast %parallel_loop3A_1224 : i32 to index
      %parallel_loop3A_1244 = arith.index_cast %parallel_loop3A_1242 : i32 to index
      %parallel_loop3A_1245 = tpu.vector_load %arg5[%parallel_loop3A_1243, %parallel_loop3A_1244] {strides = array<i32>} : memref<8x2048xf32, #tpu.memory_space<vmem>>, vector<1x16xf32>,
      %parallel_loop3A_1246 = vector.shape_cast %parallel_loop3A_1245 : vector<1x16xf32> to vector<16xf32>
      %parallel_loop3A_1247 = arith.index_cast %parallel_loop3A_1224 : i32 to index
      %parallel_loop3A_1248 = arith.index_cast %parallel_loop3A_1242 : i32 to index
      %parallel_loop3A_1249 = tpu.vector_load %arg10[%parallel_loop3A_1247, %parallel_loop3A_1248] {strides = array<i32>} : memref<8x2048xf32, #tpu.memory_space<vmem>>, vector<1x16xf32>,
      %parallel_loop3A_1250 = vector.shape_cast %parallel_loop3A_1249 : vector<1x16xf32> to vector<16xf32>
      %parallel_loop3A_1251 = arith.addf %parallel_loop3A_1246, %parallel_loop3A_1250 : vector<16xf32>
      %parallel_loop3A_1252 = arith.index_cast %parallel_loop3A_1224 : i32 to index
      %parallel_loop3A_1253 = arith.index_cast %parallel_loop3A_1242 : i32 to index
      %parallel_loop3A_1254 = tpu.vector_load %arg5[%parallel_loop3A_1252, %parallel_loop3A_1253] {strides = array<i32>} : memref<8x2048xf32, #tpu.memory_space<vmem>>, vector<1x16xf32>,
      %parallel_loop3A_1255 = vector.shape_cast %parallel_loop3A_1254 : vector<1x16xf32> to vector<16xf32>
      %parallel_loop3A_1256 = vector.shape_cast %parallel_loop3A_1251 : vector<16xf32> to vector<1x16xf32>
      tpu.vector_store %arg5[%parallel_loop3A_1252, %parallel_loop3A_1253], %parallel_loop3A_1256 {strides = array<i32>} : memref<8x2048xf32, #tpu.memory_space<vmem>>, vector<1x16xf32>,
    } {sc.loop_unroll_factor = 8 : i64, sc.parallel_access}
    %add3A_62 = arith.constant 0 : i32
    %add3A_63 = arith.addi %mul3A_2, %add3A_62 : i32
    %dma_start3A_64 = arith.constant 0 : i32
    %dma_start3A_65 = arith.constant 0 : i32
    %dma_start3A_66 = tpu.memref_slice %arg4[%dma_start3A_64, %add3A_63, %dma_start3A_65] : memref<4x2048x2048xf32, #tpu.memory_space<hbm>> -> memref<1x8x2048xf32, #tpu.memory_space<hbm>>
    %dma_start3A_67 = tpu.memref_squeeze %dma_start3A_66 : memref<1x8x2048xf32, #tpu.memory_space<hbm>> -> memref<8x2048xf32, #tpu.memory_space<hbm>>
    %dma_start3A_68 = arith.constant 0 : i32
    %dma_start3A_69 = tpu.memref_slice %arg4[%dma_start3A_64, %add3A_63, %dma_start3A_68] : memref<4x2048x2048xf32, #tpu.memory_space<hbm>> -> memref<1x8x2048xf32, #tpu.memory_space<hbm>>
    %dma_start3A_70 = tpu.memref_squeeze %dma_start3A_69 : memref<1x8x2048xf32, #tpu.memory_space<hbm>> -> memref<8x2048xf32, #tpu.memory_space<hbm>>
    tpu.enqueue_dma source(%arg5 : memref<8x2048xf32, #tpu.memory_space<vmem>>) target(%dma_start3A_70 : memref<8x2048xf32, #tpu.memory_space<hbm>>) target_semaphore(%arg17 : memref<!tpu.dma_semaphore, #tpu.memory_space<semaphore_mem>>)
    %add3A_71 = arith.constant 8 : i32
    %add3A_72 = arith.addi %mul3A_2, %add3A_71 : i32
    %dma_start3A_73 = arith.constant 0 : i32
    %dma_start3A_74 = arith.constant 0 : i32
    %dma_start3A_75 = tpu.memref_slice %arg2[%dma_start3A_73, %add3A_72, %dma_start3A_74] : memref<4x2048x2048xf32, #tpu.memory_space<hbm>> -> memref<1x8x2048xf32, #tpu.memory_space<hbm>>
    %dma_start3A_76 = tpu.memref_squeeze %dma_start3A_75 : memref<1x8x2048xf32, #tpu.memory_space<hbm>> -> memref<8x2048xf32, #tpu.memory_space<hbm>>
    %dma_start3A_77 = arith.constant 0 : i32
    %dma_start3A_78 = tpu.memref_slice %arg2[%dma_start3A_73, %add3A_72, %dma_start3A_77] : memref<4x2048x2048xf32, #tpu.memory_space<hbm>> -> memref<1x8x2048xf32, #tpu.memory_space<hbm>>
    %dma_start3A_79 = tpu.memref_squeeze %dma_start3A_78 : memref<1x8x2048xf32, #tpu.memory_space<hbm>> -> memref<8x2048xf32, #tpu.memory_space<hbm>>
    tpu.enqueue_dma source(%dma_start3A_79 : memref<8x2048xf32, #tpu.memory_space<hbm>>) target(%arg9 : memref<8x2048xf32, #tpu.memory_space<vmem>>) target_semaphore(%arg16 : memref<!tpu.dma_semaphore, #tpu.memory_space<semaphore_mem>>)
    %dma_wait3A_80 = arith.constant 1 : i32
    %dma_wait3A_81 = arith.constant 0 : i32
    %dma_wait3A_82 = tpu.memref_slice %arg2[%dma_wait3A_80, %add3A_18, %dma_wait3A_81] : memref<4x2048x2048xf32, #tpu.memory_space<hbm>> -> memref<1x8x2048xf32, #tpu.memory_space<hbm>>
    %dma_wait3A_83 = tpu.memref_squeeze %dma_wait3A_82 : memref<1x8x2048xf32, #tpu.memory_space<hbm>> -> memref<8x2048xf32, #tpu.memory_space<hbm>>
    %dma_wait3A_84 = arith.constant 0 : i32
    %dma_wait3A_85 = tpu.memref_slice %arg2[%dma_wait3A_80, %add3A_18, %dma_wait3A_84] : memref<4x2048x2048xf32, #tpu.memory_space<hbm>> -> memref<1x8x2048xf32, #tpu.memory_space<hbm>>
    %dma_wait3A_86 = tpu.memref_squeeze %dma_wait3A_85 : memref<1x8x2048xf32, #tpu.memory_space<hbm>> -> memref<8x2048xf32, #tpu.memory_space<hbm>>
    tpu.wait_dma2 semaphore(%arg13 : memref<!tpu.dma_semaphore, #tpu.memory_space<semaphore_mem>>) src(%dma_wait3A_86 : memref<8x2048xf32, #tpu.memory_space<hbm>>) dst(%arg6 : memref<8x2048xf32, #tpu.memory_space<vmem>>)
    %parallel_loop3A_87 = arith.constant 0 : i32
    %parallel_loop3A_88 = arith.constant 1024 : i32
    %parallel_loop3A_89 = arith.constant 1 : i32
    scf.for %parallel_loop3A_1200 = %parallel_loop3A_87 to %parallel_loop3A_88 step %parallel_loop3A_89  : i32 {
      %parallel_loop3A_1201 = arith.constant 128 : i32
      %parallel_loop3A_1202 = arith.divsi %parallel_loop3A_1200, %parallel_loop3A_1201 : i32
      %parallel_loop3A_1203 = arith.constant 0 : i32
      %parallel_loop3A_1204 = arith.cmpi sgt, %parallel_loop3A_1200, %parallel_loop3A_1203 : i32
      %parallel_loop3A_1205 = arith.extui %parallel_loop3A_1204 : i1 to i32
      %parallel_loop3A_1206 = arith.constant 0 : i32
      %parallel_loop3A_1207 = arith.cmpi slt, %parallel_loop3A_1200, %parallel_loop3A_1206 : i32
      %parallel_loop3A_1208 = arith.extui %parallel_loop3A_1207 : i1 to i32
      %parallel_loop3A_1209 = arith.subi %parallel_loop3A_1205, %parallel_loop3A_1208 : i32
      %parallel_loop3A_1210 = arith.constant 0 : i32
      %parallel_loop3A_1211 = arith.cmpi sgt, %parallel_loop3A_1201, %parallel_loop3A_1210 : i32
      %parallel_loop3A_1212 = arith.extui %parallel_loop3A_1211 : i1 to i32
      %parallel_loop3A_1213 = arith.constant 0 : i32
      %parallel_loop3A_1214 = arith.cmpi slt, %parallel_loop3A_1201, %parallel_loop3A_1213 : i32
      %parallel_loop3A_1215 = arith.extui %parallel_loop3A_1214 : i1 to i32
      %parallel_loop3A_1216 = arith.subi %parallel_loop3A_1212, %parallel_loop3A_1215 : i32
      %parallel_loop3A_1217 = arith.cmpi ne, %parallel_loop3A_1209, %parallel_loop3A_1216 : i32
      %parallel_loop3A_1218 = arith.remsi %parallel_loop3A_1200, %parallel_loop3A_1201 : i32
      %parallel_loop3A_1219 = arith.constant 0 : i32
      %parallel_loop3A_1220 = arith.cmpi ne, %parallel_loop3A_1218, %parallel_loop3A_1219 : i32
      %parallel_loop3A_1221 = arith.andi %parallel_loop3A_1217, %parallel_loop3A_1220 : i1
      %parallel_loop3A_1222 = arith.constant 1 : i32
      %parallel_loop3A_1223 = arith.subi %parallel_loop3A_1202, %parallel_loop3A_1222 : i32
      %parallel_loop3A_1224 = arith.select %parallel_loop3A_1221, %parallel_loop3A_1223, %parallel_loop3A_1202 : i32
      %parallel_loop3A_1225 = arith.constant 128 : i32
      %parallel_loop3A_1226 = arith.constant 0 : i32
      %parallel_loop3A_1227 = arith.cmpi eq, %parallel_loop3A_1225, %parallel_loop3A_1226 : i32
      %parallel_loop3A_1228 = arith.constant 1 : i32
      %parallel_loop3A_1229 = arith.select %parallel_loop3A_1227, %parallel_loop3A_1228, %parallel_loop3A_1225 : i32
      %parallel_loop3A_1230 = arith.remsi %parallel_loop3A_1200, %parallel_loop3A_1229 : i32
      %parallel_loop3A_1231 = arith.constant 0 : i32
      %parallel_loop3A_1232 = arith.cmpi ne, %parallel_loop3A_1230, %parallel_loop3A_1231 : i32
      %parallel_loop3A_1233 = arith.constant 0 : i32
      %parallel_loop3A_1234 = arith.cmpi slt, %parallel_loop3A_1230, %parallel_loop3A_1233 : i32
      %parallel_loop3A_1235 = arith.constant 0 : i32
      %parallel_loop3A_1236 = arith.cmpi slt, %parallel_loop3A_1229, %parallel_loop3A_1235 : i32
      %parallel_loop3A_1237 = arith.xori %parallel_loop3A_1234, %parallel_loop3A_1236 : i1
      %parallel_loop3A_1238 = arith.andi %parallel_loop3A_1237, %parallel_loop3A_1232 : i1
      %parallel_loop3A_1239 = arith.addi %parallel_loop3A_1230, %parallel_loop3A_1229 : i32
      %parallel_loop3A_1240 = arith.select %parallel_loop3A_1238, %parallel_loop3A_1239, %parallel_loop3A_1230 : i32
      %parallel_loop3A_1241 = arith.constant 16 : i32
      %parallel_loop3A_1242 = arith.muli %parallel_loop3A_1240, %parallel_loop3A_1241 : i32
      %parallel_loop3A_1243 = arith.index_cast %parallel_loop3A_1224 : i32 to index
      %parallel_loop3A_1244 = arith.index_cast %parallel_loop3A_1242 : i32 to index
      %parallel_loop3A_1245 = tpu.vector_load %arg6[%parallel_loop3A_1243, %parallel_loop3A_1244] {strides = array<i32>} : memref<8x2048xf32, #tpu.memory_space<vmem>>, vector<1x16xf32>,
      %parallel_loop3A_1246 = vector.shape_cast %parallel_loop3A_1245 : vector<1x16xf32> to vector<16xf32>
      %parallel_loop3A_1247 = arith.index_cast %parallel_loop3A_1224 : i32 to index
      %parallel_loop3A_1248 = arith.index_cast %parallel_loop3A_1242 : i32 to index
      %parallel_loop3A_1249 = tpu.vector_load %arg10[%parallel_loop3A_1247, %parallel_loop3A_1248] {strides = array<i32>} : memref<8x2048xf32, #tpu.memory_space<vmem>>, vector<1x16xf32>,
      %parallel_loop3A_1250 = vector.shape_cast %parallel_loop3A_1249 : vector<1x16xf32> to vector<16xf32>
      %parallel_loop3A_1251 = arith.addf %parallel_loop3A_1246, %parallel_loop3A_1250 : vector<16xf32>
      %parallel_loop3A_1252 = arith.index_cast %parallel_loop3A_1224 : i32 to index
      %parallel_loop3A_1253 = arith.index_cast %parallel_loop3A_1242 : i32 to index
      %parallel_loop3A_1254 = tpu.vector_load %arg6[%parallel_loop3A_1252, %parallel_loop3A_1253] {strides = array<i32>} : memref<8x2048xf32, #tpu.memory_space<vmem>>, vector<1x16xf32>,
      %parallel_loop3A_1255 = vector.shape_cast %parallel_loop3A_1254 : vector<1x16xf32> to vector<16xf32>
      %parallel_loop3A_1256 = vector.shape_cast %parallel_loop3A_1251 : vector<16xf32> to vector<1x16xf32>
      tpu.vector_store %arg6[%parallel_loop3A_1252, %parallel_loop3A_1253], %parallel_loop3A_1256 {strides = array<i32>} : memref<8x2048xf32, #tpu.memory_space<vmem>>, vector<1x16xf32>,
    } {sc.loop_unroll_factor = 8 : i64, sc.parallel_access}
    %add3A_90 = arith.constant 0 : i32
    %add3A_91 = arith.addi %mul3A_2, %add3A_90 : i32
    %dma_start3A_92 = arith.constant 1 : i32
    %dma_start3A_93 = arith.constant 0 : i32
    %dma_start3A_94 = tpu.memref_slice %arg4[%dma_start3A_92, %add3A_91, %dma_start3A_93] : memref<4x2048x2048xf32, #tpu.memory_space<hbm>> -> memref<1x8x2048xf32, #tpu.memory_space<hbm>>
    %dma_start3A_95 = tpu.memref_squeeze %dma_start3A_94 : memref<1x8x2048xf32, #tpu.memory_space<hbm>> -> memref<8x2048xf32, #tpu.memory_space<hbm>>
    %dma_start3A_96 = arith.constant 0 : i32
    %dma_start3A_97 = tpu.memref_slice %arg4[%dma_start3A_92, %add3A_91, %dma_start3A_96] : memref<4x2048x2048xf32, #tpu.memory_space<hbm>> -> memref<1x8x2048xf32, #tpu.memory_space<hbm>>
    %dma_start3A_98 = tpu.memref_squeeze %dma_start3A_97 : memref<1x8x2048xf32, #tpu.memory_space<hbm>> -> memref<8x2048xf32, #tpu.memory_space<hbm>>
    tpu.enqueue_dma source(%arg6 : memref<8x2048xf32, #tpu.memory_space<vmem>>) target(%dma_start3A_98 : memref<8x2048xf32, #tpu.memory_space<hbm>>) target_semaphore(%arg18 : memref<!tpu.dma_semaphore, #tpu.memory_space<semaphore_mem>>)
    %dma_wait3A_99 = arith.constant 0 : i32
    %dma_wait3A_100 = arith.constant 0 : i32
    %dma_wait3A_101 = tpu.memref_slice %arg4[%dma_wait3A_99, %add3A_63, %dma_wait3A_100] : memref<4x2048x2048xf32, #tpu.memory_space<hbm>> -> memref<1x8x2048xf32, #tpu.memory_space<hbm>>
    %dma_wait3A_102 = tpu.memref_squeeze %dma_wait3A_101 : memref<1x8x2048xf32, #tpu.memory_space<hbm>> -> memref<8x2048xf32, #tpu.memory_space<hbm>>
    %dma_wait3A_103 = arith.constant 0 : i32
    %dma_wait3A_104 = tpu.memref_slice %arg4[%dma_wait3A_99, %add3A_63, %dma_wait3A_103] : memref<4x2048x2048xf32, #tpu.memory_space<hbm>> -> memref<1x8x2048xf32, #tpu.memory_space<hbm>>
    %dma_wait3A_105 = tpu.memref_squeeze %dma_wait3A_104 : memref<1x8x2048xf32, #tpu.memory_space<hbm>> -> memref<8x2048xf32, #tpu.memory_space<hbm>>
    tpu.wait_dma2 semaphore(%arg17 : memref<!tpu.dma_semaphore, #tpu.memory_space<semaphore_mem>>) src(%arg5 : memref<8x2048xf32, #tpu.memory_space<vmem>>) dst(%dma_wait3A_105 : memref<8x2048xf32, #tpu.memory_space<hbm>>)
    %add3A_106 = arith.constant 8 : i32
    %add3A_107 = arith.addi %mul3A_2, %add3A_106 : i32
    %dma_start3A_108 = arith.constant 1 : i32
    %dma_start3A_109 = arith.constant 0 : i32
    %dma_start3A_110 = tpu.memref_slice %arg2[%dma_start3A_108, %add3A_107, %dma_start3A_109] : memref<4x2048x2048xf32, #tpu.memory_space<hbm>> -> memref<1x8x2048xf32, #tpu.memory_space<hbm>>
    %dma_start3A_111 = tpu.memref_squeeze %dma_start3A_110 : memref<1x8x2048xf32, #tpu.memory_space<hbm>> -> memref<8x2048xf32, #tpu.memory_space<hbm>>
    %dma_start3A_112 = arith.constant 0 : i32
    %dma_start3A_113 = tpu.memref_slice %arg2[%dma_start3A_108, %add3A_107, %dma_start3A_112] : memref<4x2048x2048xf32, #tpu.memory_space<hbm>> -> memref<1x8x2048xf32, #tpu.memory_space<hbm>>
    %dma_start3A_114 = tpu.memref_squeeze %dma_start3A_113 : memref<1x8x2048xf32, #tpu.memory_space<hbm>> -> memref<8x2048xf32, #tpu.memory_space<hbm>>
    tpu.enqueue_dma source(%dma_start3A_114 : memref<8x2048xf32, #tpu.memory_space<hbm>>) target(%arg5 : memref<8x2048xf32, #tpu.memory_space<vmem>>) target_semaphore(%arg12 : memref<!tpu.dma_semaphore, #tpu.memory_space<semaphore_mem>>)
    %dma_wait3A_115 = arith.constant 2 : i32
    %dma_wait3A_116 = arith.constant 0 : i32
    %dma_wait3A_117 = tpu.memref_slice %arg2[%dma_wait3A_115, %add3A_27, %dma_wait3A_116] : memref<4x2048x2048xf32, #tpu.memory_space<hbm>> -> memref<1x8x2048xf32, #tpu.memory_space<hbm>>
    %dma_wait3A_118 = tpu.memref_squeeze %dma_wait3A_117 : memref<1x8x2048xf32, #tpu.memory_space<hbm>> -> memref<8x2048xf32, #tpu.memory_space<hbm>>
    %dma_wait3A_119 = arith.constant 0 : i32
    %dma_wait3A_120 = tpu.memref_slice %arg2[%dma_wait3A_115, %add3A_27, %dma_wait3A_119] : memref<4x2048x2048xf32, #tpu.memory_space<hbm>> -> memref<1x8x2048xf32, #tpu.memory_space<hbm>>
    %dma_wait3A_121 = tpu.memref_squeeze %dma_wait3A_120 : memref<1x8x2048xf32, #tpu.memory_space<hbm>> -> memref<8x2048xf32, #tpu.memory_space<hbm>>
    tpu.wait_dma2 semaphore(%arg14 : memref<!tpu.dma_semaphore, #tpu.memory_space<semaphore_mem>>) src(%dma_wait3A_121 : memref<8x2048xf32, #tpu.memory_space<hbm>>) dst(%arg7 : memref<8x2048xf32, #tpu.memory_space<vmem>>)
    %parallel_loop3A_122 = arith.constant 0 : i32
    %parallel_loop3A_123 = arith.constant 1024 : i32
    %parallel_loop3A_124 = arith.constant 1 : i32
    scf.for %parallel_loop3A_1200 = %parallel_loop3A_122 to %parallel_loop3A_123 step %parallel_loop3A_124  : i32 {
      %parallel_loop3A_1201 = arith.constant 128 : i32
      %parallel_loop3A_1202 = arith.divsi %parallel_loop3A_1200, %parallel_loop3A_1201 : i32
      %parallel_loop3A_1203 = arith.constant 0 : i32
      %parallel_loop3A_1204 = arith.cmpi sgt, %parallel_loop3A_1200, %parallel_loop3A_1203 : i32
      %parallel_loop3A_1205 = arith.extui %parallel_loop3A_1204 : i1 to i32
      %parallel_loop3A_1206 = arith.constant 0 : i32
      %parallel_loop3A_1207 = arith.cmpi slt, %parallel_loop3A_1200, %parallel_loop3A_1206 : i32
      %parallel_loop3A_1208 = arith.extui %parallel_loop3A_1207 : i1 to i32
      %parallel_loop3A_1209 = arith.subi %parallel_loop3A_1205, %parallel_loop3A_1208 : i32
      %parallel_loop3A_1210 = arith.constant 0 : i32
      %parallel_loop3A_1211 = arith.cmpi sgt, %parallel_loop3A_1201, %parallel_loop3A_1210 : i32
      %parallel_loop3A_1212 = arith.extui %parallel_loop3A_1211 : i1 to i32
      %parallel_loop3A_1213 = arith.constant 0 : i32
      %parallel_loop3A_1214 = arith.cmpi slt, %parallel_loop3A_1201, %parallel_loop3A_1213 : i32
      %parallel_loop3A_1215 = arith.extui %parallel_loop3A_1214 : i1 to i32
      %parallel_loop3A_1216 = arith.subi %parallel_loop3A_1212, %parallel_loop3A_1215 : i32
      %parallel_loop3A_1217 = arith.cmpi ne, %parallel_loop3A_1209, %parallel_loop3A_1216 : i32
      %parallel_loop3A_1218 = arith.remsi %parallel_loop3A_1200, %parallel_loop3A_1201 : i32
      %parallel_loop3A_1219 = arith.constant 0 : i32
      %parallel_loop3A_1220 = arith.cmpi ne, %parallel_loop3A_1218, %parallel_loop3A_1219 : i32
      %parallel_loop3A_1221 = arith.andi %parallel_loop3A_1217, %parallel_loop3A_1220 : i1
      %parallel_loop3A_1222 = arith.constant 1 : i32
      %parallel_loop3A_1223 = arith.subi %parallel_loop3A_1202, %parallel_loop3A_1222 : i32
      %parallel_loop3A_1224 = arith.select %parallel_loop3A_1221, %parallel_loop3A_1223, %parallel_loop3A_1202 : i32
      %parallel_loop3A_1225 = arith.constant 128 : i32
      %parallel_loop3A_1226 = arith.constant 0 : i32
      %parallel_loop3A_1227 = arith.cmpi eq, %parallel_loop3A_1225, %parallel_loop3A_1226 : i32
      %parallel_loop3A_1228 = arith.constant 1 : i32
      %parallel_loop3A_1229 = arith.select %parallel_loop3A_1227, %parallel_loop3A_1228, %parallel_loop3A_1225 : i32
      %parallel_loop3A_1230 = arith.remsi %parallel_loop3A_1200, %parallel_loop3A_1229 : i32
      %parallel_loop3A_1231 = arith.constant 0 : i32
      %parallel_loop3A_1232 = arith.cmpi ne, %parallel_loop3A_1230, %parallel_loop3A_1231 : i32
      %parallel_loop3A_1233 = arith.constant 0 : i32
      %parallel_loop3A_1234 = arith.cmpi slt, %parallel_loop3A_1230, %parallel_loop3A_1233 : i32
      %parallel_loop3A_1235 = arith.constant 0 : i32
      %parallel_loop3A_1236 = arith.cmpi slt, %parallel_loop3A_1229, %parallel_loop3A_1235 : i32
      %parallel_loop3A_1237 = arith.xori %parallel_loop3A_1234, %parallel_loop3A_1236 : i1
      %parallel_loop3A_1238 = arith.andi %parallel_loop3A_1237, %parallel_loop3A_1232 : i1
      %parallel_loop3A_1239 = arith.addi %parallel_loop3A_1230, %parallel_loop3A_1229 : i32
      %parallel_loop3A_1240 = arith.select %parallel_loop3A_1238, %parallel_loop3A_1239, %parallel_loop3A_1230 : i32
      %parallel_loop3A_1241 = arith.constant 16 : i32
      %parallel_loop3A_1242 = arith.muli %parallel_loop3A_1240, %parallel_loop3A_1241 : i32
      %parallel_loop3A_1243 = arith.index_cast %parallel_loop3A_1224 : i32 to index
      %parallel_loop3A_1244 = arith.index_cast %parallel_loop3A_1242 : i32 to index
      %parallel_loop3A_1245 = tpu.vector_load %arg7[%parallel_loop3A_1243, %parallel_loop3A_1244] {strides = array<i32>} : memref<8x2048xf32, #tpu.memory_space<vmem>>, vector<1x16xf32>,
      %parallel_loop3A_1246 = vector.shape_cast %parallel_loop3A_1245 : vector<1x16xf32> to vector<16xf32>
      %parallel_loop3A_1247 = arith.index_cast %parallel_loop3A_1224 : i32 to index
      %parallel_loop3A_1248 = arith.index_cast %parallel_loop3A_1242 : i32 to index
      %parallel_loop3A_1249 = tpu.vector_load %arg10[%parallel_loop3A_1247, %parallel_loop3A_1248] {strides = array<i32>} : memref<8x2048xf32, #tpu.memory_space<vmem>>, vector<1x16xf32>,
      %parallel_loop3A_1250 = vector.shape_cast %parallel_loop3A_1249 : vector<1x16xf32> to vector<16xf32>
      %parallel_loop3A_1251 = arith.addf %parallel_loop3A_1246, %parallel_loop3A_1250 : vector<16xf32>
      %parallel_loop3A_1252 = arith.index_cast %parallel_loop3A_1224 : i32 to index
      %parallel_loop3A_1253 = arith.index_cast %parallel_loop3A_1242 : i32 to index
      %parallel_loop3A_1254 = tpu.vector_load %arg7[%parallel_loop3A_1252, %parallel_loop3A_1253] {strides = array<i32>} : memref<8x2048xf32, #tpu.memory_space<vmem>>, vector<1x16xf32>,
      %parallel_loop3A_1255 = vector.shape_cast %parallel_loop3A_1254 : vector<1x16xf32> to vector<16xf32>
      %parallel_loop3A_1256 = vector.shape_cast %parallel_loop3A_1251 : vector<16xf32> to vector<1x16xf32>
      tpu.vector_store %arg7[%parallel_loop3A_1252, %parallel_loop3A_1253], %parallel_loop3A_1256 {strides = array<i32>} : memref<8x2048xf32, #tpu.memory_space<vmem>>, vector<1x16xf32>,
    } {sc.loop_unroll_factor = 8 : i64, sc.parallel_access}
    %add3A_125 = arith.constant 0 : i32
    %add3A_126 = arith.addi %mul3A_2, %add3A_125 : i32
    %dma_start3A_127 = arith.constant 2 : i32
    %dma_start3A_128 = arith.constant 0 : i32
    %dma_start3A_129 = tpu.memref_slice %arg4[%dma_start3A_127, %add3A_126, %dma_start3A_128] : memref<4x2048x2048xf32, #tpu.memory_space<hbm>> -> memref<1x8x2048xf32, #tpu.memory_space<hbm>>
    %dma_start3A_130 = tpu.memref_squeeze %dma_start3A_129 : memref<1x8x2048xf32, #tpu.memory_space<hbm>> -> memref<8x2048xf32, #tpu.memory_space<hbm>>
    %dma_start3A_131 = arith.constant 0 : i32
    %dma_start3A_132 = tpu.memref_slice %arg4[%dma_start3A_127, %add3A_126, %dma_start3A_131] : memref<4x2048x2048xf32, #tpu.memory_space<hbm>> -> memref<1x8x2048xf32, #tpu.memory_space<hbm>>
    %dma_start3A_133 = tpu.memref_squeeze %dma_start3A_132 : memref<1x8x2048xf32, #tpu.memory_space<hbm>> -> memref<8x2048xf32, #tpu.memory_space<hbm>>
    tpu.enqueue_dma source(%arg7 : memref<8x2048xf32, #tpu.memory_space<vmem>>) target(%dma_start3A_133 : memref<8x2048xf32, #tpu.memory_space<hbm>>) target_semaphore(%arg19 : memref<!tpu.dma_semaphore, #tpu.memory_space<semaphore_mem>>)
    %dma_wait3A_134 = arith.constant 1 : i32
    %dma_wait3A_135 = arith.constant 0 : i32
    %dma_wait3A_136 = tpu.memref_slice %arg4[%dma_wait3A_134, %add3A_91, %dma_wait3A_135] : memref<4x2048x2048xf32, #tpu.memory_space<hbm>> -> memref<1x8x2048xf32, #tpu.memory_space<hbm>>
    %dma_wait3A_137 = tpu.memref_squeeze %dma_wait3A_136 : memref<1x8x2048xf32, #tpu.memory_space<hbm>> -> memref<8x2048xf32, #tpu.memory_space<hbm>>
    %dma_wait3A_138 = arith.constant 0 : i32
    %dma_wait3A_139 = tpu.memref_slice %arg4[%dma_wait3A_134, %add3A_91, %dma_wait3A_138] : memref<4x2048x2048xf32, #tpu.memory_space<hbm>> -> memref<1x8x2048xf32, #tpu.memory_space<hbm>>
    %dma_wait3A_140 = tpu.memref_squeeze %dma_wait3A_139 : memref<1x8x2048xf32, #tpu.memory_space<hbm>> -> memref<8x2048xf32, #tpu.memory_space<hbm>>
    tpu.wait_dma2 semaphore(%arg18 : memref<!tpu.dma_semaphore, #tpu.memory_space<semaphore_mem>>) src(%arg6 : memref<8x2048xf32, #tpu.memory_space<vmem>>) dst(%dma_wait3A_140 : memref<8x2048xf32, #tpu.memory_space<hbm>>)
    %add3A_141 = arith.constant 8 : i32
    %add3A_142 = arith.addi %mul3A_2, %add3A_141 : i32
    %dma_start3A_143 = arith.constant 2 : i32
    %dma_start3A_144 = arith.constant 0 : i32
    %dma_start3A_145 = tpu.memref_slice %arg2[%dma_start3A_143, %add3A_142, %dma_start3A_144] : memref<4x2048x2048xf32, #tpu.memory_space<hbm>> -> memref<1x8x2048xf32, #tpu.memory_space<hbm>>
    %dma_start3A_146 = tpu.memref_squeeze %dma_start3A_145 : memref<1x8x2048xf32, #tpu.memory_space<hbm>> -> memref<8x2048xf32, #tpu.memory_space<hbm>>
    %dma_start3A_147 = arith.constant 0 : i32
    %dma_start3A_148 = tpu.memref_slice %arg2[%dma_start3A_143, %add3A_142, %dma_start3A_147] : memref<4x2048x2048xf32, #tpu.memory_space<hbm>> -> memref<1x8x2048xf32, #tpu.memory_space<hbm>>
    %dma_start3A_149 = tpu.memref_squeeze %dma_start3A_148 : memref<1x8x2048xf32, #tpu.memory_space<hbm>> -> memref<8x2048xf32, #tpu.memory_space<hbm>>
    tpu.enqueue_dma source(%dma_start3A_149 : memref<8x2048xf32, #tpu.memory_space<hbm>>) target(%arg6 : memref<8x2048xf32, #tpu.memory_space<vmem>>) target_semaphore(%arg13 : memref<!tpu.dma_semaphore, #tpu.memory_space<semaphore_mem>>)
    %dma_wait3A_150 = arith.constant 3 : i32
    %dma_wait3A_151 = arith.constant 0 : i32
    %dma_wait3A_152 = tpu.memref_slice %arg2[%dma_wait3A_150, %add3A_36, %dma_wait3A_151] : memref<4x2048x2048xf32, #tpu.memory_space<hbm>> -> memref<1x8x2048xf32, #tpu.memory_space<hbm>>
    %dma_wait3A_153 = tpu.memref_squeeze %dma_wait3A_152 : memref<1x8x2048xf32, #tpu.memory_space<hbm>> -> memref<8x2048xf32, #tpu.memory_space<hbm>>
    %dma_wait3A_154 = arith.constant 0 : i32
    %dma_wait3A_155 = tpu.memref_slice %arg2[%dma_wait3A_150, %add3A_36, %dma_wait3A_154] : memref<4x2048x2048xf32, #tpu.memory_space<hbm>> -> memref<1x8x2048xf32, #tpu.memory_space<hbm>>
    %dma_wait3A_156 = tpu.memref_squeeze %dma_wait3A_155 : memref<1x8x2048xf32, #tpu.memory_space<hbm>> -> memref<8x2048xf32, #tpu.memory_space<hbm>>
    tpu.wait_dma2 semaphore(%arg15 : memref<!tpu.dma_semaphore, #tpu.memory_space<semaphore_mem>>) src(%dma_wait3A_156 : memref<8x2048xf32, #tpu.memory_space<hbm>>) dst(%arg8 : memref<8x2048xf32, #tpu.memory_space<vmem>>)
    %parallel_loop3A_157 = arith.constant 0 : i32
    %parallel_loop3A_158 = arith.constant 1024 : i32
    %parallel_loop3A_159 = arith.constant 1 : i32
    scf.for %parallel_loop3A_1200 = %parallel_loop3A_157 to %parallel_loop3A_158 step %parallel_loop3A_159  : i32 {
      %parallel_loop3A_1201 = arith.constant 128 : i32
      %parallel_loop3A_1202 = arith.divsi %parallel_loop3A_1200, %parallel_loop3A_1201 : i32
      %parallel_loop3A_1203 = arith.constant 0 : i32
      %parallel_loop3A_1204 = arith.cmpi sgt, %parallel_loop3A_1200, %parallel_loop3A_1203 : i32
      %parallel_loop3A_1205 = arith.extui %parallel_loop3A_1204 : i1 to i32
      %parallel_loop3A_1206 = arith.constant 0 : i32
      %parallel_loop3A_1207 = arith.cmpi slt, %parallel_loop3A_1200, %parallel_loop3A_1206 : i32
      %parallel_loop3A_1208 = arith.extui %parallel_loop3A_1207 : i1 to i32
      %parallel_loop3A_1209 = arith.subi %parallel_loop3A_1205, %parallel_loop3A_1208 : i32
      %parallel_loop3A_1210 = arith.constant 0 : i32
      %parallel_loop3A_1211 = arith.cmpi sgt, %parallel_loop3A_1201, %parallel_loop3A_1210 : i32
      %parallel_loop3A_1212 = arith.extui %parallel_loop3A_1211 : i1 to i32
      %parallel_loop3A_1213 = arith.constant 0 : i32
      %parallel_loop3A_1214 = arith.cmpi slt, %parallel_loop3A_1201, %parallel_loop3A_1213 : i32
      %parallel_loop3A_1215 = arith.extui %parallel_loop3A_1214 : i1 to i32
      %parallel_loop3A_1216 = arith.subi %parallel_loop3A_1212, %parallel_loop3A_1215 : i32
      %parallel_loop3A_1217 = arith.cmpi ne, %parallel_loop3A_1209, %parallel_loop3A_1216 : i32
      %parallel_loop3A_1218 = arith.remsi %parallel_loop3A_1200, %parallel_loop3A_1201 : i32
      %parallel_loop3A_1219 = arith.constant 0 : i32
      %parallel_loop3A_1220 = arith.cmpi ne, %parallel_loop3A_1218, %parallel_loop3A_1219 : i32
      %parallel_loop3A_1221 = arith.andi %parallel_loop3A_1217, %parallel_loop3A_1220 : i1
      %parallel_loop3A_1222 = arith.constant 1 : i32
      %parallel_loop3A_1223 = arith.subi %parallel_loop3A_1202, %parallel_loop3A_1222 : i32
      %parallel_loop3A_1224 = arith.select %parallel_loop3A_1221, %parallel_loop3A_1223, %parallel_loop3A_1202 : i32
      %parallel_loop3A_1225 = arith.constant 128 : i32
      %parallel_loop3A_1226 = arith.constant 0 : i32
      %parallel_loop3A_1227 = arith.cmpi eq, %parallel_loop3A_1225, %parallel_loop3A_1226 : i32
      %parallel_loop3A_1228 = arith.constant 1 : i32
      %parallel_loop3A_1229 = arith.select %parallel_loop3A_1227, %parallel_loop3A_1228, %parallel_loop3A_1225 : i32
      %parallel_loop3A_1230 = arith.remsi %parallel_loop3A_1200, %parallel_loop3A_1229 : i32
      %parallel_loop3A_1231 = arith.constant 0 : i32
      %parallel_loop3A_1232 = arith.cmpi ne, %parallel_loop3A_1230, %parallel_loop3A_1231 : i32
      %parallel_loop3A_1233 = arith.constant 0 : i32
      %parallel_loop3A_1234 = arith.cmpi slt, %parallel_loop3A_1230, %parallel_loop3A_1233 : i32
      %parallel_loop3A_1235 = arith.constant 0 : i32
      %parallel_loop3A_1236 = arith.cmpi slt, %parallel_loop3A_1229, %parallel_loop3A_1235 : i32
      %parallel_loop3A_1237 = arith.xori %parallel_loop3A_1234, %parallel_loop3A_1236 : i1
      %parallel_loop3A_1238 = arith.andi %parallel_loop3A_1237, %parallel_loop3A_1232 : i1
      %parallel_loop3A_1239 = arith.addi %parallel_loop3A_1230, %parallel_loop3A_1229 : i32
      %parallel_loop3A_1240 = arith.select %parallel_loop3A_1238, %parallel_loop3A_1239, %parallel_loop3A_1230 : i32
      %parallel_loop3A_1241 = arith.constant 16 : i32
      %parallel_loop3A_1242 = arith.muli %parallel_loop3A_1240, %parallel_loop3A_1241 : i32
      %parallel_loop3A_1243 = arith.index_cast %parallel_loop3A_1224 : i32 to index
      %parallel_loop3A_1244 = arith.index_cast %parallel_loop3A_1242 : i32 to index
      %parallel_loop3A_1245 = tpu.vector_load %arg8[%parallel_loop3A_1243, %parallel_loop3A_1244] {strides = array<i32>} : memref<8x2048xf32, #tpu.memory_space<vmem>>, vector<1x16xf32>,
      %parallel_loop3A_1246 = vector.shape_cast %parallel_loop3A_1245 : vector<1x16xf32> to vector<16xf32>
      %parallel_loop3A_1247 = arith.index_cast %parallel_loop3A_1224 : i32 to index
      %parallel_loop3A_1248 = arith.index_cast %parallel_loop3A_1242 : i32 to index
      %parallel_loop3A_1249 = tpu.vector_load %arg10[%parallel_loop3A_1247, %parallel_loop3A_1248] {strides = array<i32>} : memref<8x2048xf32, #tpu.memory_space<vmem>>, vector<1x16xf32>,
      %parallel_loop3A_1250 = vector.shape_cast %parallel_loop3A_1249 : vector<1x16xf32> to vector<16xf32>
      %parallel_loop3A_1251 = arith.addf %parallel_loop3A_1246, %parallel_loop3A_1250 : vector<16xf32>
      %parallel_loop3A_1252 = arith.index_cast %parallel_loop3A_1224 : i32 to index
      %parallel_loop3A_1253 = arith.index_cast %parallel_loop3A_1242 : i32 to index
      %parallel_loop3A_1254 = tpu.vector_load %arg8[%parallel_loop3A_1252, %parallel_loop3A_1253] {strides = array<i32>} : memref<8x2048xf32, #tpu.memory_space<vmem>>, vector<1x16xf32>,
      %parallel_loop3A_1255 = vector.shape_cast %parallel_loop3A_1254 : vector<1x16xf32> to vector<16xf32>
      %parallel_loop3A_1256 = vector.shape_cast %parallel_loop3A_1251 : vector<16xf32> to vector<1x16xf32>
      tpu.vector_store %arg8[%parallel_loop3A_1252, %parallel_loop3A_1253], %parallel_loop3A_1256 {strides = array<i32>} : memref<8x2048xf32, #tpu.memory_space<vmem>>, vector<1x16xf32>,
    } {sc.loop_unroll_factor = 8 : i64, sc.parallel_access}
    %add3A_160 = arith.constant 0 : i32
    %add3A_161 = arith.addi %mul3A_2, %add3A_160 : i32
    %dma_start3A_162 = arith.constant 3 : i32
    %dma_start3A_163 = arith.constant 0 : i32
    %dma_start3A_164 = tpu.memref_slice %arg4[%dma_start3A_162, %add3A_161, %dma_start3A_163] : memref<4x2048x2048xf32, #tpu.memory_space<hbm>> -> memref<1x8x2048xf32, #tpu.memory_space<hbm>>
    %dma_start3A_165 = tpu.memref_squeeze %dma_start3A_164 : memref<1x8x2048xf32, #tpu.memory_space<hbm>> -> memref<8x2048xf32, #tpu.memory_space<hbm>>
    %dma_start3A_166 = arith.constant 0 : i32
    %dma_start3A_167 = tpu.memref_slice %arg4[%dma_start3A_162, %add3A_161, %dma_start3A_166] : memref<4x2048x2048xf32, #tpu.memory_space<hbm>> -> memref<1x8x2048xf32, #tpu.memory_space<hbm>>
    %dma_start3A_168 = tpu.memref_squeeze %dma_start3A_167 : memref<1x8x2048xf32, #tpu.memory_space<hbm>> -> memref<8x2048xf32, #tpu.memory_space<hbm>>
    tpu.enqueue_dma source(%arg8 : memref<8x2048xf32, #tpu.memory_space<vmem>>) target(%dma_start3A_168 : memref<8x2048xf32, #tpu.memory_space<hbm>>) target_semaphore(%arg20 : memref<!tpu.dma_semaphore, #tpu.memory_space<semaphore_mem>>)
    %dma_wait3A_169 = arith.constant 2 : i32
    %dma_wait3A_170 = arith.constant 0 : i32
    %dma_wait3A_171 = tpu.memref_slice %arg4[%dma_wait3A_169, %add3A_126, %dma_wait3A_170] : memref<4x2048x2048xf32, #tpu.memory_space<hbm>> -> memref<1x8x2048xf32, #tpu.memory_space<hbm>>
    %dma_wait3A_172 = tpu.memref_squeeze %dma_wait3A_171 : memref<1x8x2048xf32, #tpu.memory_space<hbm>> -> memref<8x2048xf32, #tpu.memory_space<hbm>>
    %dma_wait3A_173 = arith.constant 0 : i32
    %dma_wait3A_174 = tpu.memref_slice %arg4[%dma_wait3A_169, %add3A_126, %dma_wait3A_173] : memref<4x2048x2048xf32, #tpu.memory_space<hbm>> -> memref<1x8x2048xf32, #tpu.memory_space<hbm>>
    %dma_wait3A_175 = tpu.memref_squeeze %dma_wait3A_174 : memref<1x8x2048xf32, #tpu.memory_space<hbm>> -> memref<8x2048xf32, #tpu.memory_space<hbm>>
    tpu.wait_dma2 semaphore(%arg19 : memref<!tpu.dma_semaphore, #tpu.memory_space<semaphore_mem>>) src(%arg7 : memref<8x2048xf32, #tpu.memory_space<vmem>>) dst(%dma_wait3A_175 : memref<8x2048xf32, #tpu.memory_space<hbm>>)
    %add3A_176 = arith.constant 8 : i32
    %add3A_177 = arith.addi %mul3A_2, %add3A_176 : i32
    %dma_start3A_178 = arith.constant 3 : i32
    %dma_start3A_179 = arith.constant 0 : i32
    %dma_start3A_180 = tpu.memref_slice %arg2[%dma_start3A_178, %add3A_177, %dma_start3A_179] : memref<4x2048x2048xf32, #tpu.memory_space<hbm>> -> memref<1x8x2048xf32, #tpu.memory_space<hbm>>
    %dma_start3A_181 = tpu.memref_squeeze %dma_start3A_180 : memref<1x8x2048xf32, #tpu.memory_space<hbm>> -> memref<8x2048xf32, #tpu.memory_space<hbm>>
    %dma_start3A_182 = arith.constant 0 : i32
    %dma_start3A_183 = tpu.memref_slice %arg2[%dma_start3A_178, %add3A_177, %dma_start3A_182] : memref<4x2048x2048xf32, #tpu.memory_space<hbm>> -> memref<1x8x2048xf32, #tpu.memory_space<hbm>>
    %dma_start3A_184 = tpu.memref_squeeze %dma_start3A_183 : memref<1x8x2048xf32, #tpu.memory_space<hbm>> -> memref<8x2048xf32, #tpu.memory_space<hbm>>
    tpu.enqueue_dma source(%dma_start3A_184 : memref<8x2048xf32, #tpu.memory_space<hbm>>) target(%arg7 : memref<8x2048xf32, #tpu.memory_space<vmem>>) target_semaphore(%arg14 : memref<!tpu.dma_semaphore, #tpu.memory_space<semaphore_mem>>)
    %add3A_185 = arith.constant 16 : i32
    %add3A_186 = arith.addi %mul3A_2, %add3A_185 : i32
    %dma_start3A_187 = arith.constant 0 : i32
    %dma_start3A_188 = tpu.memref_slice %arg3[%add3A_186, %dma_start3A_187] : memref<2048x2048xf32, #tpu.memory_space<hbm>> -> memref<8x2048xf32, #tpu.memory_space<hbm>>
    %dma_start3A_189 = arith.constant 0 : i32
    %dma_start3A_190 = tpu.memref_slice %arg3[%add3A_186, %dma_start3A_189] : memref<2048x2048xf32, #tpu.memory_space<hbm>> -> memref<8x2048xf32, #tpu.memory_space<hbm>>
    tpu.enqueue_dma source(%dma_start3A_190 : memref<8x2048xf32, #tpu.memory_space<hbm>>) target(%arg10 : memref<8x2048xf32, #tpu.memory_space<vmem>>) target_semaphore(%arg22 : memref<!tpu.dma_semaphore, #tpu.memory_space<semaphore_mem>>)
    %dma_wait3A_191 = arith.constant 0 : i32
    %dma_wait3A_192 = tpu.memref_slice %arg3[%add3A_45, %dma_wait3A_191] : memref<2048x2048xf32, #tpu.memory_space<hbm>> -> memref<8x2048xf32, #tpu.memory_space<hbm>>
    %dma_wait3A_193 = arith.constant 0 : i32
    %dma_wait3A_194 = tpu.memref_slice %arg3[%add3A_45, %dma_wait3A_193] : memref<2048x2048xf32, #tpu.memory_space<hbm>> -> memref<8x2048xf32, #tpu.memory_space<hbm>>
    tpu.wait_dma2 semaphore(%arg23 : memref<!tpu.dma_semaphore, #tpu.memory_space<semaphore_mem>>) src(%dma_wait3A_194 : memref<8x2048xf32, #tpu.memory_space<hbm>>) dst(%arg11 : memref<8x2048xf32, #tpu.memory_space<vmem>>)
    %dma_wait3A_195 = arith.constant 0 : i32
    %dma_wait3A_196 = arith.constant 0 : i32
    %dma_wait3A_197 = tpu.memref_slice %arg2[%dma_wait3A_195, %add3A_72, %dma_wait3A_196] : memref<4x2048x2048xf32, #tpu.memory_space<hbm>> -> memref<1x8x2048xf32, #tpu.memory_space<hbm>>
    %dma_wait3A_198 = tpu.memref_squeeze %dma_wait3A_197 : memref<1x8x2048xf32, #tpu.memory_space<hbm>> -> memref<8x2048xf32, #tpu.memory_space<hbm>>
    %dma_wait3A_199 = arith.constant 0 : i32
    %dma_wait3A_200 = tpu.memref_slice %arg2[%dma_wait3A_195, %add3A_72, %dma_wait3A_199] : memref<4x2048x2048xf32, #tpu.memory_space<hbm>> -> memref<1x8x2048xf32, #tpu.memory_space<hbm>>
    %dma_wait3A_201 = tpu.memref_squeeze %dma_wait3A_200 : memref<1x8x2048xf32, #tpu.memory_space<hbm>> -> memref<8x2048xf32, #tpu.memory_space<hbm>>
    tpu.wait_dma2 semaphore(%arg16 : memref<!tpu.dma_semaphore, #tpu.memory_space<semaphore_mem>>) src(%dma_wait3A_201 : memref<8x2048xf32, #tpu.memory_space<hbm>>) dst(%arg9 : memref<8x2048xf32, #tpu.memory_space<vmem>>)
    %parallel_loop3A_202 = arith.constant 0 : i32
    %parallel_loop3A_203 = arith.constant 1024 : i32
    %parallel_loop3A_204 = arith.constant 1 : i32
    scf.for %parallel_loop3A_1200 = %parallel_loop3A_202 to %parallel_loop3A_203 step %parallel_loop3A_204  : i32 {
      %parallel_loop3A_1201 = arith.constant 128 : i32
      %parallel_loop3A_1202 = arith.divsi %parallel_loop3A_1200, %parallel_loop3A_1201 : i32
      %parallel_loop3A_1203 = arith.constant 0 : i32
      %parallel_loop3A_1204 = arith.cmpi sgt, %parallel_loop3A_1200, %parallel_loop3A_1203 : i32
      %parallel_loop3A_1205 = arith.extui %parallel_loop3A_1204 : i1 to i32
      %parallel_loop3A_1206 = arith.constant 0 : i32
      %parallel_loop3A_1207 = arith.cmpi slt, %parallel_loop3A_1200, %parallel_loop3A_1206 : i32
      %parallel_loop3A_1208 = arith.extui %parallel_loop3A_1207 : i1 to i32
      %parallel_loop3A_1209 = arith.subi %parallel_loop3A_1205, %parallel_loop3A_1208 : i32
      %parallel_loop3A_1210 = arith.constant 0 : i32
      %parallel_loop3A_1211 = arith.cmpi sgt, %parallel_loop3A_1201, %parallel_loop3A_1210 : i32
      %parallel_loop3A_1212 = arith.extui %parallel_loop3A_1211 : i1 to i32
      %parallel_loop3A_1213 = arith.constant 0 : i32
      %parallel_loop3A_1214 = arith.cmpi slt, %parallel_loop3A_1201, %parallel_loop3A_1213 : i32
      %parallel_loop3A_1215 = arith.extui %parallel_loop3A_1214 : i1 to i32
      %parallel_loop3A_1216 = arith.subi %parallel_loop3A_1212, %parallel_loop3A_1215 : i32
      %parallel_loop3A_1217 = arith.cmpi ne, %parallel_loop3A_1209, %parallel_loop3A_1216 : i32
      %parallel_loop3A_1218 = arith.remsi %parallel_loop3A_1200, %parallel_loop3A_1201 : i32
      %parallel_loop3A_1219 = arith.constant 0 : i32
      %parallel_loop3A_1220 = arith.cmpi ne, %parallel_loop3A_1218, %parallel_loop3A_1219 : i32
      %parallel_loop3A_1221 = arith.andi %parallel_loop3A_1217, %parallel_loop3A_1220 : i1
      %parallel_loop3A_1222 = arith.constant 1 : i32
      %parallel_loop3A_1223 = arith.subi %parallel_loop3A_1202, %parallel_loop3A_1222 : i32
      %parallel_loop3A_1224 = arith.select %parallel_loop3A_1221, %parallel_loop3A_1223, %parallel_loop3A_1202 : i32
      %parallel_loop3A_1225 = arith.constant 128 : i32
      %parallel_loop3A_1226 = arith.constant 0 : i32
      %parallel_loop3A_1227 = arith.cmpi eq, %parallel_loop3A_1225, %parallel_loop3A_1226 : i32
      %parallel_loop3A_1228 = arith.constant 1 : i32
      %parallel_loop3A_1229 = arith.select %parallel_loop3A_1227, %parallel_loop3A_1228, %parallel_loop3A_1225 : i32
      %parallel_loop3A_1230 = arith.remsi %parallel_loop3A_1200, %parallel_loop3A_1229 : i32
      %parallel_loop3A_1231 = arith.constant 0 : i32
      %parallel_loop3A_1232 = arith.cmpi ne, %parallel_loop3A_1230, %parallel_loop3A_1231 : i32
      %parallel_loop3A_1233 = arith.constant 0 : i32
      %parallel_loop3A_1234 = arith.cmpi slt, %parallel_loop3A_1230, %parallel_loop3A_1233 : i32
      %parallel_loop3A_1235 = arith.constant 0 : i32
      %parallel_loop3A_1236 = arith.cmpi slt, %parallel_loop3A_1229, %parallel_loop3A_1235 : i32
      %parallel_loop3A_1237 = arith.xori %parallel_loop3A_1234, %parallel_loop3A_1236 : i1
      %parallel_loop3A_1238 = arith.andi %parallel_loop3A_1237, %parallel_loop3A_1232 : i1
      %parallel_loop3A_1239 = arith.addi %parallel_loop3A_1230, %parallel_loop3A_1229 : i32
      %parallel_loop3A_1240 = arith.select %parallel_loop3A_1238, %parallel_loop3A_1239, %parallel_loop3A_1230 : i32
      %parallel_loop3A_1241 = arith.constant 16 : i32
      %parallel_loop3A_1242 = arith.muli %parallel_loop3A_1240, %parallel_loop3A_1241 : i32
      %parallel_loop3A_1243 = arith.index_cast %parallel_loop3A_1224 : i32 to index
      %parallel_loop3A_1244 = arith.index_cast %parallel_loop3A_1242 : i32 to index
      %parallel_loop3A_1245 = tpu.vector_load %arg9[%parallel_loop3A_1243, %parallel_loop3A_1244] {strides = array<i32>} : memref<8x2048xf32, #tpu.memory_space<vmem>>, vector<1x16xf32>,
      %parallel_loop3A_1246 = vector.shape_cast %parallel_loop3A_1245 : vector<1x16xf32> to vector<16xf32>
      %parallel_loop3A_1247 = arith.index_cast %parallel_loop3A_1224 : i32 to index
      %parallel_loop3A_1248 = arith.index_cast %parallel_loop3A_1242 : i32 to index
      %parallel_loop3A_1249 = tpu.vector_load %arg11[%parallel_loop3A_1247, %parallel_loop3A_1248] {strides = array<i32>} : memref<8x2048xf32, #tpu.memory_space<vmem>>, vector<1x16xf32>,
      %parallel_loop3A_1250 = vector.shape_cast %parallel_loop3A_1249 : vector<1x16xf32> to vector<16xf32>
      %parallel_loop3A_1251 = arith.addf %parallel_loop3A_1246, %parallel_loop3A_1250 : vector<16xf32>
      %parallel_loop3A_1252 = arith.index_cast %parallel_loop3A_1224 : i32 to index
      %parallel_loop3A_1253 = arith.index_cast %parallel_loop3A_1242 : i32 to index
      %parallel_loop3A_1254 = tpu.vector_load %arg9[%parallel_loop3A_1252, %parallel_loop3A_1253] {strides = array<i32>} : memref<8x2048xf32, #tpu.memory_space<vmem>>, vector<1x16xf32>,
      %parallel_loop3A_1255 = vector.shape_cast %parallel_loop3A_1254 : vector<1x16xf32> to vector<16xf32>
      %parallel_loop3A_1256 = vector.shape_cast %parallel_loop3A_1251 : vector<16xf32> to vector<1x16xf32>
      tpu.vector_store %arg9[%parallel_loop3A_1252, %parallel_loop3A_1253], %parallel_loop3A_1256 {strides = array<i32>} : memref<8x2048xf32, #tpu.memory_space<vmem>>, vector<1x16xf32>,
    } {sc.loop_unroll_factor = 8 : i64, sc.parallel_access}
    %add3A_205 = arith.constant 8 : i32
    %add3A_206 = arith.addi %mul3A_2, %add3A_205 : i32
    %dma_start3A_207 = arith.constant 0 : i32
    %dma_start3A_208 = arith.constant 0 : i32
    %dma_start3A_209 = tpu.memref_slice %arg4[%dma_start3A_207, %add3A_206, %dma_start3A_208] : memref<4x2048x2048xf32, #tpu.memory_space<hbm>> -> memref<1x8x2048xf32, #tpu.memory_space<hbm>>
    %dma_start3A_210 = tpu.memref_squeeze %dma_start3A_209 : memref<1x8x2048xf32, #tpu.memory_space<hbm>> -> memref<8x2048xf32, #tpu.memory_space<hbm>>
    %dma_start3A_211 = arith.constant 0 : i32
    %dma_start3A_212 = tpu.memref_slice %arg4[%dma_start3A_207, %add3A_206, %dma_start3A_211] : memref<4x2048x2048xf32, #tpu.memory_space<hbm>> -> memref<1x8x2048xf32, #tpu.memory_space<hbm>>
    %dma_start3A_213 = tpu.memref_squeeze %dma_start3A_212 : memref<1x8x2048xf32, #tpu.memory_space<hbm>> -> memref<8x2048xf32, #tpu.memory_space<hbm>>
    tpu.enqueue_dma source(%arg9 : memref<8x2048xf32, #tpu.memory_space<vmem>>) target(%dma_start3A_213 : memref<8x2048xf32, #tpu.memory_space<hbm>>) target_semaphore(%arg21 : memref<!tpu.dma_semaphore, #tpu.memory_space<semaphore_mem>>)
    %dma_wait3A_214 = arith.constant 3 : i32
    %dma_wait3A_215 = arith.constant 0 : i32
    %dma_wait3A_216 = tpu.memref_slice %arg4[%dma_wait3A_214, %add3A_161, %dma_wait3A_215] : memref<4x2048x2048xf32, #tpu.memory_space<hbm>> -> memref<1x8x2048xf32, #tpu.memory_space<hbm>>
    %dma_wait3A_217 = tpu.memref_squeeze %dma_wait3A_216 : memref<1x8x2048xf32, #tpu.memory_space<hbm>> -> memref<8x2048xf32, #tpu.memory_space<hbm>>
    %dma_wait3A_218 = arith.constant 0 : i32
    %dma_wait3A_219 = tpu.memref_slice %arg4[%dma_wait3A_214, %add3A_161, %dma_wait3A_218] : memref<4x2048x2048xf32, #tpu.memory_space<hbm>> -> memref<1x8x2048xf32, #tpu.memory_space<hbm>>
    %dma_wait3A_220 = tpu.memref_squeeze %dma_wait3A_219 : memref<1x8x2048xf32, #tpu.memory_space<hbm>> -> memref<8x2048xf32, #tpu.memory_space<hbm>>
    tpu.wait_dma2 semaphore(%arg20 : memref<!tpu.dma_semaphore, #tpu.memory_space<semaphore_mem>>) src(%arg8 : memref<8x2048xf32, #tpu.memory_space<vmem>>) dst(%dma_wait3A_220 : memref<8x2048xf32, #tpu.memory_space<hbm>>)
    %add3A_221 = arith.constant 16 : i32
    %add3A_222 = arith.addi %mul3A_2, %add3A_221 : i32
    %dma_start3A_223 = arith.constant 0 : i32
    %dma_start3A_224 = arith.constant 0 : i32
    %dma_start3A_225 = tpu.memref_slice %arg2[%dma_start3A_223, %add3A_222, %dma_start3A_224] : memref<4x2048x2048xf32, #tpu.memory_space<hbm>> -> memref<1x8x2048xf32, #tpu.memory_space<hbm>>
    %dma_start3A_226 = tpu.memref_squeeze %dma_start3A_225 : memref<1x8x2048xf32, #tpu.memory_space<hbm>> -> memref<8x2048xf32, #tpu.memory_space<hbm>>
    %dma_start3A_227 = arith.constant 0 : i32
    %dma_start3A_228 = tpu.memref_slice %arg2[%dma_start3A_223, %add3A_222, %dma_start3A_227] : memref<4x2048x2048xf32, #tpu.memory_space<hbm>> -> memref<1x8x2048xf32, #tpu.memory_space<hbm>>
    %dma_start3A_229 = tpu.memref_squeeze %dma_start3A_228 : memref<1x8x2048xf32, #tpu.memory_space<hbm>> -> memref<8x2048xf32, #tpu.memory_space<hbm>>
    tpu.enqueue_dma source(%dma_start3A_229 : memref<8x2048xf32, #tpu.memory_space<hbm>>) target(%arg8 : memref<8x2048xf32, #tpu.memory_space<vmem>>) target_semaphore(%arg15 : memref<!tpu.dma_semaphore, #tpu.memory_space<semaphore_mem>>)
    %dma_wait3A_230 = arith.constant 1 : i32
    %dma_wait3A_231 = arith.constant 0 : i32
    %dma_wait3A_232 = tpu.memref_slice %arg2[%dma_wait3A_230, %add3A_107, %dma_wait3A_231] : memref<4x2048x2048xf32, #tpu.memory_space<hbm>> -> memref<1x8x2048xf32, #tpu.memory_space<hbm>>
    %dma_wait3A_233 = tpu.memref_squeeze %dma_wait3A_232 : memref<1x8x2048xf32, #tpu.memory_space<hbm>> -> memref<8x2048xf32, #tpu.memory_space<hbm>>
    %dma_wait3A_234 = arith.constant 0 : i32
    %dma_wait3A_235 = tpu.memref_slice %arg2[%dma_wait3A_230, %add3A_107, %dma_wait3A_234] : memref<4x2048x2048xf32, #tpu.memory_space<hbm>> -> memref<1x8x2048xf32, #tpu.memory_space<hbm>>
    %dma_wait3A_236 = tpu.memref_squeeze %dma_wait3A_235 : memref<1x8x2048xf32, #tpu.memory_space<hbm>> -> memref<8x2048xf32, #tpu.memory_space<hbm>>
    tpu.wait_dma2 semaphore(%arg12 : memref<!tpu.dma_semaphore, #tpu.memory_space<semaphore_mem>>) src(%dma_wait3A_236 : memref<8x2048xf32, #tpu.memory_space<hbm>>) dst(%arg5 : memref<8x2048xf32, #tpu.memory_space<vmem>>)
    %parallel_loop3A_237 = arith.constant 0 : i32
    %parallel_loop3A_238 = arith.constant 1024 : i32
    %parallel_loop3A_239 = arith.constant 1 : i32
    scf.for %parallel_loop3A_1200 = %parallel_loop3A_237 to %parallel_loop3A_238 step %parallel_loop3A_239  : i32 {
      %parallel_loop3A_1201 = arith.constant 128 : i32
      %parallel_loop3A_1202 = arith.divsi %parallel_loop3A_1200, %parallel_loop3A_1201 : i32
      %parallel_loop3A_1203 = arith.constant 0 : i32
      %parallel_loop3A_1204 = arith.cmpi sgt, %parallel_loop3A_1200, %parallel_loop3A_1203 : i32
      %parallel_loop3A_1205 = arith.extui %parallel_loop3A_1204 : i1 to i32
      %parallel_loop3A_1206 = arith.constant 0 : i32
      %parallel_loop3A_1207 = arith.cmpi slt, %parallel_loop3A_1200, %parallel_loop3A_1206 : i32
      %parallel_loop3A_1208 = arith.extui %parallel_loop3A_1207 : i1 to i32
      %parallel_loop3A_1209 = arith.subi %parallel_loop3A_1205, %parallel_loop3A_1208 : i32
      %parallel_loop3A_1210 = arith.constant 0 : i32
      %parallel_loop3A_1211 = arith.cmpi sgt, %parallel_loop3A_1201, %parallel_loop3A_1210 : i32
      %parallel_loop3A_1212 = arith.extui %parallel_loop3A_1211 : i1 to i32
      %parallel_loop3A_1213 = arith.constant 0 : i32
      %parallel_loop3A_1214 = arith.cmpi slt, %parallel_loop3A_1201, %parallel_loop3A_1213 : i32
      %parallel_loop3A_1215 = arith.extui %parallel_loop3A_1214 : i1 to i32
      %parallel_loop3A_1216 = arith.subi %parallel_loop3A_1212, %parallel_loop3A_1215 : i32
      %parallel_loop3A_1217 = arith.cmpi ne, %parallel_loop3A_1209, %parallel_loop3A_1216 : i32
      %parallel_loop3A_1218 = arith.remsi %parallel_loop3A_1200, %parallel_loop3A_1201 : i32
      %parallel_loop3A_1219 = arith.constant 0 : i32
      %parallel_loop3A_1220 = arith.cmpi ne, %parallel_loop3A_1218, %parallel_loop3A_1219 : i32
      %parallel_loop3A_1221 = arith.andi %parallel_loop3A_1217, %parallel_loop3A_1220 : i1
      %parallel_loop3A_1222 = arith.constant 1 : i32
      %parallel_loop3A_1223 = arith.subi %parallel_loop3A_1202, %parallel_loop3A_1222 : i32
      %parallel_loop3A_1224 = arith.select %parallel_loop3A_1221, %parallel_loop3A_1223, %parallel_loop3A_1202 : i32
      %parallel_loop3A_1225 = arith.constant 128 : i32
      %parallel_loop3A_1226 = arith.constant 0 : i32
      %parallel_loop3A_1227 = arith.cmpi eq, %parallel_loop3A_1225, %parallel_loop3A_1226 : i32
      %parallel_loop3A_1228 = arith.constant 1 : i32
      %parallel_loop3A_1229 = arith.select %parallel_loop3A_1227, %parallel_loop3A_1228, %parallel_loop3A_1225 : i32
      %parallel_loop3A_1230 = arith.remsi %parallel_loop3A_1200, %parallel_loop3A_1229 : i32
      %parallel_loop3A_1231 = arith.constant 0 : i32
      %parallel_loop3A_1232 = arith.cmpi ne, %parallel_loop3A_1230, %parallel_loop3A_1231 : i32
      %parallel_loop3A_1233 = arith.constant 0 : i32
      %parallel_loop3A_1234 = arith.cmpi slt, %parallel_loop3A_1230, %parallel_loop3A_1233 : i32
      %parallel_loop3A_1235 = arith.constant 0 : i32
      %parallel_loop3A_1236 = arith.cmpi slt, %parallel_loop3A_1229, %parallel_loop3A_1235 : i32
      %parallel_loop3A_1237 = arith.xori %parallel_loop3A_1234, %parallel_loop3A_1236 : i1
      %parallel_loop3A_1238 = arith.andi %parallel_loop3A_1237, %parallel_loop3A_1232 : i1
      %parallel_loop3A_1239 = arith.addi %parallel_loop3A_1230, %parallel_loop3A_1229 : i32
      %parallel_loop3A_1240 = arith.select %parallel_loop3A_1238, %parallel_loop3A_1239, %parallel_loop3A_1230 : i32
      %parallel_loop3A_1241 = arith.constant 16 : i32
      %parallel_loop3A_1242 = arith.muli %parallel_loop3A_1240, %parallel_loop3A_1241 : i32
      %parallel_loop3A_1243 = arith.index_cast %parallel_loop3A_1224 : i32 to index
      %parallel_loop3A_1244 = arith.index_cast %parallel_loop3A_1242 : i32 to index
      %parallel_loop3A_1245 = tpu.vector_load %arg5[%parallel_loop3A_1243, %parallel_loop3A_1244] {strides = array<i32>} : memref<8x2048xf32, #tpu.memory_space<vmem>>, vector<1x16xf32>,
      %parallel_loop3A_1246 = vector.shape_cast %parallel_loop3A_1245 : vector<1x16xf32> to vector<16xf32>
      %parallel_loop3A_1247 = arith.index_cast %parallel_loop3A_1224 : i32 to index
      %parallel_loop3A_1248 = arith.index_cast %parallel_loop3A_1242 : i32 to index
      %parallel_loop3A_1249 = tpu.vector_load %arg11[%parallel_loop3A_1247, %parallel_loop3A_1248] {strides = array<i32>} : memref<8x2048xf32, #tpu.memory_space<vmem>>, vector<1x16xf32>,
      %parallel_loop3A_1250 = vector.shape_cast %parallel_loop3A_1249 : vector<1x16xf32> to vector<16xf32>
      %parallel_loop3A_1251 = arith.addf %parallel_loop3A_1246, %parallel_loop3A_1250 : vector<16xf32>
      %parallel_loop3A_1252 = arith.index_cast %parallel_loop3A_1224 : i32 to index
      %parallel_loop3A_1253 = arith.index_cast %parallel_loop3A_1242 : i32 to index
      %parallel_loop3A_1254 = tpu.vector_load %arg5[%parallel_loop3A_1252, %parallel_loop3A_1253] {strides = array<i32>} : memref<8x2048xf32, #tpu.memory_space<vmem>>, vector<1x16xf32>,
      %parallel_loop3A_1255 = vector.shape_cast %parallel_loop3A_1254 : vector<1x16xf32> to vector<16xf32>
      %parallel_loop3A_1256 = vector.shape_cast %parallel_loop3A_1251 : vector<16xf32> to vector<1x16xf32>
      tpu.vector_store %arg5[%parallel_loop3A_1252, %parallel_loop3A_1253], %parallel_loop3A_1256 {strides = array<i32>} : memref<8x2048xf32, #tpu.memory_space<vmem>>, vector<1x16xf32>,
    } {sc.loop_unroll_factor = 8 : i64, sc.parallel_access}
    %add3A_240 = arith.constant 8 : i32
    %add3A_241 = arith.addi %mul3A_2, %add3A_240 : i32
    %dma_start3A_242 = arith.constant 1 : i32
    %dma_start3A_243 = arith.constant 0 : i32
    %dma_start3A_244 = tpu.memref_slice %arg4[%dma_start3A_242, %add3A_241, %dma_start3A_243] : memref<4x2048x2048xf32, #tpu.memory_space<hbm>> -> memref<1x8x2048xf32, #tpu.memory_space<hbm>>
    %dma_start3A_245 = tpu.memref_squeeze %dma_start3A_244 : memref<1x8x2048xf32, #tpu.memory_space<hbm>> -> memref<8x2048xf32, #tpu.memory_space<hbm>>
    %dma_start3A_246 = arith.constant 0 : i32
    %dma_start3A_247 = tpu.memref_slice %arg4[%dma_start3A_242, %add3A_241, %dma_start3A_246] : memref<4x2048x2048xf32, #tpu.memory_space<hbm>> -> memref<1x8x2048xf32, #tpu.memory_space<hbm>>
    %dma_start3A_248 = tpu.memref_squeeze %dma_start3A_247 : memref<1x8x2048xf32, #tpu.memory_space<hbm>> -> memref<8x2048xf32, #tpu.memory_space<hbm>>
    tpu.enqueue_dma source(%arg5 : memref<8x2048xf32, #tpu.memory_space<vmem>>) target(%dma_start3A_248 : memref<8x2048xf32, #tpu.memory_space<hbm>>) target_semaphore(%arg17 : memref<!tpu.dma_semaphore, #tpu.memory_space<semaphore_mem>>)
    %dma_wait3A_249 = arith.constant 0 : i32
    %dma_wait3A_250 = arith.constant 0 : i32
    %dma_wait3A_251 = tpu.memref_slice %arg4[%dma_wait3A_249, %add3A_206, %dma_wait3A_250] : memref<4x2048x2048xf32, #tpu.memory_space<hbm>> -> memref<1x8x2048xf32, #tpu.memory_space<hbm>>
    %dma_wait3A_252 = tpu.memref_squeeze %dma_wait3A_251 : memref<1x8x2048xf32, #tpu.memory_space<hbm>> -> memref<8x2048xf32, #tpu.memory_space<hbm>>
    %dma_wait3A_253 = arith.constant 0 : i32
    %dma_wait3A_254 = tpu.memref_slice %arg4[%dma_wait3A_249, %add3A_206, %dma_wait3A_253] : memref<4x2048x2048xf32, #tpu.memory_space<hbm>> -> memref<1x8x2048xf32, #tpu.memory_space<hbm>>
    %dma_wait3A_255 = tpu.memref_squeeze %dma_wait3A_254 : memref<1x8x2048xf32, #tpu.memory_space<hbm>> -> memref<8x2048xf32, #tpu.memory_space<hbm>>
    tpu.wait_dma2 semaphore(%arg21 : memref<!tpu.dma_semaphore, #tpu.memory_space<semaphore_mem>>) src(%arg9 : memref<8x2048xf32, #tpu.memory_space<vmem>>) dst(%dma_wait3A_255 : memref<8x2048xf32, #tpu.memory_space<hbm>>)
    %add3A_256 = arith.constant 16 : i32
    %add3A_257 = arith.addi %mul3A_2, %add3A_256 : i32
    %dma_start3A_258 = arith.constant 1 : i32
    %dma_start3A_259 = arith.constant 0 : i32
    %dma_start3A_260 = tpu.memref_slice %arg2[%dma_start3A_258, %add3A_257, %dma_start3A_259] : memref<4x2048x2048xf32, #tpu.memory_space<hbm>> -> memref<1x8x2048xf32, #tpu.memory_space<hbm>>
    %dma_start3A_261 = tpu.memref_squeeze %dma_start3A_260 : memref<1x8x2048xf32, #tpu.memory_space<hbm>> -> memref<8x2048xf32, #tpu.memory_space<hbm>>
    %dma_start3A_262 = arith.constant 0 : i32
    %dma_start3A_263 = tpu.memref_slice %arg2[%dma_start3A_258, %add3A_257, %dma_start3A_262] : memref<4x2048x2048xf32, #tpu.memory_space<hbm>> -> memref<1x8x2048xf32, #tpu.memory_space<hbm>>
    %dma_start3A_264 = tpu.memref_squeeze %dma_start3A_263 : memref<1x8x2048xf32, #tpu.memory_space<hbm>> -> memref<8x2048xf32, #tpu.memory_space<hbm>>
    tpu.enqueue_dma source(%dma_start3A_264 : memref<8x2048xf32, #tpu.memory_space<hbm>>) target(%arg9 : memref<8x2048xf32, #tpu.memory_space<vmem>>) target_semaphore(%arg16 : memref<!tpu.dma_semaphore, #tpu.memory_space<semaphore_mem>>)
    %dma_wait3A_265 = arith.constant 2 : i32
    %dma_wait3A_266 = arith.constant 0 : i32
    %dma_wait3A_267 = tpu.memref_slice %arg2[%dma_wait3A_265, %add3A_142, %dma_wait3A_266] : memref<4x2048x2048xf32, #tpu.memory_space<hbm>> -> memref<1x8x2048xf32, #tpu.memory_space<hbm>>
    %dma_wait3A_268 = tpu.memref_squeeze %dma_wait3A_267 : memref<1x8x2048xf32, #tpu.memory_space<hbm>> -> memref<8x2048xf32, #tpu.memory_space<hbm>>
    %dma_wait3A_269 = arith.constant 0 : i32
    %dma_wait3A_270 = tpu.memref_slice %arg2[%dma_wait3A_265, %add3A_142, %dma_wait3A_269] : memref<4x2048x2048xf32, #tpu.memory_space<hbm>> -> memref<1x8x2048xf32, #tpu.memory_space<hbm>>
    %dma_wait3A_271 = tpu.memref_squeeze %dma_wait3A_270 : memref<1x8x2048xf32, #tpu.memory_space<hbm>> -> memref<8x2048xf32, #tpu.memory_space<hbm>>
    tpu.wait_dma2 semaphore(%arg13 : memref<!tpu.dma_semaphore, #tpu.memory_space<semaphore_mem>>) src(%dma_wait3A_271 : memref<8x2048xf32, #tpu.memory_space<hbm>>) dst(%arg6 : memref<8x2048xf32, #tpu.memory_space<vmem>>)
    %parallel_loop3A_272 = arith.constant 0 : i32
    %parallel_loop3A_273 = arith.constant 1024 : i32
    %parallel_loop3A_274 = arith.constant 1 : i32
    scf.for %parallel_loop3A_1200 = %parallel_loop3A_272 to %parallel_loop3A_273 step %parallel_loop3A_274  : i32 {
      %parallel_loop3A_1201 = arith.constant 128 : i32
      %parallel_loop3A_1202 = arith.divsi %parallel_loop3A_1200, %parallel_loop3A_1201 : i32
      %parallel_loop3A_1203 = arith.constant 0 : i32
      %parallel_loop3A_1204 = arith.cmpi sgt, %parallel_loop3A_1200, %parallel_loop3A_1203 : i32
      %parallel_loop3A_1205 = arith.extui %parallel_loop3A_1204 : i1 to i32
      %parallel_loop3A_1206 = arith.constant 0 : i32
      %parallel_loop3A_1207 = arith.cmpi slt, %parallel_loop3A_1200, %parallel_loop3A_1206 : i32
      %parallel_loop3A_1208 = arith.extui %parallel_loop3A_1207 : i1 to i32
      %parallel_loop3A_1209 = arith.subi %parallel_loop3A_1205, %parallel_loop3A_1208 : i32
      %parallel_loop3A_1210 = arith.constant 0 : i32
      %parallel_loop3A_1211 = arith.cmpi sgt, %parallel_loop3A_1201, %parallel_loop3A_1210 : i32
      %parallel_loop3A_1212 = arith.extui %parallel_loop3A_1211 : i1 to i32
      %parallel_loop3A_1213 = arith.constant 0 : i32
      %parallel_loop3A_1214 = arith.cmpi slt, %parallel_loop3A_1201, %parallel_loop3A_1213 : i32
      %parallel_loop3A_1215 = arith.extui %parallel_loop3A_1214 : i1 to i32
      %parallel_loop3A_1216 = arith.subi %parallel_loop3A_1212, %parallel_loop3A_1215 : i32
      %parallel_loop3A_1217 = arith.cmpi ne, %parallel_loop3A_1209, %parallel_loop3A_1216 : i32
      %parallel_loop3A_1218 = arith.remsi %parallel_loop3A_1200, %parallel_loop3A_1201 : i32
      %parallel_loop3A_1219 = arith.constant 0 : i32
      %parallel_loop3A_1220 = arith.cmpi ne, %parallel_loop3A_1218, %parallel_loop3A_1219 : i32
      %parallel_loop3A_1221 = arith.andi %parallel_loop3A_1217, %parallel_loop3A_1220 : i1
      %parallel_loop3A_1222 = arith.constant 1 : i32
      %parallel_loop3A_1223 = arith.subi %parallel_loop3A_1202, %parallel_loop3A_1222 : i32
      %parallel_loop3A_1224 = arith.select %parallel_loop3A_1221, %parallel_loop3A_1223, %parallel_loop3A_1202 : i32
      %parallel_loop3A_1225 = arith.constant 128 : i32
      %parallel_loop3A_1226 = arith.constant 0 : i32
      %parallel_loop3A_1227 = arith.cmpi eq, %parallel_loop3A_1225, %parallel_loop3A_1226 : i32
      %parallel_loop3A_1228 = arith.constant 1 : i32
      %parallel_loop3A_1229 = arith.select %parallel_loop3A_1227, %parallel_loop3A_1228, %parallel_loop3A_1225 : i32
      %parallel_loop3A_1230 = arith.remsi %parallel_loop3A_1200, %parallel_loop3A_1229 : i32
      %parallel_loop3A_1231 = arith.constant 0 : i32
      %parallel_loop3A_1232 = arith.cmpi ne, %parallel_loop3A_1230, %parallel_loop3A_1231 : i32
      %parallel_loop3A_1233 = arith.constant 0 : i32
      %parallel_loop3A_1234 = arith.cmpi slt, %parallel_loop3A_1230, %parallel_loop3A_1233 : i32
      %parallel_loop3A_1235 = arith.constant 0 : i32
      %parallel_loop3A_1236 = arith.cmpi slt, %parallel_loop3A_1229, %parallel_loop3A_1235 : i32
      %parallel_loop3A_1237 = arith.xori %parallel_loop3A_1234, %parallel_loop3A_1236 : i1
      %parallel_loop3A_1238 = arith.andi %parallel_loop3A_1237, %parallel_loop3A_1232 : i1
      %parallel_loop3A_1239 = arith.addi %parallel_loop3A_1230, %parallel_loop3A_1229 : i32
      %parallel_loop3A_1240 = arith.select %parallel_loop3A_1238, %parallel_loop3A_1239, %parallel_loop3A_1230 : i32
      %parallel_loop3A_1241 = arith.constant 16 : i32
      %parallel_loop3A_1242 = arith.muli %parallel_loop3A_1240, %parallel_loop3A_1241 : i32
      %parallel_loop3A_1243 = arith.index_cast %parallel_loop3A_1224 : i32 to index
      %parallel_loop3A_1244 = arith.index_cast %parallel_loop3A_1242 : i32 to index
      %parallel_loop3A_1245 = tpu.vector_load %arg6[%parallel_loop3A_1243, %parallel_loop3A_1244] {strides = array<i32>} : memref<8x2048xf32, #tpu.memory_space<vmem>>, vector<1x16xf32>,
      %parallel_loop3A_1246 = vector.shape_cast %parallel_loop3A_1245 : vector<1x16xf32> to vector<16xf32>
      %parallel_loop3A_1247 = arith.index_cast %parallel_loop3A_1224 : i32 to index
      %parallel_loop3A_1248 = arith.index_cast %parallel_loop3A_1242 : i32 to index
      %parallel_loop3A_1249 = tpu.vector_load %arg11[%parallel_loop3A_1247, %parallel_loop3A_1248] {strides = array<i32>} : memref<8x2048xf32, #tpu.memory_space<vmem>>, vector<1x16xf32>,
      %parallel_loop3A_1250 = vector.shape_cast %parallel_loop3A_1249 : vector<1x16xf32> to vector<16xf32>
      %parallel_loop3A_1251 = arith.addf %parallel_loop3A_1246, %parallel_loop3A_1250 : vector<16xf32>
      %parallel_loop3A_1252 = arith.index_cast %parallel_loop3A_1224 : i32 to index
      %parallel_loop3A_1253 = arith.index_cast %parallel_loop3A_1242 : i32 to index
      %parallel_loop3A_1254 = tpu.vector_load %arg6[%parallel_loop3A_1252, %parallel_loop3A_1253] {strides = array<i32>} : memref<8x2048xf32, #tpu.memory_space<vmem>>, vector<1x16xf32>,
      %parallel_loop3A_1255 = vector.shape_cast %parallel_loop3A_1254 : vector<1x16xf32> to vector<16xf32>
      %parallel_loop3A_1256 = vector.shape_cast %parallel_loop3A_1251 : vector<16xf32> to vector<1x16xf32>
      tpu.vector_store %arg6[%parallel_loop3A_1252, %parallel_loop3A_1253], %parallel_loop3A_1256 {strides = array<i32>} : memref<8x2048xf32, #tpu.memory_space<vmem>>, vector<1x16xf32>,
    } {sc.loop_unroll_factor = 8 : i64, sc.parallel_access}
    %add3A_275 = arith.constant 8 : i32
    %add3A_276 = arith.addi %mul3A_2, %add3A_275 : i32
    %dma_start3A_277 = arith.constant 2 : i32
    %dma_start3A_278 = arith.constant 0 : i32
    %dma_start3A_279 = tpu.memref_slice %arg4[%dma_start3A_277, %add3A_276, %dma_start3A_278] : memref<4x2048x2048xf32, #tpu.memory_space<hbm>> -> memref<1x8x2048xf32, #tpu.memory_space<hbm>>
    %dma_start3A_280 = tpu.memref_squeeze %dma_start3A_279 : memref<1x8x2048xf32, #tpu.memory_space<hbm>> -> memref<8x2048xf32, #tpu.memory_space<hbm>>
    %dma_start3A_281 = arith.constant 0 : i32
    %dma_start3A_282 = tpu.memref_slice %arg4[%dma_start3A_277, %add3A_276, %dma_start3A_281] : memref<4x2048x2048xf32, #tpu.memory_space<hbm>> -> memref<1x8x2048xf32, #tpu.memory_space<hbm>>
    %dma_start3A_283 = tpu.memref_squeeze %dma_start3A_282 : memref<1x8x2048xf32, #tpu.memory_space<hbm>> -> memref<8x2048xf32, #tpu.memory_space<hbm>>
    tpu.enqueue_dma source(%arg6 : memref<8x2048xf32, #tpu.memory_space<vmem>>) target(%dma_start3A_283 : memref<8x2048xf32, #tpu.memory_space<hbm>>) target_semaphore(%arg18 : memref<!tpu.dma_semaphore, #tpu.memory_space<semaphore_mem>>)
    %dma_wait3A_284 = arith.constant 1 : i32
    %dma_wait3A_285 = arith.constant 0 : i32
    %dma_wait3A_286 = tpu.memref_slice %arg4[%dma_wait3A_284, %add3A_241, %dma_wait3A_285] : memref<4x2048x2048xf32, #tpu.memory_space<hbm>> -> memref<1x8x2048xf32, #tpu.memory_space<hbm>>
    %dma_wait3A_287 = tpu.memref_squeeze %dma_wait3A_286 : memref<1x8x2048xf32, #tpu.memory_space<hbm>> -> memref<8x2048xf32, #tpu.memory_space<hbm>>
    %dma_wait3A_288 = arith.constant 0 : i32
    %dma_wait3A_289 = tpu.memref_slice %arg4[%dma_wait3A_284, %add3A_241, %dma_wait3A_288] : memref<4x2048x2048xf32, #tpu.memory_space<hbm>> -> memref<1x8x2048xf32, #tpu.memory_space<hbm>>
    %dma_wait3A_290 = tpu.memref_squeeze %dma_wait3A_289 : memref<1x8x2048xf32, #tpu.memory_space<hbm>> -> memref<8x2048xf32, #tpu.memory_space<hbm>>
    tpu.wait_dma2 semaphore(%arg17 : memref<!tpu.dma_semaphore, #tpu.memory_space<semaphore_mem>>) src(%arg5 : memref<8x2048xf32, #tpu.memory_space<vmem>>) dst(%dma_wait3A_290 : memref<8x2048xf32, #tpu.memory_space<hbm>>)
    %add3A_291 = arith.constant 16 : i32
    %add3A_292 = arith.addi %mul3A_2, %add3A_291 : i32
    %dma_start3A_293 = arith.constant 2 : i32
    %dma_start3A_294 = arith.constant 0 : i32
    %dma_start3A_295 = tpu.memref_slice %arg2[%dma_start3A_293, %add3A_292, %dma_start3A_294] : memref<4x2048x2048xf32, #tpu.memory_space<hbm>> -> memref<1x8x2048xf32, #tpu.memory_space<hbm>>
    %dma_start3A_296 = tpu.memref_squeeze %dma_start3A_295 : memref<1x8x2048xf32, #tpu.memory_space<hbm>> -> memref<8x2048xf32, #tpu.memory_space<hbm>>
    %dma_start3A_297 = arith.constant 0 : i32
    %dma_start3A_298 = tpu.memref_slice %arg2[%dma_start3A_293, %add3A_292, %dma_start3A_297] : memref<4x2048x2048xf32, #tpu.memory_space<hbm>> -> memref<1x8x2048xf32, #tpu.memory_space<hbm>>
    %dma_start3A_299 = tpu.memref_squeeze %dma_start3A_298 : memref<1x8x2048xf32, #tpu.memory_space<hbm>> -> memref<8x2048xf32, #tpu.memory_space<hbm>>
    tpu.enqueue_dma source(%dma_start3A_299 : memref<8x2048xf32, #tpu.memory_space<hbm>>) target(%arg5 : memref<8x2048xf32, #tpu.memory_space<vmem>>) target_semaphore(%arg12 : memref<!tpu.dma_semaphore, #tpu.memory_space<semaphore_mem>>)
    %dma_wait3A_300 = arith.constant 3 : i32
    %dma_wait3A_301 = arith.constant 0 : i32
    %dma_wait3A_302 = tpu.memref_slice %arg2[%dma_wait3A_300, %add3A_177, %dma_wait3A_301] : memref<4x2048x2048xf32, #tpu.memory_space<hbm>> -> memref<1x8x2048xf32, #tpu.memory_space<hbm>>
    %dma_wait3A_303 = tpu.memref_squeeze %dma_wait3A_302 : memref<1x8x2048xf32, #tpu.memory_space<hbm>> -> memref<8x2048xf32, #tpu.memory_space<hbm>>
    %dma_wait3A_304 = arith.constant 0 : i32
    %dma_wait3A_305 = tpu.memref_slice %arg2[%dma_wait3A_300, %add3A_177, %dma_wait3A_304] : memref<4x2048x2048xf32, #tpu.memory_space<hbm>> -> memref<1x8x2048xf32, #tpu.memory_space<hbm>>
    %dma_wait3A_306 = tpu.memref_squeeze %dma_wait3A_305 : memref<1x8x2048xf32, #tpu.memory_space<hbm>> -> memref<8x2048xf32, #tpu.memory_space<hbm>>
    tpu.wait_dma2 semaphore(%arg14 : memref<!tpu.dma_semaphore, #tpu.memory_space<semaphore_mem>>) src(%dma_wait3A_306 : memref<8x2048xf32, #tpu.memory_space<hbm>>) dst(%arg7 : memref<8x2048xf32, #tpu.memory_space<vmem>>)
    %parallel_loop3A_307 = arith.constant 0 : i32
    %parallel_loop3A_308 = arith.constant 1024 : i32
    %parallel_loop3A_309 = arith.constant 1 : i32
    scf.for %parallel_loop3A_1200 = %parallel_loop3A_307 to %parallel_loop3A_308 step %parallel_loop3A_309  : i32 {
      %parallel_loop3A_1201 = arith.constant 128 : i32
      %parallel_loop3A_1202 = arith.divsi %parallel_loop3A_1200, %parallel_loop3A_1201 : i32
      %parallel_loop3A_1203 = arith.constant 0 : i32
      %parallel_loop3A_1204 = arith.cmpi sgt, %parallel_loop3A_1200, %parallel_loop3A_1203 : i32
      %parallel_loop3A_1205 = arith.extui %parallel_loop3A_1204 : i1 to i32
      %parallel_loop3A_1206 = arith.constant 0 : i32
      %parallel_loop3A_1207 = arith.cmpi slt, %parallel_loop3A_1200, %parallel_loop3A_1206 : i32
      %parallel_loop3A_1208 = arith.extui %parallel_loop3A_1207 : i1 to i32
      %parallel_loop3A_1209 = arith.subi %parallel_loop3A_1205, %parallel_loop3A_1208 : i32
      %parallel_loop3A_1210 = arith.constant 0 : i32
      %parallel_loop3A_1211 = arith.cmpi sgt, %parallel_loop3A_1201, %parallel_loop3A_1210 : i32
      %parallel_loop3A_1212 = arith.extui %parallel_loop3A_1211 : i1 to i32
      %parallel_loop3A_1213 = arith.constant 0 : i32
      %parallel_loop3A_1214 = arith.cmpi slt, %parallel_loop3A_1201, %parallel_loop3A_1213 : i32
      %parallel_loop3A_1215 = arith.extui %parallel_loop3A_1214 : i1 to i32
      %parallel_loop3A_1216 = arith.subi %parallel_loop3A_1212, %parallel_loop3A_1215 : i32
      %parallel_loop3A_1217 = arith.cmpi ne, %parallel_loop3A_1209, %parallel_loop3A_1216 : i32
      %parallel_loop3A_1218 = arith.remsi %parallel_loop3A_1200, %parallel_loop3A_1201 : i32
      %parallel_loop3A_1219 = arith.constant 0 : i32
      %parallel_loop3A_1220 = arith.cmpi ne, %parallel_loop3A_1218, %parallel_loop3A_1219 : i32
      %parallel_loop3A_1221 = arith.andi %parallel_loop3A_1217, %parallel_loop3A_1220 : i1
      %parallel_loop3A_1222 = arith.constant 1 : i32
      %parallel_loop3A_1223 = arith.subi %parallel_loop3A_1202, %parallel_loop3A_1222 : i32
      %parallel_loop3A_1224 = arith.select %parallel_loop3A_1221, %parallel_loop3A_1223, %parallel_loop3A_1202 : i32
      %parallel_loop3A_1225 = arith.constant 128 : i32
      %parallel_loop3A_1226 = arith.constant 0 : i32
      %parallel_loop3A_1227 = arith.cmpi eq, %parallel_loop3A_1225, %parallel_loop3A_1226 : i32
      %parallel_loop3A_1228 = arith.constant 1 : i32
      %parallel_loop3A_1229 = arith.select %parallel_loop3A_1227, %parallel_loop3A_1228, %parallel_loop3A_1225 : i32
      %parallel_loop3A_1230 = arith.remsi %parallel_loop3A_1200, %parallel_loop3A_1229 : i32
      %parallel_loop3A_1231 = arith.constant 0 : i32
      %parallel_loop3A_1232 = arith.cmpi ne, %parallel_loop3A_1230, %parallel_loop3A_1231 : i32
      %parallel_loop3A_1233 = arith.constant 0 : i32
      %parallel_loop3A_1234 = arith.cmpi slt, %parallel_loop3A_1230, %parallel_loop3A_1233 : i32
      %parallel_loop3A_1235 = arith.constant 0 : i32
      %parallel_loop3A_1236 = arith.cmpi slt, %parallel_loop3A_1229, %parallel_loop3A_1235 : i32
      %parallel_loop3A_1237 = arith.xori %parallel_loop3A_1234, %parallel_loop3A_1236 : i1
      %parallel_loop3A_1238 = arith.andi %parallel_loop3A_1237, %parallel_loop3A_1232 : i1
      %parallel_loop3A_1239 = arith.addi %parallel_loop3A_1230, %parallel_loop3A_1229 : i32
      %parallel_loop3A_1240 = arith.select %parallel_loop3A_1238, %parallel_loop3A_1239, %parallel_loop3A_1230 : i32
      %parallel_loop3A_1241 = arith.constant 16 : i32
      %parallel_loop3A_1242 = arith.muli %parallel_loop3A_1240, %parallel_loop3A_1241 : i32
      %parallel_loop3A_1243 = arith.index_cast %parallel_loop3A_1224 : i32 to index
      %parallel_loop3A_1244 = arith.index_cast %parallel_loop3A_1242 : i32 to index
      %parallel_loop3A_1245 = tpu.vector_load %arg7[%parallel_loop3A_1243, %parallel_loop3A_1244] {strides = array<i32>} : memref<8x2048xf32, #tpu.memory_space<vmem>>, vector<1x16xf32>,
      %parallel_loop3A_1246 = vector.shape_cast %parallel_loop3A_1245 : vector<1x16xf32> to vector<16xf32>
      %parallel_loop3A_1247 = arith.index_cast %parallel_loop3A_1224 : i32 to index
      %parallel_loop3A_1248 = arith.index_cast %parallel_loop3A_1242 : i32 to index
      %parallel_loop3A_1249 = tpu.vector_load %arg11[%parallel_loop3A_1247, %parallel_loop3A_1248] {strides = array<i32>} : memref<8x2048xf32, #tpu.memory_space<vmem>>, vector<1x16xf32>,
      %parallel_loop3A_1250 = vector.shape_cast %parallel_loop3A_1249 : vector<1x16xf32> to vector<16xf32>
      %parallel_loop3A_1251 = arith.addf %parallel_loop3A_1246, %parallel_loop3A_1250 : vector<16xf32>
      %parallel_loop3A_1252 = arith.index_cast %parallel_loop3A_1224 : i32 to index
      %parallel_loop3A_1253 = arith.index_cast %parallel_loop3A_1242 : i32 to index
      %parallel_loop3A_1254 = tpu.vector_load %arg7[%parallel_loop3A_1252, %parallel_loop3A_1253] {strides = array<i32>} : memref<8x2048xf32, #tpu.memory_space<vmem>>, vector<1x16xf32>,
      %parallel_loop3A_1255 = vector.shape_cast %parallel_loop3A_1254 : vector<1x16xf32> to vector<16xf32>
      %parallel_loop3A_1256 = vector.shape_cast %parallel_loop3A_1251 : vector<16xf32> to vector<1x16xf32>
      tpu.vector_store %arg7[%parallel_loop3A_1252, %parallel_loop3A_1253], %parallel_loop3A_1256 {strides = array<i32>} : memref<8x2048xf32, #tpu.memory_space<vmem>>, vector<1x16xf32>,
    } {sc.loop_unroll_factor = 8 : i64, sc.parallel_access}
    %add3A_310 = arith.constant 8 : i32
    %add3A_311 = arith.addi %mul3A_2, %add3A_310 : i32
    %dma_start3A_312 = arith.constant 3 : i32
    %dma_start3A_313 = arith.constant 0 : i32
    %dma_start3A_314 = tpu.memref_slice %arg4[%dma_start3A_312, %add3A_311, %dma_start3A_313] : memref<4x2048x2048xf32, #tpu.memory_space<hbm>> -> memref<1x8x2048xf32, #tpu.memory_space<hbm>>
    %dma_start3A_315 = tpu.memref_squeeze %dma_start3A_314 : memref<1x8x2048xf32, #tpu.memory_space<hbm>> -> memref<8x2048xf32, #tpu.memory_space<hbm>>
    %dma_start3A_316 = arith.constant 0 : i32
    %dma_start3A_317 = tpu.memref_slice %arg4[%dma_start3A_312, %add3A_311, %dma_start3A_316] : memref<4x2048x2048xf32, #tpu.memory_space<hbm>> -> memref<1x8x2048xf32, #tpu.memory_space<hbm>>
    %dma_start3A_318 = tpu.memref_squeeze %dma_start3A_317 : memref<1x8x2048xf32, #tpu.memory_space<hbm>> -> memref<8x2048xf32, #tpu.memory_space<hbm>>
    tpu.enqueue_dma source(%arg7 : memref<8x2048xf32, #tpu.memory_space<vmem>>) target(%dma_start3A_318 : memref<8x2048xf32, #tpu.memory_space<hbm>>) target_semaphore(%arg19 : memref<!tpu.dma_semaphore, #tpu.memory_space<semaphore_mem>>)
    %dma_wait3A_319 = arith.constant 2 : i32
    %dma_wait3A_320 = arith.constant 0 : i32
    %dma_wait3A_321 = tpu.memref_slice %arg4[%dma_wait3A_319, %add3A_276, %dma_wait3A_320] : memref<4x2048x2048xf32, #tpu.memory_space<hbm>> -> memref<1x8x2048xf32, #tpu.memory_space<hbm>>
    %dma_wait3A_322 = tpu.memref_squeeze %dma_wait3A_321 : memref<1x8x2048xf32, #tpu.memory_space<hbm>> -> memref<8x2048xf32, #tpu.memory_space<hbm>>
    %dma_wait3A_323 = arith.constant 0 : i32
    %dma_wait3A_324 = tpu.memref_slice %arg4[%dma_wait3A_319, %add3A_276, %dma_wait3A_323] : memref<4x2048x2048xf32, #tpu.memory_space<hbm>> -> memref<1x8x2048xf32, #tpu.memory_space<hbm>>
    %dma_wait3A_325 = tpu.memref_squeeze %dma_wait3A_324 : memref<1x8x2048xf32, #tpu.memory_space<hbm>> -> memref<8x2048xf32, #tpu.memory_space<hbm>>
    tpu.wait_dma2 semaphore(%arg18 : memref<!tpu.dma_semaphore, #tpu.memory_space<semaphore_mem>>) src(%arg6 : memref<8x2048xf32, #tpu.memory_space<vmem>>) dst(%dma_wait3A_325 : memref<8x2048xf32, #tpu.memory_space<hbm>>)
    %add3A_326 = arith.constant 16 : i32
    %add3A_327 = arith.addi %mul3A_2, %add3A_326 : i32
    %dma_start3A_328 = arith.constant 3 : i32
    %dma_start3A_329 = arith.constant 0 : i32
    %dma_start3A_330 = tpu.memref_slice %arg2[%dma_start3A_328, %add3A_327, %dma_start3A_329] : memref<4x2048x2048xf32, #tpu.memory_space<hbm>> -> memref<1x8x2048xf32, #tpu.memory_space<hbm>>
    %dma_start3A_331 = tpu.memref_squeeze %dma_start3A_330 : memref<1x8x2048xf32, #tpu.memory_space<hbm>> -> memref<8x2048xf32, #tpu.memory_space<hbm>>
    %dma_start3A_332 = arith.constant 0 : i32
    %dma_start3A_333 = tpu.memref_slice %arg2[%dma_start3A_328, %add3A_327, %dma_start3A_332] : memref<4x2048x2048xf32, #tpu.memory_space<hbm>> -> memref<1x8x2048xf32, #tpu.memory_space<hbm>>
    %dma_start3A_334 = tpu.memref_squeeze %dma_start3A_333 : memref<1x8x2048xf32, #tpu.memory_space<hbm>> -> memref<8x2048xf32, #tpu.memory_space<hbm>>
    tpu.enqueue_dma source(%dma_start3A_334 : memref<8x2048xf32, #tpu.memory_space<hbm>>) target(%arg6 : memref<8x2048xf32, #tpu.memory_space<vmem>>) target_semaphore(%arg13 : memref<!tpu.dma_semaphore, #tpu.memory_space<semaphore_mem>>)
    %add3A_335 = arith.constant 24 : i32
    %add3A_336 = arith.addi %mul3A_2, %add3A_335 : i32
    %dma_start3A_337 = arith.constant 0 : i32
    %dma_start3A_338 = tpu.memref_slice %arg3[%add3A_336, %dma_start3A_337] : memref<2048x2048xf32, #tpu.memory_space<hbm>> -> memref<8x2048xf32, #tpu.memory_space<hbm>>
    %dma_start3A_339 = arith.constant 0 : i32
    %dma_start3A_340 = tpu.memref_slice %arg3[%add3A_336, %dma_start3A_339] : memref<2048x2048xf32, #tpu.memory_space<hbm>> -> memref<8x2048xf32, #tpu.memory_space<hbm>>
    tpu.enqueue_dma source(%dma_start3A_340 : memref<8x2048xf32, #tpu.memory_space<hbm>>) target(%arg11 : memref<8x2048xf32, #tpu.memory_space<vmem>>) target_semaphore(%arg23 : memref<!tpu.dma_semaphore, #tpu.memory_space<semaphore_mem>>)
    %dma_wait3A_341 = arith.constant 0 : i32
    %dma_wait3A_342 = tpu.memref_slice %arg3[%add3A_186, %dma_wait3A_341] : memref<2048x2048xf32, #tpu.memory_space<hbm>> -> memref<8x2048xf32, #tpu.memory_space<hbm>>
    %dma_wait3A_343 = arith.constant 0 : i32
    %dma_wait3A_344 = tpu.memref_slice %arg3[%add3A_186, %dma_wait3A_343] : memref<2048x2048xf32, #tpu.memory_space<hbm>> -> memref<8x2048xf32, #tpu.memory_space<hbm>>
    tpu.wait_dma2 semaphore(%arg22 : memref<!tpu.dma_semaphore, #tpu.memory_space<semaphore_mem>>) src(%dma_wait3A_344 : memref<8x2048xf32, #tpu.memory_space<hbm>>) dst(%arg10 : memref<8x2048xf32, #tpu.memory_space<vmem>>)
    %dma_wait3A_345 = arith.constant 0 : i32
    %dma_wait3A_346 = arith.constant 0 : i32
    %dma_wait3A_347 = tpu.memref_slice %arg2[%dma_wait3A_345, %add3A_222, %dma_wait3A_346] : memref<4x2048x2048xf32, #tpu.memory_space<hbm>> -> memref<1x8x2048xf32, #tpu.memory_space<hbm>>
    %dma_wait3A_348 = tpu.memref_squeeze %dma_wait3A_347 : memref<1x8x2048xf32, #tpu.memory_space<hbm>> -> memref<8x2048xf32, #tpu.memory_space<hbm>>
    %dma_wait3A_349 = arith.constant 0 : i32
    %dma_wait3A_350 = tpu.memref_slice %arg2[%dma_wait3A_345, %add3A_222, %dma_wait3A_349] : memref<4x2048x2048xf32, #tpu.memory_space<hbm>> -> memref<1x8x2048xf32, #tpu.memory_space<hbm>>
    %dma_wait3A_351 = tpu.memref_squeeze %dma_wait3A_350 : memref<1x8x2048xf32, #tpu.memory_space<hbm>> -> memref<8x2048xf32, #tpu.memory_space<hbm>>
    tpu.wait_dma2 semaphore(%arg15 : memref<!tpu.dma_semaphore, #tpu.memory_space<semaphore_mem>>) src(%dma_wait3A_351 : memref<8x2048xf32, #tpu.memory_space<hbm>>) dst(%arg8 : memref<8x2048xf32, #tpu.memory_space<vmem>>)
    %parallel_loop3A_352 = arith.constant 0 : i32
    %parallel_loop3A_353 = arith.constant 1024 : i32
    %parallel_loop3A_354 = arith.constant 1 : i32
    scf.for %parallel_loop3A_1200 = %parallel_loop3A_352 to %parallel_loop3A_353 step %parallel_loop3A_354  : i32 {
      %parallel_loop3A_1201 = arith.constant 128 : i32
      %parallel_loop3A_1202 = arith.divsi %parallel_loop3A_1200, %parallel_loop3A_1201 : i32
      %parallel_loop3A_1203 = arith.constant 0 : i32
      %parallel_loop3A_1204 = arith.cmpi sgt, %parallel_loop3A_1200, %parallel_loop3A_1203 : i32
      %parallel_loop3A_1205 = arith.extui %parallel_loop3A_1204 : i1 to i32
      %parallel_loop3A_1206 = arith.constant 0 : i32
      %parallel_loop3A_1207 = arith.cmpi slt, %parallel_loop3A_1200, %parallel_loop3A_1206 : i32
      %parallel_loop3A_1208 = arith.extui %parallel_loop3A_1207 : i1 to i32
      %parallel_loop3A_1209 = arith.subi %parallel_loop3A_1205, %parallel_loop3A_1208 : i32
      %parallel_loop3A_1210 = arith.constant 0 : i32
      %parallel_loop3A_1211 = arith.cmpi sgt, %parallel_loop3A_1201, %parallel_loop3A_1210 : i32
      %parallel_loop3A_1212 = arith.extui %parallel_loop3A_1211 : i1 to i32
      %parallel_loop3A_1213 = arith.constant 0 : i32
      %parallel_loop3A_1214 = arith.cmpi slt, %parallel_loop3A_1201, %parallel_loop3A_1213 : i32
      %parallel_loop3A_1215 = arith.extui %parallel_loop3A_1214 : i1 to i32
      %parallel_loop3A_1216 = arith.subi %parallel_loop3A_1212, %parallel_loop3A_1215 : i32
      %parallel_loop3A_1217 = arith.cmpi ne, %parallel_loop3A_1209, %parallel_loop3A_1216 : i32
      %parallel_loop3A_1218 = arith.remsi %parallel_loop3A_1200, %parallel_loop3A_1201 : i32
      %parallel_loop3A_1219 = arith.constant 0 : i32
      %parallel_loop3A_1220 = arith.cmpi ne, %parallel_loop3A_1218, %parallel_loop3A_1219 : i32
      %parallel_loop3A_1221 = arith.andi %parallel_loop3A_1217, %parallel_loop3A_1220 : i1
      %parallel_loop3A_1222 = arith.constant 1 : i32
      %parallel_loop3A_1223 = arith.subi %parallel_loop3A_1202, %parallel_loop3A_1222 : i32
      %parallel_loop3A_1224 = arith.select %parallel_loop3A_1221, %parallel_loop3A_1223, %parallel_loop3A_1202 : i32
      %parallel_loop3A_1225 = arith.constant 128 : i32
      %parallel_loop3A_1226 = arith.constant 0 : i32
      %parallel_loop3A_1227 = arith.cmpi eq, %parallel_loop3A_1225, %parallel_loop3A_1226 : i32
      %parallel_loop3A_1228 = arith.constant 1 : i32
      %parallel_loop3A_1229 = arith.select %parallel_loop3A_1227, %parallel_loop3A_1228, %parallel_loop3A_1225 : i32
      %parallel_loop3A_1230 = arith.remsi %parallel_loop3A_1200, %parallel_loop3A_1229 : i32
      %parallel_loop3A_1231 = arith.constant 0 : i32
      %parallel_loop3A_1232 = arith.cmpi ne, %parallel_loop3A_1230, %parallel_loop3A_1231 : i32
      %parallel_loop3A_1233 = arith.constant 0 : i32
      %parallel_loop3A_1234 = arith.cmpi slt, %parallel_loop3A_1230, %parallel_loop3A_1233 : i32
      %parallel_loop3A_1235 = arith.constant 0 : i32
      %parallel_loop3A_1236 = arith.cmpi slt, %parallel_loop3A_1229, %parallel_loop3A_1235 : i32
      %parallel_loop3A_1237 = arith.xori %parallel_loop3A_1234, %parallel_loop3A_1236 : i1
      %parallel_loop3A_1238 = arith.andi %parallel_loop3A_1237, %parallel_loop3A_1232 : i1
      %parallel_loop3A_1239 = arith.addi %parallel_loop3A_1230, %parallel_loop3A_1229 : i32
      %parallel_loop3A_1240 = arith.select %parallel_loop3A_1238, %parallel_loop3A_1239, %parallel_loop3A_1230 : i32
      %parallel_loop3A_1241 = arith.constant 16 : i32
      %parallel_loop3A_1242 = arith.muli %parallel_loop3A_1240, %parallel_loop3A_1241 : i32
      %parallel_loop3A_1243 = arith.index_cast %parallel_loop3A_1224 : i32 to index
      %parallel_loop3A_1244 = arith.index_cast %parallel_loop3A_1242 : i32 to index
      %parallel_loop3A_1245 = tpu.vector_load %arg8[%parallel_loop3A_1243, %parallel_loop3A_1244] {strides = array<i32>} : memref<8x2048xf32, #tpu.memory_space<vmem>>, vector<1x16xf32>,
      %parallel_loop3A_1246 = vector.shape_cast %parallel_loop3A_1245 : vector<1x16xf32> to vector<16xf32>
      %parallel_loop3A_1247 = arith.index_cast %parallel_loop3A_1224 : i32 to index
      %parallel_loop3A_1248 = arith.index_cast %parallel_loop3A_1242 : i32 to index
      %parallel_loop3A_1249 = tpu.vector_load %arg10[%parallel_loop3A_1247, %parallel_loop3A_1248] {strides = array<i32>} : memref<8x2048xf32, #tpu.memory_space<vmem>>, vector<1x16xf32>,
      %parallel_loop3A_1250 = vector.shape_cast %parallel_loop3A_1249 : vector<1x16xf32> to vector<16xf32>
      %parallel_loop3A_1251 = arith.addf %parallel_loop3A_1246, %parallel_loop3A_1250 : vector<16xf32>
      %parallel_loop3A_1252 = arith.index_cast %parallel_loop3A_1224 : i32 to index
      %parallel_loop3A_1253 = arith.index_cast %parallel_loop3A_1242 : i32 to index
      %parallel_loop3A_1254 = tpu.vector_load %arg8[%parallel_loop3A_1252, %parallel_loop3A_1253] {strides = array<i32>} : memref<8x2048xf32, #tpu.memory_space<vmem>>, vector<1x16xf32>,
      %parallel_loop3A_1255 = vector.shape_cast %parallel_loop3A_1254 : vector<1x16xf32> to vector<16xf32>
      %parallel_loop3A_1256 = vector.shape_cast %parallel_loop3A_1251 : vector<16xf32> to vector<1x16xf32>
      tpu.vector_store %arg8[%parallel_loop3A_1252, %parallel_loop3A_1253], %parallel_loop3A_1256 {strides = array<i32>} : memref<8x2048xf32, #tpu.memory_space<vmem>>, vector<1x16xf32>,
    } {sc.loop_unroll_factor = 8 : i64, sc.parallel_access}
    %add3A_355 = arith.constant 16 : i32
    %add3A_356 = arith.addi %mul3A_2, %add3A_355 : i32
    %dma_start3A_357 = arith.constant 0 : i32
    %dma_start3A_358 = arith.constant 0 : i32
    %dma_start3A_359 = tpu.memref_slice %arg4[%dma_start3A_357, %add3A_356, %dma_start3A_358] : memref<4x2048x2048xf32, #tpu.memory_space<hbm>> -> memref<1x8x2048xf32, #tpu.memory_space<hbm>>
    %dma_start3A_360 = tpu.memref_squeeze %dma_start3A_359 : memref<1x8x2048xf32, #tpu.memory_space<hbm>> -> memref<8x2048xf32, #tpu.memory_space<hbm>>
    %dma_start3A_361 = arith.constant 0 : i32
    %dma_start3A_362 = tpu.memref_slice %arg4[%dma_start3A_357, %add3A_356, %dma_start3A_361] : memref<4x2048x2048xf32, #tpu.memory_space<hbm>> -> memref<1x8x2048xf32, #tpu.memory_space<hbm>>
    %dma_start3A_363 = tpu.memref_squeeze %dma_start3A_362 : memref<1x8x2048xf32, #tpu.memory_space<hbm>> -> memref<8x2048xf32, #tpu.memory_space<hbm>>
    tpu.enqueue_dma source(%arg8 : memref<8x2048xf32, #tpu.memory_space<vmem>>) target(%dma_start3A_363 : memref<8x2048xf32, #tpu.memory_space<hbm>>) target_semaphore(%arg20 : memref<!tpu.dma_semaphore, #tpu.memory_space<semaphore_mem>>)
    %dma_wait3A_364 = arith.constant 3 : i32
    %dma_wait3A_365 = arith.constant 0 : i32
    %dma_wait3A_366 = tpu.memref_slice %arg4[%dma_wait3A_364, %add3A_311, %dma_wait3A_365] : memref<4x2048x2048xf32, #tpu.memory_space<hbm>> -> memref<1x8x2048xf32, #tpu.memory_space<hbm>>
    %dma_wait3A_367 = tpu.memref_squeeze %dma_wait3A_366 : memref<1x8x2048xf32, #tpu.memory_space<hbm>> -> memref<8x2048xf32, #tpu.memory_space<hbm>>
    %dma_wait3A_368 = arith.constant 0 : i32
    %dma_wait3A_369 = tpu.memref_slice %arg4[%dma_wait3A_364, %add3A_311, %dma_wait3A_368] : memref<4x2048x2048xf32, #tpu.memory_space<hbm>> -> memref<1x8x2048xf32, #tpu.memory_space<hbm>>
    %dma_wait3A_370 = tpu.memref_squeeze %dma_wait3A_369 : memref<1x8x2048xf32, #tpu.memory_space<hbm>> -> memref<8x2048xf32, #tpu.memory_space<hbm>>
    tpu.wait_dma2 semaphore(%arg19 : memref<!tpu.dma_semaphore, #tpu.memory_space<semaphore_mem>>) src(%arg7 : memref<8x2048xf32, #tpu.memory_space<vmem>>) dst(%dma_wait3A_370 : memref<8x2048xf32, #tpu.memory_space<hbm>>)
    %add3A_371 = arith.constant 24 : i32
    %add3A_372 = arith.addi %mul3A_2, %add3A_371 : i32
    %dma_start3A_373 = arith.constant 0 : i32
    %dma_start3A_374 = arith.constant 0 : i32
    %dma_start3A_375 = tpu.memref_slice %arg2[%dma_start3A_373, %add3A_372, %dma_start3A_374] : memref<4x2048x2048xf32, #tpu.memory_space<hbm>> -> memref<1x8x2048xf32, #tpu.memory_space<hbm>>
    %dma_start3A_376 = tpu.memref_squeeze %dma_start3A_375 : memref<1x8x2048xf32, #tpu.memory_space<hbm>> -> memref<8x2048xf32, #tpu.memory_space<hbm>>
    %dma_start3A_377 = arith.constant 0 : i32
    %dma_start3A_378 = tpu.memref_slice %arg2[%dma_start3A_373, %add3A_372, %dma_start3A_377] : memref<4x2048x2048xf32, #tpu.memory_space<hbm>> -> memref<1x8x2048xf32, #tpu.memory_space<hbm>>
    %dma_start3A_379 = tpu.memref_squeeze %dma_start3A_378 : memref<1x8x2048xf32, #tpu.memory_space<hbm>> -> memref<8x2048xf32, #tpu.memory_space<hbm>>
    tpu.enqueue_dma source(%dma_start3A_379 : memref<8x2048xf32, #tpu.memory_space<hbm>>) target(%arg7 : memref<8x2048xf32, #tpu.memory_space<vmem>>) target_semaphore(%arg14 : memref<!tpu.dma_semaphore, #tpu.memory_space<semaphore_mem>>)
    %dma_wait3A_380 = arith.constant 1 : i32
    %dma_wait3A_381 = arith.constant 0 : i32
    %dma_wait3A_382 = tpu.memref_slice %arg2[%dma_wait3A_380, %add3A_257, %dma_wait3A_381] : memref<4x2048x2048xf32, #tpu.memory_space<hbm>> -> memref<1x8x2048xf32, #tpu.memory_space<hbm>>
    %dma_wait3A_383 = tpu.memref_squeeze %dma_wait3A_382 : memref<1x8x2048xf32, #tpu.memory_space<hbm>> -> memref<8x2048xf32, #tpu.memory_space<hbm>>
    %dma_wait3A_384 = arith.constant 0 : i32
    %dma_wait3A_385 = tpu.memref_slice %arg2[%dma_wait3A_380, %add3A_257, %dma_wait3A_384] : memref<4x2048x2048xf32, #tpu.memory_space<hbm>> -> memref<1x8x2048xf32, #tpu.memory_space<hbm>>
    %dma_wait3A_386 = tpu.memref_squeeze %dma_wait3A_385 : memref<1x8x2048xf32, #tpu.memory_space<hbm>> -> memref<8x2048xf32, #tpu.memory_space<hbm>>
    tpu.wait_dma2 semaphore(%arg16 : memref<!tpu.dma_semaphore, #tpu.memory_space<semaphore_mem>>) src(%dma_wait3A_386 : memref<8x2048xf32, #tpu.memory_space<hbm>>) dst(%arg9 : memref<8x2048xf32, #tpu.memory_space<vmem>>)
    %parallel_loop3A_387 = arith.constant 0 : i32
    %parallel_loop3A_388 = arith.constant 1024 : i32
    %parallel_loop3A_389 = arith.constant 1 : i32
    scf.for %parallel_loop3A_1200 = %parallel_loop3A_387 to %parallel_loop3A_388 step %parallel_loop3A_389  : i32 {
      %parallel_loop3A_1201 = arith.constant 128 : i32
      %parallel_loop3A_1202 = arith.divsi %parallel_loop3A_1200, %parallel_loop3A_1201 : i32
      %parallel_loop3A_1203 = arith.constant 0 : i32
      %parallel_loop3A_1204 = arith.cmpi sgt, %parallel_loop3A_1200, %parallel_loop3A_1203 : i32
      %parallel_loop3A_1205 = arith.extui %parallel_loop3A_1204 : i1 to i32
      %parallel_loop3A_1206 = arith.constant 0 : i32
      %parallel_loop3A_1207 = arith.cmpi slt, %parallel_loop3A_1200, %parallel_loop3A_1206 : i32
      %parallel_loop3A_1208 = arith.extui %parallel_loop3A_1207 : i1 to i32
      %parallel_loop3A_1209 = arith.subi %parallel_loop3A_1205, %parallel_loop3A_1208 : i32
      %parallel_loop3A_1210 = arith.constant 0 : i32
      %parallel_loop3A_1211 = arith.cmpi sgt, %parallel_loop3A_1201, %parallel_loop3A_1210 : i32
      %parallel_loop3A_1212 = arith.extui %parallel_loop3A_1211 : i1 to i32
      %parallel_loop3A_1213 = arith.constant 0 : i32
      %parallel_loop3A_1214 = arith.cmpi slt, %parallel_loop3A_1201, %parallel_loop3A_1213 : i32
      %parallel_loop3A_1215 = arith.extui %parallel_loop3A_1214 : i1 to i32
      %parallel_loop3A_1216 = arith.subi %parallel_loop3A_1212, %parallel_loop3A_1215 : i32
      %parallel_loop3A_1217 = arith.cmpi ne, %parallel_loop3A_1209, %parallel_loop3A_1216 : i32
      %parallel_loop3A_1218 = arith.remsi %parallel_loop3A_1200, %parallel_loop3A_1201 : i32
      %parallel_loop3A_1219 = arith.constant 0 : i32
      %parallel_loop3A_1220 = arith.cmpi ne, %parallel_loop3A_1218, %parallel_loop3A_1219 : i32
      %parallel_loop3A_1221 = arith.andi %parallel_loop3A_1217, %parallel_loop3A_1220 : i1
      %parallel_loop3A_1222 = arith.constant 1 : i32
      %parallel_loop3A_1223 = arith.subi %parallel_loop3A_1202, %parallel_loop3A_1222 : i32
      %parallel_loop3A_1224 = arith.select %parallel_loop3A_1221, %parallel_loop3A_1223, %parallel_loop3A_1202 : i32
      %parallel_loop3A_1225 = arith.constant 128 : i32
      %parallel_loop3A_1226 = arith.constant 0 : i32
      %parallel_loop3A_1227 = arith.cmpi eq, %parallel_loop3A_1225, %parallel_loop3A_1226 : i32
      %parallel_loop3A_1228 = arith.constant 1 : i32
      %parallel_loop3A_1229 = arith.select %parallel_loop3A_1227, %parallel_loop3A_1228, %parallel_loop3A_1225 : i32
      %parallel_loop3A_1230 = arith.remsi %parallel_loop3A_1200, %parallel_loop3A_1229 : i32
      %parallel_loop3A_1231 = arith.constant 0 : i32
      %parallel_loop3A_1232 = arith.cmpi ne, %parallel_loop3A_1230, %parallel_loop3A_1231 : i32
      %parallel_loop3A_1233 = arith.constant 0 : i32
      %parallel_loop3A_1234 = arith.cmpi slt, %parallel_loop3A_1230, %parallel_loop3A_1233 : i32
      %parallel_loop3A_1235 = arith.constant 0 : i32
      %parallel_loop3A_1236 = arith.cmpi slt, %parallel_loop3A_1229, %parallel_loop3A_1235 : i32
      %parallel_loop3A_1237 = arith.xori %parallel_loop3A_1234, %parallel_loop3A_1236 : i1
      %parallel_loop3A_1238 = arith.andi %parallel_loop3A_1237, %parallel_loop3A_1232 : i1
      %parallel_loop3A_1239 = arith.addi %parallel_loop3A_1230, %parallel_loop3A_1229 : i32
      %parallel_loop3A_1240 = arith.select %parallel_loop3A_1238, %parallel_loop3A_1239, %parallel_loop3A_1230 : i32
      %parallel_loop3A_1241 = arith.constant 16 : i32
      %parallel_loop3A_1242 = arith.muli %parallel_loop3A_1240, %parallel_loop3A_1241 : i32
      %parallel_loop3A_1243 = arith.index_cast %parallel_loop3A_1224 : i32 to index
      %parallel_loop3A_1244 = arith.index_cast %parallel_loop3A_1242 : i32 to index
      %parallel_loop3A_1245 = tpu.vector_load %arg9[%parallel_loop3A_1243, %parallel_loop3A_1244] {strides = array<i32>} : memref<8x2048xf32, #tpu.memory_space<vmem>>, vector<1x16xf32>,
      %parallel_loop3A_1246 = vector.shape_cast %parallel_loop3A_1245 : vector<1x16xf32> to vector<16xf32>
      %parallel_loop3A_1247 = arith.index_cast %parallel_loop3A_1224 : i32 to index
      %parallel_loop3A_1248 = arith.index_cast %parallel_loop3A_1242 : i32 to index
      %parallel_loop3A_1249 = tpu.vector_load %arg10[%parallel_loop3A_1247, %parallel_loop3A_1248] {strides = array<i32>} : memref<8x2048xf32, #tpu.memory_space<vmem>>, vector<1x16xf32>,
      %parallel_loop3A_1250 = vector.shape_cast %parallel_loop3A_1249 : vector<1x16xf32> to vector<16xf32>
      %parallel_loop3A_1251 = arith.addf %parallel_loop3A_1246, %parallel_loop3A_1250 : vector<16xf32>
      %parallel_loop3A_1252 = arith.index_cast %parallel_loop3A_1224 : i32 to index
      %parallel_loop3A_1253 = arith.index_cast %parallel_loop3A_1242 : i32 to index
      %parallel_loop3A_1254 = tpu.vector_load %arg9[%parallel_loop3A_1252, %parallel_loop3A_1253] {strides = array<i32>} : memref<8x2048xf32, #tpu.memory_space<vmem>>, vector<1x16xf32>,
      %parallel_loop3A_1255 = vector.shape_cast %parallel_loop3A_1254 : vector<1x16xf32> to vector<16xf32>
      %parallel_loop3A_1256 = vector.shape_cast %parallel_loop3A_1251 : vector<16xf32> to vector<1x16xf32>
      tpu.vector_store %arg9[%parallel_loop3A_1252, %parallel_loop3A_1253], %parallel_loop3A_1256 {strides = array<i32>} : memref<8x2048xf32, #tpu.memory_space<vmem>>, vector<1x16xf32>,
    } {sc.loop_unroll_factor = 8 : i64, sc.parallel_access}
    %add3A_390 = arith.constant 16 : i32
    %add3A_391 = arith.addi %mul3A_2, %add3A_390 : i32
    %dma_start3A_392 = arith.constant 1 : i32
    %dma_start3A_393 = arith.constant 0 : i32
    %dma_start3A_394 = tpu.memref_slice %arg4[%dma_start3A_392, %add3A_391, %dma_start3A_393] : memref<4x2048x2048xf32, #tpu.memory_space<hbm>> -> memref<1x8x2048xf32, #tpu.memory_space<hbm>>
    %dma_start3A_395 = tpu.memref_squeeze %dma_start3A_394 : memref<1x8x2048xf32, #tpu.memory_space<hbm>> -> memref<8x2048xf32, #tpu.memory_space<hbm>>
    %dma_start3A_396 = arith.constant 0 : i32
    %dma_start3A_397 = tpu.memref_slice %arg4[%dma_start3A_392, %add3A_391, %dma_start3A_396] : memref<4x2048x2048xf32, #tpu.memory_space<hbm>> -> memref<1x8x2048xf32, #tpu.memory_space<hbm>>
    %dma_start3A_398 = tpu.memref_squeeze %dma_start3A_397 : memref<1x8x2048xf32, #tpu.memory_space<hbm>> -> memref<8x2048xf32, #tpu.memory_space<hbm>>
    tpu.enqueue_dma source(%arg9 : memref<8x2048xf32, #tpu.memory_space<vmem>>) target(%dma_start3A_398 : memref<8x2048xf32, #tpu.memory_space<hbm>>) target_semaphore(%arg21 : memref<!tpu.dma_semaphore, #tpu.memory_space<semaphore_mem>>)
    %dma_wait3A_399 = arith.constant 0 : i32
    %dma_wait3A_400 = arith.constant 0 : i32
    %dma_wait3A_401 = tpu.memref_slice %arg4[%dma_wait3A_399, %add3A_356, %dma_wait3A_400] : memref<4x2048x2048xf32, #tpu.memory_space<hbm>> -> memref<1x8x2048xf32, #tpu.memory_space<hbm>>
    %dma_wait3A_402 = tpu.memref_squeeze %dma_wait3A_401 : memref<1x8x2048xf32, #tpu.memory_space<hbm>> -> memref<8x2048xf32, #tpu.memory_space<hbm>>
    %dma_wait3A_403 = arith.constant 0 : i32
    %dma_wait3A_404 = tpu.memref_slice %arg4[%dma_wait3A_399, %add3A_356, %dma_wait3A_403] : memref<4x2048x2048xf32, #tpu.memory_space<hbm>> -> memref<1x8x2048xf32, #tpu.memory_space<hbm>>
    %dma_wait3A_405 = tpu.memref_squeeze %dma_wait3A_404 : memref<1x8x2048xf32, #tpu.memory_space<hbm>> -> memref<8x2048xf32, #tpu.memory_space<hbm>>
    tpu.wait_dma2 semaphore(%arg20 : memref<!tpu.dma_semaphore, #tpu.memory_space<semaphore_mem>>) src(%arg8 : memref<8x2048xf32, #tpu.memory_space<vmem>>) dst(%dma_wait3A_405 : memref<8x2048xf32, #tpu.memory_space<hbm>>)
    %add3A_406 = arith.constant 24 : i32
    %add3A_407 = arith.addi %mul3A_2, %add3A_406 : i32
    %dma_start3A_408 = arith.constant 1 : i32
    %dma_start3A_409 = arith.constant 0 : i32
    %dma_start3A_410 = tpu.memref_slice %arg2[%dma_start3A_408, %add3A_407, %dma_start3A_409] : memref<4x2048x2048xf32, #tpu.memory_space<hbm>> -> memref<1x8x2048xf32, #tpu.memory_space<hbm>>
    %dma_start3A_411 = tpu.memref_squeeze %dma_start3A_410 : memref<1x8x2048xf32, #tpu.memory_space<hbm>> -> memref<8x2048xf32, #tpu.memory_space<hbm>>
    %dma_start3A_412 = arith.constant 0 : i32
    %dma_start3A_413 = tpu.memref_slice %arg2[%dma_start3A_408, %add3A_407, %dma_start3A_412] : memref<4x2048x2048xf32, #tpu.memory_space<hbm>> -> memref<1x8x2048xf32, #tpu.memory_space<hbm>>
    %dma_start3A_414 = tpu.memref_squeeze %dma_start3A_413 : memref<1x8x2048xf32, #tpu.memory_space<hbm>> -> memref<8x2048xf32, #tpu.memory_space<hbm>>
    tpu.enqueue_dma source(%dma_start3A_414 : memref<8x2048xf32, #tpu.memory_space<hbm>>) target(%arg8 : memref<8x2048xf32, #tpu.memory_space<vmem>>) target_semaphore(%arg15 : memref<!tpu.dma_semaphore, #tpu.memory_space<semaphore_mem>>)
    %dma_wait3A_415 = arith.constant 2 : i32
    %dma_wait3A_416 = arith.constant 0 : i32
    %dma_wait3A_417 = tpu.memref_slice %arg2[%dma_wait3A_415, %add3A_292, %dma_wait3A_416] : memref<4x2048x2048xf32, #tpu.memory_space<hbm>> -> memref<1x8x2048xf32, #tpu.memory_space<hbm>>
    %dma_wait3A_418 = tpu.memref_squeeze %dma_wait3A_417 : memref<1x8x2048xf32, #tpu.memory_space<hbm>> -> memref<8x2048xf32, #tpu.memory_space<hbm>>
    %dma_wait3A_419 = arith.constant 0 : i32
    %dma_wait3A_420 = tpu.memref_slice %arg2[%dma_wait3A_415, %add3A_292, %dma_wait3A_419] : memref<4x2048x2048xf32, #tpu.memory_space<hbm>> -> memref<1x8x2048xf32, #tpu.memory_space<hbm>>
    %dma_wait3A_421 = tpu.memref_squeeze %dma_wait3A_420 : memref<1x8x2048xf32, #tpu.memory_space<hbm>> -> memref<8x2048xf32, #tpu.memory_space<hbm>>
    tpu.wait_dma2 semaphore(%arg12 : memref<!tpu.dma_semaphore, #tpu.memory_space<semaphore_mem>>) src(%dma_wait3A_421 : memref<8x2048xf32, #tpu.memory_space<hbm>>) dst(%arg5 : memref<8x2048xf32, #tpu.memory_space<vmem>>)
    %parallel_loop3A_422 = arith.constant 0 : i32
    %parallel_loop3A_423 = arith.constant 1024 : i32
    %parallel_loop3A_424 = arith.constant 1 : i32
    scf.for %parallel_loop3A_1200 = %parallel_loop3A_422 to %parallel_loop3A_423 step %parallel_loop3A_424  : i32 {
      %parallel_loop3A_1201 = arith.constant 128 : i32
      %parallel_loop3A_1202 = arith.divsi %parallel_loop3A_1200, %parallel_loop3A_1201 : i32
      %parallel_loop3A_1203 = arith.constant 0 : i32
      %parallel_loop3A_1204 = arith.cmpi sgt, %parallel_loop3A_1200, %parallel_loop3A_1203 : i32
      %parallel_loop3A_1205 = arith.extui %parallel_loop3A_1204 : i1 to i32
      %parallel_loop3A_1206 = arith.constant 0 : i32
      %parallel_loop3A_1207 = arith.cmpi slt, %parallel_loop3A_1200, %parallel_loop3A_1206 : i32
      %parallel_loop3A_1208 = arith.extui %parallel_loop3A_1207 : i1 to i32
      %parallel_loop3A_1209 = arith.subi %parallel_loop3A_1205, %parallel_loop3A_1208 : i32
      %parallel_loop3A_1210 = arith.constant 0 : i32
      %parallel_loop3A_1211 = arith.cmpi sgt, %parallel_loop3A_1201, %parallel_loop3A_1210 : i32
      %parallel_loop3A_1212 = arith.extui %parallel_loop3A_1211 : i1 to i32
      %parallel_loop3A_1213 = arith.constant 0 : i32
      %parallel_loop3A_1214 = arith.cmpi slt, %parallel_loop3A_1201, %parallel_loop3A_1213 : i32
      %parallel_loop3A_1215 = arith.extui %parallel_loop3A_1214 : i1 to i32
      %parallel_loop3A_1216 = arith.subi %parallel_loop3A_1212, %parallel_loop3A_1215 : i32
      %parallel_loop3A_1217 = arith.cmpi ne, %parallel_loop3A_1209, %parallel_loop3A_1216 : i32
      %parallel_loop3A_1218 = arith.remsi %parallel_loop3A_1200, %parallel_loop3A_1201 : i32
      %parallel_loop3A_1219 = arith.constant 0 : i32
      %parallel_loop3A_1220 = arith.cmpi ne, %parallel_loop3A_1218, %parallel_loop3A_1219 : i32
      %parallel_loop3A_1221 = arith.andi %parallel_loop3A_1217, %parallel_loop3A_1220 : i1
      %parallel_loop3A_1222 = arith.constant 1 : i32
      %parallel_loop3A_1223 = arith.subi %parallel_loop3A_1202, %parallel_loop3A_1222 : i32
      %parallel_loop3A_1224 = arith.select %parallel_loop3A_1221, %parallel_loop3A_1223, %parallel_loop3A_1202 : i32
      %parallel_loop3A_1225 = arith.constant 128 : i32
      %parallel_loop3A_1226 = arith.constant 0 : i32
      %parallel_loop3A_1227 = arith.cmpi eq, %parallel_loop3A_1225, %parallel_loop3A_1226 : i32
      %parallel_loop3A_1228 = arith.constant 1 : i32
      %parallel_loop3A_1229 = arith.select %parallel_loop3A_1227, %parallel_loop3A_1228, %parallel_loop3A_1225 : i32
      %parallel_loop3A_1230 = arith.remsi %parallel_loop3A_1200, %parallel_loop3A_1229 : i32
      %parallel_loop3A_1231 = arith.constant 0 : i32
      %parallel_loop3A_1232 = arith.cmpi ne, %parallel_loop3A_1230, %parallel_loop3A_1231 : i32
      %parallel_loop3A_1233 = arith.constant 0 : i32
      %parallel_loop3A_1234 = arith.cmpi slt, %parallel_loop3A_1230, %parallel_loop3A_1233 : i32
      %parallel_loop3A_1235 = arith.constant 0 : i32
      %parallel_loop3A_1236 = arith.cmpi slt, %parallel_loop3A_1229, %parallel_loop3A_1235 : i32
      %parallel_loop3A_1237 = arith.xori %parallel_loop3A_1234, %parallel_loop3A_1236 : i1
      %parallel_loop3A_1238 = arith.andi %parallel_loop3A_1237, %parallel_loop3A_1232 : i1
      %parallel_loop3A_1239 = arith.addi %parallel_loop3A_1230, %parallel_loop3A_1229 : i32
      %parallel_loop3A_1240 = arith.select %parallel_loop3A_1238, %parallel_loop3A_1239, %parallel_loop3A_1230 : i32
      %parallel_loop3A_1241 = arith.constant 16 : i32
      %parallel_loop3A_1242 = arith.muli %parallel_loop3A_1240, %parallel_loop3A_1241 : i32
      %parallel_loop3A_1243 = arith.index_cast %parallel_loop3A_1224 : i32 to index
      %parallel_loop3A_1244 = arith.index_cast %parallel_loop3A_1242 : i32 to index
      %parallel_loop3A_1245 = tpu.vector_load %arg5[%parallel_loop3A_1243, %parallel_loop3A_1244] {strides = array<i32>} : memref<8x2048xf32, #tpu.memory_space<vmem>>, vector<1x16xf32>,
      %parallel_loop3A_1246 = vector.shape_cast %parallel_loop3A_1245 : vector<1x16xf32> to vector<16xf32>
      %parallel_loop3A_1247 = arith.index_cast %parallel_loop3A_1224 : i32 to index
      %parallel_loop3A_1248 = arith.index_cast %parallel_loop3A_1242 : i32 to index
      %parallel_loop3A_1249 = tpu.vector_load %arg10[%parallel_loop3A_1247, %parallel_loop3A_1248] {strides = array<i32>} : memref<8x2048xf32, #tpu.memory_space<vmem>>, vector<1x16xf32>,
      %parallel_loop3A_1250 = vector.shape_cast %parallel_loop3A_1249 : vector<1x16xf32> to vector<16xf32>
      %parallel_loop3A_1251 = arith.addf %parallel_loop3A_1246, %parallel_loop3A_1250 : vector<16xf32>
      %parallel_loop3A_1252 = arith.index_cast %parallel_loop3A_1224 : i32 to index
      %parallel_loop3A_1253 = arith.index_cast %parallel_loop3A_1242 : i32 to index
      %parallel_loop3A_1254 = tpu.vector_load %arg5[%parallel_loop3A_1252, %parallel_loop3A_1253] {strides = array<i32>} : memref<8x2048xf32, #tpu.memory_space<vmem>>, vector<1x16xf32>,
      %parallel_loop3A_1255 = vector.shape_cast %parallel_loop3A_1254 : vector<1x16xf32> to vector<16xf32>
      %parallel_loop3A_1256 = vector.shape_cast %parallel_loop3A_1251 : vector<16xf32> to vector<1x16xf32>
      tpu.vector_store %arg5[%parallel_loop3A_1252, %parallel_loop3A_1253], %parallel_loop3A_1256 {strides = array<i32>} : memref<8x2048xf32, #tpu.memory_space<vmem>>, vector<1x16xf32>,
    } {sc.loop_unroll_factor = 8 : i64, sc.parallel_access}
    %add3A_425 = arith.constant 16 : i32
    %add3A_426 = arith.addi %mul3A_2, %add3A_425 : i32
    %dma_start3A_427 = arith.constant 2 : i32
    %dma_start3A_428 = arith.constant 0 : i32
    %dma_start3A_429 = tpu.memref_slice %arg4[%dma_start3A_427, %add3A_426, %dma_start3A_428] : memref<4x2048x2048xf32, #tpu.memory_space<hbm>> -> memref<1x8x2048xf32, #tpu.memory_space<hbm>>
    %dma_start3A_430 = tpu.memref_squeeze %dma_start3A_429 : memref<1x8x2048xf32, #tpu.memory_space<hbm>> -> memref<8x2048xf32, #tpu.memory_space<hbm>>
    %dma_start3A_431 = arith.constant 0 : i32
    %dma_start3A_432 = tpu.memref_slice %arg4[%dma_start3A_427, %add3A_426, %dma_start3A_431] : memref<4x2048x2048xf32, #tpu.memory_space<hbm>> -> memref<1x8x2048xf32, #tpu.memory_space<hbm>>
    %dma_start3A_433 = tpu.memref_squeeze %dma_start3A_432 : memref<1x8x2048xf32, #tpu.memory_space<hbm>> -> memref<8x2048xf32, #tpu.memory_space<hbm>>
    tpu.enqueue_dma source(%arg5 : memref<8x2048xf32, #tpu.memory_space<vmem>>) target(%dma_start3A_433 : memref<8x2048xf32, #tpu.memory_space<hbm>>) target_semaphore(%arg17 : memref<!tpu.dma_semaphore, #tpu.memory_space<semaphore_mem>>)
    %dma_wait3A_434 = arith.constant 1 : i32
    %dma_wait3A_435 = arith.constant 0 : i32
    %dma_wait3A_436 = tpu.memref_slice %arg4[%dma_wait3A_434, %add3A_391, %dma_wait3A_435] : memref<4x2048x2048xf32, #tpu.memory_space<hbm>> -> memref<1x8x2048xf32, #tpu.memory_space<hbm>>
    %dma_wait3A_437 = tpu.memref_squeeze %dma_wait3A_436 : memref<1x8x2048xf32, #tpu.memory_space<hbm>> -> memref<8x2048xf32, #tpu.memory_space<hbm>>
    %dma_wait3A_438 = arith.constant 0 : i32
    %dma_wait3A_439 = tpu.memref_slice %arg4[%dma_wait3A_434, %add3A_391, %dma_wait3A_438] : memref<4x2048x2048xf32, #tpu.memory_space<hbm>> -> memref<1x8x2048xf32, #tpu.memory_space<hbm>>
    %dma_wait3A_440 = tpu.memref_squeeze %dma_wait3A_439 : memref<1x8x2048xf32, #tpu.memory_space<hbm>> -> memref<8x2048xf32, #tpu.memory_space<hbm>>
    tpu.wait_dma2 semaphore(%arg21 : memref<!tpu.dma_semaphore, #tpu.memory_space<semaphore_mem>>) src(%arg9 : memref<8x2048xf32, #tpu.memory_space<vmem>>) dst(%dma_wait3A_440 : memref<8x2048xf32, #tpu.memory_space<hbm>>)
    %add3A_441 = arith.constant 24 : i32
    %add3A_442 = arith.addi %mul3A_2, %add3A_441 : i32
    %dma_start3A_443 = arith.constant 2 : i32
    %dma_start3A_444 = arith.constant 0 : i32
    %dma_start3A_445 = tpu.memref_slice %arg2[%dma_start3A_443, %add3A_442, %dma_start3A_444] : memref<4x2048x2048xf32, #tpu.memory_space<hbm>> -> memref<1x8x2048xf32, #tpu.memory_space<hbm>>
    %dma_start3A_446 = tpu.memref_squeeze %dma_start3A_445 : memref<1x8x2048xf32, #tpu.memory_space<hbm>> -> memref<8x2048xf32, #tpu.memory_space<hbm>>
    %dma_start3A_447 = arith.constant 0 : i32
    %dma_start3A_448 = tpu.memref_slice %arg2[%dma_start3A_443, %add3A_442, %dma_start3A_447] : memref<4x2048x2048xf32, #tpu.memory_space<hbm>> -> memref<1x8x2048xf32, #tpu.memory_space<hbm>>
    %dma_start3A_449 = tpu.memref_squeeze %dma_start3A_448 : memref<1x8x2048xf32, #tpu.memory_space<hbm>> -> memref<8x2048xf32, #tpu.memory_space<hbm>>
    tpu.enqueue_dma source(%dma_start3A_449 : memref<8x2048xf32, #tpu.memory_space<hbm>>) target(%arg9 : memref<8x2048xf32, #tpu.memory_space<vmem>>) target_semaphore(%arg16 : memref<!tpu.dma_semaphore, #tpu.memory_space<semaphore_mem>>)
    %dma_wait3A_450 = arith.constant 3 : i32
    %dma_wait3A_451 = arith.constant 0 : i32
    %dma_wait3A_452 = tpu.memref_slice %arg2[%dma_wait3A_450, %add3A_327, %dma_wait3A_451] : memref<4x2048x2048xf32, #tpu.memory_space<hbm>> -> memref<1x8x2048xf32, #tpu.memory_space<hbm>>
    %dma_wait3A_453 = tpu.memref_squeeze %dma_wait3A_452 : memref<1x8x2048xf32, #tpu.memory_space<hbm>> -> memref<8x2048xf32, #tpu.memory_space<hbm>>
    %dma_wait3A_454 = arith.constant 0 : i32
    %dma_wait3A_455 = tpu.memref_slice %arg2[%dma_wait3A_450, %add3A_327, %dma_wait3A_454] : memref<4x2048x2048xf32, #tpu.memory_space<hbm>> -> memref<1x8x2048xf32, #tpu.memory_space<hbm>>
    %dma_wait3A_456 = tpu.memref_squeeze %dma_wait3A_455 : memref<1x8x2048xf32, #tpu.memory_space<hbm>> -> memref<8x2048xf32, #tpu.memory_space<hbm>>
    tpu.wait_dma2 semaphore(%arg13 : memref<!tpu.dma_semaphore, #tpu.memory_space<semaphore_mem>>) src(%dma_wait3A_456 : memref<8x2048xf32, #tpu.memory_space<hbm>>) dst(%arg6 : memref<8x2048xf32, #tpu.memory_space<vmem>>)
    %parallel_loop3A_457 = arith.constant 0 : i32
    %parallel_loop3A_458 = arith.constant 1024 : i32
    %parallel_loop3A_459 = arith.constant 1 : i32
    scf.for %parallel_loop3A_1200 = %parallel_loop3A_457 to %parallel_loop3A_458 step %parallel_loop3A_459  : i32 {
      %parallel_loop3A_1201 = arith.constant 128 : i32
      %parallel_loop3A_1202 = arith.divsi %parallel_loop3A_1200, %parallel_loop3A_1201 : i32
      %parallel_loop3A_1203 = arith.constant 0 : i32
      %parallel_loop3A_1204 = arith.cmpi sgt, %parallel_loop3A_1200, %parallel_loop3A_1203 : i32
      %parallel_loop3A_1205 = arith.extui %parallel_loop3A_1204 : i1 to i32
      %parallel_loop3A_1206 = arith.constant 0 : i32
      %parallel_loop3A_1207 = arith.cmpi slt, %parallel_loop3A_1200, %parallel_loop3A_1206 : i32
      %parallel_loop3A_1208 = arith.extui %parallel_loop3A_1207 : i1 to i32
      %parallel_loop3A_1209 = arith.subi %parallel_loop3A_1205, %parallel_loop3A_1208 : i32
      %parallel_loop3A_1210 = arith.constant 0 : i32
      %parallel_loop3A_1211 = arith.cmpi sgt, %parallel_loop3A_1201, %parallel_loop3A_1210 : i32
      %parallel_loop3A_1212 = arith.extui %parallel_loop3A_1211 : i1 to i32
      %parallel_loop3A_1213 = arith.constant 0 : i32
      %parallel_loop3A_1214 = arith.cmpi slt, %parallel_loop3A_1201, %parallel_loop3A_1213 : i32
      %parallel_loop3A_1215 = arith.extui %parallel_loop3A_1214 : i1 to i32
      %parallel_loop3A_1216 = arith.subi %parallel_loop3A_1212, %parallel_loop3A_1215 : i32
      %parallel_loop3A_1217 = arith.cmpi ne, %parallel_loop3A_1209, %parallel_loop3A_1216 : i32
      %parallel_loop3A_1218 = arith.remsi %parallel_loop3A_1200, %parallel_loop3A_1201 : i32
      %parallel_loop3A_1219 = arith.constant 0 : i32
      %parallel_loop3A_1220 = arith.cmpi ne, %parallel_loop3A_1218, %parallel_loop3A_1219 : i32
      %parallel_loop3A_1221 = arith.andi %parallel_loop3A_1217, %parallel_loop3A_1220 : i1
      %parallel_loop3A_1222 = arith.constant 1 : i32
      %parallel_loop3A_1223 = arith.subi %parallel_loop3A_1202, %parallel_loop3A_1222 : i32
      %parallel_loop3A_1224 = arith.select %parallel_loop3A_1221, %parallel_loop3A_1223, %parallel_loop3A_1202 : i32
      %parallel_loop3A_1225 = arith.constant 128 : i32
      %parallel_loop3A_1226 = arith.constant 0 : i32
      %parallel_loop3A_1227 = arith.cmpi eq, %parallel_loop3A_1225, %parallel_loop3A_1226 : i32
      %parallel_loop3A_1228 = arith.constant 1 : i32
      %parallel_loop3A_1229 = arith.select %parallel_loop3A_1227, %parallel_loop3A_1228, %parallel_loop3A_1225 : i32
      %parallel_loop3A_1230 = arith.remsi %parallel_loop3A_1200, %parallel_loop3A_1229 : i32
      %parallel_loop3A_1231 = arith.constant 0 : i32
      %parallel_loop3A_1232 = arith.cmpi ne, %parallel_loop3A_1230, %parallel_loop3A_1231 : i32
      %parallel_loop3A_1233 = arith.constant 0 : i32
      %parallel_loop3A_1234 = arith.cmpi slt, %parallel_loop3A_1230, %parallel_loop3A_1233 : i32
      %parallel_loop3A_1235 = arith.constant 0 : i32
      %parallel_loop3A_1236 = arith.cmpi slt, %parallel_loop3A_1229, %parallel_loop3A_1235 : i32
      %parallel_loop3A_1237 = arith.xori %parallel_loop3A_1234, %parallel_loop3A_1236 : i1
      %parallel_loop3A_1238 = arith.andi %parallel_loop3A_1237, %parallel_loop3A_1232 : i1
      %parallel_loop3A_1239 = arith.addi %parallel_loop3A_1230, %parallel_loop3A_1229 : i32
      %parallel_loop3A_1240 = arith.select %parallel_loop3A_1238, %parallel_loop3A_1239, %parallel_loop3A_1230 : i32
      %parallel_loop3A_1241 = arith.constant 16 : i32
      %parallel_loop3A_1242 = arith.muli %parallel_loop3A_1240, %parallel_loop3A_1241 : i32
      %parallel_loop3A_1243 = arith.index_cast %parallel_loop3A_1224 : i32 to index
      %parallel_loop3A_1244 = arith.index_cast %parallel_loop3A_1242 : i32 to index
      %parallel_loop3A_1245 = tpu.vector_load %arg6[%parallel_loop3A_1243, %parallel_loop3A_1244] {strides = array<i32>} : memref<8x2048xf32, #tpu.memory_space<vmem>>, vector<1x16xf32>,
      %parallel_loop3A_1246 = vector.shape_cast %parallel_loop3A_1245 : vector<1x16xf32> to vector<16xf32>
      %parallel_loop3A_1247 = arith.index_cast %parallel_loop3A_1224 : i32 to index
      %parallel_loop3A_1248 = arith.index_cast %parallel_loop3A_1242 : i32 to index
      %parallel_loop3A_1249 = tpu.vector_load %arg10[%parallel_loop3A_1247, %parallel_loop3A_1248] {strides = array<i32>} : memref<8x2048xf32, #tpu.memory_space<vmem>>, vector<1x16xf32>,
      %parallel_loop3A_1250 = vector.shape_cast %parallel_loop3A_1249 : vector<1x16xf32> to vector<16xf32>
      %parallel_loop3A_1251 = arith.addf %parallel_loop3A_1246, %parallel_loop3A_1250 : vector<16xf32>
      %parallel_loop3A_1252 = arith.index_cast %parallel_loop3A_1224 : i32 to index
      %parallel_loop3A_1253 = arith.index_cast %parallel_loop3A_1242 : i32 to index
      %parallel_loop3A_1254 = tpu.vector_load %arg6[%parallel_loop3A_1252, %parallel_loop3A_1253] {strides = array<i32>} : memref<8x2048xf32, #tpu.memory_space<vmem>>, vector<1x16xf32>,
      %parallel_loop3A_1255 = vector.shape_cast %parallel_loop3A_1254 : vector<1x16xf32> to vector<16xf32>
      %parallel_loop3A_1256 = vector.shape_cast %parallel_loop3A_1251 : vector<16xf32> to vector<1x16xf32>
      tpu.vector_store %arg6[%parallel_loop3A_1252, %parallel_loop3A_1253], %parallel_loop3A_1256 {strides = array<i32>} : memref<8x2048xf32, #tpu.memory_space<vmem>>, vector<1x16xf32>,
    } {sc.loop_unroll_factor = 8 : i64, sc.parallel_access}
    %add3A_460 = arith.constant 16 : i32
    %add3A_461 = arith.addi %mul3A_2, %add3A_460 : i32
    %dma_start3A_462 = arith.constant 3 : i32
    %dma_start3A_463 = arith.constant 0 : i32
    %dma_start3A_464 = tpu.memref_slice %arg4[%dma_start3A_462, %add3A_461, %dma_start3A_463] : memref<4x2048x2048xf32, #tpu.memory_space<hbm>> -> memref<1x8x2048xf32, #tpu.memory_space<hbm>>
    %dma_start3A_465 = tpu.memref_squeeze %dma_start3A_464 : memref<1x8x2048xf32, #tpu.memory_space<hbm>> -> memref<8x2048xf32, #tpu.memory_space<hbm>>
    %dma_start3A_466 = arith.constant 0 : i32
    %dma_start3A_467 = tpu.memref_slice %arg4[%dma_start3A_462, %add3A_461, %dma_start3A_466] : memref<4x2048x2048xf32, #tpu.memory_space<hbm>> -> memref<1x8x2048xf32, #tpu.memory_space<hbm>>
    %dma_start3A_468 = tpu.memref_squeeze %dma_start3A_467 : memref<1x8x2048xf32, #tpu.memory_space<hbm>> -> memref<8x2048xf32, #tpu.memory_space<hbm>>
    tpu.enqueue_dma source(%arg6 : memref<8x2048xf32, #tpu.memory_space<vmem>>) target(%dma_start3A_468 : memref<8x2048xf32, #tpu.memory_space<hbm>>) target_semaphore(%arg18 : memref<!tpu.dma_semaphore, #tpu.memory_space<semaphore_mem>>)
    %dma_wait3A_469 = arith.constant 2 : i32
    %dma_wait3A_470 = arith.constant 0 : i32
    %dma_wait3A_471 = tpu.memref_slice %arg4[%dma_wait3A_469, %add3A_426, %dma_wait3A_470] : memref<4x2048x2048xf32, #tpu.memory_space<hbm>> -> memref<1x8x2048xf32, #tpu.memory_space<hbm>>
    %dma_wait3A_472 = tpu.memref_squeeze %dma_wait3A_471 : memref<1x8x2048xf32, #tpu.memory_space<hbm>> -> memref<8x2048xf32, #tpu.memory_space<hbm>>
    %dma_wait3A_473 = arith.constant 0 : i32
    %dma_wait3A_474 = tpu.memref_slice %arg4[%dma_wait3A_469, %add3A_426, %dma_wait3A_473] : memref<4x2048x2048xf32, #tpu.memory_space<hbm>> -> memref<1x8x2048xf32, #tpu.memory_space<hbm>>
    %dma_wait3A_475 = tpu.memref_squeeze %dma_wait3A_474 : memref<1x8x2048xf32, #tpu.memory_space<hbm>> -> memref<8x2048xf32, #tpu.memory_space<hbm>>
    tpu.wait_dma2 semaphore(%arg17 : memref<!tpu.dma_semaphore, #tpu.memory_space<semaphore_mem>>) src(%arg5 : memref<8x2048xf32, #tpu.memory_space<vmem>>) dst(%dma_wait3A_475 : memref<8x2048xf32, #tpu.memory_space<hbm>>)
    %add3A_476 = arith.constant 24 : i32
    %add3A_477 = arith.addi %mul3A_2, %add3A_476 : i32
    %dma_start3A_478 = arith.constant 3 : i32
    %dma_start3A_479 = arith.constant 0 : i32
    %dma_start3A_480 = tpu.memref_slice %arg2[%dma_start3A_478, %add3A_477, %dma_start3A_479] : memref<4x2048x2048xf32, #tpu.memory_space<hbm>> -> memref<1x8x2048xf32, #tpu.memory_space<hbm>>
    %dma_start3A_481 = tpu.memref_squeeze %dma_start3A_480 : memref<1x8x2048xf32, #tpu.memory_space<hbm>> -> memref<8x2048xf32, #tpu.memory_space<hbm>>
    %dma_start3A_482 = arith.constant 0 : i32
    %dma_start3A_483 = tpu.memref_slice %arg2[%dma_start3A_478, %add3A_477, %dma_start3A_482] : memref<4x2048x2048xf32, #tpu.memory_space<hbm>> -> memref<1x8x2048xf32, #tpu.memory_space<hbm>>
    %dma_start3A_484 = tpu.memref_squeeze %dma_start3A_483 : memref<1x8x2048xf32, #tpu.memory_space<hbm>> -> memref<8x2048xf32, #tpu.memory_space<hbm>>
    tpu.enqueue_dma source(%dma_start3A_484 : memref<8x2048xf32, #tpu.memory_space<hbm>>) target(%arg5 : memref<8x2048xf32, #tpu.memory_space<vmem>>) target_semaphore(%arg12 : memref<!tpu.dma_semaphore, #tpu.memory_space<semaphore_mem>>)
    %add3A_485 = arith.constant 32 : i32
    %add3A_486 = arith.addi %mul3A_2, %add3A_485 : i32
    %dma_start3A_487 = arith.constant 0 : i32
    %dma_start3A_488 = tpu.memref_slice %arg3[%add3A_486, %dma_start3A_487] : memref<2048x2048xf32, #tpu.memory_space<hbm>> -> memref<8x2048xf32, #tpu.memory_space<hbm>>
    %dma_start3A_489 = arith.constant 0 : i32
    %dma_start3A_490 = tpu.memref_slice %arg3[%add3A_486, %dma_start3A_489] : memref<2048x2048xf32, #tpu.memory_space<hbm>> -> memref<8x2048xf32, #tpu.memory_space<hbm>>
    tpu.enqueue_dma source(%dma_start3A_490 : memref<8x2048xf32, #tpu.memory_space<hbm>>) target(%arg10 : memref<8x2048xf32, #tpu.memory_space<vmem>>) target_semaphore(%arg22 : memref<!tpu.dma_semaphore, #tpu.memory_space<semaphore_mem>>)
    %dma_wait3A_491 = arith.constant 0 : i32
    %dma_wait3A_492 = tpu.memref_slice %arg3[%add3A_336, %dma_wait3A_491] : memref<2048x2048xf32, #tpu.memory_space<hbm>> -> memref<8x2048xf32, #tpu.memory_space<hbm>>
    %dma_wait3A_493 = arith.constant 0 : i32
    %dma_wait3A_494 = tpu.memref_slice %arg3[%add3A_336, %dma_wait3A_493] : memref<2048x2048xf32, #tpu.memory_space<hbm>> -> memref<8x2048xf32, #tpu.memory_space<hbm>>
    tpu.wait_dma2 semaphore(%arg23 : memref<!tpu.dma_semaphore, #tpu.memory_space<semaphore_mem>>) src(%dma_wait3A_494 : memref<8x2048xf32, #tpu.memory_space<hbm>>) dst(%arg11 : memref<8x2048xf32, #tpu.memory_space<vmem>>)
    %dma_wait3A_495 = arith.constant 0 : i32
    %dma_wait3A_496 = arith.constant 0 : i32
    %dma_wait3A_497 = tpu.memref_slice %arg2[%dma_wait3A_495, %add3A_372, %dma_wait3A_496] : memref<4x2048x2048xf32, #tpu.memory_space<hbm>> -> memref<1x8x2048xf32, #tpu.memory_space<hbm>>
    %dma_wait3A_498 = tpu.memref_squeeze %dma_wait3A_497 : memref<1x8x2048xf32, #tpu.memory_space<hbm>> -> memref<8x2048xf32, #tpu.memory_space<hbm>>
    %dma_wait3A_499 = arith.constant 0 : i32
    %dma_wait3A_500 = tpu.memref_slice %arg2[%dma_wait3A_495, %add3A_372, %dma_wait3A_499] : memref<4x2048x2048xf32, #tpu.memory_space<hbm>> -> memref<1x8x2048xf32, #tpu.memory_space<hbm>>
    %dma_wait3A_501 = tpu.memref_squeeze %dma_wait3A_500 : memref<1x8x2048xf32, #tpu.memory_space<hbm>> -> memref<8x2048xf32, #tpu.memory_space<hbm>>
    tpu.wait_dma2 semaphore(%arg14 : memref<!tpu.dma_semaphore, #tpu.memory_space<semaphore_mem>>) src(%dma_wait3A_501 : memref<8x2048xf32, #tpu.memory_space<hbm>>) dst(%arg7 : memref<8x2048xf32, #tpu.memory_space<vmem>>)
    %parallel_loop3A_502 = arith.constant 0 : i32
    %parallel_loop3A_503 = arith.constant 1024 : i32
    %parallel_loop3A_504 = arith.constant 1 : i32
    scf.for %parallel_loop3A_1200 = %parallel_loop3A_502 to %parallel_loop3A_503 step %parallel_loop3A_504  : i32 {
      %parallel_loop3A_1201 = arith.constant 128 : i32
      %parallel_loop3A_1202 = arith.divsi %parallel_loop3A_1200, %parallel_loop3A_1201 : i32
      %parallel_loop3A_1203 = arith.constant 0 : i32
      %parallel_loop3A_1204 = arith.cmpi sgt, %parallel_loop3A_1200, %parallel_loop3A_1203 : i32
      %parallel_loop3A_1205 = arith.extui %parallel_loop3A_1204 : i1 to i32
      %parallel_loop3A_1206 = arith.constant 0 : i32
      %parallel_loop3A_1207 = arith.cmpi slt, %parallel_loop3A_1200, %parallel_loop3A_1206 : i32
      %parallel_loop3A_1208 = arith.extui %parallel_loop3A_1207 : i1 to i32
      %parallel_loop3A_1209 = arith.subi %parallel_loop3A_1205, %parallel_loop3A_1208 : i32
      %parallel_loop3A_1210 = arith.constant 0 : i32
      %parallel_loop3A_1211 = arith.cmpi sgt, %parallel_loop3A_1201, %parallel_loop3A_1210 : i32
      %parallel_loop3A_1212 = arith.extui %parallel_loop3A_1211 : i1 to i32
      %parallel_loop3A_1213 = arith.constant 0 : i32
      %parallel_loop3A_1214 = arith.cmpi slt, %parallel_loop3A_1201, %parallel_loop3A_1213 : i32
      %parallel_loop3A_1215 = arith.extui %parallel_loop3A_1214 : i1 to i32
      %parallel_loop3A_1216 = arith.subi %parallel_loop3A_1212, %parallel_loop3A_1215 : i32
      %parallel_loop3A_1217 = arith.cmpi ne, %parallel_loop3A_1209, %parallel_loop3A_1216 : i32
      %parallel_loop3A_1218 = arith.remsi %parallel_loop3A_1200, %parallel_loop3A_1201 : i32
      %parallel_loop3A_1219 = arith.constant 0 : i32
      %parallel_loop3A_1220 = arith.cmpi ne, %parallel_loop3A_1218, %parallel_loop3A_1219 : i32
      %parallel_loop3A_1221 = arith.andi %parallel_loop3A_1217, %parallel_loop3A_1220 : i1
      %parallel_loop3A_1222 = arith.constant 1 : i32
      %parallel_loop3A_1223 = arith.subi %parallel_loop3A_1202, %parallel_loop3A_1222 : i32
      %parallel_loop3A_1224 = arith.select %parallel_loop3A_1221, %parallel_loop3A_1223, %parallel_loop3A_1202 : i32
      %parallel_loop3A_1225 = arith.constant 128 : i32
      %parallel_loop3A_1226 = arith.constant 0 : i32
      %parallel_loop3A_1227 = arith.cmpi eq, %parallel_loop3A_1225, %parallel_loop3A_1226 : i32
      %parallel_loop3A_1228 = arith.constant 1 : i32
      %parallel_loop3A_1229 = arith.select %parallel_loop3A_1227, %parallel_loop3A_1228, %parallel_loop3A_1225 : i32
      %parallel_loop3A_1230 = arith.remsi %parallel_loop3A_1200, %parallel_loop3A_1229 : i32
      %parallel_loop3A_1231 = arith.constant 0 : i32
      %parallel_loop3A_1232 = arith.cmpi ne, %parallel_loop3A_1230, %parallel_loop3A_1231 : i32
      %parallel_loop3A_1233 = arith.constant 0 : i32
      %parallel_loop3A_1234 = arith.cmpi slt, %parallel_loop3A_1230, %parallel_loop3A_1233 : i32
      %parallel_loop3A_1235 = arith.constant 0 : i32
      %parallel_loop3A_1236 = arith.cmpi slt, %parallel_loop3A_1229, %parallel_loop3A_1235 : i32
      %parallel_loop3A_1237 = arith.xori %parallel_loop3A_1234, %parallel_loop3A_1236 : i1
      %parallel_loop3A_1238 = arith.andi %parallel_loop3A_1237, %parallel_loop3A_1232 : i1
      %parallel_loop3A_1239 = arith.addi %parallel_loop3A_1230, %parallel_loop3A_1229 : i32
      %parallel_loop3A_1240 = arith.select %parallel_loop3A_1238, %parallel_loop3A_1239, %parallel_loop3A_1230 : i32
      %parallel_loop3A_1241 = arith.constant 16 : i32
      %parallel_loop3A_1242 = arith.muli %parallel_loop3A_1240, %parallel_loop3A_1241 : i32
      %parallel_loop3A_1243 = arith.index_cast %parallel_loop3A_1224 : i32 to index
      %parallel_loop3A_1244 = arith.index_cast %parallel_loop3A_1242 : i32 to index
      %parallel_loop3A_1245 = tpu.vector_load %arg7[%parallel_loop3A_1243, %parallel_loop3A_1244] {strides = array<i32>} : memref<8x2048xf32, #tpu.memory_space<vmem>>, vector<1x16xf32>,
      %parallel_loop3A_1246 = vector.shape_cast %parallel_loop3A_1245 : vector<1x16xf32> to vector<16xf32>
      %parallel_loop3A_1247 = arith.index_cast %parallel_loop3A_1224 : i32 to index
      %parallel_loop3A_1248 = arith.index_cast %parallel_loop3A_1242 : i32 to index
      %parallel_loop3A_1249 = tpu.vector_load %arg11[%parallel_loop3A_1247, %parallel_loop3A_1248] {strides = array<i32>} : memref<8x2048xf32, #tpu.memory_space<vmem>>, vector<1x16xf32>,
      %parallel_loop3A_1250 = vector.shape_cast %parallel_loop3A_1249 : vector<1x16xf32> to vector<16xf32>
      %parallel_loop3A_1251 = arith.addf %parallel_loop3A_1246, %parallel_loop3A_1250 : vector<16xf32>
      %parallel_loop3A_1252 = arith.index_cast %parallel_loop3A_1224 : i32 to index
      %parallel_loop3A_1253 = arith.index_cast %parallel_loop3A_1242 : i32 to index
      %parallel_loop3A_1254 = tpu.vector_load %arg7[%parallel_loop3A_1252, %parallel_loop3A_1253] {strides = array<i32>} : memref<8x2048xf32, #tpu.memory_space<vmem>>, vector<1x16xf32>,
      %parallel_loop3A_1255 = vector.shape_cast %parallel_loop3A_1254 : vector<1x16xf32> to vector<16xf32>
      %parallel_loop3A_1256 = vector.shape_cast %parallel_loop3A_1251 : vector<16xf32> to vector<1x16xf32>
      tpu.vector_store %arg7[%parallel_loop3A_1252, %parallel_loop3A_1253], %parallel_loop3A_1256 {strides = array<i32>} : memref<8x2048xf32, #tpu.memory_space<vmem>>, vector<1x16xf32>,
    } {sc.loop_unroll_factor = 8 : i64, sc.parallel_access}
    %add3A_505 = arith.constant 24 : i32
    %add3A_506 = arith.addi %mul3A_2, %add3A_505 : i32
    %dma_start3A_507 = arith.constant 0 : i32
    %dma_start3A_508 = arith.constant 0 : i32
    %dma_start3A_509 = tpu.memref_slice %arg4[%dma_start3A_507, %add3A_506, %dma_start3A_508] : memref<4x2048x2048xf32, #tpu.memory_space<hbm>> -> memref<1x8x2048xf32, #tpu.memory_space<hbm>>
    %dma_start3A_510 = tpu.memref_squeeze %dma_start3A_509 : memref<1x8x2048xf32, #tpu.memory_space<hbm>> -> memref<8x2048xf32, #tpu.memory_space<hbm>>
    %dma_start3A_511 = arith.constant 0 : i32
    %dma_start3A_512 = tpu.memref_slice %arg4[%dma_start3A_507, %add3A_506, %dma_start3A_511] : memref<4x2048x2048xf32, #tpu.memory_space<hbm>> -> memref<1x8x2048xf32, #tpu.memory_space<hbm>>
    %dma_start3A_513 = tpu.memref_squeeze %dma_start3A_512 : memref<1x8x2048xf32, #tpu.memory_space<hbm>> -> memref<8x2048xf32, #tpu.memory_space<hbm>>
    tpu.enqueue_dma source(%arg7 : memref<8x2048xf32, #tpu.memory_space<vmem>>) target(%dma_start3A_513 : memref<8x2048xf32, #tpu.memory_space<hbm>>) target_semaphore(%arg19 : memref<!tpu.dma_semaphore, #tpu.memory_space<semaphore_mem>>)
    %dma_wait3A_514 = arith.constant 3 : i32
    %dma_wait3A_515 = arith.constant 0 : i32
    %dma_wait3A_516 = tpu.memref_slice %arg4[%dma_wait3A_514, %add3A_461, %dma_wait3A_515] : memref<4x2048x2048xf32, #tpu.memory_space<hbm>> -> memref<1x8x2048xf32, #tpu.memory_space<hbm>>
    %dma_wait3A_517 = tpu.memref_squeeze %dma_wait3A_516 : memref<1x8x2048xf32, #tpu.memory_space<hbm>> -> memref<8x2048xf32, #tpu.memory_space<hbm>>
    %dma_wait3A_518 = arith.constant 0 : i32
    %dma_wait3A_519 = tpu.memref_slice %arg4[%dma_wait3A_514, %add3A_461, %dma_wait3A_518] : memref<4x2048x2048xf32, #tpu.memory_space<hbm>> -> memref<1x8x2048xf32, #tpu.memory_space<hbm>>
    %dma_wait3A_520 = tpu.memref_squeeze %dma_wait3A_519 : memref<1x8x2048xf32, #tpu.memory_space<hbm>> -> memref<8x2048xf32, #tpu.memory_space<hbm>>
    tpu.wait_dma2 semaphore(%arg18 : memref<!tpu.dma_semaphore, #tpu.memory_space<semaphore_mem>>) src(%arg6 : memref<8x2048xf32, #tpu.memory_space<vmem>>) dst(%dma_wait3A_520 : memref<8x2048xf32, #tpu.memory_space<hbm>>)
    %add3A_521 = arith.constant 32 : i32
    %add3A_522 = arith.addi %mul3A_2, %add3A_521 : i32
    %dma_start3A_523 = arith.constant 0 : i32
    %dma_start3A_524 = arith.constant 0 : i32
    %dma_start3A_525 = tpu.memref_slice %arg2[%dma_start3A_523, %add3A_522, %dma_start3A_524] : memref<4x2048x2048xf32, #tpu.memory_space<hbm>> -> memref<1x8x2048xf32, #tpu.memory_space<hbm>>
    %dma_start3A_526 = tpu.memref_squeeze %dma_start3A_525 : memref<1x8x2048xf32, #tpu.memory_space<hbm>> -> memref<8x2048xf32, #tpu.memory_space<hbm>>
    %dma_start3A_527 = arith.constant 0 : i32
    %dma_start3A_528 = tpu.memref_slice %arg2[%dma_start3A_523, %add3A_522, %dma_start3A_527] : memref<4x2048x2048xf32, #tpu.memory_space<hbm>> -> memref<1x8x2048xf32, #tpu.memory_space<hbm>>
    %dma_start3A_529 = tpu.memref_squeeze %dma_start3A_528 : memref<1x8x2048xf32, #tpu.memory_space<hbm>> -> memref<8x2048xf32, #tpu.memory_space<hbm>>
    tpu.enqueue_dma source(%dma_start3A_529 : memref<8x2048xf32, #tpu.memory_space<hbm>>) target(%arg6 : memref<8x2048xf32, #tpu.memory_space<vmem>>) target_semaphore(%arg13 : memref<!tpu.dma_semaphore, #tpu.memory_space<semaphore_mem>>)
    %dma_wait3A_530 = arith.constant 1 : i32
    %dma_wait3A_531 = arith.constant 0 : i32
    %dma_wait3A_532 = tpu.memref_slice %arg2[%dma_wait3A_530, %add3A_407, %dma_wait3A_531] : memref<4x2048x2048xf32, #tpu.memory_space<hbm>> -> memref<1x8x2048xf32, #tpu.memory_space<hbm>>
    %dma_wait3A_533 = tpu.memref_squeeze %dma_wait3A_532 : memref<1x8x2048xf32, #tpu.memory_space<hbm>> -> memref<8x2048xf32, #tpu.memory_space<hbm>>
    %dma_wait3A_534 = arith.constant 0 : i32
    %dma_wait3A_535 = tpu.memref_slice %arg2[%dma_wait3A_530, %add3A_407, %dma_wait3A_534] : memref<4x2048x2048xf32, #tpu.memory_space<hbm>> -> memref<1x8x2048xf32, #tpu.memory_space<hbm>>
    %dma_wait3A_536 = tpu.memref_squeeze %dma_wait3A_535 : memref<1x8x2048xf32, #tpu.memory_space<hbm>> -> memref<8x2048xf32, #tpu.memory_space<hbm>>
    tpu.wait_dma2 semaphore(%arg15 : memref<!tpu.dma_semaphore, #tpu.memory_space<semaphore_mem>>) src(%dma_wait3A_536 : memref<8x2048xf32, #tpu.memory_space<hbm>>) dst(%arg8 : memref<8x2048xf32, #tpu.memory_space<vmem>>)
    %parallel_loop3A_537 = arith.constant 0 : i32
    %parallel_loop3A_538 = arith.constant 1024 : i32
    %parallel_loop3A_539 = arith.constant 1 : i32
    scf.for %parallel_loop3A_1200 = %parallel_loop3A_537 to %parallel_loop3A_538 step %parallel_loop3A_539  : i32 {
      %parallel_loop3A_1201 = arith.constant 128 : i32
      %parallel_loop3A_1202 = arith.divsi %parallel_loop3A_1200, %parallel_loop3A_1201 : i32
      %parallel_loop3A_1203 = arith.constant 0 : i32
      %parallel_loop3A_1204 = arith.cmpi sgt, %parallel_loop3A_1200, %parallel_loop3A_1203 : i32
      %parallel_loop3A_1205 = arith.extui %parallel_loop3A_1204 : i1 to i32
      %parallel_loop3A_1206 = arith.constant 0 : i32
      %parallel_loop3A_1207 = arith.cmpi slt, %parallel_loop3A_1200, %parallel_loop3A_1206 : i32
      %parallel_loop3A_1208 = arith.extui %parallel_loop3A_1207 : i1 to i32
      %parallel_loop3A_1209 = arith.subi %parallel_loop3A_1205, %parallel_loop3A_1208 : i32
      %parallel_loop3A_1210 = arith.constant 0 : i32
      %parallel_loop3A_1211 = arith.cmpi sgt, %parallel_loop3A_1201, %parallel_loop3A_1210 : i32
      %parallel_loop3A_1212 = arith.extui %parallel_loop3A_1211 : i1 to i32
      %parallel_loop3A_1213 = arith.constant 0 : i32
      %parallel_loop3A_1214 = arith.cmpi slt, %parallel_loop3A_1201, %parallel_loop3A_1213 : i32
      %parallel_loop3A_1215 = arith.extui %parallel_loop3A_1214 : i1 to i32
      %parallel_loop3A_1216 = arith.subi %parallel_loop3A_1212, %parallel_loop3A_1215 : i32
      %parallel_loop3A_1217 = arith.cmpi ne, %parallel_loop3A_1209, %parallel_loop3A_1216 : i32
      %parallel_loop3A_1218 = arith.remsi %parallel_loop3A_1200, %parallel_loop3A_1201 : i32
      %parallel_loop3A_1219 = arith.constant 0 : i32
      %parallel_loop3A_1220 = arith.cmpi ne, %parallel_loop3A_1218, %parallel_loop3A_1219 : i32
      %parallel_loop3A_1221 = arith.andi %parallel_loop3A_1217, %parallel_loop3A_1220 : i1
      %parallel_loop3A_1222 = arith.constant 1 : i32
      %parallel_loop3A_1223 = arith.subi %parallel_loop3A_1202, %parallel_loop3A_1222 : i32
      %parallel_loop3A_1224 = arith.select %parallel_loop3A_1221, %parallel_loop3A_1223, %parallel_loop3A_1202 : i32
      %parallel_loop3A_1225 = arith.constant 128 : i32
      %parallel_loop3A_1226 = arith.constant 0 : i32
      %parallel_loop3A_1227 = arith.cmpi eq, %parallel_loop3A_1225, %parallel_loop3A_1226 : i32
      %parallel_loop3A_1228 = arith.constant 1 : i32
      %parallel_loop3A_1229 = arith.select %parallel_loop3A_1227, %parallel_loop3A_1228, %parallel_loop3A_1225 : i32
      %parallel_loop3A_1230 = arith.remsi %parallel_loop3A_1200, %parallel_loop3A_1229 : i32
      %parallel_loop3A_1231 = arith.constant 0 : i32
      %parallel_loop3A_1232 = arith.cmpi ne, %parallel_loop3A_1230, %parallel_loop3A_1231 : i32
      %parallel_loop3A_1233 = arith.constant 0 : i32
      %parallel_loop3A_1234 = arith.cmpi slt, %parallel_loop3A_1230, %parallel_loop3A_1233 : i32
      %parallel_loop3A_1235 = arith.constant 0 : i32
      %parallel_loop3A_1236 = arith.cmpi slt, %parallel_loop3A_1229, %parallel_loop3A_1235 : i32
      %parallel_loop3A_1237 = arith.xori %parallel_loop3A_1234, %parallel_loop3A_1236 : i1
      %parallel_loop3A_1238 = arith.andi %parallel_loop3A_1237, %parallel_loop3A_1232 : i1
      %parallel_loop3A_1239 = arith.addi %parallel_loop3A_1230, %parallel_loop3A_1229 : i32
      %parallel_loop3A_1240 = arith.select %parallel_loop3A_1238, %parallel_loop3A_1239, %parallel_loop3A_1230 : i32
      %parallel_loop3A_1241 = arith.constant 16 : i32
      %parallel_loop3A_1242 = arith.muli %parallel_loop3A_1240, %parallel_loop3A_1241 : i32
      %parallel_loop3A_1243 = arith.index_cast %parallel_loop3A_1224 : i32 to index
      %parallel_loop3A_1244 = arith.index_cast %parallel_loop3A_1242 : i32 to index
      %parallel_loop3A_1245 = tpu.vector_load %arg8[%parallel_loop3A_1243, %parallel_loop3A_1244] {strides = array<i32>} : memref<8x2048xf32, #tpu.memory_space<vmem>>, vector<1x16xf32>,
      %parallel_loop3A_1246 = vector.shape_cast %parallel_loop3A_1245 : vector<1x16xf32> to vector<16xf32>
      %parallel_loop3A_1247 = arith.index_cast %parallel_loop3A_1224 : i32 to index
      %parallel_loop3A_1248 = arith.index_cast %parallel_loop3A_1242 : i32 to index
      %parallel_loop3A_1249 = tpu.vector_load %arg11[%parallel_loop3A_1247, %parallel_loop3A_1248] {strides = array<i32>} : memref<8x2048xf32, #tpu.memory_space<vmem>>, vector<1x16xf32>,
      %parallel_loop3A_1250 = vector.shape_cast %parallel_loop3A_1249 : vector<1x16xf32> to vector<16xf32>
      %parallel_loop3A_1251 = arith.addf %parallel_loop3A_1246, %parallel_loop3A_1250 : vector<16xf32>
      %parallel_loop3A_1252 = arith.index_cast %parallel_loop3A_1224 : i32 to index
      %parallel_loop3A_1253 = arith.index_cast %parallel_loop3A_1242 : i32 to index
      %parallel_loop3A_1254 = tpu.vector_load %arg8[%parallel_loop3A_1252, %parallel_loop3A_1253] {strides = array<i32>} : memref<8x2048xf32, #tpu.memory_space<vmem>>, vector<1x16xf32>,
      %parallel_loop3A_1255 = vector.shape_cast %parallel_loop3A_1254 : vector<1x16xf32> to vector<16xf32>
      %parallel_loop3A_1256 = vector.shape_cast %parallel_loop3A_1251 : vector<16xf32> to vector<1x16xf32>
      tpu.vector_store %arg8[%parallel_loop3A_1252, %parallel_loop3A_1253], %parallel_loop3A_1256 {strides = array<i32>} : memref<8x2048xf32, #tpu.memory_space<vmem>>, vector<1x16xf32>,
    } {sc.loop_unroll_factor = 8 : i64, sc.parallel_access}
    %add3A_540 = arith.constant 24 : i32
    %add3A_541 = arith.addi %mul3A_2, %add3A_540 : i32
    %dma_start3A_542 = arith.constant 1 : i32
    %dma_start3A_543 = arith.constant 0 : i32
    %dma_start3A_544 = tpu.memref_slice %arg4[%dma_start3A_542, %add3A_541, %dma_start3A_543] : memref<4x2048x2048xf32, #tpu.memory_space<hbm>> -> memref<1x8x2048xf32, #tpu.memory_space<hbm>>
    %dma_start3A_545 = tpu.memref_squeeze %dma_start3A_544 : memref<1x8x2048xf32, #tpu.memory_space<hbm>> -> memref<8x2048xf32, #tpu.memory_space<hbm>>
    %dma_start3A_546 = arith.constant 0 : i32
    %dma_start3A_547 = tpu.memref_slice %arg4[%dma_start3A_542, %add3A_541, %dma_start3A_546] : memref<4x2048x2048xf32, #tpu.memory_space<hbm>> -> memref<1x8x2048xf32, #tpu.memory_space<hbm>>
    %dma_start3A_548 = tpu.memref_squeeze %dma_start3A_547 : memref<1x8x2048xf32, #tpu.memory_space<hbm>> -> memref<8x2048xf32, #tpu.memory_space<hbm>>
    tpu.enqueue_dma source(%arg8 : memref<8x2048xf32, #tpu.memory_space<vmem>>) target(%dma_start3A_548 : memref<8x2048xf32, #tpu.memory_space<hbm>>) target_semaphore(%arg20 : memref<!tpu.dma_semaphore, #tpu.memory_space<semaphore_mem>>)
    %dma_wait3A_549 = arith.constant 0 : i32
    %dma_wait3A_550 = arith.constant 0 : i32
    %dma_wait3A_551 = tpu.memref_slice %arg4[%dma_wait3A_549, %add3A_506, %dma_wait3A_550] : memref<4x2048x2048xf32, #tpu.memory_space<hbm>> -> memref<1x8x2048xf32, #tpu.memory_space<hbm>>
    %dma_wait3A_552 = tpu.memref_squeeze %dma_wait3A_551 : memref<1x8x2048xf32, #tpu.memory_space<hbm>> -> memref<8x2048xf32, #tpu.memory_space<hbm>>
    %dma_wait3A_553 = arith.constant 0 : i32
    %dma_wait3A_554 = tpu.memref_slice %arg4[%dma_wait3A_549, %add3A_506, %dma_wait3A_553] : memref<4x2048x2048xf32, #tpu.memory_space<hbm>> -> memref<1x8x2048xf32, #tpu.memory_space<hbm>>
    %dma_wait3A_555 = tpu.memref_squeeze %dma_wait3A_554 : memref<1x8x2048xf32, #tpu.memory_space<hbm>> -> memref<8x2048xf32, #tpu.memory_space<hbm>>
    tpu.wait_dma2 semaphore(%arg19 : memref<!tpu.dma_semaphore, #tpu.memory_space<semaphore_mem>>) src(%arg7 : memref<8x2048xf32, #tpu.memory_space<vmem>>) dst(%dma_wait3A_555 : memref<8x2048xf32, #tpu.memory_space<hbm>>)
    %add3A_556 = arith.constant 32 : i32
    %add3A_557 = arith.addi %mul3A_2, %add3A_556 : i32
    %dma_start3A_558 = arith.constant 1 : i32
    %dma_start3A_559 = arith.constant 0 : i32
    %dma_start3A_560 = tpu.memref_slice %arg2[%dma_start3A_558, %add3A_557, %dma_start3A_559] : memref<4x2048x2048xf32, #tpu.memory_space<hbm>> -> memref<1x8x2048xf32, #tpu.memory_space<hbm>>
    %dma_start3A_561 = tpu.memref_squeeze %dma_start3A_560 : memref<1x8x2048xf32, #tpu.memory_space<hbm>> -> memref<8x2048xf32, #tpu.memory_space<hbm>>
    %dma_start3A_562 = arith.constant 0 : i32
    %dma_start3A_563 = tpu.memref_slice %arg2[%dma_start3A_558, %add3A_557, %dma_start3A_562] : memref<4x2048x2048xf32, #tpu.memory_space<hbm>> -> memref<1x8x2048xf32, #tpu.memory_space<hbm>>
    %dma_start3A_564 = tpu.memref_squeeze %dma_start3A_563 : memref<1x8x2048xf32, #tpu.memory_space<hbm>> -> memref<8x2048xf32, #tpu.memory_space<hbm>>
    tpu.enqueue_dma source(%dma_start3A_564 : memref<8x2048xf32, #tpu.memory_space<hbm>>) target(%arg7 : memref<8x2048xf32, #tpu.memory_space<vmem>>) target_semaphore(%arg14 : memref<!tpu.dma_semaphore, #tpu.memory_space<semaphore_mem>>)
    %dma_wait3A_565 = arith.constant 2 : i32
    %dma_wait3A_566 = arith.constant 0 : i32
    %dma_wait3A_567 = tpu.memref_slice %arg2[%dma_wait3A_565, %add3A_442, %dma_wait3A_566] : memref<4x2048x2048xf32, #tpu.memory_space<hbm>> -> memref<1x8x2048xf32, #tpu.memory_space<hbm>>
    %dma_wait3A_568 = tpu.memref_squeeze %dma_wait3A_567 : memref<1x8x2048xf32, #tpu.memory_space<hbm>> -> memref<8x2048xf32, #tpu.memory_space<hbm>>
    %dma_wait3A_569 = arith.constant 0 : i32
    %dma_wait3A_570 = tpu.memref_slice %arg2[%dma_wait3A_565, %add3A_442, %dma_wait3A_569] : memref<4x2048x2048xf32, #tpu.memory_space<hbm>> -> memref<1x8x2048xf32, #tpu.memory_space<hbm>>
    %dma_wait3A_571 = tpu.memref_squeeze %dma_wait3A_570 : memref<1x8x2048xf32, #tpu.memory_space<hbm>> -> memref<8x2048xf32, #tpu.memory_space<hbm>>
    tpu.wait_dma2 semaphore(%arg16 : memref<!tpu.dma_semaphore, #tpu.memory_space<semaphore_mem>>) src(%dma_wait3A_571 : memref<8x2048xf32, #tpu.memory_space<hbm>>) dst(%arg9 : memref<8x2048xf32, #tpu.memory_space<vmem>>)
    %parallel_loop3A_572 = arith.constant 0 : i32
    %parallel_loop3A_573 = arith.constant 1024 : i32
    %parallel_loop3A_574 = arith.constant 1 : i32
    scf.for %parallel_loop3A_1200 = %parallel_loop3A_572 to %parallel_loop3A_573 step %parallel_loop3A_574  : i32 {
      %parallel_loop3A_1201 = arith.constant 128 : i32
      %parallel_loop3A_1202 = arith.divsi %parallel_loop3A_1200, %parallel_loop3A_1201 : i32
      %parallel_loop3A_1203 = arith.constant 0 : i32
      %parallel_loop3A_1204 = arith.cmpi sgt, %parallel_loop3A_1200, %parallel_loop3A_1203 : i32
      %parallel_loop3A_1205 = arith.extui %parallel_loop3A_1204 : i1 to i32
      %parallel_loop3A_1206 = arith.constant 0 : i32
      %parallel_loop3A_1207 = arith.cmpi slt, %parallel_loop3A_1200, %parallel_loop3A_1206 : i32
      %parallel_loop3A_1208 = arith.extui %parallel_loop3A_1207 : i1 to i32
      %parallel_loop3A_1209 = arith.subi %parallel_loop3A_1205, %parallel_loop3A_1208 : i32
      %parallel_loop3A_1210 = arith.constant 0 : i32
      %parallel_loop3A_1211 = arith.cmpi sgt, %parallel_loop3A_1201, %parallel_loop3A_1210 : i32
      %parallel_loop3A_1212 = arith.extui %parallel_loop3A_1211 : i1 to i32
      %parallel_loop3A_1213 = arith.constant 0 : i32
      %parallel_loop3A_1214 = arith.cmpi slt, %parallel_loop3A_1201, %parallel_loop3A_1213 : i32
      %parallel_loop3A_1215 = arith.extui %parallel_loop3A_1214 : i1 to i32
      %parallel_loop3A_1216 = arith.subi %parallel_loop3A_1212, %parallel_loop3A_1215 : i32
      %parallel_loop3A_1217 = arith.cmpi ne, %parallel_loop3A_1209, %parallel_loop3A_1216 : i32
      %parallel_loop3A_1218 = arith.remsi %parallel_loop3A_1200, %parallel_loop3A_1201 : i32
      %parallel_loop3A_1219 = arith.constant 0 : i32
      %parallel_loop3A_1220 = arith.cmpi ne, %parallel_loop3A_1218, %parallel_loop3A_1219 : i32
      %parallel_loop3A_1221 = arith.andi %parallel_loop3A_1217, %parallel_loop3A_1220 : i1
      %parallel_loop3A_1222 = arith.constant 1 : i32
      %parallel_loop3A_1223 = arith.subi %parallel_loop3A_1202, %parallel_loop3A_1222 : i32
      %parallel_loop3A_1224 = arith.select %parallel_loop3A_1221, %parallel_loop3A_1223, %parallel_loop3A_1202 : i32
      %parallel_loop3A_1225 = arith.constant 128 : i32
      %parallel_loop3A_1226 = arith.constant 0 : i32
      %parallel_loop3A_1227 = arith.cmpi eq, %parallel_loop3A_1225, %parallel_loop3A_1226 : i32
      %parallel_loop3A_1228 = arith.constant 1 : i32
      %parallel_loop3A_1229 = arith.select %parallel_loop3A_1227, %parallel_loop3A_1228, %parallel_loop3A_1225 : i32
      %parallel_loop3A_1230 = arith.remsi %parallel_loop3A_1200, %parallel_loop3A_1229 : i32
      %parallel_loop3A_1231 = arith.constant 0 : i32
      %parallel_loop3A_1232 = arith.cmpi ne, %parallel_loop3A_1230, %parallel_loop3A_1231 : i32
      %parallel_loop3A_1233 = arith.constant 0 : i32
      %parallel_loop3A_1234 = arith.cmpi slt, %parallel_loop3A_1230, %parallel_loop3A_1233 : i32
      %parallel_loop3A_1235 = arith.constant 0 : i32
      %parallel_loop3A_1236 = arith.cmpi slt, %parallel_loop3A_1229, %parallel_loop3A_1235 : i32
      %parallel_loop3A_1237 = arith.xori %parallel_loop3A_1234, %parallel_loop3A_1236 : i1
      %parallel_loop3A_1238 = arith.andi %parallel_loop3A_1237, %parallel_loop3A_1232 : i1
      %parallel_loop3A_1239 = arith.addi %parallel_loop3A_1230, %parallel_loop3A_1229 : i32
      %parallel_loop3A_1240 = arith.select %parallel_loop3A_1238, %parallel_loop3A_1239, %parallel_loop3A_1230 : i32
      %parallel_loop3A_1241 = arith.constant 16 : i32
      %parallel_loop3A_1242 = arith.muli %parallel_loop3A_1240, %parallel_loop3A_1241 : i32
      %parallel_loop3A_1243 = arith.index_cast %parallel_loop3A_1224 : i32 to index
      %parallel_loop3A_1244 = arith.index_cast %parallel_loop3A_1242 : i32 to index
      %parallel_loop3A_1245 = tpu.vector_load %arg9[%parallel_loop3A_1243, %parallel_loop3A_1244] {strides = array<i32>} : memref<8x2048xf32, #tpu.memory_space<vmem>>, vector<1x16xf32>,
      %parallel_loop3A_1246 = vector.shape_cast %parallel_loop3A_1245 : vector<1x16xf32> to vector<16xf32>
      %parallel_loop3A_1247 = arith.index_cast %parallel_loop3A_1224 : i32 to index
      %parallel_loop3A_1248 = arith.index_cast %parallel_loop3A_1242 : i32 to index
      %parallel_loop3A_1249 = tpu.vector_load %arg11[%parallel_loop3A_1247, %parallel_loop3A_1248] {strides = array<i32>} : memref<8x2048xf32, #tpu.memory_space<vmem>>, vector<1x16xf32>,
      %parallel_loop3A_1250 = vector.shape_cast %parallel_loop3A_1249 : vector<1x16xf32> to vector<16xf32>
      %parallel_loop3A_1251 = arith.addf %parallel_loop3A_1246, %parallel_loop3A_1250 : vector<16xf32>
      %parallel_loop3A_1252 = arith.index_cast %parallel_loop3A_1224 : i32 to index
      %parallel_loop3A_1253 = arith.index_cast %parallel_loop3A_1242 : i32 to index
      %parallel_loop3A_1254 = tpu.vector_load %arg9[%parallel_loop3A_1252, %parallel_loop3A_1253] {strides = array<i32>} : memref<8x2048xf32, #tpu.memory_space<vmem>>, vector<1x16xf32>,
      %parallel_loop3A_1255 = vector.shape_cast %parallel_loop3A_1254 : vector<1x16xf32> to vector<16xf32>
      %parallel_loop3A_1256 = vector.shape_cast %parallel_loop3A_1251 : vector<16xf32> to vector<1x16xf32>
      tpu.vector_store %arg9[%parallel_loop3A_1252, %parallel_loop3A_1253], %parallel_loop3A_1256 {strides = array<i32>} : memref<8x2048xf32, #tpu.memory_space<vmem>>, vector<1x16xf32>,
    } {sc.loop_unroll_factor = 8 : i64, sc.parallel_access}
    %add3A_575 = arith.constant 24 : i32
    %add3A_576 = arith.addi %mul3A_2, %add3A_575 : i32
    %dma_start3A_577 = arith.constant 2 : i32
    %dma_start3A_578 = arith.constant 0 : i32
    %dma_start3A_579 = tpu.memref_slice %arg4[%dma_start3A_577, %add3A_576, %dma_start3A_578] : memref<4x2048x2048xf32, #tpu.memory_space<hbm>> -> memref<1x8x2048xf32, #tpu.memory_space<hbm>>
    %dma_start3A_580 = tpu.memref_squeeze %dma_start3A_579 : memref<1x8x2048xf32, #tpu.memory_space<hbm>> -> memref<8x2048xf32, #tpu.memory_space<hbm>>
    %dma_start3A_581 = arith.constant 0 : i32
    %dma_start3A_582 = tpu.memref_slice %arg4[%dma_start3A_577, %add3A_576, %dma_start3A_581] : memref<4x2048x2048xf32, #tpu.memory_space<hbm>> -> memref<1x8x2048xf32, #tpu.memory_space<hbm>>
    %dma_start3A_583 = tpu.memref_squeeze %dma_start3A_582 : memref<1x8x2048xf32, #tpu.memory_space<hbm>> -> memref<8x2048xf32, #tpu.memory_space<hbm>>
    tpu.enqueue_dma source(%arg9 : memref<8x2048xf32, #tpu.memory_space<vmem>>) target(%dma_start3A_583 : memref<8x2048xf32, #tpu.memory_space<hbm>>) target_semaphore(%arg21 : memref<!tpu.dma_semaphore, #tpu.memory_space<semaphore_mem>>)
    %dma_wait3A_584 = arith.constant 1 : i32
    %dma_wait3A_585 = arith.constant 0 : i32
    %dma_wait3A_586 = tpu.memref_slice %arg4[%dma_wait3A_584, %add3A_541, %dma_wait3A_585] : memref<4x2048x2048xf32, #tpu.memory_space<hbm>> -> memref<1x8x2048xf32, #tpu.memory_space<hbm>>
    %dma_wait3A_587 = tpu.memref_squeeze %dma_wait3A_586 : memref<1x8x2048xf32, #tpu.memory_space<hbm>> -> memref<8x2048xf32, #tpu.memory_space<hbm>>
    %dma_wait3A_588 = arith.constant 0 : i32
    %dma_wait3A_589 = tpu.memref_slice %arg4[%dma_wait3A_584, %add3A_541, %dma_wait3A_588] : memref<4x2048x2048xf32, #tpu.memory_space<hbm>> -> memref<1x8x2048xf32, #tpu.memory_space<hbm>>
    %dma_wait3A_590 = tpu.memref_squeeze %dma_wait3A_589 : memref<1x8x2048xf32, #tpu.memory_space<hbm>> -> memref<8x2048xf32, #tpu.memory_space<hbm>>
    tpu.wait_dma2 semaphore(%arg20 : memref<!tpu.dma_semaphore, #tpu.memory_space<semaphore_mem>>) src(%arg8 : memref<8x2048xf32, #tpu.memory_space<vmem>>) dst(%dma_wait3A_590 : memref<8x2048xf32, #tpu.memory_space<hbm>>)
    %add3A_591 = arith.constant 32 : i32
    %add3A_592 = arith.addi %mul3A_2, %add3A_591 : i32
    %dma_start3A_593 = arith.constant 2 : i32
    %dma_start3A_594 = arith.constant 0 : i32
    %dma_start3A_595 = tpu.memref_slice %arg2[%dma_start3A_593, %add3A_592, %dma_start3A_594] : memref<4x2048x2048xf32, #tpu.memory_space<hbm>> -> memref<1x8x2048xf32, #tpu.memory_space<hbm>>
    %dma_start3A_596 = tpu.memref_squeeze %dma_start3A_595 : memref<1x8x2048xf32, #tpu.memory_space<hbm>> -> memref<8x2048xf32, #tpu.memory_space<hbm>>
    %dma_start3A_597 = arith.constant 0 : i32
    %dma_start3A_598 = tpu.memref_slice %arg2[%dma_start3A_593, %add3A_592, %dma_start3A_597] : memref<4x2048x2048xf32, #tpu.memory_space<hbm>> -> memref<1x8x2048xf32, #tpu.memory_space<hbm>>
    %dma_start3A_599 = tpu.memref_squeeze %dma_start3A_598 : memref<1x8x2048xf32, #tpu.memory_space<hbm>> -> memref<8x2048xf32, #tpu.memory_space<hbm>>
    tpu.enqueue_dma source(%dma_start3A_599 : memref<8x2048xf32, #tpu.memory_space<hbm>>) target(%arg8 : memref<8x2048xf32, #tpu.memory_space<vmem>>) target_semaphore(%arg15 : memref<!tpu.dma_semaphore, #tpu.memory_space<semaphore_mem>>)
    %dma_wait3A_600 = arith.constant 3 : i32
    %dma_wait3A_601 = arith.constant 0 : i32
    %dma_wait3A_602 = tpu.memref_slice %arg2[%dma_wait3A_600, %add3A_477, %dma_wait3A_601] : memref<4x2048x2048xf32, #tpu.memory_space<hbm>> -> memref<1x8x2048xf32, #tpu.memory_space<hbm>>
    %dma_wait3A_603 = tpu.memref_squeeze %dma_wait3A_602 : memref<1x8x2048xf32, #tpu.memory_space<hbm>> -> memref<8x2048xf32, #tpu.memory_space<hbm>>
    %dma_wait3A_604 = arith.constant 0 : i32
    %dma_wait3A_605 = tpu.memref_slice %arg2[%dma_wait3A_600, %add3A_477, %dma_wait3A_604] : memref<4x2048x2048xf32, #tpu.memory_space<hbm>> -> memref<1x8x2048xf32, #tpu.memory_space<hbm>>
    %dma_wait3A_606 = tpu.memref_squeeze %dma_wait3A_605 : memref<1x8x2048xf32, #tpu.memory_space<hbm>> -> memref<8x2048xf32, #tpu.memory_space<hbm>>
    tpu.wait_dma2 semaphore(%arg12 : memref<!tpu.dma_semaphore, #tpu.memory_space<semaphore_mem>>) src(%dma_wait3A_606 : memref<8x2048xf32, #tpu.memory_space<hbm>>) dst(%arg5 : memref<8x2048xf32, #tpu.memory_space<vmem>>)
    %parallel_loop3A_607 = arith.constant 0 : i32
    %parallel_loop3A_608 = arith.constant 1024 : i32
    %parallel_loop3A_609 = arith.constant 1 : i32
    scf.for %parallel_loop3A_1200 = %parallel_loop3A_607 to %parallel_loop3A_608 step %parallel_loop3A_609  : i32 {
      %parallel_loop3A_1201 = arith.constant 128 : i32
      %parallel_loop3A_1202 = arith.divsi %parallel_loop3A_1200, %parallel_loop3A_1201 : i32
      %parallel_loop3A_1203 = arith.constant 0 : i32
      %parallel_loop3A_1204 = arith.cmpi sgt, %parallel_loop3A_1200, %parallel_loop3A_1203 : i32
      %parallel_loop3A_1205 = arith.extui %parallel_loop3A_1204 : i1 to i32
      %parallel_loop3A_1206 = arith.constant 0 : i32
      %parallel_loop3A_1207 = arith.cmpi slt, %parallel_loop3A_1200, %parallel_loop3A_1206 : i32
      %parallel_loop3A_1208 = arith.extui %parallel_loop3A_1207 : i1 to i32
      %parallel_loop3A_1209 = arith.subi %parallel_loop3A_1205, %parallel_loop3A_1208 : i32
      %parallel_loop3A_1210 = arith.constant 0 : i32
      %parallel_loop3A_1211 = arith.cmpi sgt, %parallel_loop3A_1201, %parallel_loop3A_1210 : i32
      %parallel_loop3A_1212 = arith.extui %parallel_loop3A_1211 : i1 to i32
      %parallel_loop3A_1213 = arith.constant 0 : i32
      %parallel_loop3A_1214 = arith.cmpi slt, %parallel_loop3A_1201, %parallel_loop3A_1213 : i32
      %parallel_loop3A_1215 = arith.extui %parallel_loop3A_1214 : i1 to i32
      %parallel_loop3A_1216 = arith.subi %parallel_loop3A_1212, %parallel_loop3A_1215 : i32
      %parallel_loop3A_1217 = arith.cmpi ne, %parallel_loop3A_1209, %parallel_loop3A_1216 : i32
      %parallel_loop3A_1218 = arith.remsi %parallel_loop3A_1200, %parallel_loop3A_1201 : i32
      %parallel_loop3A_1219 = arith.constant 0 : i32
      %parallel_loop3A_1220 = arith.cmpi ne, %parallel_loop3A_1218, %parallel_loop3A_1219 : i32
      %parallel_loop3A_1221 = arith.andi %parallel_loop3A_1217, %parallel_loop3A_1220 : i1
      %parallel_loop3A_1222 = arith.constant 1 : i32
      %parallel_loop3A_1223 = arith.subi %parallel_loop3A_1202, %parallel_loop3A_1222 : i32
      %parallel_loop3A_1224 = arith.select %parallel_loop3A_1221, %parallel_loop3A_1223, %parallel_loop3A_1202 : i32
      %parallel_loop3A_1225 = arith.constant 128 : i32
      %parallel_loop3A_1226 = arith.constant 0 : i32
      %parallel_loop3A_1227 = arith.cmpi eq, %parallel_loop3A_1225, %parallel_loop3A_1226 : i32
      %parallel_loop3A_1228 = arith.constant 1 : i32
      %parallel_loop3A_1229 = arith.select %parallel_loop3A_1227, %parallel_loop3A_1228, %parallel_loop3A_1225 : i32
      %parallel_loop3A_1230 = arith.remsi %parallel_loop3A_1200, %parallel_loop3A_1229 : i32
      %parallel_loop3A_1231 = arith.constant 0 : i32
      %parallel_loop3A_1232 = arith.cmpi ne, %parallel_loop3A_1230, %parallel_loop3A_1231 : i32
      %parallel_loop3A_1233 = arith.constant 0 : i32
      %parallel_loop3A_1234 = arith.cmpi slt, %parallel_loop3A_1230, %parallel_loop3A_1233 : i32
      %parallel_loop3A_1235 = arith.constant 0 : i32
      %parallel_loop3A_1236 = arith.cmpi slt, %parallel_loop3A_1229, %parallel_loop3A_1235 : i32
      %parallel_loop3A_1237 = arith.xori %parallel_loop3A_1234, %parallel_loop3A_1236 : i1
      %parallel_loop3A_1238 = arith.andi %parallel_loop3A_1237, %parallel_loop3A_1232 : i1
      %parallel_loop3A_1239 = arith.addi %parallel_loop3A_1230, %parallel_loop3A_1229 : i32
      %parallel_loop3A_1240 = arith.select %parallel_loop3A_1238, %parallel_loop3A_1239, %parallel_loop3A_1230 : i32
      %parallel_loop3A_1241 = arith.constant 16 : i32
      %parallel_loop3A_1242 = arith.muli %parallel_loop3A_1240, %parallel_loop3A_1241 : i32
      %parallel_loop3A_1243 = arith.index_cast %parallel_loop3A_1224 : i32 to index
      %parallel_loop3A_1244 = arith.index_cast %parallel_loop3A_1242 : i32 to index
      %parallel_loop3A_1245 = tpu.vector_load %arg5[%parallel_loop3A_1243, %parallel_loop3A_1244] {strides = array<i32>} : memref<8x2048xf32, #tpu.memory_space<vmem>>, vector<1x16xf32>,
      %parallel_loop3A_1246 = vector.shape_cast %parallel_loop3A_1245 : vector<1x16xf32> to vector<16xf32>
      %parallel_loop3A_1247 = arith.index_cast %parallel_loop3A_1224 : i32 to index
      %parallel_loop3A_1248 = arith.index_cast %parallel_loop3A_1242 : i32 to index
      %parallel_loop3A_1249 = tpu.vector_load %arg11[%parallel_loop3A_1247, %parallel_loop3A_1248] {strides = array<i32>} : memref<8x2048xf32, #tpu.memory_space<vmem>>, vector<1x16xf32>,
      %parallel_loop3A_1250 = vector.shape_cast %parallel_loop3A_1249 : vector<1x16xf32> to vector<16xf32>
      %parallel_loop3A_1251 = arith.addf %parallel_loop3A_1246, %parallel_loop3A_1250 : vector<16xf32>
      %parallel_loop3A_1252 = arith.index_cast %parallel_loop3A_1224 : i32 to index
      %parallel_loop3A_1253 = arith.index_cast %parallel_loop3A_1242 : i32 to index
      %parallel_loop3A_1254 = tpu.vector_load %arg5[%parallel_loop3A_1252, %parallel_loop3A_1253] {strides = array<i32>} : memref<8x2048xf32, #tpu.memory_space<vmem>>, vector<1x16xf32>,
      %parallel_loop3A_1255 = vector.shape_cast %parallel_loop3A_1254 : vector<1x16xf32> to vector<16xf32>
      %parallel_loop3A_1256 = vector.shape_cast %parallel_loop3A_1251 : vector<16xf32> to vector<1x16xf32>
      tpu.vector_store %arg5[%parallel_loop3A_1252, %parallel_loop3A_1253], %parallel_loop3A_1256 {strides = array<i32>} : memref<8x2048xf32, #tpu.memory_space<vmem>>, vector<1x16xf32>,
    } {sc.loop_unroll_factor = 8 : i64, sc.parallel_access}
    %add3A_610 = arith.constant 24 : i32
    %add3A_611 = arith.addi %mul3A_2, %add3A_610 : i32
    %dma_start3A_612 = arith.constant 3 : i32
    %dma_start3A_613 = arith.constant 0 : i32
    %dma_start3A_614 = tpu.memref_slice %arg4[%dma_start3A_612, %add3A_611, %dma_start3A_613] : memref<4x2048x2048xf32, #tpu.memory_space<hbm>> -> memref<1x8x2048xf32, #tpu.memory_space<hbm>>
    %dma_start3A_615 = tpu.memref_squeeze %dma_start3A_614 : memref<1x8x2048xf32, #tpu.memory_space<hbm>> -> memref<8x2048xf32, #tpu.memory_space<hbm>>
    %dma_start3A_616 = arith.constant 0 : i32
    %dma_start3A_617 = tpu.memref_slice %arg4[%dma_start3A_612, %add3A_611, %dma_start3A_616] : memref<4x2048x2048xf32, #tpu.memory_space<hbm>> -> memref<1x8x2048xf32, #tpu.memory_space<hbm>>
    %dma_start3A_618 = tpu.memref_squeeze %dma_start3A_617 : memref<1x8x2048xf32, #tpu.memory_space<hbm>> -> memref<8x2048xf32, #tpu.memory_space<hbm>>
    tpu.enqueue_dma source(%arg5 : memref<8x2048xf32, #tpu.memory_space<vmem>>) target(%dma_start3A_618 : memref<8x2048xf32, #tpu.memory_space<hbm>>) target_semaphore(%arg17 : memref<!tpu.dma_semaphore, #tpu.memory_space<semaphore_mem>>)
    %dma_wait3A_619 = arith.constant 2 : i32
    %dma_wait3A_620 = arith.constant 0 : i32
    %dma_wait3A_621 = tpu.memref_slice %arg4[%dma_wait3A_619, %add3A_576, %dma_wait3A_620] : memref<4x2048x2048xf32, #tpu.memory_space<hbm>> -> memref<1x8x2048xf32, #tpu.memory_space<hbm>>
    %dma_wait3A_622 = tpu.memref_squeeze %dma_wait3A_621 : memref<1x8x2048xf32, #tpu.memory_space<hbm>> -> memref<8x2048xf32, #tpu.memory_space<hbm>>
    %dma_wait3A_623 = arith.constant 0 : i32
    %dma_wait3A_624 = tpu.memref_slice %arg4[%dma_wait3A_619, %add3A_576, %dma_wait3A_623] : memref<4x2048x2048xf32, #tpu.memory_space<hbm>> -> memref<1x8x2048xf32, #tpu.memory_space<hbm>>
    %dma_wait3A_625 = tpu.memref_squeeze %dma_wait3A_624 : memref<1x8x2048xf32, #tpu.memory_space<hbm>> -> memref<8x2048xf32, #tpu.memory_space<hbm>>
    tpu.wait_dma2 semaphore(%arg21 : memref<!tpu.dma_semaphore, #tpu.memory_space<semaphore_mem>>) src(%arg9 : memref<8x2048xf32, #tpu.memory_space<vmem>>) dst(%dma_wait3A_625 : memref<8x2048xf32, #tpu.memory_space<hbm>>)
    %add3A_626 = arith.constant 32 : i32
    %add3A_627 = arith.addi %mul3A_2, %add3A_626 : i32
    %dma_start3A_628 = arith.constant 3 : i32
    %dma_start3A_629 = arith.constant 0 : i32
    %dma_start3A_630 = tpu.memref_slice %arg2[%dma_start3A_628, %add3A_627, %dma_start3A_629] : memref<4x2048x2048xf32, #tpu.memory_space<hbm>> -> memref<1x8x2048xf32, #tpu.memory_space<hbm>>
    %dma_start3A_631 = tpu.memref_squeeze %dma_start3A_630 : memref<1x8x2048xf32, #tpu.memory_space<hbm>> -> memref<8x2048xf32, #tpu.memory_space<hbm>>
    %dma_start3A_632 = arith.constant 0 : i32
    %dma_start3A_633 = tpu.memref_slice %arg2[%dma_start3A_628, %add3A_627, %dma_start3A_632] : memref<4x2048x2048xf32, #tpu.memory_space<hbm>> -> memref<1x8x2048xf32, #tpu.memory_space<hbm>>
    %dma_start3A_634 = tpu.memref_squeeze %dma_start3A_633 : memref<1x8x2048xf32, #tpu.memory_space<hbm>> -> memref<8x2048xf32, #tpu.memory_space<hbm>>
    tpu.enqueue_dma source(%dma_start3A_634 : memref<8x2048xf32, #tpu.memory_space<hbm>>) target(%arg9 : memref<8x2048xf32, #tpu.memory_space<vmem>>) target_semaphore(%arg16 : memref<!tpu.dma_semaphore, #tpu.memory_space<semaphore_mem>>)
    %add3A_635 = arith.constant 40 : i32
    %add3A_636 = arith.addi %mul3A_2, %add3A_635 : i32
    %dma_start3A_637 = arith.constant 0 : i32
    %dma_start3A_638 = tpu.memref_slice %arg3[%add3A_636, %dma_start3A_637] : memref<2048x2048xf32, #tpu.memory_space<hbm>> -> memref<8x2048xf32, #tpu.memory_space<hbm>>
    %dma_start3A_639 = arith.constant 0 : i32
    %dma_start3A_640 = tpu.memref_slice %arg3[%add3A_636, %dma_start3A_639] : memref<2048x2048xf32, #tpu.memory_space<hbm>> -> memref<8x2048xf32, #tpu.memory_space<hbm>>
    tpu.enqueue_dma source(%dma_start3A_640 : memref<8x2048xf32, #tpu.memory_space<hbm>>) target(%arg11 : memref<8x2048xf32, #tpu.memory_space<vmem>>) target_semaphore(%arg23 : memref<!tpu.dma_semaphore, #tpu.memory_space<semaphore_mem>>)
    %dma_wait3A_641 = arith.constant 0 : i32
    %dma_wait3A_642 = tpu.memref_slice %arg3[%add3A_486, %dma_wait3A_641] : memref<2048x2048xf32, #tpu.memory_space<hbm>> -> memref<8x2048xf32, #tpu.memory_space<hbm>>
    %dma_wait3A_643 = arith.constant 0 : i32
    %dma_wait3A_644 = tpu.memref_slice %arg3[%add3A_486, %dma_wait3A_643] : memref<2048x2048xf32, #tpu.memory_space<hbm>> -> memref<8x2048xf32, #tpu.memory_space<hbm>>
    tpu.wait_dma2 semaphore(%arg22 : memref<!tpu.dma_semaphore, #tpu.memory_space<semaphore_mem>>) src(%dma_wait3A_644 : memref<8x2048xf32, #tpu.memory_space<hbm>>) dst(%arg10 : memref<8x2048xf32, #tpu.memory_space<vmem>>)
    %dma_wait3A_645 = arith.constant 0 : i32
    %dma_wait3A_646 = arith.constant 0 : i32
    %dma_wait3A_647 = tpu.memref_slice %arg2[%dma_wait3A_645, %add3A_522, %dma_wait3A_646] : memref<4x2048x2048xf32, #tpu.memory_space<hbm>> -> memref<1x8x2048xf32, #tpu.memory_space<hbm>>
    %dma_wait3A_648 = tpu.memref_squeeze %dma_wait3A_647 : memref<1x8x2048xf32, #tpu.memory_space<hbm>> -> memref<8x2048xf32, #tpu.memory_space<hbm>>
    %dma_wait3A_649 = arith.constant 0 : i32
    %dma_wait3A_650 = tpu.memref_slice %arg2[%dma_wait3A_645, %add3A_522, %dma_wait3A_649] : memref<4x2048x2048xf32, #tpu.memory_space<hbm>> -> memref<1x8x2048xf32, #tpu.memory_space<hbm>>
    %dma_wait3A_651 = tpu.memref_squeeze %dma_wait3A_650 : memref<1x8x2048xf32, #tpu.memory_space<hbm>> -> memref<8x2048xf32, #tpu.memory_space<hbm>>
    tpu.wait_dma2 semaphore(%arg13 : memref<!tpu.dma_semaphore, #tpu.memory_space<semaphore_mem>>) src(%dma_wait3A_651 : memref<8x2048xf32, #tpu.memory_space<hbm>>) dst(%arg6 : memref<8x2048xf32, #tpu.memory_space<vmem>>)
    %parallel_loop3A_652 = arith.constant 0 : i32
    %parallel_loop3A_653 = arith.constant 1024 : i32
    %parallel_loop3A_654 = arith.constant 1 : i32
    scf.for %parallel_loop3A_1200 = %parallel_loop3A_652 to %parallel_loop3A_653 step %parallel_loop3A_654  : i32 {
      %parallel_loop3A_1201 = arith.constant 128 : i32
      %parallel_loop3A_1202 = arith.divsi %parallel_loop3A_1200, %parallel_loop3A_1201 : i32
      %parallel_loop3A_1203 = arith.constant 0 : i32
      %parallel_loop3A_1204 = arith.cmpi sgt, %parallel_loop3A_1200, %parallel_loop3A_1203 : i32
      %parallel_loop3A_1205 = arith.extui %parallel_loop3A_1204 : i1 to i32
      %parallel_loop3A_1206 = arith.constant 0 : i32
      %parallel_loop3A_1207 = arith.cmpi slt, %parallel_loop3A_1200, %parallel_loop3A_1206 : i32
      %parallel_loop3A_1208 = arith.extui %parallel_loop3A_1207 : i1 to i32
      %parallel_loop3A_1209 = arith.subi %parallel_loop3A_1205, %parallel_loop3A_1208 : i32
      %parallel_loop3A_1210 = arith.constant 0 : i32
      %parallel_loop3A_1211 = arith.cmpi sgt, %parallel_loop3A_1201, %parallel_loop3A_1210 : i32
      %parallel_loop3A_1212 = arith.extui %parallel_loop3A_1211 : i1 to i32
      %parallel_loop3A_1213 = arith.constant 0 : i32
      %parallel_loop3A_1214 = arith.cmpi slt, %parallel_loop3A_1201, %parallel_loop3A_1213 : i32
      %parallel_loop3A_1215 = arith.extui %parallel_loop3A_1214 : i1 to i32
      %parallel_loop3A_1216 = arith.subi %parallel_loop3A_1212, %parallel_loop3A_1215 : i32
      %parallel_loop3A_1217 = arith.cmpi ne, %parallel_loop3A_1209, %parallel_loop3A_1216 : i32
      %parallel_loop3A_1218 = arith.remsi %parallel_loop3A_1200, %parallel_loop3A_1201 : i32
      %parallel_loop3A_1219 = arith.constant 0 : i32
      %parallel_loop3A_1220 = arith.cmpi ne, %parallel_loop3A_1218, %parallel_loop3A_1219 : i32
      %parallel_loop3A_1221 = arith.andi %parallel_loop3A_1217, %parallel_loop3A_1220 : i1
      %parallel_loop3A_1222 = arith.constant 1 : i32
      %parallel_loop3A_1223 = arith.subi %parallel_loop3A_1202, %parallel_loop3A_1222 : i32
      %parallel_loop3A_1224 = arith.select %parallel_loop3A_1221, %parallel_loop3A_1223, %parallel_loop3A_1202 : i32
      %parallel_loop3A_1225 = arith.constant 128 : i32
      %parallel_loop3A_1226 = arith.constant 0 : i32
      %parallel_loop3A_1227 = arith.cmpi eq, %parallel_loop3A_1225, %parallel_loop3A_1226 : i32
      %parallel_loop3A_1228 = arith.constant 1 : i32
      %parallel_loop3A_1229 = arith.select %parallel_loop3A_1227, %parallel_loop3A_1228, %parallel_loop3A_1225 : i32
      %parallel_loop3A_1230 = arith.remsi %parallel_loop3A_1200, %parallel_loop3A_1229 : i32
      %parallel_loop3A_1231 = arith.constant 0 : i32
      %parallel_loop3A_1232 = arith.cmpi ne, %parallel_loop3A_1230, %parallel_loop3A_1231 : i32
      %parallel_loop3A_1233 = arith.constant 0 : i32
      %parallel_loop3A_1234 = arith.cmpi slt, %parallel_loop3A_1230, %parallel_loop3A_1233 : i32
      %parallel_loop3A_1235 = arith.constant 0 : i32
      %parallel_loop3A_1236 = arith.cmpi slt, %parallel_loop3A_1229, %parallel_loop3A_1235 : i32
      %parallel_loop3A_1237 = arith.xori %parallel_loop3A_1234, %parallel_loop3A_1236 : i1
      %parallel_loop3A_1238 = arith.andi %parallel_loop3A_1237, %parallel_loop3A_1232 : i1
      %parallel_loop3A_1239 = arith.addi %parallel_loop3A_1230, %parallel_loop3A_1229 : i32
      %parallel_loop3A_1240 = arith.select %parallel_loop3A_1238, %parallel_loop3A_1239, %parallel_loop3A_1230 : i32
      %parallel_loop3A_1241 = arith.constant 16 : i32
      %parallel_loop3A_1242 = arith.muli %parallel_loop3A_1240, %parallel_loop3A_1241 : i32
      %parallel_loop3A_1243 = arith.index_cast %parallel_loop3A_1224 : i32 to index
      %parallel_loop3A_1244 = arith.index_cast %parallel_loop3A_1242 : i32 to index
      %parallel_loop3A_1245 = tpu.vector_load %arg6[%parallel_loop3A_1243, %parallel_loop3A_1244] {strides = array<i32>} : memref<8x2048xf32, #tpu.memory_space<vmem>>, vector<1x16xf32>,
      %parallel_loop3A_1246 = vector.shape_cast %parallel_loop3A_1245 : vector<1x16xf32> to vector<16xf32>
      %parallel_loop3A_1247 = arith.index_cast %parallel_loop3A_1224 : i32 to index
      %parallel_loop3A_1248 = arith.index_cast %parallel_loop3A_1242 : i32 to index
      %parallel_loop3A_1249 = tpu.vector_load %arg10[%parallel_loop3A_1247, %parallel_loop3A_1248] {strides = array<i32>} : memref<8x2048xf32, #tpu.memory_space<vmem>>, vector<1x16xf32>,
      %parallel_loop3A_1250 = vector.shape_cast %parallel_loop3A_1249 : vector<1x16xf32> to vector<16xf32>
      %parallel_loop3A_1251 = arith.addf %parallel_loop3A_1246, %parallel_loop3A_1250 : vector<16xf32>
      %parallel_loop3A_1252 = arith.index_cast %parallel_loop3A_1224 : i32 to index
      %parallel_loop3A_1253 = arith.index_cast %parallel_loop3A_1242 : i32 to index
      %parallel_loop3A_1254 = tpu.vector_load %arg6[%parallel_loop3A_1252, %parallel_loop3A_1253] {strides = array<i32>} : memref<8x2048xf32, #tpu.memory_space<vmem>>, vector<1x16xf32>,
      %parallel_loop3A_1255 = vector.shape_cast %parallel_loop3A_1254 : vector<1x16xf32> to vector<16xf32>
      %parallel_loop3A_1256 = vector.shape_cast %parallel_loop3A_1251 : vector<16xf32> to vector<1x16xf32>
      tpu.vector_store %arg6[%parallel_loop3A_1252, %parallel_loop3A_1253], %parallel_loop3A_1256 {strides = array<i32>} : memref<8x2048xf32, #tpu.memory_space<vmem>>, vector<1x16xf32>,
    } {sc.loop_unroll_factor = 8 : i64, sc.parallel_access}
    %add3A_655 = arith.constant 32 : i32
    %add3A_656 = arith.addi %mul3A_2, %add3A_655 : i32
    %dma_start3A_657 = arith.constant 0 : i32
    %dma_start3A_658 = arith.constant 0 : i32
    %dma_start3A_659 = tpu.memref_slice %arg4[%dma_start3A_657, %add3A_656, %dma_start3A_658] : memref<4x2048x2048xf32, #tpu.memory_space<hbm>> -> memref<1x8x2048xf32, #tpu.memory_space<hbm>>
    %dma_start3A_660 = tpu.memref_squeeze %dma_start3A_659 : memref<1x8x2048xf32, #tpu.memory_space<hbm>> -> memref<8x2048xf32, #tpu.memory_space<hbm>>
    %dma_start3A_661 = arith.constant 0 : i32
    %dma_start3A_662 = tpu.memref_slice %arg4[%dma_start3A_657, %add3A_656, %dma_start3A_661] : memref<4x2048x2048xf32, #tpu.memory_space<hbm>> -> memref<1x8x2048xf32, #tpu.memory_space<hbm>>
    %dma_start3A_663 = tpu.memref_squeeze %dma_start3A_662 : memref<1x8x2048xf32, #tpu.memory_space<hbm>> -> memref<8x2048xf32, #tpu.memory_space<hbm>>
    tpu.enqueue_dma source(%arg6 : memref<8x2048xf32, #tpu.memory_space<vmem>>) target(%dma_start3A_663 : memref<8x2048xf32, #tpu.memory_space<hbm>>) target_semaphore(%arg18 : memref<!tpu.dma_semaphore, #tpu.memory_space<semaphore_mem>>)
    %dma_wait3A_664 = arith.constant 3 : i32
    %dma_wait3A_665 = arith.constant 0 : i32
    %dma_wait3A_666 = tpu.memref_slice %arg4[%dma_wait3A_664, %add3A_611, %dma_wait3A_665] : memref<4x2048x2048xf32, #tpu.memory_space<hbm>> -> memref<1x8x2048xf32, #tpu.memory_space<hbm>>
    %dma_wait3A_667 = tpu.memref_squeeze %dma_wait3A_666 : memref<1x8x2048xf32, #tpu.memory_space<hbm>> -> memref<8x2048xf32, #tpu.memory_space<hbm>>
    %dma_wait3A_668 = arith.constant 0 : i32
    %dma_wait3A_669 = tpu.memref_slice %arg4[%dma_wait3A_664, %add3A_611, %dma_wait3A_668] : memref<4x2048x2048xf32, #tpu.memory_space<hbm>> -> memref<1x8x2048xf32, #tpu.memory_space<hbm>>
    %dma_wait3A_670 = tpu.memref_squeeze %dma_wait3A_669 : memref<1x8x2048xf32, #tpu.memory_space<hbm>> -> memref<8x2048xf32, #tpu.memory_space<hbm>>
    tpu.wait_dma2 semaphore(%arg17 : memref<!tpu.dma_semaphore, #tpu.memory_space<semaphore_mem>>) src(%arg5 : memref<8x2048xf32, #tpu.memory_space<vmem>>) dst(%dma_wait3A_670 : memref<8x2048xf32, #tpu.memory_space<hbm>>)
    %add3A_671 = arith.constant 40 : i32
    %add3A_672 = arith.addi %mul3A_2, %add3A_671 : i32
    %dma_start3A_673 = arith.constant 0 : i32
    %dma_start3A_674 = arith.constant 0 : i32
    %dma_start3A_675 = tpu.memref_slice %arg2[%dma_start3A_673, %add3A_672, %dma_start3A_674] : memref<4x2048x2048xf32, #tpu.memory_space<hbm>> -> memref<1x8x2048xf32, #tpu.memory_space<hbm>>
    %dma_start3A_676 = tpu.memref_squeeze %dma_start3A_675 : memref<1x8x2048xf32, #tpu.memory_space<hbm>> -> memref<8x2048xf32, #tpu.memory_space<hbm>>
    %dma_start3A_677 = arith.constant 0 : i32
    %dma_start3A_678 = tpu.memref_slice %arg2[%dma_start3A_673, %add3A_672, %dma_start3A_677] : memref<4x2048x2048xf32, #tpu.memory_space<hbm>> -> memref<1x8x2048xf32, #tpu.memory_space<hbm>>
    %dma_start3A_679 = tpu.memref_squeeze %dma_start3A_678 : memref<1x8x2048xf32, #tpu.memory_space<hbm>> -> memref<8x2048xf32, #tpu.memory_space<hbm>>
    tpu.enqueue_dma source(%dma_start3A_679 : memref<8x2048xf32, #tpu.memory_space<hbm>>) target(%arg5 : memref<8x2048xf32, #tpu.memory_space<vmem>>) target_semaphore(%arg12 : memref<!tpu.dma_semaphore, #tpu.memory_space<semaphore_mem>>)
    %dma_wait3A_680 = arith.constant 1 : i32
    %dma_wait3A_681 = arith.constant 0 : i32
    %dma_wait3A_682 = tpu.memref_slice %arg2[%dma_wait3A_680, %add3A_557, %dma_wait3A_681] : memref<4x2048x2048xf32, #tpu.memory_space<hbm>> -> memref<1x8x2048xf32, #tpu.memory_space<hbm>>
    %dma_wait3A_683 = tpu.memref_squeeze %dma_wait3A_682 : memref<1x8x2048xf32, #tpu.memory_space<hbm>> -> memref<8x2048xf32, #tpu.memory_space<hbm>>
    %dma_wait3A_684 = arith.constant 0 : i32
    %dma_wait3A_685 = tpu.memref_slice %arg2[%dma_wait3A_680, %add3A_557, %dma_wait3A_684] : memref<4x2048x2048xf32, #tpu.memory_space<hbm>> -> memref<1x8x2048xf32, #tpu.memory_space<hbm>>
    %dma_wait3A_686 = tpu.memref_squeeze %dma_wait3A_685 : memref<1x8x2048xf32, #tpu.memory_space<hbm>> -> memref<8x2048xf32, #tpu.memory_space<hbm>>
    tpu.wait_dma2 semaphore(%arg14 : memref<!tpu.dma_semaphore, #tpu.memory_space<semaphore_mem>>) src(%dma_wait3A_686 : memref<8x2048xf32, #tpu.memory_space<hbm>>) dst(%arg7 : memref<8x2048xf32, #tpu.memory_space<vmem>>)
    %parallel_loop3A_687 = arith.constant 0 : i32
    %parallel_loop3A_688 = arith.constant 1024 : i32
    %parallel_loop3A_689 = arith.constant 1 : i32
    scf.for %parallel_loop3A_1200 = %parallel_loop3A_687 to %parallel_loop3A_688 step %parallel_loop3A_689  : i32 {
      %parallel_loop3A_1201 = arith.constant 128 : i32
      %parallel_loop3A_1202 = arith.divsi %parallel_loop3A_1200, %parallel_loop3A_1201 : i32
      %parallel_loop3A_1203 = arith.constant 0 : i32
      %parallel_loop3A_1204 = arith.cmpi sgt, %parallel_loop3A_1200, %parallel_loop3A_1203 : i32
      %parallel_loop3A_1205 = arith.extui %parallel_loop3A_1204 : i1 to i32
      %parallel_loop3A_1206 = arith.constant 0 : i32
      %parallel_loop3A_1207 = arith.cmpi slt, %parallel_loop3A_1200, %parallel_loop3A_1206 : i32
      %parallel_loop3A_1208 = arith.extui %parallel_loop3A_1207 : i1 to i32
      %parallel_loop3A_1209 = arith.subi %parallel_loop3A_1205, %parallel_loop3A_1208 : i32
      %parallel_loop3A_1210 = arith.constant 0 : i32
      %parallel_loop3A_1211 = arith.cmpi sgt, %parallel_loop3A_1201, %parallel_loop3A_1210 : i32
      %parallel_loop3A_1212 = arith.extui %parallel_loop3A_1211 : i1 to i32
      %parallel_loop3A_1213 = arith.constant 0 : i32
      %parallel_loop3A_1214 = arith.cmpi slt, %parallel_loop3A_1201, %parallel_loop3A_1213 : i32
      %parallel_loop3A_1215 = arith.extui %parallel_loop3A_1214 : i1 to i32
      %parallel_loop3A_1216 = arith.subi %parallel_loop3A_1212, %parallel_loop3A_1215 : i32
      %parallel_loop3A_1217 = arith.cmpi ne, %parallel_loop3A_1209, %parallel_loop3A_1216 : i32
      %parallel_loop3A_1218 = arith.remsi %parallel_loop3A_1200, %parallel_loop3A_1201 : i32
      %parallel_loop3A_1219 = arith.constant 0 : i32
      %parallel_loop3A_1220 = arith.cmpi ne, %parallel_loop3A_1218, %parallel_loop3A_1219 : i32
      %parallel_loop3A_1221 = arith.andi %parallel_loop3A_1217, %parallel_loop3A_1220 : i1
      %parallel_loop3A_1222 = arith.constant 1 : i32
      %parallel_loop3A_1223 = arith.subi %parallel_loop3A_1202, %parallel_loop3A_1222 : i32
      %parallel_loop3A_1224 = arith.select %parallel_loop3A_1221, %parallel_loop3A_1223, %parallel_loop3A_1202 : i32
      %parallel_loop3A_1225 = arith.constant 128 : i32
      %parallel_loop3A_1226 = arith.constant 0 : i32
      %parallel_loop3A_1227 = arith.cmpi eq, %parallel_loop3A_1225, %parallel_loop3A_1226 : i32
      %parallel_loop3A_1228 = arith.constant 1 : i32
      %parallel_loop3A_1229 = arith.select %parallel_loop3A_1227, %parallel_loop3A_1228, %parallel_loop3A_1225 : i32
      %parallel_loop3A_1230 = arith.remsi %parallel_loop3A_1200, %parallel_loop3A_1229 : i32
      %parallel_loop3A_1231 = arith.constant 0 : i32
      %parallel_loop3A_1232 = arith.cmpi ne, %parallel_loop3A_1230, %parallel_loop3A_1231 : i32
      %parallel_loop3A_1233 = arith.constant 0 : i32
      %parallel_loop3A_1234 = arith.cmpi slt, %parallel_loop3A_1230, %parallel_loop3A_1233 : i32
      %parallel_loop3A_1235 = arith.constant 0 : i32
      %parallel_loop3A_1236 = arith.cmpi slt, %parallel_loop3A_1229, %parallel_loop3A_1235 : i32
      %parallel_loop3A_1237 = arith.xori %parallel_loop3A_1234, %parallel_loop3A_1236 : i1
      %parallel_loop3A_1238 = arith.andi %parallel_loop3A_1237, %parallel_loop3A_1232 : i1
      %parallel_loop3A_1239 = arith.addi %parallel_loop3A_1230, %parallel_loop3A_1229 : i32
      %parallel_loop3A_1240 = arith.select %parallel_loop3A_1238, %parallel_loop3A_1239, %parallel_loop3A_1230 : i32
      %parallel_loop3A_1241 = arith.constant 16 : i32
      %parallel_loop3A_1242 = arith.muli %parallel_loop3A_1240, %parallel_loop3A_1241 : i32
      %parallel_loop3A_1243 = arith.index_cast %parallel_loop3A_1224 : i32 to index
      %parallel_loop3A_1244 = arith.index_cast %parallel_loop3A_1242 : i32 to index
      %parallel_loop3A_1245 = tpu.vector_load %arg7[%parallel_loop3A_1243, %parallel_loop3A_1244] {strides = array<i32>} : memref<8x2048xf32, #tpu.memory_space<vmem>>, vector<1x16xf32>,
      %parallel_loop3A_1246 = vector.shape_cast %parallel_loop3A_1245 : vector<1x16xf32> to vector<16xf32>
      %parallel_loop3A_1247 = arith.index_cast %parallel_loop3A_1224 : i32 to index
      %parallel_loop3A_1248 = arith.index_cast %parallel_loop3A_1242 : i32 to index
      %parallel_loop3A_1249 = tpu.vector_load %arg10[%parallel_loop3A_1247, %parallel_loop3A_1248] {strides = array<i32>} : memref<8x2048xf32, #tpu.memory_space<vmem>>, vector<1x16xf32>,
      %parallel_loop3A_1250 = vector.shape_cast %parallel_loop3A_1249 : vector<1x16xf32> to vector<16xf32>
      %parallel_loop3A_1251 = arith.addf %parallel_loop3A_1246, %parallel_loop3A_1250 : vector<16xf32>
      %parallel_loop3A_1252 = arith.index_cast %parallel_loop3A_1224 : i32 to index
      %parallel_loop3A_1253 = arith.index_cast %parallel_loop3A_1242 : i32 to index
      %parallel_loop3A_1254 = tpu.vector_load %arg7[%parallel_loop3A_1252, %parallel_loop3A_1253] {strides = array<i32>} : memref<8x2048xf32, #tpu.memory_space<vmem>>, vector<1x16xf32>,
      %parallel_loop3A_1255 = vector.shape_cast %parallel_loop3A_1254 : vector<1x16xf32> to vector<16xf32>
      %parallel_loop3A_1256 = vector.shape_cast %parallel_loop3A_1251 : vector<16xf32> to vector<1x16xf32>
      tpu.vector_store %arg7[%parallel_loop3A_1252, %parallel_loop3A_1253], %parallel_loop3A_1256 {strides = array<i32>} : memref<8x2048xf32, #tpu.memory_space<vmem>>, vector<1x16xf32>,
    } {sc.loop_unroll_factor = 8 : i64, sc.parallel_access}
    %add3A_690 = arith.constant 32 : i32
    %add3A_691 = arith.addi %mul3A_2, %add3A_690 : i32
    %dma_start3A_692 = arith.constant 1 : i32
    %dma_start3A_693 = arith.constant 0 : i32
    %dma_start3A_694 = tpu.memref_slice %arg4[%dma_start3A_692, %add3A_691, %dma_start3A_693] : memref<4x2048x2048xf32, #tpu.memory_space<hbm>> -> memref<1x8x2048xf32, #tpu.memory_space<hbm>>
    %dma_start3A_695 = tpu.memref_squeeze %dma_start3A_694 : memref<1x8x2048xf32, #tpu.memory_space<hbm>> -> memref<8x2048xf32, #tpu.memory_space<hbm>>
    %dma_start3A_696 = arith.constant 0 : i32
    %dma_start3A_697 = tpu.memref_slice %arg4[%dma_start3A_692, %add3A_691, %dma_start3A_696] : memref<4x2048x2048xf32, #tpu.memory_space<hbm>> -> memref<1x8x2048xf32, #tpu.memory_space<hbm>>
    %dma_start3A_698 = tpu.memref_squeeze %dma_start3A_697 : memref<1x8x2048xf32, #tpu.memory_space<hbm>> -> memref<8x2048xf32, #tpu.memory_space<hbm>>
    tpu.enqueue_dma source(%arg7 : memref<8x2048xf32, #tpu.memory_space<vmem>>) target(%dma_start3A_698 : memref<8x2048xf32, #tpu.memory_space<hbm>>) target_semaphore(%arg19 : memref<!tpu.dma_semaphore, #tpu.memory_space<semaphore_mem>>)
    %dma_wait3A_699 = arith.constant 0 : i32
    %dma_wait3A_700 = arith.constant 0 : i32
    %dma_wait3A_701 = tpu.memref_slice %arg4[%dma_wait3A_699, %add3A_656, %dma_wait3A_700] : memref<4x2048x2048xf32, #tpu.memory_space<hbm>> -> memref<1x8x2048xf32, #tpu.memory_space<hbm>>
    %dma_wait3A_702 = tpu.memref_squeeze %dma_wait3A_701 : memref<1x8x2048xf32, #tpu.memory_space<hbm>> -> memref<8x2048xf32, #tpu.memory_space<hbm>>
    %dma_wait3A_703 = arith.constant 0 : i32
    %dma_wait3A_704 = tpu.memref_slice %arg4[%dma_wait3A_699, %add3A_656, %dma_wait3A_703] : memref<4x2048x2048xf32, #tpu.memory_space<hbm>> -> memref<1x8x2048xf32, #tpu.memory_space<hbm>>
    %dma_wait3A_705 = tpu.memref_squeeze %dma_wait3A_704 : memref<1x8x2048xf32, #tpu.memory_space<hbm>> -> memref<8x2048xf32, #tpu.memory_space<hbm>>
    tpu.wait_dma2 semaphore(%arg18 : memref<!tpu.dma_semaphore, #tpu.memory_space<semaphore_mem>>) src(%arg6 : memref<8x2048xf32, #tpu.memory_space<vmem>>) dst(%dma_wait3A_705 : memref<8x2048xf32, #tpu.memory_space<hbm>>)
    %add3A_706 = arith.constant 40 : i32
    %add3A_707 = arith.addi %mul3A_2, %add3A_706 : i32
    %dma_start3A_708 = arith.constant 1 : i32
    %dma_start3A_709 = arith.constant 0 : i32
    %dma_start3A_710 = tpu.memref_slice %arg2[%dma_start3A_708, %add3A_707, %dma_start3A_709] : memref<4x2048x2048xf32, #tpu.memory_space<hbm>> -> memref<1x8x2048xf32, #tpu.memory_space<hbm>>
    %dma_start3A_711 = tpu.memref_squeeze %dma_start3A_710 : memref<1x8x2048xf32, #tpu.memory_space<hbm>> -> memref<8x2048xf32, #tpu.memory_space<hbm>>
    %dma_start3A_712 = arith.constant 0 : i32
    %dma_start3A_713 = tpu.memref_slice %arg2[%dma_start3A_708, %add3A_707, %dma_start3A_712] : memref<4x2048x2048xf32, #tpu.memory_space<hbm>> -> memref<1x8x2048xf32, #tpu.memory_space<hbm>>
    %dma_start3A_714 = tpu.memref_squeeze %dma_start3A_713 : memref<1x8x2048xf32, #tpu.memory_space<hbm>> -> memref<8x2048xf32, #tpu.memory_space<hbm>>
    tpu.enqueue_dma source(%dma_start3A_714 : memref<8x2048xf32, #tpu.memory_space<hbm>>) target(%arg6 : memref<8x2048xf32, #tpu.memory_space<vmem>>) target_semaphore(%arg13 : memref<!tpu.dma_semaphore, #tpu.memory_space<semaphore_mem>>)
    %dma_wait3A_715 = arith.constant 2 : i32
    %dma_wait3A_716 = arith.constant 0 : i32
    %dma_wait3A_717 = tpu.memref_slice %arg2[%dma_wait3A_715, %add3A_592, %dma_wait3A_716] : memref<4x2048x2048xf32, #tpu.memory_space<hbm>> -> memref<1x8x2048xf32, #tpu.memory_space<hbm>>
    %dma_wait3A_718 = tpu.memref_squeeze %dma_wait3A_717 : memref<1x8x2048xf32, #tpu.memory_space<hbm>> -> memref<8x2048xf32, #tpu.memory_space<hbm>>
    %dma_wait3A_719 = arith.constant 0 : i32
    %dma_wait3A_720 = tpu.memref_slice %arg2[%dma_wait3A_715, %add3A_592, %dma_wait3A_719] : memref<4x2048x2048xf32, #tpu.memory_space<hbm>> -> memref<1x8x2048xf32, #tpu.memory_space<hbm>>
    %dma_wait3A_721 = tpu.memref_squeeze %dma_wait3A_720 : memref<1x8x2048xf32, #tpu.memory_space<hbm>> -> memref<8x2048xf32, #tpu.memory_space<hbm>>
    tpu.wait_dma2 semaphore(%arg15 : memref<!tpu.dma_semaphore, #tpu.memory_space<semaphore_mem>>) src(%dma_wait3A_721 : memref<8x2048xf32, #tpu.memory_space<hbm>>) dst(%arg8 : memref<8x2048xf32, #tpu.memory_space<vmem>>)
    %parallel_loop3A_722 = arith.constant 0 : i32
    %parallel_loop3A_723 = arith.constant 1024 : i32
    %parallel_loop3A_724 = arith.constant 1 : i32
    scf.for %parallel_loop3A_1200 = %parallel_loop3A_722 to %parallel_loop3A_723 step %parallel_loop3A_724  : i32 {
      %parallel_loop3A_1201 = arith.constant 128 : i32
      %parallel_loop3A_1202 = arith.divsi %parallel_loop3A_1200, %parallel_loop3A_1201 : i32
      %parallel_loop3A_1203 = arith.constant 0 : i32
      %parallel_loop3A_1204 = arith.cmpi sgt, %parallel_loop3A_1200, %parallel_loop3A_1203 : i32
      %parallel_loop3A_1205 = arith.extui %parallel_loop3A_1204 : i1 to i32
      %parallel_loop3A_1206 = arith.constant 0 : i32
      %parallel_loop3A_1207 = arith.cmpi slt, %parallel_loop3A_1200, %parallel_loop3A_1206 : i32
      %parallel_loop3A_1208 = arith.extui %parallel_loop3A_1207 : i1 to i32
      %parallel_loop3A_1209 = arith.subi %parallel_loop3A_1205, %parallel_loop3A_1208 : i32
      %parallel_loop3A_1210 = arith.constant 0 : i32
      %parallel_loop3A_1211 = arith.cmpi sgt, %parallel_loop3A_1201, %parallel_loop3A_1210 : i32
      %parallel_loop3A_1212 = arith.extui %parallel_loop3A_1211 : i1 to i32
      %parallel_loop3A_1213 = arith.constant 0 : i32
      %parallel_loop3A_1214 = arith.cmpi slt, %parallel_loop3A_1201, %parallel_loop3A_1213 : i32
      %parallel_loop3A_1215 = arith.extui %parallel_loop3A_1214 : i1 to i32
      %parallel_loop3A_1216 = arith.subi %parallel_loop3A_1212, %parallel_loop3A_1215 : i32
      %parallel_loop3A_1217 = arith.cmpi ne, %parallel_loop3A_1209, %parallel_loop3A_1216 : i32
      %parallel_loop3A_1218 = arith.remsi %parallel_loop3A_1200, %parallel_loop3A_1201 : i32
      %parallel_loop3A_1219 = arith.constant 0 : i32
      %parallel_loop3A_1220 = arith.cmpi ne, %parallel_loop3A_1218, %parallel_loop3A_1219 : i32
      %parallel_loop3A_1221 = arith.andi %parallel_loop3A_1217, %parallel_loop3A_1220 : i1
      %parallel_loop3A_1222 = arith.constant 1 : i32
      %parallel_loop3A_1223 = arith.subi %parallel_loop3A_1202, %parallel_loop3A_1222 : i32
      %parallel_loop3A_1224 = arith.select %parallel_loop3A_1221, %parallel_loop3A_1223, %parallel_loop3A_1202 : i32
      %parallel_loop3A_1225 = arith.constant 128 : i32
      %parallel_loop3A_1226 = arith.constant 0 : i32
      %parallel_loop3A_1227 = arith.cmpi eq, %parallel_loop3A_1225, %parallel_loop3A_1226 : i32
      %parallel_loop3A_1228 = arith.constant 1 : i32
      %parallel_loop3A_1229 = arith.select %parallel_loop3A_1227, %parallel_loop3A_1228, %parallel_loop3A_1225 : i32
      %parallel_loop3A_1230 = arith.remsi %parallel_loop3A_1200, %parallel_loop3A_1229 : i32
      %parallel_loop3A_1231 = arith.constant 0 : i32
      %parallel_loop3A_1232 = arith.cmpi ne, %parallel_loop3A_1230, %parallel_loop3A_1231 : i32
      %parallel_loop3A_1233 = arith.constant 0 : i32
      %parallel_loop3A_1234 = arith.cmpi slt, %parallel_loop3A_1230, %parallel_loop3A_1233 : i32
      %parallel_loop3A_1235 = arith.constant 0 : i32
      %parallel_loop3A_1236 = arith.cmpi slt, %parallel_loop3A_1229, %parallel_loop3A_1235 : i32
      %parallel_loop3A_1237 = arith.xori %parallel_loop3A_1234, %parallel_loop3A_1236 : i1
      %parallel_loop3A_1238 = arith.andi %parallel_loop3A_1237, %parallel_loop3A_1232 : i1
      %parallel_loop3A_1239 = arith.addi %parallel_loop3A_1230, %parallel_loop3A_1229 : i32
      %parallel_loop3A_1240 = arith.select %parallel_loop3A_1238, %parallel_loop3A_1239, %parallel_loop3A_1230 : i32
      %parallel_loop3A_1241 = arith.constant 16 : i32
      %parallel_loop3A_1242 = arith.muli %parallel_loop3A_1240, %parallel_loop3A_1241 : i32
      %parallel_loop3A_1243 = arith.index_cast %parallel_loop3A_1224 : i32 to index
      %parallel_loop3A_1244 = arith.index_cast %parallel_loop3A_1242 : i32 to index
      %parallel_loop3A_1245 = tpu.vector_load %arg8[%parallel_loop3A_1243, %parallel_loop3A_1244] {strides = array<i32>} : memref<8x2048xf32, #tpu.memory_space<vmem>>, vector<1x16xf32>,
      %parallel_loop3A_1246 = vector.shape_cast %parallel_loop3A_1245 : vector<1x16xf32> to vector<16xf32>
      %parallel_loop3A_1247 = arith.index_cast %parallel_loop3A_1224 : i32 to index
      %parallel_loop3A_1248 = arith.index_cast %parallel_loop3A_1242 : i32 to index
      %parallel_loop3A_1249 = tpu.vector_load %arg10[%parallel_loop3A_1247, %parallel_loop3A_1248] {strides = array<i32>} : memref<8x2048xf32, #tpu.memory_space<vmem>>, vector<1x16xf32>,
      %parallel_loop3A_1250 = vector.shape_cast %parallel_loop3A_1249 : vector<1x16xf32> to vector<16xf32>
      %parallel_loop3A_1251 = arith.addf %parallel_loop3A_1246, %parallel_loop3A_1250 : vector<16xf32>
      %parallel_loop3A_1252 = arith.index_cast %parallel_loop3A_1224 : i32 to index
      %parallel_loop3A_1253 = arith.index_cast %parallel_loop3A_1242 : i32 to index
      %parallel_loop3A_1254 = tpu.vector_load %arg8[%parallel_loop3A_1252, %parallel_loop3A_1253] {strides = array<i32>} : memref<8x2048xf32, #tpu.memory_space<vmem>>, vector<1x16xf32>,
      %parallel_loop3A_1255 = vector.shape_cast %parallel_loop3A_1254 : vector<1x16xf32> to vector<16xf32>
      %parallel_loop3A_1256 = vector.shape_cast %parallel_loop3A_1251 : vector<16xf32> to vector<1x16xf32>
      tpu.vector_store %arg8[%parallel_loop3A_1252, %parallel_loop3A_1253], %parallel_loop3A_1256 {strides = array<i32>} : memref<8x2048xf32, #tpu.memory_space<vmem>>, vector<1x16xf32>,
    } {sc.loop_unroll_factor = 8 : i64, sc.parallel_access}
    %add3A_725 = arith.constant 32 : i32
    %add3A_726 = arith.addi %mul3A_2, %add3A_725 : i32
    %dma_start3A_727 = arith.constant 2 : i32
    %dma_start3A_728 = arith.constant 0 : i32
    %dma_start3A_729 = tpu.memref_slice %arg4[%dma_start3A_727, %add3A_726, %dma_start3A_728] : memref<4x2048x2048xf32, #tpu.memory_space<hbm>> -> memref<1x8x2048xf32, #tpu.memory_space<hbm>>
    %dma_start3A_730 = tpu.memref_squeeze %dma_start3A_729 : memref<1x8x2048xf32, #tpu.memory_space<hbm>> -> memref<8x2048xf32, #tpu.memory_space<hbm>>
    %dma_start3A_731 = arith.constant 0 : i32
    %dma_start3A_732 = tpu.memref_slice %arg4[%dma_start3A_727, %add3A_726, %dma_start3A_731] : memref<4x2048x2048xf32, #tpu.memory_space<hbm>> -> memref<1x8x2048xf32, #tpu.memory_space<hbm>>
    %dma_start3A_733 = tpu.memref_squeeze %dma_start3A_732 : memref<1x8x2048xf32, #tpu.memory_space<hbm>> -> memref<8x2048xf32, #tpu.memory_space<hbm>>
    tpu.enqueue_dma source(%arg8 : memref<8x2048xf32, #tpu.memory_space<vmem>>) target(%dma_start3A_733 : memref<8x2048xf32, #tpu.memory_space<hbm>>) target_semaphore(%arg20 : memref<!tpu.dma_semaphore, #tpu.memory_space<semaphore_mem>>)
    %dma_wait3A_734 = arith.constant 1 : i32
    %dma_wait3A_735 = arith.constant 0 : i32
    %dma_wait3A_736 = tpu.memref_slice %arg4[%dma_wait3A_734, %add3A_691, %dma_wait3A_735] : memref<4x2048x2048xf32, #tpu.memory_space<hbm>> -> memref<1x8x2048xf32, #tpu.memory_space<hbm>>
    %dma_wait3A_737 = tpu.memref_squeeze %dma_wait3A_736 : memref<1x8x2048xf32, #tpu.memory_space<hbm>> -> memref<8x2048xf32, #tpu.memory_space<hbm>>
    %dma_wait3A_738 = arith.constant 0 : i32
    %dma_wait3A_739 = tpu.memref_slice %arg4[%dma_wait3A_734, %add3A_691, %dma_wait3A_738] : memref<4x2048x2048xf32, #tpu.memory_space<hbm>> -> memref<1x8x2048xf32, #tpu.memory_space<hbm>>
    %dma_wait3A_740 = tpu.memref_squeeze %dma_wait3A_739 : memref<1x8x2048xf32, #tpu.memory_space<hbm>> -> memref<8x2048xf32, #tpu.memory_space<hbm>>
    tpu.wait_dma2 semaphore(%arg19 : memref<!tpu.dma_semaphore, #tpu.memory_space<semaphore_mem>>) src(%arg7 : memref<8x2048xf32, #tpu.memory_space<vmem>>) dst(%dma_wait3A_740 : memref<8x2048xf32, #tpu.memory_space<hbm>>)
    %add3A_741 = arith.constant 40 : i32
    %add3A_742 = arith.addi %mul3A_2, %add3A_741 : i32
    %dma_start3A_743 = arith.constant 2 : i32
    %dma_start3A_744 = arith.constant 0 : i32
    %dma_start3A_745 = tpu.memref_slice %arg2[%dma_start3A_743, %add3A_742, %dma_start3A_744] : memref<4x2048x2048xf32, #tpu.memory_space<hbm>> -> memref<1x8x2048xf32, #tpu.memory_space<hbm>>
    %dma_start3A_746 = tpu.memref_squeeze %dma_start3A_745 : memref<1x8x2048xf32, #tpu.memory_space<hbm>> -> memref<8x2048xf32, #tpu.memory_space<hbm>>
    %dma_start3A_747 = arith.constant 0 : i32
    %dma_start3A_748 = tpu.memref_slice %arg2[%dma_start3A_743, %add3A_742, %dma_start3A_747] : memref<4x2048x2048xf32, #tpu.memory_space<hbm>> -> memref<1x8x2048xf32, #tpu.memory_space<hbm>>
    %dma_start3A_749 = tpu.memref_squeeze %dma_start3A_748 : memref<1x8x2048xf32, #tpu.memory_space<hbm>> -> memref<8x2048xf32, #tpu.memory_space<hbm>>
    tpu.enqueue_dma source(%dma_start3A_749 : memref<8x2048xf32, #tpu.memory_space<hbm>>) target(%arg7 : memref<8x2048xf32, #tpu.memory_space<vmem>>) target_semaphore(%arg14 : memref<!tpu.dma_semaphore, #tpu.memory_space<semaphore_mem>>)
    %dma_wait3A_750 = arith.constant 3 : i32
    %dma_wait3A_751 = arith.constant 0 : i32
    %dma_wait3A_752 = tpu.memref_slice %arg2[%dma_wait3A_750, %add3A_627, %dma_wait3A_751] : memref<4x2048x2048xf32, #tpu.memory_space<hbm>> -> memref<1x8x2048xf32, #tpu.memory_space<hbm>>
    %dma_wait3A_753 = tpu.memref_squeeze %dma_wait3A_752 : memref<1x8x2048xf32, #tpu.memory_space<hbm>> -> memref<8x2048xf32, #tpu.memory_space<hbm>>
    %dma_wait3A_754 = arith.constant 0 : i32
    %dma_wait3A_755 = tpu.memref_slice %arg2[%dma_wait3A_750, %add3A_627, %dma_wait3A_754] : memref<4x2048x2048xf32, #tpu.memory_space<hbm>> -> memref<1x8x2048xf32, #tpu.memory_space<hbm>>
    %dma_wait3A_756 = tpu.memref_squeeze %dma_wait3A_755 : memref<1x8x2048xf32, #tpu.memory_space<hbm>> -> memref<8x2048xf32, #tpu.memory_space<hbm>>
    tpu.wait_dma2 semaphore(%arg16 : memref<!tpu.dma_semaphore, #tpu.memory_space<semaphore_mem>>) src(%dma_wait3A_756 : memref<8x2048xf32, #tpu.memory_space<hbm>>) dst(%arg9 : memref<8x2048xf32, #tpu.memory_space<vmem>>)
    %parallel_loop3A_757 = arith.constant 0 : i32
    %parallel_loop3A_758 = arith.constant 1024 : i32
    %parallel_loop3A_759 = arith.constant 1 : i32
    scf.for %parallel_loop3A_1200 = %parallel_loop3A_757 to %parallel_loop3A_758 step %parallel_loop3A_759  : i32 {
      %parallel_loop3A_1201 = arith.constant 128 : i32
      %parallel_loop3A_1202 = arith.divsi %parallel_loop3A_1200, %parallel_loop3A_1201 : i32
      %parallel_loop3A_1203 = arith.constant 0 : i32
      %parallel_loop3A_1204 = arith.cmpi sgt, %parallel_loop3A_1200, %parallel_loop3A_1203 : i32
      %parallel_loop3A_1205 = arith.extui %parallel_loop3A_1204 : i1 to i32
      %parallel_loop3A_1206 = arith.constant 0 : i32
      %parallel_loop3A_1207 = arith.cmpi slt, %parallel_loop3A_1200, %parallel_loop3A_1206 : i32
      %parallel_loop3A_1208 = arith.extui %parallel_loop3A_1207 : i1 to i32
      %parallel_loop3A_1209 = arith.subi %parallel_loop3A_1205, %parallel_loop3A_1208 : i32
      %parallel_loop3A_1210 = arith.constant 0 : i32
      %parallel_loop3A_1211 = arith.cmpi sgt, %parallel_loop3A_1201, %parallel_loop3A_1210 : i32
      %parallel_loop3A_1212 = arith.extui %parallel_loop3A_1211 : i1 to i32
      %parallel_loop3A_1213 = arith.constant 0 : i32
      %parallel_loop3A_1214 = arith.cmpi slt, %parallel_loop3A_1201, %parallel_loop3A_1213 : i32
      %parallel_loop3A_1215 = arith.extui %parallel_loop3A_1214 : i1 to i32
      %parallel_loop3A_1216 = arith.subi %parallel_loop3A_1212, %parallel_loop3A_1215 : i32
      %parallel_loop3A_1217 = arith.cmpi ne, %parallel_loop3A_1209, %parallel_loop3A_1216 : i32
      %parallel_loop3A_1218 = arith.remsi %parallel_loop3A_1200, %parallel_loop3A_1201 : i32
      %parallel_loop3A_1219 = arith.constant 0 : i32
      %parallel_loop3A_1220 = arith.cmpi ne, %parallel_loop3A_1218, %parallel_loop3A_1219 : i32
      %parallel_loop3A_1221 = arith.andi %parallel_loop3A_1217, %parallel_loop3A_1220 : i1
      %parallel_loop3A_1222 = arith.constant 1 : i32
      %parallel_loop3A_1223 = arith.subi %parallel_loop3A_1202, %parallel_loop3A_1222 : i32
      %parallel_loop3A_1224 = arith.select %parallel_loop3A_1221, %parallel_loop3A_1223, %parallel_loop3A_1202 : i32
      %parallel_loop3A_1225 = arith.constant 128 : i32
      %parallel_loop3A_1226 = arith.constant 0 : i32
      %parallel_loop3A_1227 = arith.cmpi eq, %parallel_loop3A_1225, %parallel_loop3A_1226 : i32
      %parallel_loop3A_1228 = arith.constant 1 : i32
      %parallel_loop3A_1229 = arith.select %parallel_loop3A_1227, %parallel_loop3A_1228, %parallel_loop3A_1225 : i32
      %parallel_loop3A_1230 = arith.remsi %parallel_loop3A_1200, %parallel_loop3A_1229 : i32
      %parallel_loop3A_1231 = arith.constant 0 : i32
      %parallel_loop3A_1232 = arith.cmpi ne, %parallel_loop3A_1230, %parallel_loop3A_1231 : i32
      %parallel_loop3A_1233 = arith.constant 0 : i32
      %parallel_loop3A_1234 = arith.cmpi slt, %parallel_loop3A_1230, %parallel_loop3A_1233 : i32
      %parallel_loop3A_1235 = arith.constant 0 : i32
      %parallel_loop3A_1236 = arith.cmpi slt, %parallel_loop3A_1229, %parallel_loop3A_1235 : i32
      %parallel_loop3A_1237 = arith.xori %parallel_loop3A_1234, %parallel_loop3A_1236 : i1
      %parallel_loop3A_1238 = arith.andi %parallel_loop3A_1237, %parallel_loop3A_1232 : i1
      %parallel_loop3A_1239 = arith.addi %parallel_loop3A_1230, %parallel_loop3A_1229 : i32
      %parallel_loop3A_1240 = arith.select %parallel_loop3A_1238, %parallel_loop3A_1239, %parallel_loop3A_1230 : i32
      %parallel_loop3A_1241 = arith.constant 16 : i32
      %parallel_loop3A_1242 = arith.muli %parallel_loop3A_1240, %parallel_loop3A_1241 : i32
      %parallel_loop3A_1243 = arith.index_cast %parallel_loop3A_1224 : i32 to index
      %parallel_loop3A_1244 = arith.index_cast %parallel_loop3A_1242 : i32 to index
      %parallel_loop3A_1245 = tpu.vector_load %arg9[%parallel_loop3A_1243, %parallel_loop3A_1244] {strides = array<i32>} : memref<8x2048xf32, #tpu.memory_space<vmem>>, vector<1x16xf32>,
      %parallel_loop3A_1246 = vector.shape_cast %parallel_loop3A_1245 : vector<1x16xf32> to vector<16xf32>
      %parallel_loop3A_1247 = arith.index_cast %parallel_loop3A_1224 : i32 to index
      %parallel_loop3A_1248 = arith.index_cast %parallel_loop3A_1242 : i32 to index
      %parallel_loop3A_1249 = tpu.vector_load %arg10[%parallel_loop3A_1247, %parallel_loop3A_1248] {strides = array<i32>} : memref<8x2048xf32, #tpu.memory_space<vmem>>, vector<1x16xf32>,
      %parallel_loop3A_1250 = vector.shape_cast %parallel_loop3A_1249 : vector<1x16xf32> to vector<16xf32>
      %parallel_loop3A_1251 = arith.addf %parallel_loop3A_1246, %parallel_loop3A_1250 : vector<16xf32>
      %parallel_loop3A_1252 = arith.index_cast %parallel_loop3A_1224 : i32 to index
      %parallel_loop3A_1253 = arith.index_cast %parallel_loop3A_1242 : i32 to index
      %parallel_loop3A_1254 = tpu.vector_load %arg9[%parallel_loop3A_1252, %parallel_loop3A_1253] {strides = array<i32>} : memref<8x2048xf32, #tpu.memory_space<vmem>>, vector<1x16xf32>,
      %parallel_loop3A_1255 = vector.shape_cast %parallel_loop3A_1254 : vector<1x16xf32> to vector<16xf32>
      %parallel_loop3A_1256 = vector.shape_cast %parallel_loop3A_1251 : vector<16xf32> to vector<1x16xf32>
      tpu.vector_store %arg9[%parallel_loop3A_1252, %parallel_loop3A_1253], %parallel_loop3A_1256 {strides = array<i32>} : memref<8x2048xf32, #tpu.memory_space<vmem>>, vector<1x16xf32>,
    } {sc.loop_unroll_factor = 8 : i64, sc.parallel_access}
    %add3A_760 = arith.constant 32 : i32
    %add3A_761 = arith.addi %mul3A_2, %add3A_760 : i32
    %dma_start3A_762 = arith.constant 3 : i32
    %dma_start3A_763 = arith.constant 0 : i32
    %dma_start3A_764 = tpu.memref_slice %arg4[%dma_start3A_762, %add3A_761, %dma_start3A_763] : memref<4x2048x2048xf32, #tpu.memory_space<hbm>> -> memref<1x8x2048xf32, #tpu.memory_space<hbm>>
    %dma_start3A_765 = tpu.memref_squeeze %dma_start3A_764 : memref<1x8x2048xf32, #tpu.memory_space<hbm>> -> memref<8x2048xf32, #tpu.memory_space<hbm>>
    %dma_start3A_766 = arith.constant 0 : i32
    %dma_start3A_767 = tpu.memref_slice %arg4[%dma_start3A_762, %add3A_761, %dma_start3A_766] : memref<4x2048x2048xf32, #tpu.memory_space<hbm>> -> memref<1x8x2048xf32, #tpu.memory_space<hbm>>
    %dma_start3A_768 = tpu.memref_squeeze %dma_start3A_767 : memref<1x8x2048xf32, #tpu.memory_space<hbm>> -> memref<8x2048xf32, #tpu.memory_space<hbm>>
    tpu.enqueue_dma source(%arg9 : memref<8x2048xf32, #tpu.memory_space<vmem>>) target(%dma_start3A_768 : memref<8x2048xf32, #tpu.memory_space<hbm>>) target_semaphore(%arg21 : memref<!tpu.dma_semaphore, #tpu.memory_space<semaphore_mem>>)
    %dma_wait3A_769 = arith.constant 2 : i32
    %dma_wait3A_770 = arith.constant 0 : i32
    %dma_wait3A_771 = tpu.memref_slice %arg4[%dma_wait3A_769, %add3A_726, %dma_wait3A_770] : memref<4x2048x2048xf32, #tpu.memory_space<hbm>> -> memref<1x8x2048xf32, #tpu.memory_space<hbm>>
    %dma_wait3A_772 = tpu.memref_squeeze %dma_wait3A_771 : memref<1x8x2048xf32, #tpu.memory_space<hbm>> -> memref<8x2048xf32, #tpu.memory_space<hbm>>
    %dma_wait3A_773 = arith.constant 0 : i32
    %dma_wait3A_774 = tpu.memref_slice %arg4[%dma_wait3A_769, %add3A_726, %dma_wait3A_773] : memref<4x2048x2048xf32, #tpu.memory_space<hbm>> -> memref<1x8x2048xf32, #tpu.memory_space<hbm>>
    %dma_wait3A_775 = tpu.memref_squeeze %dma_wait3A_774 : memref<1x8x2048xf32, #tpu.memory_space<hbm>> -> memref<8x2048xf32, #tpu.memory_space<hbm>>
    tpu.wait_dma2 semaphore(%arg20 : memref<!tpu.dma_semaphore, #tpu.memory_space<semaphore_mem>>) src(%arg8 : memref<8x2048xf32, #tpu.memory_space<vmem>>) dst(%dma_wait3A_775 : memref<8x2048xf32, #tpu.memory_space<hbm>>)
    %add3A_776 = arith.constant 40 : i32
    %add3A_777 = arith.addi %mul3A_2, %add3A_776 : i32
    %dma_start3A_778 = arith.constant 3 : i32
    %dma_start3A_779 = arith.constant 0 : i32
    %dma_start3A_780 = tpu.memref_slice %arg2[%dma_start3A_778, %add3A_777, %dma_start3A_779] : memref<4x2048x2048xf32, #tpu.memory_space<hbm>> -> memref<1x8x2048xf32, #tpu.memory_space<hbm>>
    %dma_start3A_781 = tpu.memref_squeeze %dma_start3A_780 : memref<1x8x2048xf32, #tpu.memory_space<hbm>> -> memref<8x2048xf32, #tpu.memory_space<hbm>>
    %dma_start3A_782 = arith.constant 0 : i32
    %dma_start3A_783 = tpu.memref_slice %arg2[%dma_start3A_778, %add3A_777, %dma_start3A_782] : memref<4x2048x2048xf32, #tpu.memory_space<hbm>> -> memref<1x8x2048xf32, #tpu.memory_space<hbm>>
    %dma_start3A_784 = tpu.memref_squeeze %dma_start3A_783 : memref<1x8x2048xf32, #tpu.memory_space<hbm>> -> memref<8x2048xf32, #tpu.memory_space<hbm>>
    tpu.enqueue_dma source(%dma_start3A_784 : memref<8x2048xf32, #tpu.memory_space<hbm>>) target(%arg8 : memref<8x2048xf32, #tpu.memory_space<vmem>>) target_semaphore(%arg15 : memref<!tpu.dma_semaphore, #tpu.memory_space<semaphore_mem>>)
    %add3A_785 = arith.constant 48 : i32
    %add3A_786 = arith.addi %mul3A_2, %add3A_785 : i32
    %dma_start3A_787 = arith.constant 0 : i32
    %dma_start3A_788 = tpu.memref_slice %arg3[%add3A_786, %dma_start3A_787] : memref<2048x2048xf32, #tpu.memory_space<hbm>> -> memref<8x2048xf32, #tpu.memory_space<hbm>>
    %dma_start3A_789 = arith.constant 0 : i32
    %dma_start3A_790 = tpu.memref_slice %arg3[%add3A_786, %dma_start3A_789] : memref<2048x2048xf32, #tpu.memory_space<hbm>> -> memref<8x2048xf32, #tpu.memory_space<hbm>>
    tpu.enqueue_dma source(%dma_start3A_790 : memref<8x2048xf32, #tpu.memory_space<hbm>>) target(%arg10 : memref<8x2048xf32, #tpu.memory_space<vmem>>) target_semaphore(%arg22 : memref<!tpu.dma_semaphore, #tpu.memory_space<semaphore_mem>>)
    %dma_wait3A_791 = arith.constant 0 : i32
    %dma_wait3A_792 = tpu.memref_slice %arg3[%add3A_636, %dma_wait3A_791] : memref<2048x2048xf32, #tpu.memory_space<hbm>> -> memref<8x2048xf32, #tpu.memory_space<hbm>>
    %dma_wait3A_793 = arith.constant 0 : i32
    %dma_wait3A_794 = tpu.memref_slice %arg3[%add3A_636, %dma_wait3A_793] : memref<2048x2048xf32, #tpu.memory_space<hbm>> -> memref<8x2048xf32, #tpu.memory_space<hbm>>
    tpu.wait_dma2 semaphore(%arg23 : memref<!tpu.dma_semaphore, #tpu.memory_space<semaphore_mem>>) src(%dma_wait3A_794 : memref<8x2048xf32, #tpu.memory_space<hbm>>) dst(%arg11 : memref<8x2048xf32, #tpu.memory_space<vmem>>)
    %dma_wait3A_795 = arith.constant 0 : i32
    %dma_wait3A_796 = arith.constant 0 : i32
    %dma_wait3A_797 = tpu.memref_slice %arg2[%dma_wait3A_795, %add3A_672, %dma_wait3A_796] : memref<4x2048x2048xf32, #tpu.memory_space<hbm>> -> memref<1x8x2048xf32, #tpu.memory_space<hbm>>
    %dma_wait3A_798 = tpu.memref_squeeze %dma_wait3A_797 : memref<1x8x2048xf32, #tpu.memory_space<hbm>> -> memref<8x2048xf32, #tpu.memory_space<hbm>>
    %dma_wait3A_799 = arith.constant 0 : i32
    %dma_wait3A_800 = tpu.memref_slice %arg2[%dma_wait3A_795, %add3A_672, %dma_wait3A_799] : memref<4x2048x2048xf32, #tpu.memory_space<hbm>> -> memref<1x8x2048xf32, #tpu.memory_space<hbm>>
    %dma_wait3A_801 = tpu.memref_squeeze %dma_wait3A_800 : memref<1x8x2048xf32, #tpu.memory_space<hbm>> -> memref<8x2048xf32, #tpu.memory_space<hbm>>
    tpu.wait_dma2 semaphore(%arg12 : memref<!tpu.dma_semaphore, #tpu.memory_space<semaphore_mem>>) src(%dma_wait3A_801 : memref<8x2048xf32, #tpu.memory_space<hbm>>) dst(%arg5 : memref<8x2048xf32, #tpu.memory_space<vmem>>)
    %parallel_loop3A_802 = arith.constant 0 : i32
    %parallel_loop3A_803 = arith.constant 1024 : i32
    %parallel_loop3A_804 = arith.constant 1 : i32
    scf.for %parallel_loop3A_1200 = %parallel_loop3A_802 to %parallel_loop3A_803 step %parallel_loop3A_804  : i32 {
      %parallel_loop3A_1201 = arith.constant 128 : i32
      %parallel_loop3A_1202 = arith.divsi %parallel_loop3A_1200, %parallel_loop3A_1201 : i32
      %parallel_loop3A_1203 = arith.constant 0 : i32
      %parallel_loop3A_1204 = arith.cmpi sgt, %parallel_loop3A_1200, %parallel_loop3A_1203 : i32
      %parallel_loop3A_1205 = arith.extui %parallel_loop3A_1204 : i1 to i32
      %parallel_loop3A_1206 = arith.constant 0 : i32
      %parallel_loop3A_1207 = arith.cmpi slt, %parallel_loop3A_1200, %parallel_loop3A_1206 : i32
      %parallel_loop3A_1208 = arith.extui %parallel_loop3A_1207 : i1 to i32
      %parallel_loop3A_1209 = arith.subi %parallel_loop3A_1205, %parallel_loop3A_1208 : i32
      %parallel_loop3A_1210 = arith.constant 0 : i32
      %parallel_loop3A_1211 = arith.cmpi sgt, %parallel_loop3A_1201, %parallel_loop3A_1210 : i32
      %parallel_loop3A_1212 = arith.extui %parallel_loop3A_1211 : i1 to i32
      %parallel_loop3A_1213 = arith.constant 0 : i32
      %parallel_loop3A_1214 = arith.cmpi slt, %parallel_loop3A_1201, %parallel_loop3A_1213 : i32
      %parallel_loop3A_1215 = arith.extui %parallel_loop3A_1214 : i1 to i32
      %parallel_loop3A_1216 = arith.subi %parallel_loop3A_1212, %parallel_loop3A_1215 : i32
      %parallel_loop3A_1217 = arith.cmpi ne, %parallel_loop3A_1209, %parallel_loop3A_1216 : i32
      %parallel_loop3A_1218 = arith.remsi %parallel_loop3A_1200, %parallel_loop3A_1201 : i32
      %parallel_loop3A_1219 = arith.constant 0 : i32
      %parallel_loop3A_1220 = arith.cmpi ne, %parallel_loop3A_1218, %parallel_loop3A_1219 : i32
      %parallel_loop3A_1221 = arith.andi %parallel_loop3A_1217, %parallel_loop3A_1220 : i1
      %parallel_loop3A_1222 = arith.constant 1 : i32
      %parallel_loop3A_1223 = arith.subi %parallel_loop3A_1202, %parallel_loop3A_1222 : i32
      %parallel_loop3A_1224 = arith.select %parallel_loop3A_1221, %parallel_loop3A_1223, %parallel_loop3A_1202 : i32
      %parallel_loop3A_1225 = arith.constant 128 : i32
      %parallel_loop3A_1226 = arith.constant 0 : i32
      %parallel_loop3A_1227 = arith.cmpi eq, %parallel_loop3A_1225, %parallel_loop3A_1226 : i32
      %parallel_loop3A_1228 = arith.constant 1 : i32
      %parallel_loop3A_1229 = arith.select %parallel_loop3A_1227, %parallel_loop3A_1228, %parallel_loop3A_1225 : i32
      %parallel_loop3A_1230 = arith.remsi %parallel_loop3A_1200, %parallel_loop3A_1229 : i32
      %parallel_loop3A_1231 = arith.constant 0 : i32
      %parallel_loop3A_1232 = arith.cmpi ne, %parallel_loop3A_1230, %parallel_loop3A_1231 : i32
      %parallel_loop3A_1233 = arith.constant 0 : i32
      %parallel_loop3A_1234 = arith.cmpi slt, %parallel_loop3A_1230, %parallel_loop3A_1233 : i32
      %parallel_loop3A_1235 = arith.constant 0 : i32
      %parallel_loop3A_1236 = arith.cmpi slt, %parallel_loop3A_1229, %parallel_loop3A_1235 : i32
      %parallel_loop3A_1237 = arith.xori %parallel_loop3A_1234, %parallel_loop3A_1236 : i1
      %parallel_loop3A_1238 = arith.andi %parallel_loop3A_1237, %parallel_loop3A_1232 : i1
      %parallel_loop3A_1239 = arith.addi %parallel_loop3A_1230, %parallel_loop3A_1229 : i32
      %parallel_loop3A_1240 = arith.select %parallel_loop3A_1238, %parallel_loop3A_1239, %parallel_loop3A_1230 : i32
      %parallel_loop3A_1241 = arith.constant 16 : i32
      %parallel_loop3A_1242 = arith.muli %parallel_loop3A_1240, %parallel_loop3A_1241 : i32
      %parallel_loop3A_1243 = arith.index_cast %parallel_loop3A_1224 : i32 to index
      %parallel_loop3A_1244 = arith.index_cast %parallel_loop3A_1242 : i32 to index
      %parallel_loop3A_1245 = tpu.vector_load %arg5[%parallel_loop3A_1243, %parallel_loop3A_1244] {strides = array<i32>} : memref<8x2048xf32, #tpu.memory_space<vmem>>, vector<1x16xf32>,
      %parallel_loop3A_1246 = vector.shape_cast %parallel_loop3A_1245 : vector<1x16xf32> to vector<16xf32>
      %parallel_loop3A_1247 = arith.index_cast %parallel_loop3A_1224 : i32 to index
      %parallel_loop3A_1248 = arith.index_cast %parallel_loop3A_1242 : i32 to index
      %parallel_loop3A_1249 = tpu.vector_load %arg11[%parallel_loop3A_1247, %parallel_loop3A_1248] {strides = array<i32>} : memref<8x2048xf32, #tpu.memory_space<vmem>>, vector<1x16xf32>,
      %parallel_loop3A_1250 = vector.shape_cast %parallel_loop3A_1249 : vector<1x16xf32> to vector<16xf32>
      %parallel_loop3A_1251 = arith.addf %parallel_loop3A_1246, %parallel_loop3A_1250 : vector<16xf32>
      %parallel_loop3A_1252 = arith.index_cast %parallel_loop3A_1224 : i32 to index
      %parallel_loop3A_1253 = arith.index_cast %parallel_loop3A_1242 : i32 to index
      %parallel_loop3A_1254 = tpu.vector_load %arg5[%parallel_loop3A_1252, %parallel_loop3A_1253] {strides = array<i32>} : memref<8x2048xf32, #tpu.memory_space<vmem>>, vector<1x16xf32>,
      %parallel_loop3A_1255 = vector.shape_cast %parallel_loop3A_1254 : vector<1x16xf32> to vector<16xf32>
      %parallel_loop3A_1256 = vector.shape_cast %parallel_loop3A_1251 : vector<16xf32> to vector<1x16xf32>
      tpu.vector_store %arg5[%parallel_loop3A_1252, %parallel_loop3A_1253], %parallel_loop3A_1256 {strides = array<i32>} : memref<8x2048xf32, #tpu.memory_space<vmem>>, vector<1x16xf32>,
    } {sc.loop_unroll_factor = 8 : i64, sc.parallel_access}
    %add3A_805 = arith.constant 40 : i32
    %add3A_806 = arith.addi %mul3A_2, %add3A_805 : i32
    %dma_start3A_807 = arith.constant 0 : i32
    %dma_start3A_808 = arith.constant 0 : i32
    %dma_start3A_809 = tpu.memref_slice %arg4[%dma_start3A_807, %add3A_806, %dma_start3A_808] : memref<4x2048x2048xf32, #tpu.memory_space<hbm>> -> memref<1x8x2048xf32, #tpu.memory_space<hbm>>
    %dma_start3A_810 = tpu.memref_squeeze %dma_start3A_809 : memref<1x8x2048xf32, #tpu.memory_space<hbm>> -> memref<8x2048xf32, #tpu.memory_space<hbm>>
    %dma_start3A_811 = arith.constant 0 : i32
    %dma_start3A_812 = tpu.memref_slice %arg4[%dma_start3A_807, %add3A_806, %dma_start3A_811] : memref<4x2048x2048xf32, #tpu.memory_space<hbm>> -> memref<1x8x2048xf32, #tpu.memory_space<hbm>>
    %dma_start3A_813 = tpu.memref_squeeze %dma_start3A_812 : memref<1x8x2048xf32, #tpu.memory_space<hbm>> -> memref<8x2048xf32, #tpu.memory_space<hbm>>
    tpu.enqueue_dma source(%arg5 : memref<8x2048xf32, #tpu.memory_space<vmem>>) target(%dma_start3A_813 : memref<8x2048xf32, #tpu.memory_space<hbm>>) target_semaphore(%arg17 : memref<!tpu.dma_semaphore, #tpu.memory_space<semaphore_mem>>)
    %dma_wait3A_814 = arith.constant 3 : i32
    %dma_wait3A_815 = arith.constant 0 : i32
    %dma_wait3A_816 = tpu.memref_slice %arg4[%dma_wait3A_814, %add3A_761, %dma_wait3A_815] : memref<4x2048x2048xf32, #tpu.memory_space<hbm>> -> memref<1x8x2048xf32, #tpu.memory_space<hbm>>
    %dma_wait3A_817 = tpu.memref_squeeze %dma_wait3A_816 : memref<1x8x2048xf32, #tpu.memory_space<hbm>> -> memref<8x2048xf32, #tpu.memory_space<hbm>>
    %dma_wait3A_818 = arith.constant 0 : i32
    %dma_wait3A_819 = tpu.memref_slice %arg4[%dma_wait3A_814, %add3A_761, %dma_wait3A_818] : memref<4x2048x2048xf32, #tpu.memory_space<hbm>> -> memref<1x8x2048xf32, #tpu.memory_space<hbm>>
    %dma_wait3A_820 = tpu.memref_squeeze %dma_wait3A_819 : memref<1x8x2048xf32, #tpu.memory_space<hbm>> -> memref<8x2048xf32, #tpu.memory_space<hbm>>
    tpu.wait_dma2 semaphore(%arg21 : memref<!tpu.dma_semaphore, #tpu.memory_space<semaphore_mem>>) src(%arg9 : memref<8x2048xf32, #tpu.memory_space<vmem>>) dst(%dma_wait3A_820 : memref<8x2048xf32, #tpu.memory_space<hbm>>)
    %add3A_821 = arith.constant 48 : i32
    %add3A_822 = arith.addi %mul3A_2, %add3A_821 : i32
    %dma_start3A_823 = arith.constant 0 : i32
    %dma_start3A_824 = arith.constant 0 : i32
    %dma_start3A_825 = tpu.memref_slice %arg2[%dma_start3A_823, %add3A_822, %dma_start3A_824] : memref<4x2048x2048xf32, #tpu.memory_space<hbm>> -> memref<1x8x2048xf32, #tpu.memory_space<hbm>>
    %dma_start3A_826 = tpu.memref_squeeze %dma_start3A_825 : memref<1x8x2048xf32, #tpu.memory_space<hbm>> -> memref<8x2048xf32, #tpu.memory_space<hbm>>
    %dma_start3A_827 = arith.constant 0 : i32
    %dma_start3A_828 = tpu.memref_slice %arg2[%dma_start3A_823, %add3A_822, %dma_start3A_827] : memref<4x2048x2048xf32, #tpu.memory_space<hbm>> -> memref<1x8x2048xf32, #tpu.memory_space<hbm>>
    %dma_start3A_829 = tpu.memref_squeeze %dma_start3A_828 : memref<1x8x2048xf32, #tpu.memory_space<hbm>> -> memref<8x2048xf32, #tpu.memory_space<hbm>>
    tpu.enqueue_dma source(%dma_start3A_829 : memref<8x2048xf32, #tpu.memory_space<hbm>>) target(%arg9 : memref<8x2048xf32, #tpu.memory_space<vmem>>) target_semaphore(%arg16 : memref<!tpu.dma_semaphore, #tpu.memory_space<semaphore_mem>>)
    %dma_wait3A_830 = arith.constant 1 : i32
    %dma_wait3A_831 = arith.constant 0 : i32
    %dma_wait3A_832 = tpu.memref_slice %arg2[%dma_wait3A_830, %add3A_707, %dma_wait3A_831] : memref<4x2048x2048xf32, #tpu.memory_space<hbm>> -> memref<1x8x2048xf32, #tpu.memory_space<hbm>>
    %dma_wait3A_833 = tpu.memref_squeeze %dma_wait3A_832 : memref<1x8x2048xf32, #tpu.memory_space<hbm>> -> memref<8x2048xf32, #tpu.memory_space<hbm>>
    %dma_wait3A_834 = arith.constant 0 : i32
    %dma_wait3A_835 = tpu.memref_slice %arg2[%dma_wait3A_830, %add3A_707, %dma_wait3A_834] : memref<4x2048x2048xf32, #tpu.memory_space<hbm>> -> memref<1x8x2048xf32, #tpu.memory_space<hbm>>
    %dma_wait3A_836 = tpu.memref_squeeze %dma_wait3A_835 : memref<1x8x2048xf32, #tpu.memory_space<hbm>> -> memref<8x2048xf32, #tpu.memory_space<hbm>>
    tpu.wait_dma2 semaphore(%arg13 : memref<!tpu.dma_semaphore, #tpu.memory_space<semaphore_mem>>) src(%dma_wait3A_836 : memref<8x2048xf32, #tpu.memory_space<hbm>>) dst(%arg6 : memref<8x2048xf32, #tpu.memory_space<vmem>>)
    %parallel_loop3A_837 = arith.constant 0 : i32
    %parallel_loop3A_838 = arith.constant 1024 : i32
    %parallel_loop3A_839 = arith.constant 1 : i32
    scf.for %parallel_loop3A_1200 = %parallel_loop3A_837 to %parallel_loop3A_838 step %parallel_loop3A_839  : i32 {
      %parallel_loop3A_1201 = arith.constant 128 : i32
      %parallel_loop3A_1202 = arith.divsi %parallel_loop3A_1200, %parallel_loop3A_1201 : i32
      %parallel_loop3A_1203 = arith.constant 0 : i32
      %parallel_loop3A_1204 = arith.cmpi sgt, %parallel_loop3A_1200, %parallel_loop3A_1203 : i32
      %parallel_loop3A_1205 = arith.extui %parallel_loop3A_1204 : i1 to i32
      %parallel_loop3A_1206 = arith.constant 0 : i32
      %parallel_loop3A_1207 = arith.cmpi slt, %parallel_loop3A_1200, %parallel_loop3A_1206 : i32
      %parallel_loop3A_1208 = arith.extui %parallel_loop3A_1207 : i1 to i32
      %parallel_loop3A_1209 = arith.subi %parallel_loop3A_1205, %parallel_loop3A_1208 : i32
      %parallel_loop3A_1210 = arith.constant 0 : i32
      %parallel_loop3A_1211 = arith.cmpi sgt, %parallel_loop3A_1201, %parallel_loop3A_1210 : i32
      %parallel_loop3A_1212 = arith.extui %parallel_loop3A_1211 : i1 to i32
      %parallel_loop3A_1213 = arith.constant 0 : i32
      %parallel_loop3A_1214 = arith.cmpi slt, %parallel_loop3A_1201, %parallel_loop3A_1213 : i32
      %parallel_loop3A_1215 = arith.extui %parallel_loop3A_1214 : i1 to i32
      %parallel_loop3A_1216 = arith.subi %parallel_loop3A_1212, %parallel_loop3A_1215 : i32
      %parallel_loop3A_1217 = arith.cmpi ne, %parallel_loop3A_1209, %parallel_loop3A_1216 : i32
      %parallel_loop3A_1218 = arith.remsi %parallel_loop3A_1200, %parallel_loop3A_1201 : i32
      %parallel_loop3A_1219 = arith.constant 0 : i32
      %parallel_loop3A_1220 = arith.cmpi ne, %parallel_loop3A_1218, %parallel_loop3A_1219 : i32
      %parallel_loop3A_1221 = arith.andi %parallel_loop3A_1217, %parallel_loop3A_1220 : i1
      %parallel_loop3A_1222 = arith.constant 1 : i32
      %parallel_loop3A_1223 = arith.subi %parallel_loop3A_1202, %parallel_loop3A_1222 : i32
      %parallel_loop3A_1224 = arith.select %parallel_loop3A_1221, %parallel_loop3A_1223, %parallel_loop3A_1202 : i32
      %parallel_loop3A_1225 = arith.constant 128 : i32
      %parallel_loop3A_1226 = arith.constant 0 : i32
      %parallel_loop3A_1227 = arith.cmpi eq, %parallel_loop3A_1225, %parallel_loop3A_1226 : i32
      %parallel_loop3A_1228 = arith.constant 1 : i32
      %parallel_loop3A_1229 = arith.select %parallel_loop3A_1227, %parallel_loop3A_1228, %parallel_loop3A_1225 : i32
      %parallel_loop3A_1230 = arith.remsi %parallel_loop3A_1200, %parallel_loop3A_1229 : i32
      %parallel_loop3A_1231 = arith.constant 0 : i32
      %parallel_loop3A_1232 = arith.cmpi ne, %parallel_loop3A_1230, %parallel_loop3A_1231 : i32
      %parallel_loop3A_1233 = arith.constant 0 : i32
      %parallel_loop3A_1234 = arith.cmpi slt, %parallel_loop3A_1230, %parallel_loop3A_1233 : i32
      %parallel_loop3A_1235 = arith.constant 0 : i32
      %parallel_loop3A_1236 = arith.cmpi slt, %parallel_loop3A_1229, %parallel_loop3A_1235 : i32
      %parallel_loop3A_1237 = arith.xori %parallel_loop3A_1234, %parallel_loop3A_1236 : i1
      %parallel_loop3A_1238 = arith.andi %parallel_loop3A_1237, %parallel_loop3A_1232 : i1
      %parallel_loop3A_1239 = arith.addi %parallel_loop3A_1230, %parallel_loop3A_1229 : i32
      %parallel_loop3A_1240 = arith.select %parallel_loop3A_1238, %parallel_loop3A_1239, %parallel_loop3A_1230 : i32
      %parallel_loop3A_1241 = arith.constant 16 : i32
      %parallel_loop3A_1242 = arith.muli %parallel_loop3A_1240, %parallel_loop3A_1241 : i32
      %parallel_loop3A_1243 = arith.index_cast %parallel_loop3A_1224 : i32 to index
      %parallel_loop3A_1244 = arith.index_cast %parallel_loop3A_1242 : i32 to index
      %parallel_loop3A_1245 = tpu.vector_load %arg6[%parallel_loop3A_1243, %parallel_loop3A_1244] {strides = array<i32>} : memref<8x2048xf32, #tpu.memory_space<vmem>>, vector<1x16xf32>,
      %parallel_loop3A_1246 = vector.shape_cast %parallel_loop3A_1245 : vector<1x16xf32> to vector<16xf32>
      %parallel_loop3A_1247 = arith.index_cast %parallel_loop3A_1224 : i32 to index
      %parallel_loop3A_1248 = arith.index_cast %parallel_loop3A_1242 : i32 to index
      %parallel_loop3A_1249 = tpu.vector_load %arg11[%parallel_loop3A_1247, %parallel_loop3A_1248] {strides = array<i32>} : memref<8x2048xf32, #tpu.memory_space<vmem>>, vector<1x16xf32>,
      %parallel_loop3A_1250 = vector.shape_cast %parallel_loop3A_1249 : vector<1x16xf32> to vector<16xf32>
      %parallel_loop3A_1251 = arith.addf %parallel_loop3A_1246, %parallel_loop3A_1250 : vector<16xf32>
      %parallel_loop3A_1252 = arith.index_cast %parallel_loop3A_1224 : i32 to index
      %parallel_loop3A_1253 = arith.index_cast %parallel_loop3A_1242 : i32 to index
      %parallel_loop3A_1254 = tpu.vector_load %arg6[%parallel_loop3A_1252, %parallel_loop3A_1253] {strides = array<i32>} : memref<8x2048xf32, #tpu.memory_space<vmem>>, vector<1x16xf32>,
      %parallel_loop3A_1255 = vector.shape_cast %parallel_loop3A_1254 : vector<1x16xf32> to vector<16xf32>
      %parallel_loop3A_1256 = vector.shape_cast %parallel_loop3A_1251 : vector<16xf32> to vector<1x16xf32>
      tpu.vector_store %arg6[%parallel_loop3A_1252, %parallel_loop3A_1253], %parallel_loop3A_1256 {strides = array<i32>} : memref<8x2048xf32, #tpu.memory_space<vmem>>, vector<1x16xf32>,
    } {sc.loop_unroll_factor = 8 : i64, sc.parallel_access}
    %add3A_840 = arith.constant 40 : i32
    %add3A_841 = arith.addi %mul3A_2, %add3A_840 : i32
    %dma_start3A_842 = arith.constant 1 : i32
    %dma_start3A_843 = arith.constant 0 : i32
    %dma_start3A_844 = tpu.memref_slice %arg4[%dma_start3A_842, %add3A_841, %dma_start3A_843] : memref<4x2048x2048xf32, #tpu.memory_space<hbm>> -> memref<1x8x2048xf32, #tpu.memory_space<hbm>>
    %dma_start3A_845 = tpu.memref_squeeze %dma_start3A_844 : memref<1x8x2048xf32, #tpu.memory_space<hbm>> -> memref<8x2048xf32, #tpu.memory_space<hbm>>
    %dma_start3A_846 = arith.constant 0 : i32
    %dma_start3A_847 = tpu.memref_slice %arg4[%dma_start3A_842, %add3A_841, %dma_start3A_846] : memref<4x2048x2048xf32, #tpu.memory_space<hbm>> -> memref<1x8x2048xf32, #tpu.memory_space<hbm>>
    %dma_start3A_848 = tpu.memref_squeeze %dma_start3A_847 : memref<1x8x2048xf32, #tpu.memory_space<hbm>> -> memref<8x2048xf32, #tpu.memory_space<hbm>>
    tpu.enqueue_dma source(%arg6 : memref<8x2048xf32, #tpu.memory_space<vmem>>) target(%dma_start3A_848 : memref<8x2048xf32, #tpu.memory_space<hbm>>) target_semaphore(%arg18 : memref<!tpu.dma_semaphore, #tpu.memory_space<semaphore_mem>>)
    %dma_wait3A_849 = arith.constant 0 : i32
    %dma_wait3A_850 = arith.constant 0 : i32
    %dma_wait3A_851 = tpu.memref_slice %arg4[%dma_wait3A_849, %add3A_806, %dma_wait3A_850] : memref<4x2048x2048xf32, #tpu.memory_space<hbm>> -> memref<1x8x2048xf32, #tpu.memory_space<hbm>>
    %dma_wait3A_852 = tpu.memref_squeeze %dma_wait3A_851 : memref<1x8x2048xf32, #tpu.memory_space<hbm>> -> memref<8x2048xf32, #tpu.memory_space<hbm>>
    %dma_wait3A_853 = arith.constant 0 : i32
    %dma_wait3A_854 = tpu.memref_slice %arg4[%dma_wait3A_849, %add3A_806, %dma_wait3A_853] : memref<4x2048x2048xf32, #tpu.memory_space<hbm>> -> memref<1x8x2048xf32, #tpu.memory_space<hbm>>
    %dma_wait3A_855 = tpu.memref_squeeze %dma_wait3A_854 : memref<1x8x2048xf32, #tpu.memory_space<hbm>> -> memref<8x2048xf32, #tpu.memory_space<hbm>>
    tpu.wait_dma2 semaphore(%arg17 : memref<!tpu.dma_semaphore, #tpu.memory_space<semaphore_mem>>) src(%arg5 : memref<8x2048xf32, #tpu.memory_space<vmem>>) dst(%dma_wait3A_855 : memref<8x2048xf32, #tpu.memory_space<hbm>>)
    %add3A_856 = arith.constant 48 : i32
    %add3A_857 = arith.addi %mul3A_2, %add3A_856 : i32
    %dma_start3A_858 = arith.constant 1 : i32
    %dma_start3A_859 = arith.constant 0 : i32
    %dma_start3A_860 = tpu.memref_slice %arg2[%dma_start3A_858, %add3A_857, %dma_start3A_859] : memref<4x2048x2048xf32, #tpu.memory_space<hbm>> -> memref<1x8x2048xf32, #tpu.memory_space<hbm>>
    %dma_start3A_861 = tpu.memref_squeeze %dma_start3A_860 : memref<1x8x2048xf32, #tpu.memory_space<hbm>> -> memref<8x2048xf32, #tpu.memory_space<hbm>>
    %dma_start3A_862 = arith.constant 0 : i32
    %dma_start3A_863 = tpu.memref_slice %arg2[%dma_start3A_858, %add3A_857, %dma_start3A_862] : memref<4x2048x2048xf32, #tpu.memory_space<hbm>> -> memref<1x8x2048xf32, #tpu.memory_space<hbm>>
    %dma_start3A_864 = tpu.memref_squeeze %dma_start3A_863 : memref<1x8x2048xf32, #tpu.memory_space<hbm>> -> memref<8x2048xf32, #tpu.memory_space<hbm>>
    tpu.enqueue_dma source(%dma_start3A_864 : memref<8x2048xf32, #tpu.memory_space<hbm>>) target(%arg5 : memref<8x2048xf32, #tpu.memory_space<vmem>>) target_semaphore(%arg12 : memref<!tpu.dma_semaphore, #tpu.memory_space<semaphore_mem>>)
    %dma_wait3A_865 = arith.constant 2 : i32
    %dma_wait3A_866 = arith.constant 0 : i32
    %dma_wait3A_867 = tpu.memref_slice %arg2[%dma_wait3A_865, %add3A_742, %dma_wait3A_866] : memref<4x2048x2048xf32, #tpu.memory_space<hbm>> -> memref<1x8x2048xf32, #tpu.memory_space<hbm>>
    %dma_wait3A_868 = tpu.memref_squeeze %dma_wait3A_867 : memref<1x8x2048xf32, #tpu.memory_space<hbm>> -> memref<8x2048xf32, #tpu.memory_space<hbm>>
    %dma_wait3A_869 = arith.constant 0 : i32
    %dma_wait3A_870 = tpu.memref_slice %arg2[%dma_wait3A_865, %add3A_742, %dma_wait3A_869] : memref<4x2048x2048xf32, #tpu.memory_space<hbm>> -> memref<1x8x2048xf32, #tpu.memory_space<hbm>>
    %dma_wait3A_871 = tpu.memref_squeeze %dma_wait3A_870 : memref<1x8x2048xf32, #tpu.memory_space<hbm>> -> memref<8x2048xf32, #tpu.memory_space<hbm>>
    tpu.wait_dma2 semaphore(%arg14 : memref<!tpu.dma_semaphore, #tpu.memory_space<semaphore_mem>>) src(%dma_wait3A_871 : memref<8x2048xf32, #tpu.memory_space<hbm>>) dst(%arg7 : memref<8x2048xf32, #tpu.memory_space<vmem>>)
    %parallel_loop3A_872 = arith.constant 0 : i32
    %parallel_loop3A_873 = arith.constant 1024 : i32
    %parallel_loop3A_874 = arith.constant 1 : i32
    scf.for %parallel_loop3A_1200 = %parallel_loop3A_872 to %parallel_loop3A_873 step %parallel_loop3A_874  : i32 {
      %parallel_loop3A_1201 = arith.constant 128 : i32
      %parallel_loop3A_1202 = arith.divsi %parallel_loop3A_1200, %parallel_loop3A_1201 : i32
      %parallel_loop3A_1203 = arith.constant 0 : i32
      %parallel_loop3A_1204 = arith.cmpi sgt, %parallel_loop3A_1200, %parallel_loop3A_1203 : i32
      %parallel_loop3A_1205 = arith.extui %parallel_loop3A_1204 : i1 to i32
      %parallel_loop3A_1206 = arith.constant 0 : i32
      %parallel_loop3A_1207 = arith.cmpi slt, %parallel_loop3A_1200, %parallel_loop3A_1206 : i32
      %parallel_loop3A_1208 = arith.extui %parallel_loop3A_1207 : i1 to i32
      %parallel_loop3A_1209 = arith.subi %parallel_loop3A_1205, %parallel_loop3A_1208 : i32
      %parallel_loop3A_1210 = arith.constant 0 : i32
      %parallel_loop3A_1211 = arith.cmpi sgt, %parallel_loop3A_1201, %parallel_loop3A_1210 : i32
      %parallel_loop3A_1212 = arith.extui %parallel_loop3A_1211 : i1 to i32
      %parallel_loop3A_1213 = arith.constant 0 : i32
      %parallel_loop3A_1214 = arith.cmpi slt, %parallel_loop3A_1201, %parallel_loop3A_1213 : i32
      %parallel_loop3A_1215 = arith.extui %parallel_loop3A_1214 : i1 to i32
      %parallel_loop3A_1216 = arith.subi %parallel_loop3A_1212, %parallel_loop3A_1215 : i32
      %parallel_loop3A_1217 = arith.cmpi ne, %parallel_loop3A_1209, %parallel_loop3A_1216 : i32
      %parallel_loop3A_1218 = arith.remsi %parallel_loop3A_1200, %parallel_loop3A_1201 : i32
      %parallel_loop3A_1219 = arith.constant 0 : i32
      %parallel_loop3A_1220 = arith.cmpi ne, %parallel_loop3A_1218, %parallel_loop3A_1219 : i32
      %parallel_loop3A_1221 = arith.andi %parallel_loop3A_1217, %parallel_loop3A_1220 : i1
      %parallel_loop3A_1222 = arith.constant 1 : i32
      %parallel_loop3A_1223 = arith.subi %parallel_loop3A_1202, %parallel_loop3A_1222 : i32
      %parallel_loop3A_1224 = arith.select %parallel_loop3A_1221, %parallel_loop3A_1223, %parallel_loop3A_1202 : i32
      %parallel_loop3A_1225 = arith.constant 128 : i32
      %parallel_loop3A_1226 = arith.constant 0 : i32
      %parallel_loop3A_1227 = arith.cmpi eq, %parallel_loop3A_1225, %parallel_loop3A_1226 : i32
      %parallel_loop3A_1228 = arith.constant 1 : i32
      %parallel_loop3A_1229 = arith.select %parallel_loop3A_1227, %parallel_loop3A_1228, %parallel_loop3A_1225 : i32
      %parallel_loop3A_1230 = arith.remsi %parallel_loop3A_1200, %parallel_loop3A_1229 : i32
      %parallel_loop3A_1231 = arith.constant 0 : i32
      %parallel_loop3A_1232 = arith.cmpi ne, %parallel_loop3A_1230, %parallel_loop3A_1231 : i32
      %parallel_loop3A_1233 = arith.constant 0 : i32
      %parallel_loop3A_1234 = arith.cmpi slt, %parallel_loop3A_1230, %parallel_loop3A_1233 : i32
      %parallel_loop3A_1235 = arith.constant 0 : i32
      %parallel_loop3A_1236 = arith.cmpi slt, %parallel_loop3A_1229, %parallel_loop3A_1235 : i32
      %parallel_loop3A_1237 = arith.xori %parallel_loop3A_1234, %parallel_loop3A_1236 : i1
      %parallel_loop3A_1238 = arith.andi %parallel_loop3A_1237, %parallel_loop3A_1232 : i1
      %parallel_loop3A_1239 = arith.addi %parallel_loop3A_1230, %parallel_loop3A_1229 : i32
      %parallel_loop3A_1240 = arith.select %parallel_loop3A_1238, %parallel_loop3A_1239, %parallel_loop3A_1230 : i32
      %parallel_loop3A_1241 = arith.constant 16 : i32
      %parallel_loop3A_1242 = arith.muli %parallel_loop3A_1240, %parallel_loop3A_1241 : i32
      %parallel_loop3A_1243 = arith.index_cast %parallel_loop3A_1224 : i32 to index
      %parallel_loop3A_1244 = arith.index_cast %parallel_loop3A_1242 : i32 to index
      %parallel_loop3A_1245 = tpu.vector_load %arg7[%parallel_loop3A_1243, %parallel_loop3A_1244] {strides = array<i32>} : memref<8x2048xf32, #tpu.memory_space<vmem>>, vector<1x16xf32>,
      %parallel_loop3A_1246 = vector.shape_cast %parallel_loop3A_1245 : vector<1x16xf32> to vector<16xf32>
      %parallel_loop3A_1247 = arith.index_cast %parallel_loop3A_1224 : i32 to index
      %parallel_loop3A_1248 = arith.index_cast %parallel_loop3A_1242 : i32 to index
      %parallel_loop3A_1249 = tpu.vector_load %arg11[%parallel_loop3A_1247, %parallel_loop3A_1248] {strides = array<i32>} : memref<8x2048xf32, #tpu.memory_space<vmem>>, vector<1x16xf32>,
      %parallel_loop3A_1250 = vector.shape_cast %parallel_loop3A_1249 : vector<1x16xf32> to vector<16xf32>
      %parallel_loop3A_1251 = arith.addf %parallel_loop3A_1246, %parallel_loop3A_1250 : vector<16xf32>
      %parallel_loop3A_1252 = arith.index_cast %parallel_loop3A_1224 : i32 to index
      %parallel_loop3A_1253 = arith.index_cast %parallel_loop3A_1242 : i32 to index
      %parallel_loop3A_1254 = tpu.vector_load %arg7[%parallel_loop3A_1252, %parallel_loop3A_1253] {strides = array<i32>} : memref<8x2048xf32, #tpu.memory_space<vmem>>, vector<1x16xf32>,
      %parallel_loop3A_1255 = vector.shape_cast %parallel_loop3A_1254 : vector<1x16xf32> to vector<16xf32>
      %parallel_loop3A_1256 = vector.shape_cast %parallel_loop3A_1251 : vector<16xf32> to vector<1x16xf32>
      tpu.vector_store %arg7[%parallel_loop3A_1252, %parallel_loop3A_1253], %parallel_loop3A_1256 {strides = array<i32>} : memref<8x2048xf32, #tpu.memory_space<vmem>>, vector<1x16xf32>,
    } {sc.loop_unroll_factor = 8 : i64, sc.parallel_access}
    %add3A_875 = arith.constant 40 : i32
    %add3A_876 = arith.addi %mul3A_2, %add3A_875 : i32
    %dma_start3A_877 = arith.constant 2 : i32
    %dma_start3A_878 = arith.constant 0 : i32
    %dma_start3A_879 = tpu.memref_slice %arg4[%dma_start3A_877, %add3A_876, %dma_start3A_878] : memref<4x2048x2048xf32, #tpu.memory_space<hbm>> -> memref<1x8x2048xf32, #tpu.memory_space<hbm>>
    %dma_start3A_880 = tpu.memref_squeeze %dma_start3A_879 : memref<1x8x2048xf32, #tpu.memory_space<hbm>> -> memref<8x2048xf32, #tpu.memory_space<hbm>>
    %dma_start3A_881 = arith.constant 0 : i32
    %dma_start3A_882 = tpu.memref_slice %arg4[%dma_start3A_877, %add3A_876, %dma_start3A_881] : memref<4x2048x2048xf32, #tpu.memory_space<hbm>> -> memref<1x8x2048xf32, #tpu.memory_space<hbm>>
    %dma_start3A_883 = tpu.memref_squeeze %dma_start3A_882 : memref<1x8x2048xf32, #tpu.memory_space<hbm>> -> memref<8x2048xf32, #tpu.memory_space<hbm>>
    tpu.enqueue_dma source(%arg7 : memref<8x2048xf32, #tpu.memory_space<vmem>>) target(%dma_start3A_883 : memref<8x2048xf32, #tpu.memory_space<hbm>>) target_semaphore(%arg19 : memref<!tpu.dma_semaphore, #tpu.memory_space<semaphore_mem>>)
    %dma_wait3A_884 = arith.constant 1 : i32
    %dma_wait3A_885 = arith.constant 0 : i32
    %dma_wait3A_886 = tpu.memref_slice %arg4[%dma_wait3A_884, %add3A_841, %dma_wait3A_885] : memref<4x2048x2048xf32, #tpu.memory_space<hbm>> -> memref<1x8x2048xf32, #tpu.memory_space<hbm>>
    %dma_wait3A_887 = tpu.memref_squeeze %dma_wait3A_886 : memref<1x8x2048xf32, #tpu.memory_space<hbm>> -> memref<8x2048xf32, #tpu.memory_space<hbm>>
    %dma_wait3A_888 = arith.constant 0 : i32
    %dma_wait3A_889 = tpu.memref_slice %arg4[%dma_wait3A_884, %add3A_841, %dma_wait3A_888] : memref<4x2048x2048xf32, #tpu.memory_space<hbm>> -> memref<1x8x2048xf32, #tpu.memory_space<hbm>>
    %dma_wait3A_890 = tpu.memref_squeeze %dma_wait3A_889 : memref<1x8x2048xf32, #tpu.memory_space<hbm>> -> memref<8x2048xf32, #tpu.memory_space<hbm>>
    tpu.wait_dma2 semaphore(%arg18 : memref<!tpu.dma_semaphore, #tpu.memory_space<semaphore_mem>>) src(%arg6 : memref<8x2048xf32, #tpu.memory_space<vmem>>) dst(%dma_wait3A_890 : memref<8x2048xf32, #tpu.memory_space<hbm>>)
    %add3A_891 = arith.constant 48 : i32
    %add3A_892 = arith.addi %mul3A_2, %add3A_891 : i32
    %dma_start3A_893 = arith.constant 2 : i32
    %dma_start3A_894 = arith.constant 0 : i32
    %dma_start3A_895 = tpu.memref_slice %arg2[%dma_start3A_893, %add3A_892, %dma_start3A_894] : memref<4x2048x2048xf32, #tpu.memory_space<hbm>> -> memref<1x8x2048xf32, #tpu.memory_space<hbm>>
    %dma_start3A_896 = tpu.memref_squeeze %dma_start3A_895 : memref<1x8x2048xf32, #tpu.memory_space<hbm>> -> memref<8x2048xf32, #tpu.memory_space<hbm>>
    %dma_start3A_897 = arith.constant 0 : i32
    %dma_start3A_898 = tpu.memref_slice %arg2[%dma_start3A_893, %add3A_892, %dma_start3A_897] : memref<4x2048x2048xf32, #tpu.memory_space<hbm>> -> memref<1x8x2048xf32, #tpu.memory_space<hbm>>
    %dma_start3A_899 = tpu.memref_squeeze %dma_start3A_898 : memref<1x8x2048xf32, #tpu.memory_space<hbm>> -> memref<8x2048xf32, #tpu.memory_space<hbm>>
    tpu.enqueue_dma source(%dma_start3A_899 : memref<8x2048xf32, #tpu.memory_space<hbm>>) target(%arg6 : memref<8x2048xf32, #tpu.memory_space<vmem>>) target_semaphore(%arg13 : memref<!tpu.dma_semaphore, #tpu.memory_space<semaphore_mem>>)
    %dma_wait3A_900 = arith.constant 3 : i32
    %dma_wait3A_901 = arith.constant 0 : i32
    %dma_wait3A_902 = tpu.memref_slice %arg2[%dma_wait3A_900, %add3A_777, %dma_wait3A_901] : memref<4x2048x2048xf32, #tpu.memory_space<hbm>> -> memref<1x8x2048xf32, #tpu.memory_space<hbm>>
    %dma_wait3A_903 = tpu.memref_squeeze %dma_wait3A_902 : memref<1x8x2048xf32, #tpu.memory_space<hbm>> -> memref<8x2048xf32, #tpu.memory_space<hbm>>
    %dma_wait3A_904 = arith.constant 0 : i32
    %dma_wait3A_905 = tpu.memref_slice %arg2[%dma_wait3A_900, %add3A_777, %dma_wait3A_904] : memref<4x2048x2048xf32, #tpu.memory_space<hbm>> -> memref<1x8x2048xf32, #tpu.memory_space<hbm>>
    %dma_wait3A_906 = tpu.memref_squeeze %dma_wait3A_905 : memref<1x8x2048xf32, #tpu.memory_space<hbm>> -> memref<8x2048xf32, #tpu.memory_space<hbm>>
    tpu.wait_dma2 semaphore(%arg15 : memref<!tpu.dma_semaphore, #tpu.memory_space<semaphore_mem>>) src(%dma_wait3A_906 : memref<8x2048xf32, #tpu.memory_space<hbm>>) dst(%arg8 : memref<8x2048xf32, #tpu.memory_space<vmem>>)
    %parallel_loop3A_907 = arith.constant 0 : i32
    %parallel_loop3A_908 = arith.constant 1024 : i32
    %parallel_loop3A_909 = arith.constant 1 : i32
    scf.for %parallel_loop3A_1200 = %parallel_loop3A_907 to %parallel_loop3A_908 step %parallel_loop3A_909  : i32 {
      %parallel_loop3A_1201 = arith.constant 128 : i32
      %parallel_loop3A_1202 = arith.divsi %parallel_loop3A_1200, %parallel_loop3A_1201 : i32
      %parallel_loop3A_1203 = arith.constant 0 : i32
      %parallel_loop3A_1204 = arith.cmpi sgt, %parallel_loop3A_1200, %parallel_loop3A_1203 : i32
      %parallel_loop3A_1205 = arith.extui %parallel_loop3A_1204 : i1 to i32
      %parallel_loop3A_1206 = arith.constant 0 : i32
      %parallel_loop3A_1207 = arith.cmpi slt, %parallel_loop3A_1200, %parallel_loop3A_1206 : i32
      %parallel_loop3A_1208 = arith.extui %parallel_loop3A_1207 : i1 to i32
      %parallel_loop3A_1209 = arith.subi %parallel_loop3A_1205, %parallel_loop3A_1208 : i32
      %parallel_loop3A_1210 = arith.constant 0 : i32
      %parallel_loop3A_1211 = arith.cmpi sgt, %parallel_loop3A_1201, %parallel_loop3A_1210 : i32
      %parallel_loop3A_1212 = arith.extui %parallel_loop3A_1211 : i1 to i32
      %parallel_loop3A_1213 = arith.constant 0 : i32
      %parallel_loop3A_1214 = arith.cmpi slt, %parallel_loop3A_1201, %parallel_loop3A_1213 : i32
      %parallel_loop3A_1215 = arith.extui %parallel_loop3A_1214 : i1 to i32
      %parallel_loop3A_1216 = arith.subi %parallel_loop3A_1212, %parallel_loop3A_1215 : i32
      %parallel_loop3A_1217 = arith.cmpi ne, %parallel_loop3A_1209, %parallel_loop3A_1216 : i32
      %parallel_loop3A_1218 = arith.remsi %parallel_loop3A_1200, %parallel_loop3A_1201 : i32
      %parallel_loop3A_1219 = arith.constant 0 : i32
      %parallel_loop3A_1220 = arith.cmpi ne, %parallel_loop3A_1218, %parallel_loop3A_1219 : i32
      %parallel_loop3A_1221 = arith.andi %parallel_loop3A_1217, %parallel_loop3A_1220 : i1
      %parallel_loop3A_1222 = arith.constant 1 : i32
      %parallel_loop3A_1223 = arith.subi %parallel_loop3A_1202, %parallel_loop3A_1222 : i32
      %parallel_loop3A_1224 = arith.select %parallel_loop3A_1221, %parallel_loop3A_1223, %parallel_loop3A_1202 : i32
      %parallel_loop3A_1225 = arith.constant 128 : i32
      %parallel_loop3A_1226 = arith.constant 0 : i32
      %parallel_loop3A_1227 = arith.cmpi eq, %parallel_loop3A_1225, %parallel_loop3A_1226 : i32
      %parallel_loop3A_1228 = arith.constant 1 : i32
      %parallel_loop3A_1229 = arith.select %parallel_loop3A_1227, %parallel_loop3A_1228, %parallel_loop3A_1225 : i32
      %parallel_loop3A_1230 = arith.remsi %parallel_loop3A_1200, %parallel_loop3A_1229 : i32
      %parallel_loop3A_1231 = arith.constant 0 : i32
      %parallel_loop3A_1232 = arith.cmpi ne, %parallel_loop3A_1230, %parallel_loop3A_1231 : i32
      %parallel_loop3A_1233 = arith.constant 0 : i32
      %parallel_loop3A_1234 = arith.cmpi slt, %parallel_loop3A_1230, %parallel_loop3A_1233 : i32
      %parallel_loop3A_1235 = arith.constant 0 : i32
      %parallel_loop3A_1236 = arith.cmpi slt, %parallel_loop3A_1229, %parallel_loop3A_1235 : i32
      %parallel_loop3A_1237 = arith.xori %parallel_loop3A_1234, %parallel_loop3A_1236 : i1
      %parallel_loop3A_1238 = arith.andi %parallel_loop3A_1237, %parallel_loop3A_1232 : i1
      %parallel_loop3A_1239 = arith.addi %parallel_loop3A_1230, %parallel_loop3A_1229 : i32
      %parallel_loop3A_1240 = arith.select %parallel_loop3A_1238, %parallel_loop3A_1239, %parallel_loop3A_1230 : i32
      %parallel_loop3A_1241 = arith.constant 16 : i32
      %parallel_loop3A_1242 = arith.muli %parallel_loop3A_1240, %parallel_loop3A_1241 : i32
      %parallel_loop3A_1243 = arith.index_cast %parallel_loop3A_1224 : i32 to index
      %parallel_loop3A_1244 = arith.index_cast %parallel_loop3A_1242 : i32 to index
      %parallel_loop3A_1245 = tpu.vector_load %arg8[%parallel_loop3A_1243, %parallel_loop3A_1244] {strides = array<i32>} : memref<8x2048xf32, #tpu.memory_space<vmem>>, vector<1x16xf32>,
      %parallel_loop3A_1246 = vector.shape_cast %parallel_loop3A_1245 : vector<1x16xf32> to vector<16xf32>
      %parallel_loop3A_1247 = arith.index_cast %parallel_loop3A_1224 : i32 to index
      %parallel_loop3A_1248 = arith.index_cast %parallel_loop3A_1242 : i32 to index
      %parallel_loop3A_1249 = tpu.vector_load %arg11[%parallel_loop3A_1247, %parallel_loop3A_1248] {strides = array<i32>} : memref<8x2048xf32, #tpu.memory_space<vmem>>, vector<1x16xf32>,
      %parallel_loop3A_1250 = vector.shape_cast %parallel_loop3A_1249 : vector<1x16xf32> to vector<16xf32>
      %parallel_loop3A_1251 = arith.addf %parallel_loop3A_1246, %parallel_loop3A_1250 : vector<16xf32>
      %parallel_loop3A_1252 = arith.index_cast %parallel_loop3A_1224 : i32 to index
      %parallel_loop3A_1253 = arith.index_cast %parallel_loop3A_1242 : i32 to index
      %parallel_loop3A_1254 = tpu.vector_load %arg8[%parallel_loop3A_1252, %parallel_loop3A_1253] {strides = array<i32>} : memref<8x2048xf32, #tpu.memory_space<vmem>>, vector<1x16xf32>,
      %parallel_loop3A_1255 = vector.shape_cast %parallel_loop3A_1254 : vector<1x16xf32> to vector<16xf32>
      %parallel_loop3A_1256 = vector.shape_cast %parallel_loop3A_1251 : vector<16xf32> to vector<1x16xf32>
      tpu.vector_store %arg8[%parallel_loop3A_1252, %parallel_loop3A_1253], %parallel_loop3A_1256 {strides = array<i32>} : memref<8x2048xf32, #tpu.memory_space<vmem>>, vector<1x16xf32>,
    } {sc.loop_unroll_factor = 8 : i64, sc.parallel_access}
    %add3A_910 = arith.constant 40 : i32
    %add3A_911 = arith.addi %mul3A_2, %add3A_910 : i32
    %dma_start3A_912 = arith.constant 3 : i32
    %dma_start3A_913 = arith.constant 0 : i32
    %dma_start3A_914 = tpu.memref_slice %arg4[%dma_start3A_912, %add3A_911, %dma_start3A_913] : memref<4x2048x2048xf32, #tpu.memory_space<hbm>> -> memref<1x8x2048xf32, #tpu.memory_space<hbm>>
    %dma_start3A_915 = tpu.memref_squeeze %dma_start3A_914 : memref<1x8x2048xf32, #tpu.memory_space<hbm>> -> memref<8x2048xf32, #tpu.memory_space<hbm>>
    %dma_start3A_916 = arith.constant 0 : i32
    %dma_start3A_917 = tpu.memref_slice %arg4[%dma_start3A_912, %add3A_911, %dma_start3A_916] : memref<4x2048x2048xf32, #tpu.memory_space<hbm>> -> memref<1x8x2048xf32, #tpu.memory_space<hbm>>
    %dma_start3A_918 = tpu.memref_squeeze %dma_start3A_917 : memref<1x8x2048xf32, #tpu.memory_space<hbm>> -> memref<8x2048xf32, #tpu.memory_space<hbm>>
    tpu.enqueue_dma source(%arg8 : memref<8x2048xf32, #tpu.memory_space<vmem>>) target(%dma_start3A_918 : memref<8x2048xf32, #tpu.memory_space<hbm>>) target_semaphore(%arg20 : memref<!tpu.dma_semaphore, #tpu.memory_space<semaphore_mem>>)
    %dma_wait3A_919 = arith.constant 2 : i32
    %dma_wait3A_920 = arith.constant 0 : i32
    %dma_wait3A_921 = tpu.memref_slice %arg4[%dma_wait3A_919, %add3A_876, %dma_wait3A_920] : memref<4x2048x2048xf32, #tpu.memory_space<hbm>> -> memref<1x8x2048xf32, #tpu.memory_space<hbm>>
    %dma_wait3A_922 = tpu.memref_squeeze %dma_wait3A_921 : memref<1x8x2048xf32, #tpu.memory_space<hbm>> -> memref<8x2048xf32, #tpu.memory_space<hbm>>
    %dma_wait3A_923 = arith.constant 0 : i32
    %dma_wait3A_924 = tpu.memref_slice %arg4[%dma_wait3A_919, %add3A_876, %dma_wait3A_923] : memref<4x2048x2048xf32, #tpu.memory_space<hbm>> -> memref<1x8x2048xf32, #tpu.memory_space<hbm>>
    %dma_wait3A_925 = tpu.memref_squeeze %dma_wait3A_924 : memref<1x8x2048xf32, #tpu.memory_space<hbm>> -> memref<8x2048xf32, #tpu.memory_space<hbm>>
    tpu.wait_dma2 semaphore(%arg19 : memref<!tpu.dma_semaphore, #tpu.memory_space<semaphore_mem>>) src(%arg7 : memref<8x2048xf32, #tpu.memory_space<vmem>>) dst(%dma_wait3A_925 : memref<8x2048xf32, #tpu.memory_space<hbm>>)
    %add3A_926 = arith.constant 48 : i32
    %add3A_927 = arith.addi %mul3A_2, %add3A_926 : i32
    %dma_start3A_928 = arith.constant 3 : i32
    %dma_start3A_929 = arith.constant 0 : i32
    %dma_start3A_930 = tpu.memref_slice %arg2[%dma_start3A_928, %add3A_927, %dma_start3A_929] : memref<4x2048x2048xf32, #tpu.memory_space<hbm>> -> memref<1x8x2048xf32, #tpu.memory_space<hbm>>
    %dma_start3A_931 = tpu.memref_squeeze %dma_start3A_930 : memref<1x8x2048xf32, #tpu.memory_space<hbm>> -> memref<8x2048xf32, #tpu.memory_space<hbm>>
    %dma_start3A_932 = arith.constant 0 : i32
    %dma_start3A_933 = tpu.memref_slice %arg2[%dma_start3A_928, %add3A_927, %dma_start3A_932] : memref<4x2048x2048xf32, #tpu.memory_space<hbm>> -> memref<1x8x2048xf32, #tpu.memory_space<hbm>>
    %dma_start3A_934 = tpu.memref_squeeze %dma_start3A_933 : memref<1x8x2048xf32, #tpu.memory_space<hbm>> -> memref<8x2048xf32, #tpu.memory_space<hbm>>
    tpu.enqueue_dma source(%dma_start3A_934 : memref<8x2048xf32, #tpu.memory_space<hbm>>) target(%arg7 : memref<8x2048xf32, #tpu.memory_space<vmem>>) target_semaphore(%arg14 : memref<!tpu.dma_semaphore, #tpu.memory_space<semaphore_mem>>)
    %add3A_935 = arith.constant 56 : i32
    %add3A_936 = arith.addi %mul3A_2, %add3A_935 : i32
    %dma_start3A_937 = arith.constant 0 : i32
    %dma_start3A_938 = tpu.memref_slice %arg3[%add3A_936, %dma_start3A_937] : memref<2048x2048xf32, #tpu.memory_space<hbm>> -> memref<8x2048xf32, #tpu.memory_space<hbm>>
    %dma_start3A_939 = arith.constant 0 : i32
    %dma_start3A_940 = tpu.memref_slice %arg3[%add3A_936, %dma_start3A_939] : memref<2048x2048xf32, #tpu.memory_space<hbm>> -> memref<8x2048xf32, #tpu.memory_space<hbm>>
    tpu.enqueue_dma source(%dma_start3A_940 : memref<8x2048xf32, #tpu.memory_space<hbm>>) target(%arg11 : memref<8x2048xf32, #tpu.memory_space<vmem>>) target_semaphore(%arg23 : memref<!tpu.dma_semaphore, #tpu.memory_space<semaphore_mem>>)
    %dma_wait3A_941 = arith.constant 0 : i32
    %dma_wait3A_942 = tpu.memref_slice %arg3[%add3A_786, %dma_wait3A_941] : memref<2048x2048xf32, #tpu.memory_space<hbm>> -> memref<8x2048xf32, #tpu.memory_space<hbm>>
    %dma_wait3A_943 = arith.constant 0 : i32
    %dma_wait3A_944 = tpu.memref_slice %arg3[%add3A_786, %dma_wait3A_943] : memref<2048x2048xf32, #tpu.memory_space<hbm>> -> memref<8x2048xf32, #tpu.memory_space<hbm>>
    tpu.wait_dma2 semaphore(%arg22 : memref<!tpu.dma_semaphore, #tpu.memory_space<semaphore_mem>>) src(%dma_wait3A_944 : memref<8x2048xf32, #tpu.memory_space<hbm>>) dst(%arg10 : memref<8x2048xf32, #tpu.memory_space<vmem>>)
    %dma_wait3A_945 = arith.constant 0 : i32
    %dma_wait3A_946 = arith.constant 0 : i32
    %dma_wait3A_947 = tpu.memref_slice %arg2[%dma_wait3A_945, %add3A_822, %dma_wait3A_946] : memref<4x2048x2048xf32, #tpu.memory_space<hbm>> -> memref<1x8x2048xf32, #tpu.memory_space<hbm>>
    %dma_wait3A_948 = tpu.memref_squeeze %dma_wait3A_947 : memref<1x8x2048xf32, #tpu.memory_space<hbm>> -> memref<8x2048xf32, #tpu.memory_space<hbm>>
    %dma_wait3A_949 = arith.constant 0 : i32
    %dma_wait3A_950 = tpu.memref_slice %arg2[%dma_wait3A_945, %add3A_822, %dma_wait3A_949] : memref<4x2048x2048xf32, #tpu.memory_space<hbm>> -> memref<1x8x2048xf32, #tpu.memory_space<hbm>>
    %dma_wait3A_951 = tpu.memref_squeeze %dma_wait3A_950 : memref<1x8x2048xf32, #tpu.memory_space<hbm>> -> memref<8x2048xf32, #tpu.memory_space<hbm>>
    tpu.wait_dma2 semaphore(%arg16 : memref<!tpu.dma_semaphore, #tpu.memory_space<semaphore_mem>>) src(%dma_wait3A_951 : memref<8x2048xf32, #tpu.memory_space<hbm>>) dst(%arg9 : memref<8x2048xf32, #tpu.memory_space<vmem>>)
    %parallel_loop3A_952 = arith.constant 0 : i32
    %parallel_loop3A_953 = arith.constant 1024 : i32
    %parallel_loop3A_954 = arith.constant 1 : i32
    scf.for %parallel_loop3A_1200 = %parallel_loop3A_952 to %parallel_loop3A_953 step %parallel_loop3A_954  : i32 {
      %parallel_loop3A_1201 = arith.constant 128 : i32
      %parallel_loop3A_1202 = arith.divsi %parallel_loop3A_1200, %parallel_loop3A_1201 : i32
      %parallel_loop3A_1203 = arith.constant 0 : i32
      %parallel_loop3A_1204 = arith.cmpi sgt, %parallel_loop3A_1200, %parallel_loop3A_1203 : i32
      %parallel_loop3A_1205 = arith.extui %parallel_loop3A_1204 : i1 to i32
      %parallel_loop3A_1206 = arith.constant 0 : i32
      %parallel_loop3A_1207 = arith.cmpi slt, %parallel_loop3A_1200, %parallel_loop3A_1206 : i32
      %parallel_loop3A_1208 = arith.extui %parallel_loop3A_1207 : i1 to i32
      %parallel_loop3A_1209 = arith.subi %parallel_loop3A_1205, %parallel_loop3A_1208 : i32
      %parallel_loop3A_1210 = arith.constant 0 : i32
      %parallel_loop3A_1211 = arith.cmpi sgt, %parallel_loop3A_1201, %parallel_loop3A_1210 : i32
      %parallel_loop3A_1212 = arith.extui %parallel_loop3A_1211 : i1 to i32
      %parallel_loop3A_1213 = arith.constant 0 : i32
      %parallel_loop3A_1214 = arith.cmpi slt, %parallel_loop3A_1201, %parallel_loop3A_1213 : i32
      %parallel_loop3A_1215 = arith.extui %parallel_loop3A_1214 : i1 to i32
      %parallel_loop3A_1216 = arith.subi %parallel_loop3A_1212, %parallel_loop3A_1215 : i32
      %parallel_loop3A_1217 = arith.cmpi ne, %parallel_loop3A_1209, %parallel_loop3A_1216 : i32
      %parallel_loop3A_1218 = arith.remsi %parallel_loop3A_1200, %parallel_loop3A_1201 : i32
      %parallel_loop3A_1219 = arith.constant 0 : i32
      %parallel_loop3A_1220 = arith.cmpi ne, %parallel_loop3A_1218, %parallel_loop3A_1219 : i32
      %parallel_loop3A_1221 = arith.andi %parallel_loop3A_1217, %parallel_loop3A_1220 : i1
      %parallel_loop3A_1222 = arith.constant 1 : i32
      %parallel_loop3A_1223 = arith.subi %parallel_loop3A_1202, %parallel_loop3A_1222 : i32
      %parallel_loop3A_1224 = arith.select %parallel_loop3A_1221, %parallel_loop3A_1223, %parallel_loop3A_1202 : i32
      %parallel_loop3A_1225 = arith.constant 128 : i32
      %parallel_loop3A_1226 = arith.constant 0 : i32
      %parallel_loop3A_1227 = arith.cmpi eq, %parallel_loop3A_1225, %parallel_loop3A_1226 : i32
      %parallel_loop3A_1228 = arith.constant 1 : i32
      %parallel_loop3A_1229 = arith.select %parallel_loop3A_1227, %parallel_loop3A_1228, %parallel_loop3A_1225 : i32
      %parallel_loop3A_1230 = arith.remsi %parallel_loop3A_1200, %parallel_loop3A_1229 : i32
      %parallel_loop3A_1231 = arith.constant 0 : i32
      %parallel_loop3A_1232 = arith.cmpi ne, %parallel_loop3A_1230, %parallel_loop3A_1231 : i32
      %parallel_loop3A_1233 = arith.constant 0 : i32
      %parallel_loop3A_1234 = arith.cmpi slt, %parallel_loop3A_1230, %parallel_loop3A_1233 : i32
      %parallel_loop3A_1235 = arith.constant 0 : i32
      %parallel_loop3A_1236 = arith.cmpi slt, %parallel_loop3A_1229, %parallel_loop3A_1235 : i32
      %parallel_loop3A_1237 = arith.xori %parallel_loop3A_1234, %parallel_loop3A_1236 : i1
      %parallel_loop3A_1238 = arith.andi %parallel_loop3A_1237, %parallel_loop3A_1232 : i1
      %parallel_loop3A_1239 = arith.addi %parallel_loop3A_1230, %parallel_loop3A_1229 : i32
      %parallel_loop3A_1240 = arith.select %parallel_loop3A_1238, %parallel_loop3A_1239, %parallel_loop3A_1230 : i32
      %parallel_loop3A_1241 = arith.constant 16 : i32
      %parallel_loop3A_1242 = arith.muli %parallel_loop3A_1240, %parallel_loop3A_1241 : i32
      %parallel_loop3A_1243 = arith.index_cast %parallel_loop3A_1224 : i32 to index
      %parallel_loop3A_1244 = arith.index_cast %parallel_loop3A_1242 : i32 to index
      %parallel_loop3A_1245 = tpu.vector_load %arg9[%parallel_loop3A_1243, %parallel_loop3A_1244] {strides = array<i32>} : memref<8x2048xf32, #tpu.memory_space<vmem>>, vector<1x16xf32>,
      %parallel_loop3A_1246 = vector.shape_cast %parallel_loop3A_1245 : vector<1x16xf32> to vector<16xf32>
      %parallel_loop3A_1247 = arith.index_cast %parallel_loop3A_1224 : i32 to index
      %parallel_loop3A_1248 = arith.index_cast %parallel_loop3A_1242 : i32 to index
      %parallel_loop3A_1249 = tpu.vector_load %arg10[%parallel_loop3A_1247, %parallel_loop3A_1248] {strides = array<i32>} : memref<8x2048xf32, #tpu.memory_space<vmem>>, vector<1x16xf32>,
      %parallel_loop3A_1250 = vector.shape_cast %parallel_loop3A_1249 : vector<1x16xf32> to vector<16xf32>
      %parallel_loop3A_1251 = arith.addf %parallel_loop3A_1246, %parallel_loop3A_1250 : vector<16xf32>
      %parallel_loop3A_1252 = arith.index_cast %parallel_loop3A_1224 : i32 to index
      %parallel_loop3A_1253 = arith.index_cast %parallel_loop3A_1242 : i32 to index
      %parallel_loop3A_1254 = tpu.vector_load %arg9[%parallel_loop3A_1252, %parallel_loop3A_1253] {strides = array<i32>} : memref<8x2048xf32, #tpu.memory_space<vmem>>, vector<1x16xf32>,
      %parallel_loop3A_1255 = vector.shape_cast %parallel_loop3A_1254 : vector<1x16xf32> to vector<16xf32>
      %parallel_loop3A_1256 = vector.shape_cast %parallel_loop3A_1251 : vector<16xf32> to vector<1x16xf32>
      tpu.vector_store %arg9[%parallel_loop3A_1252, %parallel_loop3A_1253], %parallel_loop3A_1256 {strides = array<i32>} : memref<8x2048xf32, #tpu.memory_space<vmem>>, vector<1x16xf32>,
    } {sc.loop_unroll_factor = 8 : i64, sc.parallel_access}
    %add3A_955 = arith.constant 48 : i32
    %add3A_956 = arith.addi %mul3A_2, %add3A_955 : i32
    %dma_start3A_957 = arith.constant 0 : i32
    %dma_start3A_958 = arith.constant 0 : i32
    %dma_start3A_959 = tpu.memref_slice %arg4[%dma_start3A_957, %add3A_956, %dma_start3A_958] : memref<4x2048x2048xf32, #tpu.memory_space<hbm>> -> memref<1x8x2048xf32, #tpu.memory_space<hbm>>
    %dma_start3A_960 = tpu.memref_squeeze %dma_start3A_959 : memref<1x8x2048xf32, #tpu.memory_space<hbm>> -> memref<8x2048xf32, #tpu.memory_space<hbm>>
    %dma_start3A_961 = arith.constant 0 : i32
    %dma_start3A_962 = tpu.memref_slice %arg4[%dma_start3A_957, %add3A_956, %dma_start3A_961] : memref<4x2048x2048xf32, #tpu.memory_space<hbm>> -> memref<1x8x2048xf32, #tpu.memory_space<hbm>>
    %dma_start3A_963 = tpu.memref_squeeze %dma_start3A_962 : memref<1x8x2048xf32, #tpu.memory_space<hbm>> -> memref<8x2048xf32, #tpu.memory_space<hbm>>
    tpu.enqueue_dma source(%arg9 : memref<8x2048xf32, #tpu.memory_space<vmem>>) target(%dma_start3A_963 : memref<8x2048xf32, #tpu.memory_space<hbm>>) target_semaphore(%arg21 : memref<!tpu.dma_semaphore, #tpu.memory_space<semaphore_mem>>)
    %dma_wait3A_964 = arith.constant 3 : i32
    %dma_wait3A_965 = arith.constant 0 : i32
    %dma_wait3A_966 = tpu.memref_slice %arg4[%dma_wait3A_964, %add3A_911, %dma_wait3A_965] : memref<4x2048x2048xf32, #tpu.memory_space<hbm>> -> memref<1x8x2048xf32, #tpu.memory_space<hbm>>
    %dma_wait3A_967 = tpu.memref_squeeze %dma_wait3A_966 : memref<1x8x2048xf32, #tpu.memory_space<hbm>> -> memref<8x2048xf32, #tpu.memory_space<hbm>>
    %dma_wait3A_968 = arith.constant 0 : i32
    %dma_wait3A_969 = tpu.memref_slice %arg4[%dma_wait3A_964, %add3A_911, %dma_wait3A_968] : memref<4x2048x2048xf32, #tpu.memory_space<hbm>> -> memref<1x8x2048xf32, #tpu.memory_space<hbm>>
    %dma_wait3A_970 = tpu.memref_squeeze %dma_wait3A_969 : memref<1x8x2048xf32, #tpu.memory_space<hbm>> -> memref<8x2048xf32, #tpu.memory_space<hbm>>
    tpu.wait_dma2 semaphore(%arg20 : memref<!tpu.dma_semaphore, #tpu.memory_space<semaphore_mem>>) src(%arg8 : memref<8x2048xf32, #tpu.memory_space<vmem>>) dst(%dma_wait3A_970 : memref<8x2048xf32, #tpu.memory_space<hbm>>)
    %add3A_971 = arith.constant 56 : i32
    %add3A_972 = arith.addi %mul3A_2, %add3A_971 : i32
    %dma_start3A_973 = arith.constant 0 : i32
    %dma_start3A_974 = arith.constant 0 : i32
    %dma_start3A_975 = tpu.memref_slice %arg2[%dma_start3A_973, %add3A_972, %dma_start3A_974] : memref<4x2048x2048xf32, #tpu.memory_space<hbm>> -> memref<1x8x2048xf32, #tpu.memory_space<hbm>>
    %dma_start3A_976 = tpu.memref_squeeze %dma_start3A_975 : memref<1x8x2048xf32, #tpu.memory_space<hbm>> -> memref<8x2048xf32, #tpu.memory_space<hbm>>
    %dma_start3A_977 = arith.constant 0 : i32
    %dma_start3A_978 = tpu.memref_slice %arg2[%dma_start3A_973, %add3A_972, %dma_start3A_977] : memref<4x2048x2048xf32, #tpu.memory_space<hbm>> -> memref<1x8x2048xf32, #tpu.memory_space<hbm>>
    %dma_start3A_979 = tpu.memref_squeeze %dma_start3A_978 : memref<1x8x2048xf32, #tpu.memory_space<hbm>> -> memref<8x2048xf32, #tpu.memory_space<hbm>>
    tpu.enqueue_dma source(%dma_start3A_979 : memref<8x2048xf32, #tpu.memory_space<hbm>>) target(%arg8 : memref<8x2048xf32, #tpu.memory_space<vmem>>) target_semaphore(%arg15 : memref<!tpu.dma_semaphore, #tpu.memory_space<semaphore_mem>>)
    %dma_wait3A_980 = arith.constant 1 : i32
    %dma_wait3A_981 = arith.constant 0 : i32
    %dma_wait3A_982 = tpu.memref_slice %arg2[%dma_wait3A_980, %add3A_857, %dma_wait3A_981] : memref<4x2048x2048xf32, #tpu.memory_space<hbm>> -> memref<1x8x2048xf32, #tpu.memory_space<hbm>>
    %dma_wait3A_983 = tpu.memref_squeeze %dma_wait3A_982 : memref<1x8x2048xf32, #tpu.memory_space<hbm>> -> memref<8x2048xf32, #tpu.memory_space<hbm>>
    %dma_wait3A_984 = arith.constant 0 : i32
    %dma_wait3A_985 = tpu.memref_slice %arg2[%dma_wait3A_980, %add3A_857, %dma_wait3A_984] : memref<4x2048x2048xf32, #tpu.memory_space<hbm>> -> memref<1x8x2048xf32, #tpu.memory_space<hbm>>
    %dma_wait3A_986 = tpu.memref_squeeze %dma_wait3A_985 : memref<1x8x2048xf32, #tpu.memory_space<hbm>> -> memref<8x2048xf32, #tpu.memory_space<hbm>>
    tpu.wait_dma2 semaphore(%arg12 : memref<!tpu.dma_semaphore, #tpu.memory_space<semaphore_mem>>) src(%dma_wait3A_986 : memref<8x2048xf32, #tpu.memory_space<hbm>>) dst(%arg5 : memref<8x2048xf32, #tpu.memory_space<vmem>>)
    %parallel_loop3A_987 = arith.constant 0 : i32
    %parallel_loop3A_988 = arith.constant 1024 : i32
    %parallel_loop3A_989 = arith.constant 1 : i32
    scf.for %parallel_loop3A_1200 = %parallel_loop3A_987 to %parallel_loop3A_988 step %parallel_loop3A_989  : i32 {
      %parallel_loop3A_1201 = arith.constant 128 : i32
      %parallel_loop3A_1202 = arith.divsi %parallel_loop3A_1200, %parallel_loop3A_1201 : i32
      %parallel_loop3A_1203 = arith.constant 0 : i32
      %parallel_loop3A_1204 = arith.cmpi sgt, %parallel_loop3A_1200, %parallel_loop3A_1203 : i32
      %parallel_loop3A_1205 = arith.extui %parallel_loop3A_1204 : i1 to i32
      %parallel_loop3A_1206 = arith.constant 0 : i32
      %parallel_loop3A_1207 = arith.cmpi slt, %parallel_loop3A_1200, %parallel_loop3A_1206 : i32
      %parallel_loop3A_1208 = arith.extui %parallel_loop3A_1207 : i1 to i32
      %parallel_loop3A_1209 = arith.subi %parallel_loop3A_1205, %parallel_loop3A_1208 : i32
      %parallel_loop3A_1210 = arith.constant 0 : i32
      %parallel_loop3A_1211 = arith.cmpi sgt, %parallel_loop3A_1201, %parallel_loop3A_1210 : i32
      %parallel_loop3A_1212 = arith.extui %parallel_loop3A_1211 : i1 to i32
      %parallel_loop3A_1213 = arith.constant 0 : i32
      %parallel_loop3A_1214 = arith.cmpi slt, %parallel_loop3A_1201, %parallel_loop3A_1213 : i32
      %parallel_loop3A_1215 = arith.extui %parallel_loop3A_1214 : i1 to i32
      %parallel_loop3A_1216 = arith.subi %parallel_loop3A_1212, %parallel_loop3A_1215 : i32
      %parallel_loop3A_1217 = arith.cmpi ne, %parallel_loop3A_1209, %parallel_loop3A_1216 : i32
      %parallel_loop3A_1218 = arith.remsi %parallel_loop3A_1200, %parallel_loop3A_1201 : i32
      %parallel_loop3A_1219 = arith.constant 0 : i32
      %parallel_loop3A_1220 = arith.cmpi ne, %parallel_loop3A_1218, %parallel_loop3A_1219 : i32
      %parallel_loop3A_1221 = arith.andi %parallel_loop3A_1217, %parallel_loop3A_1220 : i1
      %parallel_loop3A_1222 = arith.constant 1 : i32
      %parallel_loop3A_1223 = arith.subi %parallel_loop3A_1202, %parallel_loop3A_1222 : i32
      %parallel_loop3A_1224 = arith.select %parallel_loop3A_1221, %parallel_loop3A_1223, %parallel_loop3A_1202 : i32
      %parallel_loop3A_1225 = arith.constant 128 : i32
      %parallel_loop3A_1226 = arith.constant 0 : i32
      %parallel_loop3A_1227 = arith.cmpi eq, %parallel_loop3A_1225, %parallel_loop3A_1226 : i32
      %parallel_loop3A_1228 = arith.constant 1 : i32
      %parallel_loop3A_1229 = arith.select %parallel_loop3A_1227, %parallel_loop3A_1228, %parallel_loop3A_1225 : i32
      %parallel_loop3A_1230 = arith.remsi %parallel_loop3A_1200, %parallel_loop3A_1229 : i32
      %parallel_loop3A_1231 = arith.constant 0 : i32
      %parallel_loop3A_1232 = arith.cmpi ne, %parallel_loop3A_1230, %parallel_loop3A_1231 : i32
      %parallel_loop3A_1233 = arith.constant 0 : i32
      %parallel_loop3A_1234 = arith.cmpi slt, %parallel_loop3A_1230, %parallel_loop3A_1233 : i32
      %parallel_loop3A_1235 = arith.constant 0 : i32
      %parallel_loop3A_1236 = arith.cmpi slt, %parallel_loop3A_1229, %parallel_loop3A_1235 : i32
      %parallel_loop3A_1237 = arith.xori %parallel_loop3A_1234, %parallel_loop3A_1236 : i1
      %parallel_loop3A_1238 = arith.andi %parallel_loop3A_1237, %parallel_loop3A_1232 : i1
      %parallel_loop3A_1239 = arith.addi %parallel_loop3A_1230, %parallel_loop3A_1229 : i32
      %parallel_loop3A_1240 = arith.select %parallel_loop3A_1238, %parallel_loop3A_1239, %parallel_loop3A_1230 : i32
      %parallel_loop3A_1241 = arith.constant 16 : i32
      %parallel_loop3A_1242 = arith.muli %parallel_loop3A_1240, %parallel_loop3A_1241 : i32
      %parallel_loop3A_1243 = arith.index_cast %parallel_loop3A_1224 : i32 to index
      %parallel_loop3A_1244 = arith.index_cast %parallel_loop3A_1242 : i32 to index
      %parallel_loop3A_1245 = tpu.vector_load %arg5[%parallel_loop3A_1243, %parallel_loop3A_1244] {strides = array<i32>} : memref<8x2048xf32, #tpu.memory_space<vmem>>, vector<1x16xf32>,
      %parallel_loop3A_1246 = vector.shape_cast %parallel_loop3A_1245 : vector<1x16xf32> to vector<16xf32>
      %parallel_loop3A_1247 = arith.index_cast %parallel_loop3A_1224 : i32 to index
      %parallel_loop3A_1248 = arith.index_cast %parallel_loop3A_1242 : i32 to index
      %parallel_loop3A_1249 = tpu.vector_load %arg10[%parallel_loop3A_1247, %parallel_loop3A_1248] {strides = array<i32>} : memref<8x2048xf32, #tpu.memory_space<vmem>>, vector<1x16xf32>,
      %parallel_loop3A_1250 = vector.shape_cast %parallel_loop3A_1249 : vector<1x16xf32> to vector<16xf32>
      %parallel_loop3A_1251 = arith.addf %parallel_loop3A_1246, %parallel_loop3A_1250 : vector<16xf32>
      %parallel_loop3A_1252 = arith.index_cast %parallel_loop3A_1224 : i32 to index
      %parallel_loop3A_1253 = arith.index_cast %parallel_loop3A_1242 : i32 to index
      %parallel_loop3A_1254 = tpu.vector_load %arg5[%parallel_loop3A_1252, %parallel_loop3A_1253] {strides = array<i32>} : memref<8x2048xf32, #tpu.memory_space<vmem>>, vector<1x16xf32>,
      %parallel_loop3A_1255 = vector.shape_cast %parallel_loop3A_1254 : vector<1x16xf32> to vector<16xf32>
      %parallel_loop3A_1256 = vector.shape_cast %parallel_loop3A_1251 : vector<16xf32> to vector<1x16xf32>
      tpu.vector_store %arg5[%parallel_loop3A_1252, %parallel_loop3A_1253], %parallel_loop3A_1256 {strides = array<i32>} : memref<8x2048xf32, #tpu.memory_space<vmem>>, vector<1x16xf32>,
    } {sc.loop_unroll_factor = 8 : i64, sc.parallel_access}
    %add3A_990 = arith.constant 48 : i32
    %add3A_991 = arith.addi %mul3A_2, %add3A_990 : i32
    %dma_start3A_992 = arith.constant 1 : i32
    %dma_start3A_993 = arith.constant 0 : i32
    %dma_start3A_994 = tpu.memref_slice %arg4[%dma_start3A_992, %add3A_991, %dma_start3A_993] : memref<4x2048x2048xf32, #tpu.memory_space<hbm>> -> memref<1x8x2048xf32, #tpu.memory_space<hbm>>
    %dma_start3A_995 = tpu.memref_squeeze %dma_start3A_994 : memref<1x8x2048xf32, #tpu.memory_space<hbm>> -> memref<8x2048xf32, #tpu.memory_space<hbm>>
    %dma_start3A_996 = arith.constant 0 : i32
    %dma_start3A_997 = tpu.memref_slice %arg4[%dma_start3A_992, %add3A_991, %dma_start3A_996] : memref<4x2048x2048xf32, #tpu.memory_space<hbm>> -> memref<1x8x2048xf32, #tpu.memory_space<hbm>>
    %dma_start3A_998 = tpu.memref_squeeze %dma_start3A_997 : memref<1x8x2048xf32, #tpu.memory_space<hbm>> -> memref<8x2048xf32, #tpu.memory_space<hbm>>
    tpu.enqueue_dma source(%arg5 : memref<8x2048xf32, #tpu.memory_space<vmem>>) target(%dma_start3A_998 : memref<8x2048xf32, #tpu.memory_space<hbm>>) target_semaphore(%arg17 : memref<!tpu.dma_semaphore, #tpu.memory_space<semaphore_mem>>)
    %dma_wait3A_999 = arith.constant 0 : i32
    %dma_wait3A_1000 = arith.constant 0 : i32
    %dma_wait3A_1001 = tpu.memref_slice %arg4[%dma_wait3A_999, %add3A_956, %dma_wait3A_1000] : memref<4x2048x2048xf32, #tpu.memory_space<hbm>> -> memref<1x8x2048xf32, #tpu.memory_space<hbm>>
    %dma_wait3A_1002 = tpu.memref_squeeze %dma_wait3A_1001 : memref<1x8x2048xf32, #tpu.memory_space<hbm>> -> memref<8x2048xf32, #tpu.memory_space<hbm>>
    %dma_wait3A_1003 = arith.constant 0 : i32
    %dma_wait3A_1004 = tpu.memref_slice %arg4[%dma_wait3A_999, %add3A_956, %dma_wait3A_1003] : memref<4x2048x2048xf32, #tpu.memory_space<hbm>> -> memref<1x8x2048xf32, #tpu.memory_space<hbm>>
    %dma_wait3A_1005 = tpu.memref_squeeze %dma_wait3A_1004 : memref<1x8x2048xf32, #tpu.memory_space<hbm>> -> memref<8x2048xf32, #tpu.memory_space<hbm>>
    tpu.wait_dma2 semaphore(%arg21 : memref<!tpu.dma_semaphore, #tpu.memory_space<semaphore_mem>>) src(%arg9 : memref<8x2048xf32, #tpu.memory_space<vmem>>) dst(%dma_wait3A_1005 : memref<8x2048xf32, #tpu.memory_space<hbm>>)
    %add3A_1006 = arith.constant 56 : i32
    %add3A_1007 = arith.addi %mul3A_2, %add3A_1006 : i32
    %dma_start3A_1008 = arith.constant 1 : i32
    %dma_start3A_1009 = arith.constant 0 : i32
    %dma_start3A_1010 = tpu.memref_slice %arg2[%dma_start3A_1008, %add3A_1007, %dma_start3A_1009] : memref<4x2048x2048xf32, #tpu.memory_space<hbm>> -> memref<1x8x2048xf32, #tpu.memory_space<hbm>>
    %dma_start3A_1011 = tpu.memref_squeeze %dma_start3A_1010 : memref<1x8x2048xf32, #tpu.memory_space<hbm>> -> memref<8x2048xf32, #tpu.memory_space<hbm>>
    %dma_start3A_1012 = arith.constant 0 : i32
    %dma_start3A_1013 = tpu.memref_slice %arg2[%dma_start3A_1008, %add3A_1007, %dma_start3A_1012] : memref<4x2048x2048xf32, #tpu.memory_space<hbm>> -> memref<1x8x2048xf32, #tpu.memory_space<hbm>>
    %dma_start3A_1014 = tpu.memref_squeeze %dma_start3A_1013 : memref<1x8x2048xf32, #tpu.memory_space<hbm>> -> memref<8x2048xf32, #tpu.memory_space<hbm>>
    tpu.enqueue_dma source(%dma_start3A_1014 : memref<8x2048xf32, #tpu.memory_space<hbm>>) target(%arg9 : memref<8x2048xf32, #tpu.memory_space<vmem>>) target_semaphore(%arg16 : memref<!tpu.dma_semaphore, #tpu.memory_space<semaphore_mem>>)
    %dma_wait3A_1015 = arith.constant 2 : i32
    %dma_wait3A_1016 = arith.constant 0 : i32
    %dma_wait3A_1017 = tpu.memref_slice %arg2[%dma_wait3A_1015, %add3A_892, %dma_wait3A_1016] : memref<4x2048x2048xf32, #tpu.memory_space<hbm>> -> memref<1x8x2048xf32, #tpu.memory_space<hbm>>
    %dma_wait3A_1018 = tpu.memref_squeeze %dma_wait3A_1017 : memref<1x8x2048xf32, #tpu.memory_space<hbm>> -> memref<8x2048xf32, #tpu.memory_space<hbm>>
    %dma_wait3A_1019 = arith.constant 0 : i32
    %dma_wait3A_1020 = tpu.memref_slice %arg2[%dma_wait3A_1015, %add3A_892, %dma_wait3A_1019] : memref<4x2048x2048xf32, #tpu.memory_space<hbm>> -> memref<1x8x2048xf32, #tpu.memory_space<hbm>>
    %dma_wait3A_1021 = tpu.memref_squeeze %dma_wait3A_1020 : memref<1x8x2048xf32, #tpu.memory_space<hbm>> -> memref<8x2048xf32, #tpu.memory_space<hbm>>
    tpu.wait_dma2 semaphore(%arg13 : memref<!tpu.dma_semaphore, #tpu.memory_space<semaphore_mem>>) src(%dma_wait3A_1021 : memref<8x2048xf32, #tpu.memory_space<hbm>>) dst(%arg6 : memref<8x2048xf32, #tpu.memory_space<vmem>>)
    %parallel_loop3A_1022 = arith.constant 0 : i32
    %parallel_loop3A_1023 = arith.constant 1024 : i32
    %parallel_loop3A_1024 = arith.constant 1 : i32
    scf.for %parallel_loop3A_1200 = %parallel_loop3A_1022 to %parallel_loop3A_1023 step %parallel_loop3A_1024  : i32 {
      %parallel_loop3A_1201 = arith.constant 128 : i32
      %parallel_loop3A_1202 = arith.divsi %parallel_loop3A_1200, %parallel_loop3A_1201 : i32
      %parallel_loop3A_1203 = arith.constant 0 : i32
      %parallel_loop3A_1204 = arith.cmpi sgt, %parallel_loop3A_1200, %parallel_loop3A_1203 : i32
      %parallel_loop3A_1205 = arith.extui %parallel_loop3A_1204 : i1 to i32
      %parallel_loop3A_1206 = arith.constant 0 : i32
      %parallel_loop3A_1207 = arith.cmpi slt, %parallel_loop3A_1200, %parallel_loop3A_1206 : i32
      %parallel_loop3A_1208 = arith.extui %parallel_loop3A_1207 : i1 to i32
      %parallel_loop3A_1209 = arith.subi %parallel_loop3A_1205, %parallel_loop3A_1208 : i32
      %parallel_loop3A_1210 = arith.constant 0 : i32
      %parallel_loop3A_1211 = arith.cmpi sgt, %parallel_loop3A_1201, %parallel_loop3A_1210 : i32
      %parallel_loop3A_1212 = arith.extui %parallel_loop3A_1211 : i1 to i32
      %parallel_loop3A_1213 = arith.constant 0 : i32
      %parallel_loop3A_1214 = arith.cmpi slt, %parallel_loop3A_1201, %parallel_loop3A_1213 : i32
      %parallel_loop3A_1215 = arith.extui %parallel_loop3A_1214 : i1 to i32
      %parallel_loop3A_1216 = arith.subi %parallel_loop3A_1212, %parallel_loop3A_1215 : i32
      %parallel_loop3A_1217 = arith.cmpi ne, %parallel_loop3A_1209, %parallel_loop3A_1216 : i32
      %parallel_loop3A_1218 = arith.remsi %parallel_loop3A_1200, %parallel_loop3A_1201 : i32
      %parallel_loop3A_1219 = arith.constant 0 : i32
      %parallel_loop3A_1220 = arith.cmpi ne, %parallel_loop3A_1218, %parallel_loop3A_1219 : i32
      %parallel_loop3A_1221 = arith.andi %parallel_loop3A_1217, %parallel_loop3A_1220 : i1
      %parallel_loop3A_1222 = arith.constant 1 : i32
      %parallel_loop3A_1223 = arith.subi %parallel_loop3A_1202, %parallel_loop3A_1222 : i32
      %parallel_loop3A_1224 = arith.select %parallel_loop3A_1221, %parallel_loop3A_1223, %parallel_loop3A_1202 : i32
      %parallel_loop3A_1225 = arith.constant 128 : i32
      %parallel_loop3A_1226 = arith.constant 0 : i32
      %parallel_loop3A_1227 = arith.cmpi eq, %parallel_loop3A_1225, %parallel_loop3A_1226 : i32
      %parallel_loop3A_1228 = arith.constant 1 : i32
      %parallel_loop3A_1229 = arith.select %parallel_loop3A_1227, %parallel_loop3A_1228, %parallel_loop3A_1225 : i32
      %parallel_loop3A_1230 = arith.remsi %parallel_loop3A_1200, %parallel_loop3A_1229 : i32
      %parallel_loop3A_1231 = arith.constant 0 : i32
      %parallel_loop3A_1232 = arith.cmpi ne, %parallel_loop3A_1230, %parallel_loop3A_1231 : i32
      %parallel_loop3A_1233 = arith.constant 0 : i32
      %parallel_loop3A_1234 = arith.cmpi slt, %parallel_loop3A_1230, %parallel_loop3A_1233 : i32
      %parallel_loop3A_1235 = arith.constant 0 : i32
      %parallel_loop3A_1236 = arith.cmpi slt, %parallel_loop3A_1229, %parallel_loop3A_1235 : i32
      %parallel_loop3A_1237 = arith.xori %parallel_loop3A_1234, %parallel_loop3A_1236 : i1
      %parallel_loop3A_1238 = arith.andi %parallel_loop3A_1237, %parallel_loop3A_1232 : i1
      %parallel_loop3A_1239 = arith.addi %parallel_loop3A_1230, %parallel_loop3A_1229 : i32
      %parallel_loop3A_1240 = arith.select %parallel_loop3A_1238, %parallel_loop3A_1239, %parallel_loop3A_1230 : i32
      %parallel_loop3A_1241 = arith.constant 16 : i32
      %parallel_loop3A_1242 = arith.muli %parallel_loop3A_1240, %parallel_loop3A_1241 : i32
      %parallel_loop3A_1243 = arith.index_cast %parallel_loop3A_1224 : i32 to index
      %parallel_loop3A_1244 = arith.index_cast %parallel_loop3A_1242 : i32 to index
      %parallel_loop3A_1245 = tpu.vector_load %arg6[%parallel_loop3A_1243, %parallel_loop3A_1244] {strides = array<i32>} : memref<8x2048xf32, #tpu.memory_space<vmem>>, vector<1x16xf32>,
      %parallel_loop3A_1246 = vector.shape_cast %parallel_loop3A_1245 : vector<1x16xf32> to vector<16xf32>
      %parallel_loop3A_1247 = arith.index_cast %parallel_loop3A_1224 : i32 to index
      %parallel_loop3A_1248 = arith.index_cast %parallel_loop3A_1242 : i32 to index
      %parallel_loop3A_1249 = tpu.vector_load %arg10[%parallel_loop3A_1247, %parallel_loop3A_1248] {strides = array<i32>} : memref<8x2048xf32, #tpu.memory_space<vmem>>, vector<1x16xf32>,
      %parallel_loop3A_1250 = vector.shape_cast %parallel_loop3A_1249 : vector<1x16xf32> to vector<16xf32>
      %parallel_loop3A_1251 = arith.addf %parallel_loop3A_1246, %parallel_loop3A_1250 : vector<16xf32>
      %parallel_loop3A_1252 = arith.index_cast %parallel_loop3A_1224 : i32 to index
      %parallel_loop3A_1253 = arith.index_cast %parallel_loop3A_1242 : i32 to index
      %parallel_loop3A_1254 = tpu.vector_load %arg6[%parallel_loop3A_1252, %parallel_loop3A_1253] {strides = array<i32>} : memref<8x2048xf32, #tpu.memory_space<vmem>>, vector<1x16xf32>,
      %parallel_loop3A_1255 = vector.shape_cast %parallel_loop3A_1254 : vector<1x16xf32> to vector<16xf32>
      %parallel_loop3A_1256 = vector.shape_cast %parallel_loop3A_1251 : vector<16xf32> to vector<1x16xf32>
      tpu.vector_store %arg6[%parallel_loop3A_1252, %parallel_loop3A_1253], %parallel_loop3A_1256 {strides = array<i32>} : memref<8x2048xf32, #tpu.memory_space<vmem>>, vector<1x16xf32>,
    } {sc.loop_unroll_factor = 8 : i64, sc.parallel_access}
    %add3A_1025 = arith.constant 48 : i32
    %add3A_1026 = arith.addi %mul3A_2, %add3A_1025 : i32
    %dma_start3A_1027 = arith.constant 2 : i32
    %dma_start3A_1028 = arith.constant 0 : i32
    %dma_start3A_1029 = tpu.memref_slice %arg4[%dma_start3A_1027, %add3A_1026, %dma_start3A_1028] : memref<4x2048x2048xf32, #tpu.memory_space<hbm>> -> memref<1x8x2048xf32, #tpu.memory_space<hbm>>
    %dma_start3A_1030 = tpu.memref_squeeze %dma_start3A_1029 : memref<1x8x2048xf32, #tpu.memory_space<hbm>> -> memref<8x2048xf32, #tpu.memory_space<hbm>>
    %dma_start3A_1031 = arith.constant 0 : i32
    %dma_start3A_1032 = tpu.memref_slice %arg4[%dma_start3A_1027, %add3A_1026, %dma_start3A_1031] : memref<4x2048x2048xf32, #tpu.memory_space<hbm>> -> memref<1x8x2048xf32, #tpu.memory_space<hbm>>
    %dma_start3A_1033 = tpu.memref_squeeze %dma_start3A_1032 : memref<1x8x2048xf32, #tpu.memory_space<hbm>> -> memref<8x2048xf32, #tpu.memory_space<hbm>>
    tpu.enqueue_dma source(%arg6 : memref<8x2048xf32, #tpu.memory_space<vmem>>) target(%dma_start3A_1033 : memref<8x2048xf32, #tpu.memory_space<hbm>>) target_semaphore(%arg18 : memref<!tpu.dma_semaphore, #tpu.memory_space<semaphore_mem>>)
    %dma_wait3A_1034 = arith.constant 1 : i32
    %dma_wait3A_1035 = arith.constant 0 : i32
    %dma_wait3A_1036 = tpu.memref_slice %arg4[%dma_wait3A_1034, %add3A_991, %dma_wait3A_1035] : memref<4x2048x2048xf32, #tpu.memory_space<hbm>> -> memref<1x8x2048xf32, #tpu.memory_space<hbm>>
    %dma_wait3A_1037 = tpu.memref_squeeze %dma_wait3A_1036 : memref<1x8x2048xf32, #tpu.memory_space<hbm>> -> memref<8x2048xf32, #tpu.memory_space<hbm>>
    %dma_wait3A_1038 = arith.constant 0 : i32
    %dma_wait3A_1039 = tpu.memref_slice %arg4[%dma_wait3A_1034, %add3A_991, %dma_wait3A_1038] : memref<4x2048x2048xf32, #tpu.memory_space<hbm>> -> memref<1x8x2048xf32, #tpu.memory_space<hbm>>
    %dma_wait3A_1040 = tpu.memref_squeeze %dma_wait3A_1039 : memref<1x8x2048xf32, #tpu.memory_space<hbm>> -> memref<8x2048xf32, #tpu.memory_space<hbm>>
    tpu.wait_dma2 semaphore(%arg17 : memref<!tpu.dma_semaphore, #tpu.memory_space<semaphore_mem>>) src(%arg5 : memref<8x2048xf32, #tpu.memory_space<vmem>>) dst(%dma_wait3A_1040 : memref<8x2048xf32, #tpu.memory_space<hbm>>)
    %add3A_1041 = arith.constant 56 : i32
    %add3A_1042 = arith.addi %mul3A_2, %add3A_1041 : i32
    %dma_start3A_1043 = arith.constant 2 : i32
    %dma_start3A_1044 = arith.constant 0 : i32
    %dma_start3A_1045 = tpu.memref_slice %arg2[%dma_start3A_1043, %add3A_1042, %dma_start3A_1044] : memref<4x2048x2048xf32, #tpu.memory_space<hbm>> -> memref<1x8x2048xf32, #tpu.memory_space<hbm>>
    %dma_start3A_1046 = tpu.memref_squeeze %dma_start3A_1045 : memref<1x8x2048xf32, #tpu.memory_space<hbm>> -> memref<8x2048xf32, #tpu.memory_space<hbm>>
    %dma_start3A_1047 = arith.constant 0 : i32
    %dma_start3A_1048 = tpu.memref_slice %arg2[%dma_start3A_1043, %add3A_1042, %dma_start3A_1047] : memref<4x2048x2048xf32, #tpu.memory_space<hbm>> -> memref<1x8x2048xf32, #tpu.memory_space<hbm>>
    %dma_start3A_1049 = tpu.memref_squeeze %dma_start3A_1048 : memref<1x8x2048xf32, #tpu.memory_space<hbm>> -> memref<8x2048xf32, #tpu.memory_space<hbm>>
    tpu.enqueue_dma source(%dma_start3A_1049 : memref<8x2048xf32, #tpu.memory_space<hbm>>) target(%arg5 : memref<8x2048xf32, #tpu.memory_space<vmem>>) target_semaphore(%arg12 : memref<!tpu.dma_semaphore, #tpu.memory_space<semaphore_mem>>)
    %dma_wait3A_1050 = arith.constant 3 : i32
    %dma_wait3A_1051 = arith.constant 0 : i32
    %dma_wait3A_1052 = tpu.memref_slice %arg2[%dma_wait3A_1050, %add3A_927, %dma_wait3A_1051] : memref<4x2048x2048xf32, #tpu.memory_space<hbm>> -> memref<1x8x2048xf32, #tpu.memory_space<hbm>>
    %dma_wait3A_1053 = tpu.memref_squeeze %dma_wait3A_1052 : memref<1x8x2048xf32, #tpu.memory_space<hbm>> -> memref<8x2048xf32, #tpu.memory_space<hbm>>
    %dma_wait3A_1054 = arith.constant 0 : i32
    %dma_wait3A_1055 = tpu.memref_slice %arg2[%dma_wait3A_1050, %add3A_927, %dma_wait3A_1054] : memref<4x2048x2048xf32, #tpu.memory_space<hbm>> -> memref<1x8x2048xf32, #tpu.memory_space<hbm>>
    %dma_wait3A_1056 = tpu.memref_squeeze %dma_wait3A_1055 : memref<1x8x2048xf32, #tpu.memory_space<hbm>> -> memref<8x2048xf32, #tpu.memory_space<hbm>>
    tpu.wait_dma2 semaphore(%arg14 : memref<!tpu.dma_semaphore, #tpu.memory_space<semaphore_mem>>) src(%dma_wait3A_1056 : memref<8x2048xf32, #tpu.memory_space<hbm>>) dst(%arg7 : memref<8x2048xf32, #tpu.memory_space<vmem>>)
    %parallel_loop3A_1057 = arith.constant 0 : i32
    %parallel_loop3A_1058 = arith.constant 1024 : i32
    %parallel_loop3A_1059 = arith.constant 1 : i32
    scf.for %parallel_loop3A_1200 = %parallel_loop3A_1057 to %parallel_loop3A_1058 step %parallel_loop3A_1059  : i32 {
      %parallel_loop3A_1201 = arith.constant 128 : i32
      %parallel_loop3A_1202 = arith.divsi %parallel_loop3A_1200, %parallel_loop3A_1201 : i32
      %parallel_loop3A_1203 = arith.constant 0 : i32
      %parallel_loop3A_1204 = arith.cmpi sgt, %parallel_loop3A_1200, %parallel_loop3A_1203 : i32
      %parallel_loop3A_1205 = arith.extui %parallel_loop3A_1204 : i1 to i32
      %parallel_loop3A_1206 = arith.constant 0 : i32
      %parallel_loop3A_1207 = arith.cmpi slt, %parallel_loop3A_1200, %parallel_loop3A_1206 : i32
      %parallel_loop3A_1208 = arith.extui %parallel_loop3A_1207 : i1 to i32
      %parallel_loop3A_1209 = arith.subi %parallel_loop3A_1205, %parallel_loop3A_1208 : i32
      %parallel_loop3A_1210 = arith.constant 0 : i32
      %parallel_loop3A_1211 = arith.cmpi sgt, %parallel_loop3A_1201, %parallel_loop3A_1210 : i32
      %parallel_loop3A_1212 = arith.extui %parallel_loop3A_1211 : i1 to i32
      %parallel_loop3A_1213 = arith.constant 0 : i32
      %parallel_loop3A_1214 = arith.cmpi slt, %parallel_loop3A_1201, %parallel_loop3A_1213 : i32
      %parallel_loop3A_1215 = arith.extui %parallel_loop3A_1214 : i1 to i32
      %parallel_loop3A_1216 = arith.subi %parallel_loop3A_1212, %parallel_loop3A_1215 : i32
      %parallel_loop3A_1217 = arith.cmpi ne, %parallel_loop3A_1209, %parallel_loop3A_1216 : i32
      %parallel_loop3A_1218 = arith.remsi %parallel_loop3A_1200, %parallel_loop3A_1201 : i32
      %parallel_loop3A_1219 = arith.constant 0 : i32
      %parallel_loop3A_1220 = arith.cmpi ne, %parallel_loop3A_1218, %parallel_loop3A_1219 : i32
      %parallel_loop3A_1221 = arith.andi %parallel_loop3A_1217, %parallel_loop3A_1220 : i1
      %parallel_loop3A_1222 = arith.constant 1 : i32
      %parallel_loop3A_1223 = arith.subi %parallel_loop3A_1202, %parallel_loop3A_1222 : i32
      %parallel_loop3A_1224 = arith.select %parallel_loop3A_1221, %parallel_loop3A_1223, %parallel_loop3A_1202 : i32
      %parallel_loop3A_1225 = arith.constant 128 : i32
      %parallel_loop3A_1226 = arith.constant 0 : i32
      %parallel_loop3A_1227 = arith.cmpi eq, %parallel_loop3A_1225, %parallel_loop3A_1226 : i32
      %parallel_loop3A_1228 = arith.constant 1 : i32
      %parallel_loop3A_1229 = arith.select %parallel_loop3A_1227, %parallel_loop3A_1228, %parallel_loop3A_1225 : i32
      %parallel_loop3A_1230 = arith.remsi %parallel_loop3A_1200, %parallel_loop3A_1229 : i32
      %parallel_loop3A_1231 = arith.constant 0 : i32
      %parallel_loop3A_1232 = arith.cmpi ne, %parallel_loop3A_1230, %parallel_loop3A_1231 : i32
      %parallel_loop3A_1233 = arith.constant 0 : i32
      %parallel_loop3A_1234 = arith.cmpi slt, %parallel_loop3A_1230, %parallel_loop3A_1233 : i32
      %parallel_loop3A_1235 = arith.constant 0 : i32
      %parallel_loop3A_1236 = arith.cmpi slt, %parallel_loop3A_1229, %parallel_loop3A_1235 : i32
      %parallel_loop3A_1237 = arith.xori %parallel_loop3A_1234, %parallel_loop3A_1236 : i1
      %parallel_loop3A_1238 = arith.andi %parallel_loop3A_1237, %parallel_loop3A_1232 : i1
      %parallel_loop3A_1239 = arith.addi %parallel_loop3A_1230, %parallel_loop3A_1229 : i32
      %parallel_loop3A_1240 = arith.select %parallel_loop3A_1238, %parallel_loop3A_1239, %parallel_loop3A_1230 : i32
      %parallel_loop3A_1241 = arith.constant 16 : i32
      %parallel_loop3A_1242 = arith.muli %parallel_loop3A_1240, %parallel_loop3A_1241 : i32
      %parallel_loop3A_1243 = arith.index_cast %parallel_loop3A_1224 : i32 to index
      %parallel_loop3A_1244 = arith.index_cast %parallel_loop3A_1242 : i32 to index
      %parallel_loop3A_1245 = tpu.vector_load %arg7[%parallel_loop3A_1243, %parallel_loop3A_1244] {strides = array<i32>} : memref<8x2048xf32, #tpu.memory_space<vmem>>, vector<1x16xf32>,
      %parallel_loop3A_1246 = vector.shape_cast %parallel_loop3A_1245 : vector<1x16xf32> to vector<16xf32>
      %parallel_loop3A_1247 = arith.index_cast %parallel_loop3A_1224 : i32 to index
      %parallel_loop3A_1248 = arith.index_cast %parallel_loop3A_1242 : i32 to index
      %parallel_loop3A_1249 = tpu.vector_load %arg10[%parallel_loop3A_1247, %parallel_loop3A_1248] {strides = array<i32>} : memref<8x2048xf32, #tpu.memory_space<vmem>>, vector<1x16xf32>,
      %parallel_loop3A_1250 = vector.shape_cast %parallel_loop3A_1249 : vector<1x16xf32> to vector<16xf32>
      %parallel_loop3A_1251 = arith.addf %parallel_loop3A_1246, %parallel_loop3A_1250 : vector<16xf32>
      %parallel_loop3A_1252 = arith.index_cast %parallel_loop3A_1224 : i32 to index
      %parallel_loop3A_1253 = arith.index_cast %parallel_loop3A_1242 : i32 to index
      %parallel_loop3A_1254 = tpu.vector_load %arg7[%parallel_loop3A_1252, %parallel_loop3A_1253] {strides = array<i32>} : memref<8x2048xf32, #tpu.memory_space<vmem>>, vector<1x16xf32>,
      %parallel_loop3A_1255 = vector.shape_cast %parallel_loop3A_1254 : vector<1x16xf32> to vector<16xf32>
      %parallel_loop3A_1256 = vector.shape_cast %parallel_loop3A_1251 : vector<16xf32> to vector<1x16xf32>
      tpu.vector_store %arg7[%parallel_loop3A_1252, %parallel_loop3A_1253], %parallel_loop3A_1256 {strides = array<i32>} : memref<8x2048xf32, #tpu.memory_space<vmem>>, vector<1x16xf32>,
    } {sc.loop_unroll_factor = 8 : i64, sc.parallel_access}
    %add3A_1060 = arith.constant 48 : i32
    %add3A_1061 = arith.addi %mul3A_2, %add3A_1060 : i32
    %dma_start3A_1062 = arith.constant 3 : i32
    %dma_start3A_1063 = arith.constant 0 : i32
    %dma_start3A_1064 = tpu.memref_slice %arg4[%dma_start3A_1062, %add3A_1061, %dma_start3A_1063] : memref<4x2048x2048xf32, #tpu.memory_space<hbm>> -> memref<1x8x2048xf32, #tpu.memory_space<hbm>>
    %dma_start3A_1065 = tpu.memref_squeeze %dma_start3A_1064 : memref<1x8x2048xf32, #tpu.memory_space<hbm>> -> memref<8x2048xf32, #tpu.memory_space<hbm>>
    %dma_start3A_1066 = arith.constant 0 : i32
    %dma_start3A_1067 = tpu.memref_slice %arg4[%dma_start3A_1062, %add3A_1061, %dma_start3A_1066] : memref<4x2048x2048xf32, #tpu.memory_space<hbm>> -> memref<1x8x2048xf32, #tpu.memory_space<hbm>>
    %dma_start3A_1068 = tpu.memref_squeeze %dma_start3A_1067 : memref<1x8x2048xf32, #tpu.memory_space<hbm>> -> memref<8x2048xf32, #tpu.memory_space<hbm>>
    tpu.enqueue_dma source(%arg7 : memref<8x2048xf32, #tpu.memory_space<vmem>>) target(%dma_start3A_1068 : memref<8x2048xf32, #tpu.memory_space<hbm>>) target_semaphore(%arg19 : memref<!tpu.dma_semaphore, #tpu.memory_space<semaphore_mem>>)
    %dma_wait3A_1069 = arith.constant 2 : i32
    %dma_wait3A_1070 = arith.constant 0 : i32
    %dma_wait3A_1071 = tpu.memref_slice %arg4[%dma_wait3A_1069, %add3A_1026, %dma_wait3A_1070] : memref<4x2048x2048xf32, #tpu.memory_space<hbm>> -> memref<1x8x2048xf32, #tpu.memory_space<hbm>>
    %dma_wait3A_1072 = tpu.memref_squeeze %dma_wait3A_1071 : memref<1x8x2048xf32, #tpu.memory_space<hbm>> -> memref<8x2048xf32, #tpu.memory_space<hbm>>
    %dma_wait3A_1073 = arith.constant 0 : i32
    %dma_wait3A_1074 = tpu.memref_slice %arg4[%dma_wait3A_1069, %add3A_1026, %dma_wait3A_1073] : memref<4x2048x2048xf32, #tpu.memory_space<hbm>> -> memref<1x8x2048xf32, #tpu.memory_space<hbm>>
    %dma_wait3A_1075 = tpu.memref_squeeze %dma_wait3A_1074 : memref<1x8x2048xf32, #tpu.memory_space<hbm>> -> memref<8x2048xf32, #tpu.memory_space<hbm>>
    tpu.wait_dma2 semaphore(%arg18 : memref<!tpu.dma_semaphore, #tpu.memory_space<semaphore_mem>>) src(%arg6 : memref<8x2048xf32, #tpu.memory_space<vmem>>) dst(%dma_wait3A_1075 : memref<8x2048xf32, #tpu.memory_space<hbm>>)
    %add3A_1076 = arith.constant 56 : i32
    %add3A_1077 = arith.addi %mul3A_2, %add3A_1076 : i32
    %dma_start3A_1078 = arith.constant 3 : i32
    %dma_start3A_1079 = arith.constant 0 : i32
    %dma_start3A_1080 = tpu.memref_slice %arg2[%dma_start3A_1078, %add3A_1077, %dma_start3A_1079] : memref<4x2048x2048xf32, #tpu.memory_space<hbm>> -> memref<1x8x2048xf32, #tpu.memory_space<hbm>>
    %dma_start3A_1081 = tpu.memref_squeeze %dma_start3A_1080 : memref<1x8x2048xf32, #tpu.memory_space<hbm>> -> memref<8x2048xf32, #tpu.memory_space<hbm>>
    %dma_start3A_1082 = arith.constant 0 : i32
    %dma_start3A_1083 = tpu.memref_slice %arg2[%dma_start3A_1078, %add3A_1077, %dma_start3A_1082] : memref<4x2048x2048xf32, #tpu.memory_space<hbm>> -> memref<1x8x2048xf32, #tpu.memory_space<hbm>>
    %dma_start3A_1084 = tpu.memref_squeeze %dma_start3A_1083 : memref<1x8x2048xf32, #tpu.memory_space<hbm>> -> memref<8x2048xf32, #tpu.memory_space<hbm>>
    tpu.enqueue_dma source(%dma_start3A_1084 : memref<8x2048xf32, #tpu.memory_space<hbm>>) target(%arg6 : memref<8x2048xf32, #tpu.memory_space<vmem>>) target_semaphore(%arg13 : memref<!tpu.dma_semaphore, #tpu.memory_space<semaphore_mem>>)
    %dma_wait3A_1085 = arith.constant 0 : i32
    %dma_wait3A_1086 = tpu.memref_slice %arg3[%add3A_936, %dma_wait3A_1085] : memref<2048x2048xf32, #tpu.memory_space<hbm>> -> memref<8x2048xf32, #tpu.memory_space<hbm>>
    %dma_wait3A_1087 = arith.constant 0 : i32
    %dma_wait3A_1088 = tpu.memref_slice %arg3[%add3A_936, %dma_wait3A_1087] : memref<2048x2048xf32, #tpu.memory_space<hbm>> -> memref<8x2048xf32, #tpu.memory_space<hbm>>
    tpu.wait_dma2 semaphore(%arg23 : memref<!tpu.dma_semaphore, #tpu.memory_space<semaphore_mem>>) src(%dma_wait3A_1088 : memref<8x2048xf32, #tpu.memory_space<hbm>>) dst(%arg11 : memref<8x2048xf32, #tpu.memory_space<vmem>>)
    %dma_wait3A_1089 = arith.constant 0 : i32
    %dma_wait3A_1090 = arith.constant 0 : i32
    %dma_wait3A_1091 = tpu.memref_slice %arg2[%dma_wait3A_1089, %add3A_972, %dma_wait3A_1090] : memref<4x2048x2048xf32, #tpu.memory_space<hbm>> -> memref<1x8x2048xf32, #tpu.memory_space<hbm>>
    %dma_wait3A_1092 = tpu.memref_squeeze %dma_wait3A_1091 : memref<1x8x2048xf32, #tpu.memory_space<hbm>> -> memref<8x2048xf32, #tpu.memory_space<hbm>>
    %dma_wait3A_1093 = arith.constant 0 : i32
    %dma_wait3A_1094 = tpu.memref_slice %arg2[%dma_wait3A_1089, %add3A_972, %dma_wait3A_1093] : memref<4x2048x2048xf32, #tpu.memory_space<hbm>> -> memref<1x8x2048xf32, #tpu.memory_space<hbm>>
    %dma_wait3A_1095 = tpu.memref_squeeze %dma_wait3A_1094 : memref<1x8x2048xf32, #tpu.memory_space<hbm>> -> memref<8x2048xf32, #tpu.memory_space<hbm>>
    tpu.wait_dma2 semaphore(%arg15 : memref<!tpu.dma_semaphore, #tpu.memory_space<semaphore_mem>>) src(%dma_wait3A_1095 : memref<8x2048xf32, #tpu.memory_space<hbm>>) dst(%arg8 : memref<8x2048xf32, #tpu.memory_space<vmem>>)
    %parallel_loop3A_1096 = arith.constant 0 : i32
    %parallel_loop3A_1097 = arith.constant 1024 : i32
    %parallel_loop3A_1098 = arith.constant 1 : i32
    scf.for %parallel_loop3A_1200 = %parallel_loop3A_1096 to %parallel_loop3A_1097 step %parallel_loop3A_1098  : i32 {
      %parallel_loop3A_1201 = arith.constant 128 : i32
      %parallel_loop3A_1202 = arith.divsi %parallel_loop3A_1200, %parallel_loop3A_1201 : i32
      %parallel_loop3A_1203 = arith.constant 0 : i32
      %parallel_loop3A_1204 = arith.cmpi sgt, %parallel_loop3A_1200, %parallel_loop3A_1203 : i32
      %parallel_loop3A_1205 = arith.extui %parallel_loop3A_1204 : i1 to i32
      %parallel_loop3A_1206 = arith.constant 0 : i32
      %parallel_loop3A_1207 = arith.cmpi slt, %parallel_loop3A_1200, %parallel_loop3A_1206 : i32
      %parallel_loop3A_1208 = arith.extui %parallel_loop3A_1207 : i1 to i32
      %parallel_loop3A_1209 = arith.subi %parallel_loop3A_1205, %parallel_loop3A_1208 : i32
      %parallel_loop3A_1210 = arith.constant 0 : i32
      %parallel_loop3A_1211 = arith.cmpi sgt, %parallel_loop3A_1201, %parallel_loop3A_1210 : i32
      %parallel_loop3A_1212 = arith.extui %parallel_loop3A_1211 : i1 to i32
      %parallel_loop3A_1213 = arith.constant 0 : i32
      %parallel_loop3A_1214 = arith.cmpi slt, %parallel_loop3A_1201, %parallel_loop3A_1213 : i32
      %parallel_loop3A_1215 = arith.extui %parallel_loop3A_1214 : i1 to i32
      %parallel_loop3A_1216 = arith.subi %parallel_loop3A_1212, %parallel_loop3A_1215 : i32
      %parallel_loop3A_1217 = arith.cmpi ne, %parallel_loop3A_1209, %parallel_loop3A_1216 : i32
      %parallel_loop3A_1218 = arith.remsi %parallel_loop3A_1200, %parallel_loop3A_1201 : i32
      %parallel_loop3A_1219 = arith.constant 0 : i32
      %parallel_loop3A_1220 = arith.cmpi ne, %parallel_loop3A_1218, %parallel_loop3A_1219 : i32
      %parallel_loop3A_1221 = arith.andi %parallel_loop3A_1217, %parallel_loop3A_1220 : i1
      %parallel_loop3A_1222 = arith.constant 1 : i32
      %parallel_loop3A_1223 = arith.subi %parallel_loop3A_1202, %parallel_loop3A_1222 : i32
      %parallel_loop3A_1224 = arith.select %parallel_loop3A_1221, %parallel_loop3A_1223, %parallel_loop3A_1202 : i32
      %parallel_loop3A_1225 = arith.constant 128 : i32
      %parallel_loop3A_1226 = arith.constant 0 : i32
      %parallel_loop3A_1227 = arith.cmpi eq, %parallel_loop3A_1225, %parallel_loop3A_1226 : i32
      %parallel_loop3A_1228 = arith.constant 1 : i32
      %parallel_loop3A_1229 = arith.select %parallel_loop3A_1227, %parallel_loop3A_1228, %parallel_loop3A_1225 : i32
      %parallel_loop3A_1230 = arith.remsi %parallel_loop3A_1200, %parallel_loop3A_1229 : i32
      %parallel_loop3A_1231 = arith.constant 0 : i32
      %parallel_loop3A_1232 = arith.cmpi ne, %parallel_loop3A_1230, %parallel_loop3A_1231 : i32
      %parallel_loop3A_1233 = arith.constant 0 : i32
      %parallel_loop3A_1234 = arith.cmpi slt, %parallel_loop3A_1230, %parallel_loop3A_1233 : i32
      %parallel_loop3A_1235 = arith.constant 0 : i32
      %parallel_loop3A_1236 = arith.cmpi slt, %parallel_loop3A_1229, %parallel_loop3A_1235 : i32
      %parallel_loop3A_1237 = arith.xori %parallel_loop3A_1234, %parallel_loop3A_1236 : i1
      %parallel_loop3A_1238 = arith.andi %parallel_loop3A_1237, %parallel_loop3A_1232 : i1
      %parallel_loop3A_1239 = arith.addi %parallel_loop3A_1230, %parallel_loop3A_1229 : i32
      %parallel_loop3A_1240 = arith.select %parallel_loop3A_1238, %parallel_loop3A_1239, %parallel_loop3A_1230 : i32
      %parallel_loop3A_1241 = arith.constant 16 : i32
      %parallel_loop3A_1242 = arith.muli %parallel_loop3A_1240, %parallel_loop3A_1241 : i32
      %parallel_loop3A_1243 = arith.index_cast %parallel_loop3A_1224 : i32 to index
      %parallel_loop3A_1244 = arith.index_cast %parallel_loop3A_1242 : i32 to index
      %parallel_loop3A_1245 = tpu.vector_load %arg8[%parallel_loop3A_1243, %parallel_loop3A_1244] {strides = array<i32>} : memref<8x2048xf32, #tpu.memory_space<vmem>>, vector<1x16xf32>,
      %parallel_loop3A_1246 = vector.shape_cast %parallel_loop3A_1245 : vector<1x16xf32> to vector<16xf32>
      %parallel_loop3A_1247 = arith.index_cast %parallel_loop3A_1224 : i32 to index
      %parallel_loop3A_1248 = arith.index_cast %parallel_loop3A_1242 : i32 to index
      %parallel_loop3A_1249 = tpu.vector_load %arg11[%parallel_loop3A_1247, %parallel_loop3A_1248] {strides = array<i32>} : memref<8x2048xf32, #tpu.memory_space<vmem>>, vector<1x16xf32>,
      %parallel_loop3A_1250 = vector.shape_cast %parallel_loop3A_1249 : vector<1x16xf32> to vector<16xf32>
      %parallel_loop3A_1251 = arith.addf %parallel_loop3A_1246, %parallel_loop3A_1250 : vector<16xf32>
      %parallel_loop3A_1252 = arith.index_cast %parallel_loop3A_1224 : i32 to index
      %parallel_loop3A_1253 = arith.index_cast %parallel_loop3A_1242 : i32 to index
      %parallel_loop3A_1254 = tpu.vector_load %arg8[%parallel_loop3A_1252, %parallel_loop3A_1253] {strides = array<i32>} : memref<8x2048xf32, #tpu.memory_space<vmem>>, vector<1x16xf32>,
      %parallel_loop3A_1255 = vector.shape_cast %parallel_loop3A_1254 : vector<1x16xf32> to vector<16xf32>
      %parallel_loop3A_1256 = vector.shape_cast %parallel_loop3A_1251 : vector<16xf32> to vector<1x16xf32>
      tpu.vector_store %arg8[%parallel_loop3A_1252, %parallel_loop3A_1253], %parallel_loop3A_1256 {strides = array<i32>} : memref<8x2048xf32, #tpu.memory_space<vmem>>, vector<1x16xf32>,
    } {sc.loop_unroll_factor = 8 : i64, sc.parallel_access}
    %add3A_1099 = arith.constant 56 : i32
    %add3A_1100 = arith.addi %mul3A_2, %add3A_1099 : i32
    %dma_start3A_1101 = arith.constant 0 : i32
    %dma_start3A_1102 = arith.constant 0 : i32
    %dma_start3A_1103 = tpu.memref_slice %arg4[%dma_start3A_1101, %add3A_1100, %dma_start3A_1102] : memref<4x2048x2048xf32, #tpu.memory_space<hbm>> -> memref<1x8x2048xf32, #tpu.memory_space<hbm>>
    %dma_start3A_1104 = tpu.memref_squeeze %dma_start3A_1103 : memref<1x8x2048xf32, #tpu.memory_space<hbm>> -> memref<8x2048xf32, #tpu.memory_space<hbm>>
    %dma_start3A_1105 = arith.constant 0 : i32
    %dma_start3A_1106 = tpu.memref_slice %arg4[%dma_start3A_1101, %add3A_1100, %dma_start3A_1105] : memref<4x2048x2048xf32, #tpu.memory_space<hbm>> -> memref<1x8x2048xf32, #tpu.memory_space<hbm>>
    %dma_start3A_1107 = tpu.memref_squeeze %dma_start3A_1106 : memref<1x8x2048xf32, #tpu.memory_space<hbm>> -> memref<8x2048xf32, #tpu.memory_space<hbm>>
    tpu.enqueue_dma source(%arg8 : memref<8x2048xf32, #tpu.memory_space<vmem>>) target(%dma_start3A_1107 : memref<8x2048xf32, #tpu.memory_space<hbm>>) target_semaphore(%arg20 : memref<!tpu.dma_semaphore, #tpu.memory_space<semaphore_mem>>)
    %dma_wait3A_1108 = arith.constant 1 : i32
    %dma_wait3A_1109 = arith.constant 0 : i32
    %dma_wait3A_1110 = tpu.memref_slice %arg2[%dma_wait3A_1108, %add3A_1007, %dma_wait3A_1109] : memref<4x2048x2048xf32, #tpu.memory_space<hbm>> -> memref<1x8x2048xf32, #tpu.memory_space<hbm>>
    %dma_wait3A_1111 = tpu.memref_squeeze %dma_wait3A_1110 : memref<1x8x2048xf32, #tpu.memory_space<hbm>> -> memref<8x2048xf32, #tpu.memory_space<hbm>>
    %dma_wait3A_1112 = arith.constant 0 : i32
    %dma_wait3A_1113 = tpu.memref_slice %arg2[%dma_wait3A_1108, %add3A_1007, %dma_wait3A_1112] : memref<4x2048x2048xf32, #tpu.memory_space<hbm>> -> memref<1x8x2048xf32, #tpu.memory_space<hbm>>
    %dma_wait3A_1114 = tpu.memref_squeeze %dma_wait3A_1113 : memref<1x8x2048xf32, #tpu.memory_space<hbm>> -> memref<8x2048xf32, #tpu.memory_space<hbm>>
    tpu.wait_dma2 semaphore(%arg16 : memref<!tpu.dma_semaphore, #tpu.memory_space<semaphore_mem>>) src(%dma_wait3A_1114 : memref<8x2048xf32, #tpu.memory_space<hbm>>) dst(%arg9 : memref<8x2048xf32, #tpu.memory_space<vmem>>)
    %parallel_loop3A_1115 = arith.constant 0 : i32
    %parallel_loop3A_1116 = arith.constant 1024 : i32
    %parallel_loop3A_1117 = arith.constant 1 : i32
    scf.for %parallel_loop3A_1200 = %parallel_loop3A_1115 to %parallel_loop3A_1116 step %parallel_loop3A_1117  : i32 {
      %parallel_loop3A_1201 = arith.constant 128 : i32
      %parallel_loop3A_1202 = arith.divsi %parallel_loop3A_1200, %parallel_loop3A_1201 : i32
      %parallel_loop3A_1203 = arith.constant 0 : i32
      %parallel_loop3A_1204 = arith.cmpi sgt, %parallel_loop3A_1200, %parallel_loop3A_1203 : i32
      %parallel_loop3A_1205 = arith.extui %parallel_loop3A_1204 : i1 to i32
      %parallel_loop3A_1206 = arith.constant 0 : i32
      %parallel_loop3A_1207 = arith.cmpi slt, %parallel_loop3A_1200, %parallel_loop3A_1206 : i32
      %parallel_loop3A_1208 = arith.extui %parallel_loop3A_1207 : i1 to i32
      %parallel_loop3A_1209 = arith.subi %parallel_loop3A_1205, %parallel_loop3A_1208 : i32
      %parallel_loop3A_1210 = arith.constant 0 : i32
      %parallel_loop3A_1211 = arith.cmpi sgt, %parallel_loop3A_1201, %parallel_loop3A_1210 : i32
      %parallel_loop3A_1212 = arith.extui %parallel_loop3A_1211 : i1 to i32
      %parallel_loop3A_1213 = arith.constant 0 : i32
      %parallel_loop3A_1214 = arith.cmpi slt, %parallel_loop3A_1201, %parallel_loop3A_1213 : i32
      %parallel_loop3A_1215 = arith.extui %parallel_loop3A_1214 : i1 to i32
      %parallel_loop3A_1216 = arith.subi %parallel_loop3A_1212, %parallel_loop3A_1215 : i32
      %parallel_loop3A_1217 = arith.cmpi ne, %parallel_loop3A_1209, %parallel_loop3A_1216 : i32
      %parallel_loop3A_1218 = arith.remsi %parallel_loop3A_1200, %parallel_loop3A_1201 : i32
      %parallel_loop3A_1219 = arith.constant 0 : i32
      %parallel_loop3A_1220 = arith.cmpi ne, %parallel_loop3A_1218, %parallel_loop3A_1219 : i32
      %parallel_loop3A_1221 = arith.andi %parallel_loop3A_1217, %parallel_loop3A_1220 : i1
      %parallel_loop3A_1222 = arith.constant 1 : i32
      %parallel_loop3A_1223 = arith.subi %parallel_loop3A_1202, %parallel_loop3A_1222 : i32
      %parallel_loop3A_1224 = arith.select %parallel_loop3A_1221, %parallel_loop3A_1223, %parallel_loop3A_1202 : i32
      %parallel_loop3A_1225 = arith.constant 128 : i32
      %parallel_loop3A_1226 = arith.constant 0 : i32
      %parallel_loop3A_1227 = arith.cmpi eq, %parallel_loop3A_1225, %parallel_loop3A_1226 : i32
      %parallel_loop3A_1228 = arith.constant 1 : i32
      %parallel_loop3A_1229 = arith.select %parallel_loop3A_1227, %parallel_loop3A_1228, %parallel_loop3A_1225 : i32
      %parallel_loop3A_1230 = arith.remsi %parallel_loop3A_1200, %parallel_loop3A_1229 : i32
      %parallel_loop3A_1231 = arith.constant 0 : i32
      %parallel_loop3A_1232 = arith.cmpi ne, %parallel_loop3A_1230, %parallel_loop3A_1231 : i32
      %parallel_loop3A_1233 = arith.constant 0 : i32
      %parallel_loop3A_1234 = arith.cmpi slt, %parallel_loop3A_1230, %parallel_loop3A_1233 : i32
      %parallel_loop3A_1235 = arith.constant 0 : i32
      %parallel_loop3A_1236 = arith.cmpi slt, %parallel_loop3A_1229, %parallel_loop3A_1235 : i32
      %parallel_loop3A_1237 = arith.xori %parallel_loop3A_1234, %parallel_loop3A_1236 : i1
      %parallel_loop3A_1238 = arith.andi %parallel_loop3A_1237, %parallel_loop3A_1232 : i1
      %parallel_loop3A_1239 = arith.addi %parallel_loop3A_1230, %parallel_loop3A_1229 : i32
      %parallel_loop3A_1240 = arith.select %parallel_loop3A_1238, %parallel_loop3A_1239, %parallel_loop3A_1230 : i32
      %parallel_loop3A_1241 = arith.constant 16 : i32
      %parallel_loop3A_1242 = arith.muli %parallel_loop3A_1240, %parallel_loop3A_1241 : i32
      %parallel_loop3A_1243 = arith.index_cast %parallel_loop3A_1224 : i32 to index
      %parallel_loop3A_1244 = arith.index_cast %parallel_loop3A_1242 : i32 to index
      %parallel_loop3A_1245 = tpu.vector_load %arg9[%parallel_loop3A_1243, %parallel_loop3A_1244] {strides = array<i32>} : memref<8x2048xf32, #tpu.memory_space<vmem>>, vector<1x16xf32>,
      %parallel_loop3A_1246 = vector.shape_cast %parallel_loop3A_1245 : vector<1x16xf32> to vector<16xf32>
      %parallel_loop3A_1247 = arith.index_cast %parallel_loop3A_1224 : i32 to index
      %parallel_loop3A_1248 = arith.index_cast %parallel_loop3A_1242 : i32 to index
      %parallel_loop3A_1249 = tpu.vector_load %arg11[%parallel_loop3A_1247, %parallel_loop3A_1248] {strides = array<i32>} : memref<8x2048xf32, #tpu.memory_space<vmem>>, vector<1x16xf32>,
      %parallel_loop3A_1250 = vector.shape_cast %parallel_loop3A_1249 : vector<1x16xf32> to vector<16xf32>
      %parallel_loop3A_1251 = arith.addf %parallel_loop3A_1246, %parallel_loop3A_1250 : vector<16xf32>
      %parallel_loop3A_1252 = arith.index_cast %parallel_loop3A_1224 : i32 to index
      %parallel_loop3A_1253 = arith.index_cast %parallel_loop3A_1242 : i32 to index
      %parallel_loop3A_1254 = tpu.vector_load %arg9[%parallel_loop3A_1252, %parallel_loop3A_1253] {strides = array<i32>} : memref<8x2048xf32, #tpu.memory_space<vmem>>, vector<1x16xf32>,
      %parallel_loop3A_1255 = vector.shape_cast %parallel_loop3A_1254 : vector<1x16xf32> to vector<16xf32>
      %parallel_loop3A_1256 = vector.shape_cast %parallel_loop3A_1251 : vector<16xf32> to vector<1x16xf32>
      tpu.vector_store %arg9[%parallel_loop3A_1252, %parallel_loop3A_1253], %parallel_loop3A_1256 {strides = array<i32>} : memref<8x2048xf32, #tpu.memory_space<vmem>>, vector<1x16xf32>,
    } {sc.loop_unroll_factor = 8 : i64, sc.parallel_access}
    %add3A_1118 = arith.constant 56 : i32
    %add3A_1119 = arith.addi %mul3A_2, %add3A_1118 : i32
    %dma_start3A_1120 = arith.constant 1 : i32
    %dma_start3A_1121 = arith.constant 0 : i32
    %dma_start3A_1122 = tpu.memref_slice %arg4[%dma_start3A_1120, %add3A_1119, %dma_start3A_1121] : memref<4x2048x2048xf32, #tpu.memory_space<hbm>> -> memref<1x8x2048xf32, #tpu.memory_space<hbm>>
    %dma_start3A_1123 = tpu.memref_squeeze %dma_start3A_1122 : memref<1x8x2048xf32, #tpu.memory_space<hbm>> -> memref<8x2048xf32, #tpu.memory_space<hbm>>
    %dma_start3A_1124 = arith.constant 0 : i32
    %dma_start3A_1125 = tpu.memref_slice %arg4[%dma_start3A_1120, %add3A_1119, %dma_start3A_1124] : memref<4x2048x2048xf32, #tpu.memory_space<hbm>> -> memref<1x8x2048xf32, #tpu.memory_space<hbm>>
    %dma_start3A_1126 = tpu.memref_squeeze %dma_start3A_1125 : memref<1x8x2048xf32, #tpu.memory_space<hbm>> -> memref<8x2048xf32, #tpu.memory_space<hbm>>
    tpu.enqueue_dma source(%arg9 : memref<8x2048xf32, #tpu.memory_space<vmem>>) target(%dma_start3A_1126 : memref<8x2048xf32, #tpu.memory_space<hbm>>) target_semaphore(%arg21 : memref<!tpu.dma_semaphore, #tpu.memory_space<semaphore_mem>>)
    %dma_wait3A_1127 = arith.constant 2 : i32
    %dma_wait3A_1128 = arith.constant 0 : i32
    %dma_wait3A_1129 = tpu.memref_slice %arg2[%dma_wait3A_1127, %add3A_1042, %dma_wait3A_1128] : memref<4x2048x2048xf32, #tpu.memory_space<hbm>> -> memref<1x8x2048xf32, #tpu.memory_space<hbm>>
    %dma_wait3A_1130 = tpu.memref_squeeze %dma_wait3A_1129 : memref<1x8x2048xf32, #tpu.memory_space<hbm>> -> memref<8x2048xf32, #tpu.memory_space<hbm>>
    %dma_wait3A_1131 = arith.constant 0 : i32
    %dma_wait3A_1132 = tpu.memref_slice %arg2[%dma_wait3A_1127, %add3A_1042, %dma_wait3A_1131] : memref<4x2048x2048xf32, #tpu.memory_space<hbm>> -> memref<1x8x2048xf32, #tpu.memory_space<hbm>>
    %dma_wait3A_1133 = tpu.memref_squeeze %dma_wait3A_1132 : memref<1x8x2048xf32, #tpu.memory_space<hbm>> -> memref<8x2048xf32, #tpu.memory_space<hbm>>
    tpu.wait_dma2 semaphore(%arg12 : memref<!tpu.dma_semaphore, #tpu.memory_space<semaphore_mem>>) src(%dma_wait3A_1133 : memref<8x2048xf32, #tpu.memory_space<hbm>>) dst(%arg5 : memref<8x2048xf32, #tpu.memory_space<vmem>>)
    %parallel_loop3A_1134 = arith.constant 0 : i32
    %parallel_loop3A_1135 = arith.constant 1024 : i32
    %parallel_loop3A_1136 = arith.constant 1 : i32
    scf.for %parallel_loop3A_1200 = %parallel_loop3A_1134 to %parallel_loop3A_1135 step %parallel_loop3A_1136  : i32 {
      %parallel_loop3A_1201 = arith.constant 128 : i32
      %parallel_loop3A_1202 = arith.divsi %parallel_loop3A_1200, %parallel_loop3A_1201 : i32
      %parallel_loop3A_1203 = arith.constant 0 : i32
      %parallel_loop3A_1204 = arith.cmpi sgt, %parallel_loop3A_1200, %parallel_loop3A_1203 : i32
      %parallel_loop3A_1205 = arith.extui %parallel_loop3A_1204 : i1 to i32
      %parallel_loop3A_1206 = arith.constant 0 : i32
      %parallel_loop3A_1207 = arith.cmpi slt, %parallel_loop3A_1200, %parallel_loop3A_1206 : i32
      %parallel_loop3A_1208 = arith.extui %parallel_loop3A_1207 : i1 to i32
      %parallel_loop3A_1209 = arith.subi %parallel_loop3A_1205, %parallel_loop3A_1208 : i32
      %parallel_loop3A_1210 = arith.constant 0 : i32
      %parallel_loop3A_1211 = arith.cmpi sgt, %parallel_loop3A_1201, %parallel_loop3A_1210 : i32
      %parallel_loop3A_1212 = arith.extui %parallel_loop3A_1211 : i1 to i32
      %parallel_loop3A_1213 = arith.constant 0 : i32
      %parallel_loop3A_1214 = arith.cmpi slt, %parallel_loop3A_1201, %parallel_loop3A_1213 : i32
      %parallel_loop3A_1215 = arith.extui %parallel_loop3A_1214 : i1 to i32
      %parallel_loop3A_1216 = arith.subi %parallel_loop3A_1212, %parallel_loop3A_1215 : i32
      %parallel_loop3A_1217 = arith.cmpi ne, %parallel_loop3A_1209, %parallel_loop3A_1216 : i32
      %parallel_loop3A_1218 = arith.remsi %parallel_loop3A_1200, %parallel_loop3A_1201 : i32
      %parallel_loop3A_1219 = arith.constant 0 : i32
      %parallel_loop3A_1220 = arith.cmpi ne, %parallel_loop3A_1218, %parallel_loop3A_1219 : i32
      %parallel_loop3A_1221 = arith.andi %parallel_loop3A_1217, %parallel_loop3A_1220 : i1
      %parallel_loop3A_1222 = arith.constant 1 : i32
      %parallel_loop3A_1223 = arith.subi %parallel_loop3A_1202, %parallel_loop3A_1222 : i32
      %parallel_loop3A_1224 = arith.select %parallel_loop3A_1221, %parallel_loop3A_1223, %parallel_loop3A_1202 : i32
      %parallel_loop3A_1225 = arith.constant 128 : i32
      %parallel_loop3A_1226 = arith.constant 0 : i32
      %parallel_loop3A_1227 = arith.cmpi eq, %parallel_loop3A_1225, %parallel_loop3A_1226 : i32
      %parallel_loop3A_1228 = arith.constant 1 : i32
      %parallel_loop3A_1229 = arith.select %parallel_loop3A_1227, %parallel_loop3A_1228, %parallel_loop3A_1225 : i32
      %parallel_loop3A_1230 = arith.remsi %parallel_loop3A_1200, %parallel_loop3A_1229 : i32
      %parallel_loop3A_1231 = arith.constant 0 : i32
      %parallel_loop3A_1232 = arith.cmpi ne, %parallel_loop3A_1230, %parallel_loop3A_1231 : i32
      %parallel_loop3A_1233 = arith.constant 0 : i32
      %parallel_loop3A_1234 = arith.cmpi slt, %parallel_loop3A_1230, %parallel_loop3A_1233 : i32
      %parallel_loop3A_1235 = arith.constant 0 : i32
      %parallel_loop3A_1236 = arith.cmpi slt, %parallel_loop3A_1229, %parallel_loop3A_1235 : i32
      %parallel_loop3A_1237 = arith.xori %parallel_loop3A_1234, %parallel_loop3A_1236 : i1
      %parallel_loop3A_1238 = arith.andi %parallel_loop3A_1237, %parallel_loop3A_1232 : i1
      %parallel_loop3A_1239 = arith.addi %parallel_loop3A_1230, %parallel_loop3A_1229 : i32
      %parallel_loop3A_1240 = arith.select %parallel_loop3A_1238, %parallel_loop3A_1239, %parallel_loop3A_1230 : i32
      %parallel_loop3A_1241 = arith.constant 16 : i32
      %parallel_loop3A_1242 = arith.muli %parallel_loop3A_1240, %parallel_loop3A_1241 : i32
      %parallel_loop3A_1243 = arith.index_cast %parallel_loop3A_1224 : i32 to index
      %parallel_loop3A_1244 = arith.index_cast %parallel_loop3A_1242 : i32 to index
      %parallel_loop3A_1245 = tpu.vector_load %arg5[%parallel_loop3A_1243, %parallel_loop3A_1244] {strides = array<i32>} : memref<8x2048xf32, #tpu.memory_space<vmem>>, vector<1x16xf32>,
      %parallel_loop3A_1246 = vector.shape_cast %parallel_loop3A_1245 : vector<1x16xf32> to vector<16xf32>
      %parallel_loop3A_1247 = arith.index_cast %parallel_loop3A_1224 : i32 to index
      %parallel_loop3A_1248 = arith.index_cast %parallel_loop3A_1242 : i32 to index
      %parallel_loop3A_1249 = tpu.vector_load %arg11[%parallel_loop3A_1247, %parallel_loop3A_1248] {strides = array<i32>} : memref<8x2048xf32, #tpu.memory_space<vmem>>, vector<1x16xf32>,
      %parallel_loop3A_1250 = vector.shape_cast %parallel_loop3A_1249 : vector<1x16xf32> to vector<16xf32>
      %parallel_loop3A_1251 = arith.addf %parallel_loop3A_1246, %parallel_loop3A_1250 : vector<16xf32>
      %parallel_loop3A_1252 = arith.index_cast %parallel_loop3A_1224 : i32 to index
      %parallel_loop3A_1253 = arith.index_cast %parallel_loop3A_1242 : i32 to index
      %parallel_loop3A_1254 = tpu.vector_load %arg5[%parallel_loop3A_1252, %parallel_loop3A_1253] {strides = array<i32>} : memref<8x2048xf32, #tpu.memory_space<vmem>>, vector<1x16xf32>,
      %parallel_loop3A_1255 = vector.shape_cast %parallel_loop3A_1254 : vector<1x16xf32> to vector<16xf32>
      %parallel_loop3A_1256 = vector.shape_cast %parallel_loop3A_1251 : vector<16xf32> to vector<1x16xf32>
      tpu.vector_store %arg5[%parallel_loop3A_1252, %parallel_loop3A_1253], %parallel_loop3A_1256 {strides = array<i32>} : memref<8x2048xf32, #tpu.memory_space<vmem>>, vector<1x16xf32>,
    } {sc.loop_unroll_factor = 8 : i64, sc.parallel_access}
    %add3A_1137 = arith.constant 56 : i32
    %add3A_1138 = arith.addi %mul3A_2, %add3A_1137 : i32
    %dma_start3A_1139 = arith.constant 2 : i32
    %dma_start3A_1140 = arith.constant 0 : i32
    %dma_start3A_1141 = tpu.memref_slice %arg4[%dma_start3A_1139, %add3A_1138, %dma_start3A_1140] : memref<4x2048x2048xf32, #tpu.memory_space<hbm>> -> memref<1x8x2048xf32, #tpu.memory_space<hbm>>
    %dma_start3A_1142 = tpu.memref_squeeze %dma_start3A_1141 : memref<1x8x2048xf32, #tpu.memory_space<hbm>> -> memref<8x2048xf32, #tpu.memory_space<hbm>>
    %dma_start3A_1143 = arith.constant 0 : i32
    %dma_start3A_1144 = tpu.memref_slice %arg4[%dma_start3A_1139, %add3A_1138, %dma_start3A_1143] : memref<4x2048x2048xf32, #tpu.memory_space<hbm>> -> memref<1x8x2048xf32, #tpu.memory_space<hbm>>
    %dma_start3A_1145 = tpu.memref_squeeze %dma_start3A_1144 : memref<1x8x2048xf32, #tpu.memory_space<hbm>> -> memref<8x2048xf32, #tpu.memory_space<hbm>>
    tpu.enqueue_dma source(%arg5 : memref<8x2048xf32, #tpu.memory_space<vmem>>) target(%dma_start3A_1145 : memref<8x2048xf32, #tpu.memory_space<hbm>>) target_semaphore(%arg17 : memref<!tpu.dma_semaphore, #tpu.memory_space<semaphore_mem>>)
    %dma_wait3A_1146 = arith.constant 3 : i32
    %dma_wait3A_1147 = arith.constant 0 : i32
    %dma_wait3A_1148 = tpu.memref_slice %arg2[%dma_wait3A_1146, %add3A_1077, %dma_wait3A_1147] : memref<4x2048x2048xf32, #tpu.memory_space<hbm>> -> memref<1x8x2048xf32, #tpu.memory_space<hbm>>
    %dma_wait3A_1149 = tpu.memref_squeeze %dma_wait3A_1148 : memref<1x8x2048xf32, #tpu.memory_space<hbm>> -> memref<8x2048xf32, #tpu.memory_space<hbm>>
    %dma_wait3A_1150 = arith.constant 0 : i32
    %dma_wait3A_1151 = tpu.memref_slice %arg2[%dma_wait3A_1146, %add3A_1077, %dma_wait3A_1150] : memref<4x2048x2048xf32, #tpu.memory_space<hbm>> -> memref<1x8x2048xf32, #tpu.memory_space<hbm>>
    %dma_wait3A_1152 = tpu.memref_squeeze %dma_wait3A_1151 : memref<1x8x2048xf32, #tpu.memory_space<hbm>> -> memref<8x2048xf32, #tpu.memory_space<hbm>>
    tpu.wait_dma2 semaphore(%arg13 : memref<!tpu.dma_semaphore, #tpu.memory_space<semaphore_mem>>) src(%dma_wait3A_1152 : memref<8x2048xf32, #tpu.memory_space<hbm>>) dst(%arg6 : memref<8x2048xf32, #tpu.memory_space<vmem>>)
    %parallel_loop3A_1153 = arith.constant 0 : i32
    %parallel_loop3A_1154 = arith.constant 1024 : i32
    %parallel_loop3A_1155 = arith.constant 1 : i32
    scf.for %parallel_loop3A_1200 = %parallel_loop3A_1153 to %parallel_loop3A_1154 step %parallel_loop3A_1155  : i32 {
      %parallel_loop3A_1201 = arith.constant 128 : i32
      %parallel_loop3A_1202 = arith.divsi %parallel_loop3A_1200, %parallel_loop3A_1201 : i32
      %parallel_loop3A_1203 = arith.constant 0 : i32
      %parallel_loop3A_1204 = arith.cmpi sgt, %parallel_loop3A_1200, %parallel_loop3A_1203 : i32
      %parallel_loop3A_1205 = arith.extui %parallel_loop3A_1204 : i1 to i32
      %parallel_loop3A_1206 = arith.constant 0 : i32
      %parallel_loop3A_1207 = arith.cmpi slt, %parallel_loop3A_1200, %parallel_loop3A_1206 : i32
      %parallel_loop3A_1208 = arith.extui %parallel_loop3A_1207 : i1 to i32
      %parallel_loop3A_1209 = arith.subi %parallel_loop3A_1205, %parallel_loop3A_1208 : i32
      %parallel_loop3A_1210 = arith.constant 0 : i32
      %parallel_loop3A_1211 = arith.cmpi sgt, %parallel_loop3A_1201, %parallel_loop3A_1210 : i32
      %parallel_loop3A_1212 = arith.extui %parallel_loop3A_1211 : i1 to i32
      %parallel_loop3A_1213 = arith.constant 0 : i32
      %parallel_loop3A_1214 = arith.cmpi slt, %parallel_loop3A_1201, %parallel_loop3A_1213 : i32
      %parallel_loop3A_1215 = arith.extui %parallel_loop3A_1214 : i1 to i32
      %parallel_loop3A_1216 = arith.subi %parallel_loop3A_1212, %parallel_loop3A_1215 : i32
      %parallel_loop3A_1217 = arith.cmpi ne, %parallel_loop3A_1209, %parallel_loop3A_1216 : i32
      %parallel_loop3A_1218 = arith.remsi %parallel_loop3A_1200, %parallel_loop3A_1201 : i32
      %parallel_loop3A_1219 = arith.constant 0 : i32
      %parallel_loop3A_1220 = arith.cmpi ne, %parallel_loop3A_1218, %parallel_loop3A_1219 : i32
      %parallel_loop3A_1221 = arith.andi %parallel_loop3A_1217, %parallel_loop3A_1220 : i1
      %parallel_loop3A_1222 = arith.constant 1 : i32
      %parallel_loop3A_1223 = arith.subi %parallel_loop3A_1202, %parallel_loop3A_1222 : i32
      %parallel_loop3A_1224 = arith.select %parallel_loop3A_1221, %parallel_loop3A_1223, %parallel_loop3A_1202 : i32
      %parallel_loop3A_1225 = arith.constant 128 : i32
      %parallel_loop3A_1226 = arith.constant 0 : i32
      %parallel_loop3A_1227 = arith.cmpi eq, %parallel_loop3A_1225, %parallel_loop3A_1226 : i32
      %parallel_loop3A_1228 = arith.constant 1 : i32
      %parallel_loop3A_1229 = arith.select %parallel_loop3A_1227, %parallel_loop3A_1228, %parallel_loop3A_1225 : i32
      %parallel_loop3A_1230 = arith.remsi %parallel_loop3A_1200, %parallel_loop3A_1229 : i32
      %parallel_loop3A_1231 = arith.constant 0 : i32
      %parallel_loop3A_1232 = arith.cmpi ne, %parallel_loop3A_1230, %parallel_loop3A_1231 : i32
      %parallel_loop3A_1233 = arith.constant 0 : i32
      %parallel_loop3A_1234 = arith.cmpi slt, %parallel_loop3A_1230, %parallel_loop3A_1233 : i32
      %parallel_loop3A_1235 = arith.constant 0 : i32
      %parallel_loop3A_1236 = arith.cmpi slt, %parallel_loop3A_1229, %parallel_loop3A_1235 : i32
      %parallel_loop3A_1237 = arith.xori %parallel_loop3A_1234, %parallel_loop3A_1236 : i1
      %parallel_loop3A_1238 = arith.andi %parallel_loop3A_1237, %parallel_loop3A_1232 : i1
      %parallel_loop3A_1239 = arith.addi %parallel_loop3A_1230, %parallel_loop3A_1229 : i32
      %parallel_loop3A_1240 = arith.select %parallel_loop3A_1238, %parallel_loop3A_1239, %parallel_loop3A_1230 : i32
      %parallel_loop3A_1241 = arith.constant 16 : i32
      %parallel_loop3A_1242 = arith.muli %parallel_loop3A_1240, %parallel_loop3A_1241 : i32
      %parallel_loop3A_1243 = arith.index_cast %parallel_loop3A_1224 : i32 to index
      %parallel_loop3A_1244 = arith.index_cast %parallel_loop3A_1242 : i32 to index
      %parallel_loop3A_1245 = tpu.vector_load %arg6[%parallel_loop3A_1243, %parallel_loop3A_1244] {strides = array<i32>} : memref<8x2048xf32, #tpu.memory_space<vmem>>, vector<1x16xf32>,
      %parallel_loop3A_1246 = vector.shape_cast %parallel_loop3A_1245 : vector<1x16xf32> to vector<16xf32>
      %parallel_loop3A_1247 = arith.index_cast %parallel_loop3A_1224 : i32 to index
      %parallel_loop3A_1248 = arith.index_cast %parallel_loop3A_1242 : i32 to index
      %parallel_loop3A_1249 = tpu.vector_load %arg11[%parallel_loop3A_1247, %parallel_loop3A_1248] {strides = array<i32>} : memref<8x2048xf32, #tpu.memory_space<vmem>>, vector<1x16xf32>,
      %parallel_loop3A_1250 = vector.shape_cast %parallel_loop3A_1249 : vector<1x16xf32> to vector<16xf32>
      %parallel_loop3A_1251 = arith.addf %parallel_loop3A_1246, %parallel_loop3A_1250 : vector<16xf32>
      %parallel_loop3A_1252 = arith.index_cast %parallel_loop3A_1224 : i32 to index
      %parallel_loop3A_1253 = arith.index_cast %parallel_loop3A_1242 : i32 to index
      %parallel_loop3A_1254 = tpu.vector_load %arg6[%parallel_loop3A_1252, %parallel_loop3A_1253] {strides = array<i32>} : memref<8x2048xf32, #tpu.memory_space<vmem>>, vector<1x16xf32>,
      %parallel_loop3A_1255 = vector.shape_cast %parallel_loop3A_1254 : vector<1x16xf32> to vector<16xf32>
      %parallel_loop3A_1256 = vector.shape_cast %parallel_loop3A_1251 : vector<16xf32> to vector<1x16xf32>
      tpu.vector_store %arg6[%parallel_loop3A_1252, %parallel_loop3A_1253], %parallel_loop3A_1256 {strides = array<i32>} : memref<8x2048xf32, #tpu.memory_space<vmem>>, vector<1x16xf32>,
    } {sc.loop_unroll_factor = 8 : i64, sc.parallel_access}
    %add3A_1156 = arith.constant 56 : i32
    %add3A_1157 = arith.addi %mul3A_2, %add3A_1156 : i32
    %dma_start3A_1158 = arith.constant 3 : i32
    %dma_start3A_1159 = arith.constant 0 : i32
    %dma_start3A_1160 = tpu.memref_slice %arg4[%dma_start3A_1158, %add3A_1157, %dma_start3A_1159] : memref<4x2048x2048xf32, #tpu.memory_space<hbm>> -> memref<1x8x2048xf32, #tpu.memory_space<hbm>>
    %dma_start3A_1161 = tpu.memref_squeeze %dma_start3A_1160 : memref<1x8x2048xf32, #tpu.memory_space<hbm>> -> memref<8x2048xf32, #tpu.memory_space<hbm>>
    %dma_start3A_1162 = arith.constant 0 : i32
    %dma_start3A_1163 = tpu.memref_slice %arg4[%dma_start3A_1158, %add3A_1157, %dma_start3A_1162] : memref<4x2048x2048xf32, #tpu.memory_space<hbm>> -> memref<1x8x2048xf32, #tpu.memory_space<hbm>>
    %dma_start3A_1164 = tpu.memref_squeeze %dma_start3A_1163 : memref<1x8x2048xf32, #tpu.memory_space<hbm>> -> memref<8x2048xf32, #tpu.memory_space<hbm>>
    tpu.enqueue_dma source(%arg6 : memref<8x2048xf32, #tpu.memory_space<vmem>>) target(%dma_start3A_1164 : memref<8x2048xf32, #tpu.memory_space<hbm>>) target_semaphore(%arg18 : memref<!tpu.dma_semaphore, #tpu.memory_space<semaphore_mem>>)
    %dma_wait3A_1165 = arith.constant 3 : i32
    %dma_wait3A_1166 = arith.constant 0 : i32
    %dma_wait3A_1167 = tpu.memref_slice %arg4[%dma_wait3A_1165, %add3A_1061, %dma_wait3A_1166] : memref<4x2048x2048xf32, #tpu.memory_space<hbm>> -> memref<1x8x2048xf32, #tpu.memory_space<hbm>>
    %dma_wait3A_1168 = tpu.memref_squeeze %dma_wait3A_1167 : memref<1x8x2048xf32, #tpu.memory_space<hbm>> -> memref<8x2048xf32, #tpu.memory_space<hbm>>
    %dma_wait3A_1169 = arith.constant 0 : i32
    %dma_wait3A_1170 = tpu.memref_slice %arg4[%dma_wait3A_1165, %add3A_1061, %dma_wait3A_1169] : memref<4x2048x2048xf32, #tpu.memory_space<hbm>> -> memref<1x8x2048xf32, #tpu.memory_space<hbm>>
    %dma_wait3A_1171 = tpu.memref_squeeze %dma_wait3A_1170 : memref<1x8x2048xf32, #tpu.memory_space<hbm>> -> memref<8x2048xf32, #tpu.memory_space<hbm>>
    tpu.wait_dma2 semaphore(%arg19 : memref<!tpu.dma_semaphore, #tpu.memory_space<semaphore_mem>>) src(%arg7 : memref<8x2048xf32, #tpu.memory_space<vmem>>) dst(%dma_wait3A_1171 : memref<8x2048xf32, #tpu.memory_space<hbm>>)
    %dma_wait3A_1172 = arith.constant 0 : i32
    %dma_wait3A_1173 = arith.constant 0 : i32
    %dma_wait3A_1174 = tpu.memref_slice %arg4[%dma_wait3A_1172, %add3A_1100, %dma_wait3A_1173] : memref<4x2048x2048xf32, #tpu.memory_space<hbm>> -> memref<1x8x2048xf32, #tpu.memory_space<hbm>>
    %dma_wait3A_1175 = tpu.memref_squeeze %dma_wait3A_1174 : memref<1x8x2048xf32, #tpu.memory_space<hbm>> -> memref<8x2048xf32, #tpu.memory_space<hbm>>
    %dma_wait3A_1176 = arith.constant 0 : i32
    %dma_wait3A_1177 = tpu.memref_slice %arg4[%dma_wait3A_1172, %add3A_1100, %dma_wait3A_1176] : memref<4x2048x2048xf32, #tpu.memory_space<hbm>> -> memref<1x8x2048xf32, #tpu.memory_space<hbm>>
    %dma_wait3A_1178 = tpu.memref_squeeze %dma_wait3A_1177 : memref<1x8x2048xf32, #tpu.memory_space<hbm>> -> memref<8x2048xf32, #tpu.memory_space<hbm>>
    tpu.wait_dma2 semaphore(%arg20 : memref<!tpu.dma_semaphore, #tpu.memory_space<semaphore_mem>>) src(%arg8 : memref<8x2048xf32, #tpu.memory_space<vmem>>) dst(%dma_wait3A_1178 : memref<8x2048xf32, #tpu.memory_space<hbm>>)
    %dma_wait3A_1179 = arith.constant 1 : i32
    %dma_wait3A_1180 = arith.constant 0 : i32
    %dma_wait3A_1181 = tpu.memref_slice %arg4[%dma_wait3A_1179, %add3A_1119, %dma_wait3A_1180] : memref<4x2048x2048xf32, #tpu.memory_space<hbm>> -> memref<1x8x2048xf32, #tpu.memory_space<hbm>>
    %dma_wait3A_1182 = tpu.memref_squeeze %dma_wait3A_1181 : memref<1x8x2048xf32, #tpu.memory_space<hbm>> -> memref<8x2048xf32, #tpu.memory_space<hbm>>
    %dma_wait3A_1183 = arith.constant 0 : i32
    %dma_wait3A_1184 = tpu.memref_slice %arg4[%dma_wait3A_1179, %add3A_1119, %dma_wait3A_1183] : memref<4x2048x2048xf32, #tpu.memory_space<hbm>> -> memref<1x8x2048xf32, #tpu.memory_space<hbm>>
    %dma_wait3A_1185 = tpu.memref_squeeze %dma_wait3A_1184 : memref<1x8x2048xf32, #tpu.memory_space<hbm>> -> memref<8x2048xf32, #tpu.memory_space<hbm>>
    tpu.wait_dma2 semaphore(%arg21 : memref<!tpu.dma_semaphore, #tpu.memory_space<semaphore_mem>>) src(%arg9 : memref<8x2048xf32, #tpu.memory_space<vmem>>) dst(%dma_wait3A_1185 : memref<8x2048xf32, #tpu.memory_space<hbm>>)
    %dma_wait3A_1186 = arith.constant 2 : i32
    %dma_wait3A_1187 = arith.constant 0 : i32
    %dma_wait3A_1188 = tpu.memref_slice %arg4[%dma_wait3A_1186, %add3A_1138, %dma_wait3A_1187] : memref<4x2048x2048xf32, #tpu.memory_space<hbm>> -> memref<1x8x2048xf32, #tpu.memory_space<hbm>>
    %dma_wait3A_1189 = tpu.memref_squeeze %dma_wait3A_1188 : memref<1x8x2048xf32, #tpu.memory_space<hbm>> -> memref<8x2048xf32, #tpu.memory_space<hbm>>
    %dma_wait3A_1190 = arith.constant 0 : i32
    %dma_wait3A_1191 = tpu.memref_slice %arg4[%dma_wait3A_1186, %add3A_1138, %dma_wait3A_1190] : memref<4x2048x2048xf32, #tpu.memory_space<hbm>> -> memref<1x8x2048xf32, #tpu.memory_space<hbm>>
    %dma_wait3A_1192 = tpu.memref_squeeze %dma_wait3A_1191 : memref<1x8x2048xf32, #tpu.memory_space<hbm>> -> memref<8x2048xf32, #tpu.memory_space<hbm>>
    tpu.wait_dma2 semaphore(%arg17 : memref<!tpu.dma_semaphore, #tpu.memory_space<semaphore_mem>>) src(%arg5 : memref<8x2048xf32, #tpu.memory_space<vmem>>) dst(%dma_wait3A_1192 : memref<8x2048xf32, #tpu.memory_space<hbm>>)
    %dma_wait3A_1193 = arith.constant 3 : i32
    %dma_wait3A_1194 = arith.constant 0 : i32
    %dma_wait3A_1195 = tpu.memref_slice %arg4[%dma_wait3A_1193, %add3A_1157, %dma_wait3A_1194] : memref<4x2048x2048xf32, #tpu.memory_space<hbm>> -> memref<1x8x2048xf32, #tpu.memory_space<hbm>>
    %dma_wait3A_1196 = tpu.memref_squeeze %dma_wait3A_1195 : memref<1x8x2048xf32, #tpu.memory_space<hbm>> -> memref<8x2048xf32, #tpu.memory_space<hbm>>
    %dma_wait3A_1197 = arith.constant 0 : i32
    %dma_wait3A_1198 = tpu.memref_slice %arg4[%dma_wait3A_1193, %add3A_1157, %dma_wait3A_1197] : memref<4x2048x2048xf32, #tpu.memory_space<hbm>> -> memref<1x8x2048xf32, #tpu.memory_space<hbm>>
    %dma_wait3A_1199 = tpu.memref_squeeze %dma_wait3A_1198 : memref<1x8x2048xf32, #tpu.memory_space<hbm>> -> memref<8x2048xf32, #tpu.memory_space<hbm>>
    tpu.wait_dma2 semaphore(%arg18 : memref<!tpu.dma_semaphore, #tpu.memory_space<semaphore_mem>>) src(%arg6 : memref<8x2048xf32, #tpu.memory_space<vmem>>) dst(%dma_wait3A_1199 : memref<8x2048xf32, #tpu.memory_space<hbm>>)
    return
  }
}

</mosaic_0001>

<sc_bundles>
// kernel: kernel.3.cloned.1.call-start
scs
__scs_entry_jumppad:
0x0: {  	(pc) =	sbr.rel $0x88, $3  }
0x1: {  	(tag) =	ssettag $0x0;
	lr =	simm.s32 $0x1  }
0x2: {  	[smem:$0x3F9F] =	sst lr;
	_ =	strace $0xD0000000  }
0x3: {  	_ = 	snop  }
0x4: {  	_ = 	snop  }
0x5: {  	_ = 	snop  }
0x6: {  	_ = 	snop  }
0x7: {  	_ = 	snop  }
__scs_overlays_trampoline_lowered:
0x8: {  	[smem:$0x3FAE] =	sst s0  }
0x9: {  	[smem:$0x3FAF] =	sst s1  }
0xa: {  	[smem:$0x3FB0] =	sst s2  }
0xb: {  	[smem:$0x3FB1] =	sst s3  }
0xc: {  	[smem:$0x3FB2] =	sst s4  }
0xd: {  	[smem:$0x3FB3] =	sst s5  }
0xe: {  	[smem:$0x3FB4] =	sst s6  }
0xf: {  	[smem:$0x3FB5] =	sst s7  }
0x10: {  	[smem:$0x3FB6] =	sst s8  }
0x11: {  	[smem:$0x3FB7] =	sst s9;
	s0 =	simm.s32 @!p0 $0x0  }
0x12: {  	s1 =	sld [smem:$0x3F9D];
	s0 =	simm.s32 @p0 $0x1  }
0x13: {  	[smem:$0x3FB8] =	sst s0;
	s0 =	simm.s32 @!p1 $0x0  }
0x14: {  	s2 =	sld [smem:$0x3F9C];
	s0 =	simm.s32 @p1 $0x1  }
0x15: {  	[smem:$0x3FB9] =	sst s0;
	s0 =	simm.s32 @!p2 $0x0  }
0x16: {  	s3 =	sld [smem:$0x3FDB];
	s0 =	simm.s32 @p2 $0x1  }
0x17: {  	s4 =	simm.s32 $0x1BF5;
	[smem:$0x3FBB] =	sst s0  }
0x18: {  	s0 =	sld [smem:$0x3F9E];
	_ =	swait.ge [sflag:s4], $0x0  }
0x19: {  	s7 =	sld [smem:$0x3F9F]  }
0x1a: {  	s8 =	sadd.s32 $0xFFFFE003, lr  }
0x1b: {  	s9 =	sadd.s32 $0xFFFFFEF7, lr;
	s5 =	simm.s32 $0xFFFFFFFF;
	p2 =	slt.u32 s8, $0xFFFFF086  }
0x1c: {  	p1 =	slt.u32 s9, $0xF7A;
	s5 =	simm.s32 @!p2 $0x0  }
0x1d: {  	s5 =	simm.s32 @p1 $0x1;
	p0 =	seq.s32 s7, s2  }
0x1e: {  	s7 =	smul.u32 @!p0 $0xF7A, s2;
	p2 =	seq.s32 @!p0 s5, $0x0  }
0x1f: {  	s9 =	smul.u32 $0xF7A, s1;
	s8 =	simm.s32 @!p0 $0x1BF5;
	p2 =	por !p2, p0  }
0x20: {  	[sflag:s8] =	ssyncset.s32 @!p0 $0xFFFFF086;
	s6 =	sadd.s32 @!p0 s3, s7;
	s7 =	simm.s32 @!p0 $0x108  }
0x21: {  	s3 =	sadd.s32 s3, s9;
	s6 =	sadd.s32 @!p0 $0x88, s6;
	s7 =	simm.s32 @p2 $0x1082  }
0x22: {  	[simem:s7], [sflag:s8] =	dma.local @!p0 [hbm:s6], $0xF7A  }
0x23: {  	s9 =	sor.u32 $0xD0000000, s2;
	s6 =	simm.s32 $0x108;
	_ =	swait.ge @!p0 [sflag:s8], $0x0  }
0x24: {  	s3 =	sadd.s32 $0x88, s3;
	s6 =	simm.s32 @!p1 $0x1082;
	[sflag:s4] =	ssyncset.s32 $0xFFFFF086  }
0x25: {  	[simem:s6], [sflag:s4] =	dma.local [hbm:s3], $0xF7A  }
0x26: {  	[smem:$0x3F9F] =	sst s1;
	(tag) =	ssettag s2;
	_ =	strace s9  }
0x27: {  	s1 =	sld [smem:$0x3FAF]  }
0x28: {  	s2 =	sld [smem:$0x3FB0]  }
0x29: {  	s4 =	sld [smem:$0x3FB2]  }
0x2a: {  	p0 =	seq.s32 s5, $0x0;
	s5 =	sld [smem:$0x3FB3]  }
0x2b: {  	s6 =	sld [smem:$0x3FB4]  }
0x2c: {  	s7 =	sld [smem:$0x3FB5]  }
0x2d: {  	s3 =	simm.s32 $0x108;
	s8 =	sld [smem:$0x3FB6]  }
0x2e: {  	s3 =	simm.s32 @!p0 $0x1082;
	s9 =	sld [smem:$0x3FB7]  }
0x2f: {  	lr =	sadd.s32 s0, s3;
	s0 =	sld [smem:$0x3FAE]  }
0x30: {  	s3 =	sld [smem:$0x3FB1]  }
0x31: {  	[smem:$0x3FBA] =	sst s10  }
0x32: {  	s10 =	sld [smem:$0x3FB8];
	_ =	sdelay $0x3  }
0x33: {  	p0 =	seq.s32 s10, $0x1;
	s10 =	sld [smem:$0x3FBA];
	_ =	sdelay $0x3  }
0x34: {  	[smem:$0x3FBA] =	sst s10  }
0x35: {  	s10 =	sld [smem:$0x3FB9];
	_ =	sdelay $0x3  }
0x36: {  	p1 =	seq.s32 s10, $0x1;
	s10 =	sld [smem:$0x3FBA];
	_ =	sdelay $0x3  }
0x37: {  	[smem:$0x3FBA] =	sst s10  }
0x38: {  	s10 =	sld [smem:$0x3FBB]  }
0x39: {  	_ = 	snop;
	(pc) =	sbr.ind lr, $3  }
0x3a: {  	_ = 	snop  }
0x3b: {  	_ = 	snop  }
0x3c: {  	p2 =	seq.s32 s10, $0x1;
	s10 =	sld [smem:$0x3FBA]  }
0x3d: {  	_ =	shalt  }
0x3e: {  	_ =	shalt  }
0x3f: {  	_ =	shalt  }
0x40: {  	_ =	shalt  }
0x41: {  	_ =	shalt  }
0x42: {  	_ =	shalt  }
0x43: {  	_ =	shalt  }
0x44: {  	_ =	shalt  }
0x45: {  	_ =	shalt  }
0x46: {  	_ =	shalt  }
0x47: {  	_ =	shalt  }
0x48: {  	_ =	shalt  }
0x49: {  	_ =	shalt  }
0x4a: {  	_ =	shalt  }
0x4b: {  	_ =	shalt  }
0x4c: {  	_ =	shalt  }
0x4d: {  	_ =	shalt  }
0x4e: {  	_ =	shalt  }
0x4f: {  	_ =	shalt  }
0x50: {  	_ =	shalt  }
0x51: {  	_ =	shalt  }
0x52: {  	_ =	shalt  }
0x53: {  	_ =	shalt  }
0x54: {  	_ =	shalt  }
0x55: {  	_ =	shalt  }
0x56: {  	_ =	shalt  }
0x57: {  	_ =	shalt  }
0x58: {  	_ =	shalt  }
0x59: {  	_ =	shalt  }
0x5a: {  	_ =	shalt  }
0x5b: {  	_ =	shalt  }
0x5c: {  	_ =	shalt  }
0x5d: {  	_ =	shalt  }
0x5e: {  	_ =	shalt  }
0x5f: {  	_ =	shalt  }
0x60: {  	_ =	shalt  }
0x61: {  	_ =	shalt  }
0x62: {  	_ =	shalt  }
0x63: {  	_ =	shalt  }
0x64: {  	_ =	shalt  }
0x65: {  	_ =	shalt  }
0x66: {  	_ =	shalt  }
0x67: {  	_ =	shalt  }
0x68: {  	_ =	shalt  }
0x69: {  	_ =	shalt  }
0x6a: {  	_ =	shalt  }
0x6b: {  	_ =	shalt  }
0x6c: {  	_ =	shalt  }
0x6d: {  	_ =	shalt  }
0x6e: {  	_ =	shalt  }
0x6f: {  	_ =	shalt  }
0x70: {  	_ =	shalt  }
0x71: {  	_ =	shalt  }
0x72: {  	_ =	shalt  }
0x73: {  	_ =	shalt  }
0x74: {  	_ =	shalt  }
0x75: {  	_ =	shalt  }
0x76: {  	_ =	shalt  }
0x77: {  	_ =	shalt  }
0x78: {  	_ =	shalt  }
0x79: {  	_ =	shalt  }
0x7a: {  	_ =	shalt  }
0x7b: {  	_ =	shalt  }
0x7c: {  	_ =	shalt  }
0x7d: {  	_ =	shalt  }
0x7e: {  	_ =	shalt  }
0x7f: {  	_ =	shalt  }
0x80: {  	_ =	shalt  }
0x81: {  	_ =	shalt  }
0x82: {  	_ =	shalt  }
0x83: {  	_ =	shalt  }
0x84: {  	_ =	shalt  }
0x85: {  	_ =	shalt  }
0x86: {  	_ =	shalt  }
0x87: {  	_ =	shalt  }
.Lfunc_end0:
.L_simem_size_0:
called_computation_lowered:
.L_overlay_start_0:
0x88: {  	s2 =	sld [smem:$0x3FD9]  }
0x89: {  	s3 =	sld [smem:$0x3FFE];
	_ =	sdelay $0x1  }
0x8a: {  	s1 =	srdreg.scid  }
0x8b: {  	s0 =	sand.u32 $0x1, s1  }
0x8c: {  	s18 =	sshll.u32 s0, $0xA;
	s2 =	sadd.s32 s3, s2  }
0x8d: {  	s2 =	sadd.s32 s2, s18  }
0x8e: {  	[smem:$0x3FC6] =	sst s2  }
0x8f: {  	_ = 	snop  }
0x90: {  	s2 =	sld [smem:$0x3FC9]  }
0x91: {  	s19 =	sld [smem:$0x3FC8]  }
0x92: {  	s4 =	sld [smem:$0x3FD0];
	(tm) =	ssettm $0x1  }
0x93: {  	s5 =	sld [smem:$0x3FFB];
	_ =	sdelay $0x3  }
0x94: {  	_ =	strace s5  }
0x95: {  	s5 =	sld [smem:$0x3FFC];
	_ =	sdelay $0x3  }
0x96: {  	_ =	strace s5  }
0x97: {  	s5 =	sld [smem:$0x3FFD];
	_ =	sdelay $0x3  }
0x98: {  	_ =	strace s5  }
0x99: {  	_ =	strace $0x8FFFFFFF  }
0x9a: {  	s20 =	sld [smem:$0x3FDB];
	_ =	sdelay $0x1  }
0x9b: {  	s6 =	simm.s32 $_scs_section_size  }
0x9c: {  	s7 =	simm.s32 $_size__tile_overlayer_lowered;
	s8 =	simm.s32 $_tile_overlayer_lowered  }
0x9d: {  	s23 =	simm.s32 $0x1BFF;
	s22 =	sshll.u32 s8, $0x1;
	s5 =	sadd.s32 s6, s20  }
0x9e: {  	s9 =	simm.s32 $0x0;
	s21 =	sshll.u32 s7, $0x1;
	s7 =	sadd.s32 s22, s5  }
0x9f: {  	[timem:s9], [sflag:s23] =	dma.local [hbm:s7], s21  }
0xa0: {  	_ =	swait.ge [sflag:s23], s21  }
0xa1: {  	s6 =	ssub.s32 $0x0, s21;
	[sflag:s23] =	ssyncset.done $0x0  }
0xa2: {  	[sflag:s23] =	ssyncadd.s32 s6;
	_ =	sdelay $0x1  }
0xa3: {  	s24 =	simm.s32 $0x1B8B  }
0xa4: {  	_ =	swait.ge [sflag:s24], $0x1  }
0xa5: {  	[sflag:s24] =	ssyncset.done $0x0  }
0xa6: {  	s25 =	simm.s32 $0x1B8E;
	[sflag:s24] =	ssyncadd.s32 $0xFFFFFFFF  }
0xa7: {  	s26 =	simm.s32 $execute0_lowered;
	[smem:$0x3FD2] =	sst s25  }
0xa8: {  	s6 =	sshll.u32 s26, $0x1;
	_ =	strace $0x80000046;
	[dreg:$0x1] =	wrdreg $0xFFFFFFFF  }
0xa9: {  	s28 =	simm.s32 $_size_execute0_lowered;
	s5 =	sadd.s32 s5, s6;
	[dreg:$0x0] =	wrdreg $0x0  }
0xaa: {  	s6 =	sshll.u32 s28, $0x1;
	[dreg:$0x2] =	wrdreg s5  }
0xab: {  	[dreg:$0x3] =	wrdreg s6  }
0xac: {  	[dreg:$0x4] =	wrdreg $0xC0  }
0xad: {  	_ =	task [dreg:s9], $0x5FFFF  }
0xae: {  	[dreg:$0x1] =	wrdreg $0xFFFFFFFF  }
0xaf: {  	[dreg:$0x0] =	wrdreg $0x60  }
0xb0: {  	[dreg:$0x2] =	wrdreg s2  }
0xb1: {  	[dreg:$0x3] =	wrdreg s19  }
0xb2: {  	[dreg:$0x4] =	wrdreg s4  }
0xb3: {  	[dreg:$0x5] =	wrdreg $0x9  }
0xb4: {  	_ =	task.clear_ibuf [dreg:s9], $0x6FFFF;
	_ =	strace $0x90000046  }
0xb5: {  	s29 =	simm.s32 $0x9;
	_ =	strace $0x80000048  }
0xb6: {  	_ =	swait.ge [sflag:s29], $0x1  }
0xb7: {  	[sflag:s29] =	ssyncadd.s32 $0xFFFFFFFF  }
0xb8: {  	_ =	strace $0x90000048  }
0xb9: {  	_ =	sfence  }
0xba: {  	s30 =	sld [smem:$0x0];
	_ =	sdelay $0x2  }
0xbb: {  	s31 =	sshll.u32 s1, $0xD;
	s1 =	sshrl.u32 s1, $0x2  }
0xbc: {  	s3 =	sand.u32 $0x4000, s31;
	s1 =	sadd.s32 s1, s30  }
0xbd: {  	s0 =	sor.u32 s3, s0;
	s1 =	sshll.u32 s1, $0x11  }
0xbe: {  	s0 =	sor.u32 s1, s0  }
0xbf: {  	s0 =	sadd.s32 $0x8F2B, s0  }
0xc0: {  	[sflag:s0] =	ssyncadd.remote.s32 $0x1  }
0xc1: {  	_ =	sfence.sel $0xFFFF  }
0xc2: {  	[dreg:$0x0] =	wrdreg $0xFFFFFFFF;
	(pc) =	sbr.abs _section_cstart, $3  }
0xc3: {  	[dreg:$0x1] =	wrdreg $0xFFFFFFFF  }
0xc4: {  	_ =	task.clear_ibuf [dreg:s9], $0x2FFFF;
	_ =	strace $0x9FFFFFFF  }
0xc5: {  	(tm) =	ssettm $0x7FFFFFFF  }
tec
execute0_lowered:
.L_overlay_start_1:
0x0: {  	(tag) =	ssettag $0x1  }
0x1: {  	s1 =	srdreg.scid;
	s0 =	rddreg [dreg:$0x0]  }
0x2: {  	s2 =	stileid.u32;
	s4 =	rddreg [dreg:$0x1];
	s1 =	sand.u32 $0x1, s1  }
0x3: {  	s3 =	sshll.u32 s2, $0xF;
	s2 =	rddreg [dreg:$0x2];
	s5 =	sshll.u32 s1, $0xE  }
0x4: {  	s7 =	ssub.s32 $0x2, s1;
	s1 =	simm.s32 $0x0;
	s6 =	sor.u32 s5, s3  }
0x5: {  	s9 =	sshrl.u32 s7, $0x1;
	[smem:$0x7FF] =	sst s1;
	s5 =	sor.u32 $0x80000, s6  }
0x6: {  	s3 =	ssub.s32 s7, s9;
	s8 =	sor.u32 $0x180000, s6;
	s10 =	sadd.s32 s0, s5  }
0x7: {  	s9 =	sor.u32 $0x800, s6;
	s12 =	sadd.s32 s0, s8;
	[dreg:$0x4] =	wrdreg s10  }
0x8: {  	s13 =	sadd.s32 s4, s9;
	[dreg:$0x6] =	wrdreg s12  }
0x9: {  	s14 =	sadd.s32 s0, s9;
	[dreg:$0x7] =	wrdreg s13  }
0xa: {  	s15 =	sor.u32 $0x80800, s6;
	s5 =	sadd.s32 s2, s5;
	[dreg:$0x8] =	wrdreg s14  }
0xb: {  	s11 =	sor.u32 $0x100000, s6;
	s16 =	sadd.s32 s0, s15;
	[dreg:$0x9] =	wrdreg s5  }
0xc: {  	s17 =	sor.u32 $0x100800, s6;
	s7 =	sadd.s32 s2, s11;
	[dreg:$0xa] =	wrdreg s16  }
0xd: {  	s18 =	sadd.s32 s0, s17;
	[dreg:$0xb] =	wrdreg s7  }
0xe: {  	s19 =	sor.u32 $0x180800, s6;
	s8 =	sadd.s32 s2, s8;
	[dreg:$0xc] =	wrdreg s18  }
0xf: {  	s20 =	sadd.s32 s0, s19;
	[dreg:$0xd] =	wrdreg s8  }
0x10: {  	s22 =	sadd.s32 s2, s9;
	[dreg:$0xe] =	wrdreg s20  }
0x11: {  	s25 =	sadd.s32 s2, s19;
	[dreg:$0x10] =	wrdreg s22  }
0x12: {  	s10 =	sadd.s32 s0, s11;
	[dreg:$0x14] =	wrdreg s25  }
0x13: {  	s5 =	sadd.s32 s2, s15;
	[dreg:$0x5] =	wrdreg s10  }
0x14: {  	s24 =	sor.u32 $0x81000, s6;
	s7 =	sadd.s32 s2, s17;
	[dreg:$0x12] =	wrdreg s5  }
0x15: {  	s11 =	sor.u32 $0x1000, s6;
	s8 =	sadd.s32 s0, s24;
	[dreg:$0x13] =	wrdreg s7  }
0x16: {  	s21 =	sadd.s32 s4, s11;
	[dreg:$0x16] =	wrdreg s8  }
0x17: {  	s23 =	sadd.s32 s0, s11;
	[dreg:$0xf] =	wrdreg s21  }
0x18: {  	s26 =	sadd.s32 s2, s11;
	[dreg:$0x11] =	wrdreg s23  }
0x19: {  	s9 =	sor.u32 $0x101000, s6;
	s5 =	sadd.s32 s2, s24;
	[dreg:$0x15] =	wrdreg s26  }
0x1a: {  	s10 =	sadd.s32 s0, s9;
	[dreg:$0x17] =	wrdreg s5  }
0x1b: {  	s13 =	sor.u32 $0x1800, s6;
	s7 =	sadd.s32 s2, s9;
	[dreg:$0x18] =	wrdreg s10  }
0x1c: {  	s14 =	sadd.s32 s4, s13;
	[dreg:$0x19] =	wrdreg s7  }
0x1d: {  	s15 =	sadd.s32 s0, s13;
	[dreg:$0x1c] =	wrdreg s14  }
0x1e: {  	s17 =	sor.u32 $0x81800, s6;
	s16 =	sadd.s32 s2, s13;
	[dreg:$0x1d] =	wrdreg s15  }
0x1f: {  	s18 =	sor.u32 $0x101800, s6;
	s19 =	sadd.s32 s0, s17;
	[dreg:$0x1e] =	wrdreg s16  }
0x20: {  	s22 =	sor.u32 $0x181800, s6;
	s20 =	sadd.s32 s0, s18;
	[dreg:$0x1f] =	wrdreg s19  }
0x21: {  	s11 =	sor.u32 $0x181000, s6;
	s24 =	sadd.s32 s0, s22;
	[smem:$0x7D8] =	sst s20  }
0x22: {  	s12 =	sadd.s32 s0, s11;
	[smem:$0x7DA] =	sst s24  }
0x23: {  	s5 =	sadd.s32 s2, s11;
	[dreg:$0x1a] =	wrdreg s12  }
0x24: {  	s9 =	sor.u32 $0x82000, s6;
	s21 =	sadd.s32 s2, s18;
	[dreg:$0x1b] =	wrdreg s5  }
0x25: {  	s13 =	sor.u32 $0x182000, s6;
	s10 =	sadd.s32 s0, s9;
	[smem:$0x7D9] =	sst s21  }
0x26: {  	s14 =	sadd.s32 s0, s13;
	[smem:$0x7DF] =	sst s10  }
0x27: {  	s23 =	sor.u32 $0x2000, s6;
	s5 =	sadd.s32 s2, s17;
	[smem:$0x7E3] =	sst s14  }
0x28: {  	s25 =	sadd.s32 s4, s23;
	[smem:$0x7D7] =	sst s5  }
0x29: {  	s26 =	sadd.s32 s0, s23;
	[smem:$0x7DC] =	sst s25  }
0x2a: {  	s11 =	sor.u32 $0x102000, s6;
	s8 =	sadd.s32 s2, s23;
	[smem:$0x7DD] =	sst s26  }
0x2b: {  	s15 =	sor.u32 $0x2800, s6;
	s12 =	sadd.s32 s0, s11;
	[smem:$0x7DE] =	sst s8  }
0x2c: {  	s28 =	simm.s32 $0x4;
	s16 =	sadd.s32 s4, s15;
	[smem:$0x7E1] =	sst s12  }
0x2d: {  	s18 =	sor.u32 $0x82800, s6;
	s17 =	sadd.s32 s0, s15;
	[smem:$0x7E5] =	sst s16  }
0x2e: {  	s29 =	simm.s32 $0x8;
	s19 =	sadd.s32 s0, s18;
	[smem:$0x7E6] =	sst s17  }
0x2f: {  	s20 =	sor.u32 $0x102800, s6;
	s7 =	sadd.s32 s2, s18;
	[smem:$0x7E8] =	sst s19  }
0x30: {  	s30 =	simm.s32 $0xC;
	s21 =	sadd.s32 s0, s20;
	[smem:$0x7E9] =	sst s7  }
0x31: {  	s31 =	simm.s32 $0x5;
	s5 =	sadd.s32 s2, s22;
	[smem:$0x7EA] =	sst s21  }
0x32: {  	s22 =	sor.u32 $0x182800, s6;
	s25 =	sadd.s32 s4, s6;
	[smem:$0x7DB] =	sst s5  }
0x33: {  	s26 =	sor.u32 $0x3000, s6;
	s5 =	sadd.s32 s2, s9;
	[smem:$0x7EE] =	sst s25  }
0x34: {  	s8 =	sor.u32 $0x3800, s6;
	s23 =	sadd.s32 s0, s22;
	[smem:$0x7E0] =	sst s5  }
0x35: {  	s12 =	sor.u32 $0x83000, s6;
	s24 =	sadd.s32 s2, s22;
	[smem:$0x7EC] =	sst s23  }
0x36: {  	s16 =	sor.u32 $0x183000, s6;
	s14 =	sadd.s32 s0, s12;
	[smem:$0x7ED] =	sst s24  }
0x37: {  	s21 =	sor.u32 $0x83800, s6;
	s18 =	sadd.s32 s0, s16;
	[smem:$0x7F3] =	sst s14  }
0x38: {  	s19 =	sadd.s32 s2, s16;
	s22 =	sadd.s32 s2, s6;
	[smem:$0x7F7] =	sst s18  }
0x39: {  	s25 =	sadd.s32 s0, s21;
	s10 =	sadd.s32 s2, s8;
	[smem:$0x7F8] =	sst s19  }
0x3a: {  	s16 =	simm.s32 $0x4000;
	s5 =	sadd.s32 s2, s11;
	[smem:$0x7FA] =	sst s22  }
0x3b: {  	s11 =	sadd.s32 s4, s26;
	s4 =	sadd.s32 s4, s8;
	[smem:$0x7FC] =	sst s25  }
0x3c: {  	s23 =	sor.u32 $0x103800, s6;
	s24 =	sadd.s32 s0, s8;
	[smem:$0x7E2] =	sst s5  }
0x3d: {  	s14 =	smax.u32 s3, $0x1;
	s18 =	simm.s32 $0xC000;
	[smem:$0x7EF] =	sst s11  }
0x3e: {  	s19 =	simm.s32 $0x18000;
	s22 =	simm.s32 $0x10000;
	[smem:$0x7F0] =	sst s4  }
0x3f: {  	s25 =	simm.s32 $0x3;
	s5 =	sadd.s32 s2, s13;
	[smem:$0x7FB] =	sst s24  }
0x40: {  	s3 =	simm.s32 $0x0;
	s13 =	sadd.s32 s0, s26;
	[smem:$0x7E4] =	sst s5  }
0x41: {  	s4 =	sadd.s32 s2, s12;
	s11 =	sadd.s32 s2, s21;
	[smem:$0x7F1] =	sst s13  }
0x42: {  	s12 =	sadd.s32 s2, s23;
	s5 =	sadd.s32 s2, s15;
	[smem:$0x7F4] =	sst s4  }
0x43: {  	s15 =	sor.u32 $0x103000, s6;
	[smem:$0x7E7] =	sst s5;
	s5 =	sadd.s32 s2, s20  }
0x44: {  	s21 =	simm.s32 $0x1;
	s17 =	sadd.s32 s0, s15;
	[smem:$0x7EB] =	sst s5  }
0x45: {  	s24 =	simm.s32 $0x6;
	s4 =	sadd.s32 s2, s15;
	[smem:$0x7F5] =	sst s17  }
0x46: {  	s20 =	sadd.s32 s0, s6;
	s6 =	sor.u32 $0x183800, s6;
	[smem:$0x7F6] =	sst s4  }
0x47: {  	s15 =	simm.s32 $0x14000;
	s5 =	sadd.s32 s2, s26;
	[smem:$0x7F9] =	sst s20  }
0x48: {  	s26 =	sadd.s32 s0, s23;
	s9 =	sadd.s32 s0, s6;
	s13 =	sadd.s32 s2, s6  }
0x49: {  	s17 =	simm.s32 $0x8000;
	s20 =	simm.s32 $0xB;
	[smem:$0x7F2] =	sst s5  }
0x4a: {  	s23 =	simm.s32 $0x2;
	s0 =	simm.s32 $0x9;
	[smem:$0x7FD] =	sst s26  }
0x4b: {  	s2 =	simm.s32 $0xA;
	s26 =	simm.s32 $0x7;
	_ =	strace $0x80000047  }
.LBB2_1:
0x4c: {  	s4 =	sld [smem:$0x7EE];
	_ =	sdelay $0x1  }
0x4d: {  	s7 =	sld [smem:$0x7F9]  }
0x4e: {  	[tilespmem:s15], [sflag:$0xB] =	stream.linear.gather [hbm4b:s4+s1], $0x4000, $0x38;
	[tilespmem:$0x1C000] =	vst v63  }
0x4f: {  	_ = 	snop  }
0x50: {  	[tilespmem:s1], [sflag:$0x1] =	stream.linear.gather [hbm4b:s7+s1], $0x4000, $0x38;
	[tilespmem:$0x1C000] =	vst v63  }
0x51: {  	s8 =	rddreg [dreg:$0x4]  }
0x52: {  	[tilespmem:s16], [sflag:$0x2] =	stream.linear.gather [hbm4b:s8+s1], $0x4000, $0x38;
	[tilespmem:$0x1C000] =	vst v63  }
0x53: {  	s5 =	rddreg [dreg:$0x5]  }
0x54: {  	[tilespmem:s17], [sflag:$0x3] =	stream.linear.gather [hbm4b:s5+s1], $0x4000, $0x38;
	[tilespmem:$0x1C000] =	vst v63  }
0x55: {  	s6 =	rddreg [dreg:$0x6]  }
0x56: {  	[tilespmem:s18], [sflag:$0x4] =	stream.linear.gather [hbm4b:s6+s1], $0x4000, $0x38;
	[tilespmem:$0x1C000] =	vst v63  }
0x57: {  	s7 =	rddreg [dreg:$0x7]  }
0x58: {  	[tilespmem:s19], [sflag:$0xC] =	stream.linear.gather [hbm4b:s7+s1], $0x4000, $0x38;
	[tilespmem:$0x1C000] =	vst v63  }
0x59: {  	_ =	swait.ge [sflag:s20], $0x4000  }
0x5a: {  	[sflag:s20] =	ssyncset.done $0x0  }
0x5b: {  	[sflag:s20] =	ssyncadd.s32 $0xFFFFC000  }
0x5c: {  	s5 =	simm.s32 $0x0;
	_ =	swait.ge [sflag:s21], $0x4000  }
0x5d: {  	s8 =	sand.u32 $0x380, s5;
	s6 =	sand.u32 $0x3C00, s1;
	[sflag:s21] =	ssyncset.done $0x0  }
0x5e: {  	s4 =	sor.u32 s8, s6;
	[sflag:s21] =	ssyncadd.s32 $0xFFFFC000  }
0x5f: {  	v0 =	vld [tilespmem:s4+$0x70]  }
0x60: {  	v1 =	vld [tilespmem:s4+$0x14070]  }
0x61: {  	v2 =	vld [tilespmem:s4+$0x0]  }
0x62: {  	v3 =	vld [tilespmem:s4+$0x14000]  }
0x63: {  	v4 =	vld [tilespmem:s4+$0x10]  }
0x64: {  	v5 =	vld [tilespmem:s4+$0x14010]  }
0x65: {  	v6 =	vld [tilespmem:s4+$0x20]  }
0x66: {  	v7 =	vld [tilespmem:s4+$0x14020]  }
0x67: {  	v1 =	vadd.f32 v1, v0;
	v0 =	vld [tilespmem:s4+$0x30]  }
0x68: {  	v3 =	vadd.f32 v3, v2;
	v2 =	vld [tilespmem:s4+$0x14030]  }
0x69: {  	v5 =	vadd.f32 v5, v4;
	v4 =	vld [tilespmem:s4+$0x14040];
	[tilespmem:s4+$0x70] =	vst v1  }
0x6a: {  	v1 =	vld [tilespmem:s4+$0x40];
	[tilespmem:s4+$0x0] =	vst v3  }
0x6b: {  	s6 =	simm.s32 $0x0;
	[tilespmem:s4+$0x10] =	vst v5;
	v5 =	vadd.f32 v7, v6;
	v3 =	vld [tilespmem:s4+$0x50]  }
.LBB2_2:
0x6c: {  	s5 =	sadd.s32 $0x8, s5;
	v6 =	vld [tilespmem:s4+$0x14050];
	s6 =	sadd.s32 $0x400, s6  }
0x6d: {  	s7 =	sand.u32 $0x380, s5;
	s8 =	sand.u32 $0x3C00, s6;
	p0 =	slt.u32 s5, $0x3F8;
	[tilespmem:s4+$0x20] =	vst v5;
	v0 =	vadd.f32 v2, v0;
	v2 =	vld [tilespmem:s4+$0x60]  }
0x6e: {  	s7 =	sor.u32 s7, s8;
	v5 =	vld [tilespmem:s4+$0x14060]  }
0x6f: {  	v7 =	vld [tilespmem:s7+$0x70];
	[tilespmem:s4+$0x30] =	vst v0;
	v0 =	vadd.f32 v4, v1  }
0x70: {  	v1 =	vld [tilespmem:s7+$0x14070]  }
0x71: {  	v4 =	vld [tilespmem:s7+$0x0];
	[tilespmem:s4+$0x40] =	vst v0;
	v0 =	vadd.f32 v6, v3  }
0x72: {  	v3 =	vld [tilespmem:s7+$0x14000]  }
0x73: {  	v6 =	vld [tilespmem:s7+$0x10];
	[tilespmem:s4+$0x50] =	vst v0;
	v0 =	vadd.f32 v5, v2  }
0x74: {  	v5 =	vld [tilespmem:s7+$0x14010]  }
0x75: {  	v8 =	vld [tilespmem:s7+$0x20];
	v1 =	vadd.f32 v1, v7;
	[tilespmem:s4+$0x60] =	vst v0;
	s4 =	smov.u32 s7  }
0x76: {  	v7 =	vld [tilespmem:s4+$0x14020]  }
.Ltmp0:
0x77: {  	v3 =	vadd.f32 v3, v4;
	v0 =	vld [tilespmem:s4+$0x30];
	[tilespmem:s4+$0x70] =	vst v1;
	(pc) =	sbr.rel @p0 .LBB2_2-.Ltmp0, $4  }
0x78: {  	v2 =	vld [tilespmem:s4+$0x14030]  }
0x79: {  	[tilespmem:s4+$0x0] =	vst v3;
	v3 =	vadd.f32 v5, v6;
	v1 =	vld [tilespmem:s4+$0x40]  }
0x7a: {  	v4 =	vld [tilespmem:s4+$0x14040]  }
0x7b: {  	[tilespmem:s4+$0x10] =	vst v3;
	v5 =	vadd.f32 v7, v8;
	v3 =	vld [tilespmem:s4+$0x50]  }
0x7c: {  	v6 =	vld [tilespmem:s4+$0x14050]  }
0x7d: {  	v7 =	vld [tilespmem:s4+$0x60]  }
0x7e: {  	v8 =	vld [tilespmem:s4+$0x14060];
	_ =	sdelay $0x1  }
0x7f: {  	v0 =	vadd.f32 v2, v0  }
0x80: {  	[tilespmem:s4+$0x20] =	vst v5;
	v1 =	vadd.f32 v4, v1  }
0x81: {  	[tilespmem:s4+$0x30] =	vst v0;
	v0 =	vadd.f32 v6, v3  }
0x82: {  	[tilespmem:s4+$0x40] =	vst v1;
	v1 =	vadd.f32 v8, v7  }
0x83: {  	[tilespmem:s4+$0x50] =	vst v0  }
0x84: {  	[tilespmem:s4+$0x60] =	vst v1  }
0x85: {  	s4 =	sld [smem:$0x7FA];
	_ =	sdelay $0x1  }
0x86: {  	s5 =	simm.s32 $0x0  }
0x87: {  	[hbm4b:s4+s5] =	stream.linear.scatter [tilespmem:s5], [sflag:$0x6], $0x4000, $0x38;
	[tilespmem:$0x1C000] =	vst v63  }
0x88: {  	s7 =	rddreg [dreg:$0x8]  }
0x89: {  	[tilespmem:s22], [sflag:$0x5] =	stream.linear.gather [hbm4b:s7+s5], $0x4000, $0x38;
	[tilespmem:$0x1C000] =	vst v63  }
0x8a: {  	s6 =	simm.s32 $0x0;
	_ =	swait.ge [sflag:s23], $0x4000  }
0x8b: {  	s8 =	sand.u32 $0x380, s6;
	s7 =	sand.u32 $0x3C00, s5;
	[sflag:s23] =	ssyncset.done $0x0  }
0x8c: {  	s4 =	sor.u32 s8, s7;
	[sflag:s23] =	ssyncadd.s32 $0xFFFFC000  }
0x8d: {  	v0 =	vld [tilespmem:s4+$0x4070]  }
0x8e: {  	v1 =	vld [tilespmem:s4+$0x14070]  }
0x8f: {  	v2 =	vld [tilespmem:s4+$0x4000]  }
0x90: {  	v3 =	vld [tilespmem:s4+$0x14000]  }
0x91: {  	v4 =	vld [tilespmem:s4+$0x4010]  }
0x92: {  	v5 =	vld [tilespmem:s4+$0x14010]  }
0x93: {  	v6 =	vld [tilespmem:s4+$0x4020]  }
0x94: {  	v7 =	vld [tilespmem:s4+$0x14020]  }
0x95: {  	v1 =	vadd.f32 v1, v0;
	v0 =	vld [tilespmem:s4+$0x4030]  }
0x96: {  	v3 =	vadd.f32 v3, v2;
	v2 =	vld [tilespmem:s4+$0x14030]  }
0x97: {  	v5 =	vadd.f32 v5, v4;
	v4 =	vld [tilespmem:s4+$0x14040];
	[tilespmem:s4+$0x4070] =	vst v1  }
0x98: {  	v1 =	vld [tilespmem:s4+$0x4040];
	[tilespmem:s4+$0x4000] =	vst v3  }
0x99: {  	[tilespmem:s4+$0x4010] =	vst v5;
	v5 =	vadd.f32 v7, v6;
	v3 =	vld [tilespmem:s4+$0x4050]  }
.LBB2_4:
0x9a: {  	s6 =	sadd.s32 $0x8, s6;
	v6 =	vld [tilespmem:s4+$0x14050];
	s5 =	sadd.s32 $0x400, s5  }
0x9b: {  	s7 =	sand.u32 $0x380, s6;
	s8 =	sand.u32 $0x3C00, s5;
	p0 =	slt.u32 s6, $0x3F8;
	[tilespmem:s4+$0x4020] =	vst v5;
	v0 =	vadd.f32 v2, v0;
	v2 =	vld [tilespmem:s4+$0x4060]  }
0x9c: {  	s7 =	sor.u32 s7, s8;
	v5 =	vld [tilespmem:s4+$0x14060]  }
0x9d: {  	v7 =	vld [tilespmem:s7+$0x4070];
	[tilespmem:s4+$0x4030] =	vst v0;
	v0 =	vadd.f32 v4, v1  }
0x9e: {  	v1 =	vld [tilespmem:s7+$0x14070]  }
0x9f: {  	v4 =	vld [tilespmem:s7+$0x4000];
	[tilespmem:s4+$0x4040] =	vst v0;
	v0 =	vadd.f32 v6, v3  }
0xa0: {  	v3 =	vld [tilespmem:s7+$0x14000]  }
0xa1: {  	v6 =	vld [tilespmem:s7+$0x4010];
	[tilespmem:s4+$0x4050] =	vst v0;
	v0 =	vadd.f32 v5, v2  }
0xa2: {  	v5 =	vld [tilespmem:s7+$0x14010]  }
0xa3: {  	v8 =	vld [tilespmem:s7+$0x4020];
	v1 =	vadd.f32 v1, v7;
	[tilespmem:s4+$0x4060] =	vst v0;
	s4 =	smov.u32 s7  }
0xa4: {  	v7 =	vld [tilespmem:s4+$0x14020]  }
.Ltmp1:
0xa5: {  	v3 =	vadd.f32 v3, v4;
	v0 =	vld [tilespmem:s4+$0x4030];
	[tilespmem:s4+$0x4070] =	vst v1;
	(pc) =	sbr.rel @p0 .LBB2_4-.Ltmp1, $4  }
0xa6: {  	v2 =	vld [tilespmem:s4+$0x14030]  }
0xa7: {  	[tilespmem:s4+$0x4000] =	vst v3;
	v3 =	vadd.f32 v5, v6;
	v1 =	vld [tilespmem:s4+$0x4040]  }
0xa8: {  	v4 =	vld [tilespmem:s4+$0x14040]  }
0xa9: {  	[tilespmem:s4+$0x4010] =	vst v3;
	v5 =	vadd.f32 v7, v8;
	v3 =	vld [tilespmem:s4+$0x4050]  }
0xaa: {  	v6 =	vld [tilespmem:s4+$0x14050]  }
0xab: {  	v7 =	vld [tilespmem:s4+$0x4060]  }
0xac: {  	v8 =	vld [tilespmem:s4+$0x14060];
	_ =	sdelay $0x1  }
0xad: {  	v0 =	vadd.f32 v2, v0  }
0xae: {  	[tilespmem:s4+$0x4020] =	vst v5;
	v1 =	vadd.f32 v4, v1  }
0xaf: {  	[tilespmem:s4+$0x4030] =	vst v0;
	v0 =	vadd.f32 v6, v3  }
0xb0: {  	[tilespmem:s4+$0x4040] =	vst v1;
	v1 =	vadd.f32 v8, v7  }
0xb1: {  	[tilespmem:s4+$0x4050] =	vst v0  }
0xb2: {  	[tilespmem:s4+$0x4060] =	vst v1  }
0xb3: {  	s4 =	simm.s32 $0x0;
	s5 =	rddreg [dreg:$0x9]  }
0xb4: {  	[hbm4b:s5+s4] =	stream.linear.scatter [tilespmem:s16], [sflag:$0x7], $0x4000, $0x38;
	[tilespmem:$0x1C000] =	vst v63  }
0xb5: {  	_ =	swait.ge [sflag:s24], $0x4000  }
0xb6: {  	[sflag:s24] =	ssyncset.done $0x0  }
0xb7: {  	s7 =	rddreg [dreg:$0xa];
	[sflag:s24] =	ssyncadd.s32 $0xFFFFC000  }
0xb8: {  	[tilespmem:s4], [sflag:$0x1] =	stream.linear.gather [hbm4b:s7+s4], $0x4000, $0x38;
	[tilespmem:$0x1C000] =	vst v63  }
0xb9: {  	s6 =	simm.s32 $0x0;
	_ =	swait.ge [sflag:s25], $0x4000  }
0xba: {  	s8 =	sand.u32 $0x380, s6;
	s7 =	sand.u32 $0x3C00, s4;
	[sflag:s25] =	ssyncset.done $0x0  }
0xbb: {  	s5 =	sor.u32 s8, s7;
	[sflag:s25] =	ssyncadd.s32 $0xFFFFC000  }
0xbc: {  	v0 =	vld [tilespmem:s5+$0x8070]  }
0xbd: {  	v1 =	vld [tilespmem:s5+$0x14070]  }
0xbe: {  	v2 =	vld [tilespmem:s5+$0x8000]  }
0xbf: {  	v3 =	vld [tilespmem:s5+$0x14000]  }
0xc0: {  	v4 =	vld [tilespmem:s5+$0x8010]  }
0xc1: {  	v5 =	vld [tilespmem:s5+$0x14010]  }
0xc2: {  	v6 =	vld [tilespmem:s5+$0x8020]  }
0xc3: {  	v7 =	vld [tilespmem:s5+$0x14020]  }
0xc4: {  	v1 =	vadd.f32 v1, v0;
	v0 =	vld [tilespmem:s5+$0x8030]  }
0xc5: {  	v3 =	vadd.f32 v3, v2;
	v2 =	vld [tilespmem:s5+$0x14030]  }
0xc6: {  	v5 =	vadd.f32 v5, v4;
	v4 =	vld [tilespmem:s5+$0x14040];
	[tilespmem:s5+$0x8070] =	vst v1  }
0xc7: {  	v1 =	vld [tilespmem:s5+$0x8040];
	[tilespmem:s5+$0x8000] =	vst v3  }
0xc8: {  	[tilespmem:s5+$0x8010] =	vst v5;
	v5 =	vadd.f32 v7, v6;
	v3 =	vld [tilespmem:s5+$0x8050]  }
.LBB2_6:
0xc9: {  	s6 =	sadd.s32 $0x8, s6;
	v6 =	vld [tilespmem:s5+$0x14050];
	s4 =	sadd.s32 $0x400, s4  }
0xca: {  	s7 =	sand.u32 $0x380, s6;
	s8 =	sand.u32 $0x3C00, s4;
	p0 =	slt.u32 s6, $0x3F8;
	[tilespmem:s5+$0x8020] =	vst v5;
	v0 =	vadd.f32 v2, v0;
	v2 =	vld [tilespmem:s5+$0x8060]  }
0xcb: {  	s7 =	sor.u32 s7, s8;
	v5 =	vld [tilespmem:s5+$0x14060]  }
0xcc: {  	v7 =	vld [tilespmem:s7+$0x8070];
	[tilespmem:s5+$0x8030] =	vst v0;
	v0 =	vadd.f32 v4, v1  }
0xcd: {  	v1 =	vld [tilespmem:s7+$0x14070]  }
0xce: {  	v4 =	vld [tilespmem:s7+$0x8000];
	[tilespmem:s5+$0x8040] =	vst v0;
	v0 =	vadd.f32 v6, v3  }
0xcf: {  	v3 =	vld [tilespmem:s7+$0x14000]  }
0xd0: {  	v6 =	vld [tilespmem:s7+$0x8010];
	[tilespmem:s5+$0x8050] =	vst v0;
	v0 =	vadd.f32 v5, v2  }
0xd1: {  	v5 =	vld [tilespmem:s7+$0x14010]  }
0xd2: {  	v8 =	vld [tilespmem:s7+$0x8020];
	v1 =	vadd.f32 v1, v7;
	[tilespmem:s5+$0x8060] =	vst v0;
	s5 =	smov.u32 s7  }
0xd3: {  	v7 =	vld [tilespmem:s5+$0x14020]  }
.Ltmp2:
0xd4: {  	v3 =	vadd.f32 v3, v4;
	v0 =	vld [tilespmem:s5+$0x8030];
	[tilespmem:s5+$0x8070] =	vst v1;
	(pc) =	sbr.rel @p0 .LBB2_6-.Ltmp2, $4  }
0xd5: {  	v2 =	vld [tilespmem:s5+$0x14030]  }
0xd6: {  	[tilespmem:s5+$0x8000] =	vst v3;
	v3 =	vadd.f32 v5, v6;
	v1 =	vld [tilespmem:s5+$0x8040]  }
0xd7: {  	v4 =	vld [tilespmem:s5+$0x14040]  }
0xd8: {  	[tilespmem:s5+$0x8010] =	vst v3;
	v5 =	vadd.f32 v7, v8;
	v3 =	vld [tilespmem:s5+$0x8050]  }
0xd9: {  	v6 =	vld [tilespmem:s5+$0x14050]  }
0xda: {  	v7 =	vld [tilespmem:s5+$0x8060]  }
0xdb: {  	v8 =	vld [tilespmem:s5+$0x14060];
	_ =	sdelay $0x1  }
0xdc: {  	v0 =	vadd.f32 v2, v0  }
0xdd: {  	[tilespmem:s5+$0x8020] =	vst v5;
	v1 =	vadd.f32 v4, v1  }
0xde: {  	[tilespmem:s5+$0x8030] =	vst v0;
	v0 =	vadd.f32 v6, v3  }
0xdf: {  	[tilespmem:s5+$0x8040] =	vst v1;
	v1 =	vadd.f32 v8, v7  }
0xe0: {  	[tilespmem:s5+$0x8050] =	vst v0  }
0xe1: {  	[tilespmem:s5+$0x8060] =	vst v1  }
0xe2: {  	s4 =	simm.s32 $0x0;
	s5 =	rddreg [dreg:$0xb]  }
0xe3: {  	[hbm4b:s5+s4] =	stream.linear.scatter [tilespmem:s17], [sflag:$0x8], $0x4000, $0x38;
	[tilespmem:$0x1C000] =	vst v63  }
0xe4: {  	_ =	swait.ge [sflag:s26], $0x4000  }
0xe5: {  	[sflag:s26] =	ssyncset.done $0x0  }
0xe6: {  	s7 =	rddreg [dreg:$0xc];
	[sflag:s26] =	ssyncadd.s32 $0xFFFFC000  }
0xe7: {  	[tilespmem:s16], [sflag:$0x2] =	stream.linear.gather [hbm4b:s7+s4], $0x4000, $0x38;
	[tilespmem:$0x1C000] =	vst v63  }
0xe8: {  	s6 =	simm.s32 $0x0;
	_ =	swait.ge [sflag:s28], $0x4000  }
0xe9: {  	s8 =	sand.u32 $0x380, s6;
	s7 =	sand.u32 $0x3C00, s4;
	[sflag:s28] =	ssyncset.done $0x0  }
0xea: {  	s5 =	sor.u32 s8, s7;
	[sflag:s28] =	ssyncadd.s32 $0xFFFFC000  }
0xeb: {  	v0 =	vld [tilespmem:s5+$0xC070]  }
0xec: {  	v1 =	vld [tilespmem:s5+$0x14070]  }
0xed: {  	v2 =	vld [tilespmem:s5+$0xC000]  }
0xee: {  	v3 =	vld [tilespmem:s5+$0x14000]  }
0xef: {  	v4 =	vld [tilespmem:s5+$0xC010]  }
0xf0: {  	v5 =	vld [tilespmem:s5+$0x14010]  }
0xf1: {  	v6 =	vld [tilespmem:s5+$0xC020]  }
0xf2: {  	v7 =	vld [tilespmem:s5+$0x14020]  }
0xf3: {  	v1 =	vadd.f32 v1, v0;
	v0 =	vld [tilespmem:s5+$0xC030]  }
0xf4: {  	v3 =	vadd.f32 v3, v2;
	v2 =	vld [tilespmem:s5+$0x14030]  }
0xf5: {  	v5 =	vadd.f32 v5, v4;
	v4 =	vld [tilespmem:s5+$0x14040];
	[tilespmem:s5+$0xC070] =	vst v1  }
0xf6: {  	v1 =	vld [tilespmem:s5+$0xC040];
	[tilespmem:s5+$0xC000] =	vst v3  }
0xf7: {  	[tilespmem:s5+$0xC010] =	vst v5;
	v5 =	vadd.f32 v7, v6;
	v3 =	vld [tilespmem:s5+$0xC050]  }
.LBB2_8:
0xf8: {  	s6 =	sadd.s32 $0x8, s6;
	v6 =	vld [tilespmem:s5+$0x14050];
	s4 =	sadd.s32 $0x400, s4  }
0xf9: {  	s7 =	sand.u32 $0x380, s6;
	s8 =	sand.u32 $0x3C00, s4;
	p0 =	slt.u32 s6, $0x3F8;
	[tilespmem:s5+$0xC020] =	vst v5;
	v0 =	vadd.f32 v2, v0;
	v2 =	vld [tilespmem:s5+$0xC060]  }
0xfa: {  	s7 =	sor.u32 s7, s8;
	v5 =	vld [tilespmem:s5+$0x14060]  }
0xfb: {  	v7 =	vld [tilespmem:s7+$0xC070];
	[tilespmem:s5+$0xC030] =	vst v0;
	v0 =	vadd.f32 v4, v1  }
0xfc: {  	v1 =	vld [tilespmem:s7+$0x14070]  }
0xfd: {  	v4 =	vld [tilespmem:s7+$0xC000];
	[tilespmem:s5+$0xC040] =	vst v0;
	v0 =	vadd.f32 v6, v3  }
0xfe: {  	v3 =	vld [tilespmem:s7+$0x14000]  }
0xff: {  	v6 =	vld [tilespmem:s7+$0xC010];
	[tilespmem:s5+$0xC050] =	vst v0;
	v0 =	vadd.f32 v5, v2  }
0x100: {  	v5 =	vld [tilespmem:s7+$0x14010]  }
0x101: {  	v8 =	vld [tilespmem:s7+$0xC020];
	v1 =	vadd.f32 v1, v7;
	[tilespmem:s5+$0xC060] =	vst v0;
	s5 =	smov.u32 s7  }
0x102: {  	v7 =	vld [tilespmem:s5+$0x14020]  }
.Ltmp3:
0x103: {  	v3 =	vadd.f32 v3, v4;
	v0 =	vld [tilespmem:s5+$0xC030];
	[tilespmem:s5+$0xC070] =	vst v1;
	(pc) =	sbr.rel @p0 .LBB2_8-.Ltmp3, $4  }
0x104: {  	v2 =	vld [tilespmem:s5+$0x14030]  }
0x105: {  	[tilespmem:s5+$0xC000] =	vst v3;
	v3 =	vadd.f32 v5, v6;
	v1 =	vld [tilespmem:s5+$0xC040]  }
0x106: {  	v4 =	vld [tilespmem:s5+$0x14040]  }
0x107: {  	[tilespmem:s5+$0xC010] =	vst v3;
	v5 =	vadd.f32 v7, v8;
	v3 =	vld [tilespmem:s5+$0xC050]  }
0x108: {  	v6 =	vld [tilespmem:s5+$0x14050]  }
0x109: {  	v7 =	vld [tilespmem:s5+$0xC060]  }
0x10a: {  	v8 =	vld [tilespmem:s5+$0x14060];
	_ =	sdelay $0x1  }
0x10b: {  	v0 =	vadd.f32 v2, v0  }
0x10c: {  	[tilespmem:s5+$0xC020] =	vst v5;
	v1 =	vadd.f32 v4, v1  }
0x10d: {  	[tilespmem:s5+$0xC030] =	vst v0;
	v0 =	vadd.f32 v6, v3  }
0x10e: {  	[tilespmem:s5+$0xC040] =	vst v1;
	v1 =	vadd.f32 v8, v7  }
0x10f: {  	[tilespmem:s5+$0xC050] =	vst v0  }
0x110: {  	[tilespmem:s5+$0xC060] =	vst v1  }
0x111: {  	s4 =	simm.s32 $0x0;
	s5 =	rddreg [dreg:$0xd]  }
0x112: {  	[hbm4b:s5+s4] =	stream.linear.scatter [tilespmem:s18], [sflag:$0x9], $0x4000, $0x38;
	[tilespmem:$0x1C000] =	vst v63  }
0x113: {  	_ =	swait.ge [sflag:s29], $0x4000  }
0x114: {  	[sflag:s29] =	ssyncset.done $0x0  }
0x115: {  	s6 =	rddreg [dreg:$0xe];
	[sflag:s29] =	ssyncadd.s32 $0xFFFFC000  }
0x116: {  	[tilespmem:s17], [sflag:$0x3] =	stream.linear.gather [hbm4b:s6+s4], $0x4000, $0x38;
	[tilespmem:$0x1C000] =	vst v63  }
0x117: {  	s7 =	rddreg [dreg:$0xf]  }
0x118: {  	[tilespmem:s15], [sflag:$0xB] =	stream.linear.gather [hbm4b:s7+s4], $0x4000, $0x38;
	[tilespmem:$0x1C000] =	vst v63  }
0x119: {  	_ =	swait.ge [sflag:s30], $0x4000  }
0x11a: {  	[sflag:s30] =	ssyncset.done $0x0  }
0x11b: {  	[sflag:s30] =	ssyncadd.s32 $0xFFFFC000  }
0x11c: {  	s6 =	simm.s32 $0x0;
	_ =	swait.ge [sflag:s31], $0x4000  }
0x11d: {  	s8 =	sand.u32 $0x380, s6;
	s7 =	sand.u32 $0x3C00, s4;
	[sflag:s31] =	ssyncset.done $0x0  }
0x11e: {  	s5 =	sor.u32 s8, s7;
	[sflag:s31] =	ssyncadd.s32 $0xFFFFC000  }
0x11f: {  	v0 =	vld [tilespmem:s5+$0x10070]  }
0x120: {  	v1 =	vld [tilespmem:s5+$0x18070]  }
0x121: {  	v2 =	vld [tilespmem:s5+$0x10000]  }
0x122: {  	v3 =	vld [tilespmem:s5+$0x18000]  }
0x123: {  	v4 =	vld [tilespmem:s5+$0x10010]  }
0x124: {  	v5 =	vld [tilespmem:s5+$0x18010]  }
0x125: {  	v6 =	vld [tilespmem:s5+$0x10020]  }
0x126: {  	v7 =	vld [tilespmem:s5+$0x18020]  }
0x127: {  	v1 =	vadd.f32 v1, v0;
	v0 =	vld [tilespmem:s5+$0x10030]  }
0x128: {  	v3 =	vadd.f32 v3, v2;
	v2 =	vld [tilespmem:s5+$0x18030]  }
0x129: {  	v5 =	vadd.f32 v5, v4;
	v4 =	vld [tilespmem:s5+$0x18040];
	[tilespmem:s5+$0x10070] =	vst v1  }
0x12a: {  	v1 =	vld [tilespmem:s5+$0x10040];
	[tilespmem:s5+$0x10000] =	vst v3  }
0x12b: {  	[tilespmem:s5+$0x10010] =	vst v5;
	v5 =	vadd.f32 v7, v6;
	v3 =	vld [tilespmem:s5+$0x10050]  }
.LBB2_10:
0x12c: {  	s6 =	sadd.s32 $0x8, s6;
	v6 =	vld [tilespmem:s5+$0x18050];
	s4 =	sadd.s32 $0x400, s4  }
0x12d: {  	s7 =	sand.u32 $0x380, s6;
	s8 =	sand.u32 $0x3C00, s4;
	p0 =	slt.u32 s6, $0x3F8;
	[tilespmem:s5+$0x10020] =	vst v5;
	v0 =	vadd.f32 v2, v0;
	v2 =	vld [tilespmem:s5+$0x10060]  }
0x12e: {  	s7 =	sor.u32 s7, s8;
	v5 =	vld [tilespmem:s5+$0x18060]  }
0x12f: {  	v7 =	vld [tilespmem:s7+$0x10070];
	[tilespmem:s5+$0x10030] =	vst v0;
	v0 =	vadd.f32 v4, v1  }
0x130: {  	v1 =	vld [tilespmem:s7+$0x18070]  }
0x131: {  	v4 =	vld [tilespmem:s7+$0x10000];
	[tilespmem:s5+$0x10040] =	vst v0;
	v0 =	vadd.f32 v6, v3  }
0x132: {  	v3 =	vld [tilespmem:s7+$0x18000]  }
0x133: {  	v6 =	vld [tilespmem:s7+$0x10010];
	[tilespmem:s5+$0x10050] =	vst v0;
	v0 =	vadd.f32 v5, v2  }
0x134: {  	v5 =	vld [tilespmem:s7+$0x18010]  }
0x135: {  	v8 =	vld [tilespmem:s7+$0x10020];
	v1 =	vadd.f32 v1, v7;
	[tilespmem:s5+$0x10060] =	vst v0;
	s5 =	smov.u32 s7  }
0x136: {  	v7 =	vld [tilespmem:s5+$0x18020]  }
.Ltmp4:
0x137: {  	v3 =	vadd.f32 v3, v4;
	v0 =	vld [tilespmem:s5+$0x10030];
	[tilespmem:s5+$0x10070] =	vst v1;
	(pc) =	sbr.rel @p0 .LBB2_10-.Ltmp4, $4  }
0x138: {  	v2 =	vld [tilespmem:s5+$0x18030]  }
0x139: {  	[tilespmem:s5+$0x10000] =	vst v3;
	v3 =	vadd.f32 v5, v6;
	v1 =	vld [tilespmem:s5+$0x10040]  }
0x13a: {  	v4 =	vld [tilespmem:s5+$0x18040]  }
0x13b: {  	[tilespmem:s5+$0x10010] =	vst v3;
	v5 =	vadd.f32 v7, v8;
	v3 =	vld [tilespmem:s5+$0x10050]  }
0x13c: {  	v6 =	vld [tilespmem:s5+$0x18050]  }
0x13d: {  	v7 =	vld [tilespmem:s5+$0x10060]  }
0x13e: {  	v8 =	vld [tilespmem:s5+$0x18060];
	_ =	sdelay $0x1  }
0x13f: {  	v0 =	vadd.f32 v2, v0  }
0x140: {  	[tilespmem:s5+$0x10020] =	vst v5;
	v1 =	vadd.f32 v4, v1  }
0x141: {  	[tilespmem:s5+$0x10030] =	vst v0;
	v0 =	vadd.f32 v6, v3  }
0x142: {  	[tilespmem:s5+$0x10040] =	vst v1;
	v1 =	vadd.f32 v8, v7  }
0x143: {  	[tilespmem:s5+$0x10050] =	vst v0  }
0x144: {  	[tilespmem:s5+$0x10060] =	vst v1  }
0x145: {  	s4 =	simm.s32 $0x0;
	s5 =	rddreg [dreg:$0x10]  }
0x146: {  	[hbm4b:s5+s4] =	stream.linear.scatter [tilespmem:s22], [sflag:$0xA], $0x4000, $0x38;
	[tilespmem:$0x1C000] =	vst v63  }
0x147: {  	_ =	swait.ge [sflag:s0], $0x4000  }
0x148: {  	[sflag:s0] =	ssyncset.done $0x0  }
0x149: {  	s7 =	rddreg [dreg:$0x11];
	[sflag:s0] =	ssyncadd.s32 $0xFFFFC000  }
0x14a: {  	[tilespmem:s18], [sflag:$0x4] =	stream.linear.gather [hbm4b:s7+s4], $0x4000, $0x38;
	[tilespmem:$0x1C000] =	vst v63  }
0x14b: {  	s6 =	simm.s32 $0x0;
	_ =	swait.ge [sflag:s21], $0x4000  }
0x14c: {  	s8 =	sand.u32 $0x380, s6;
	s7 =	sand.u32 $0x3C00, s4;
	[sflag:s21] =	ssyncset.done $0x0  }
0x14d: {  	s5 =	sor.u32 s8, s7;
	[sflag:s21] =	ssyncadd.s32 $0xFFFFC000  }
0x14e: {  	v0 =	vld [tilespmem:s5+$0x70]  }
0x14f: {  	v1 =	vld [tilespmem:s5+$0x18070]  }
0x150: {  	v2 =	vld [tilespmem:s5+$0x0]  }
0x151: {  	v3 =	vld [tilespmem:s5+$0x18000]  }
0x152: {  	v4 =	vld [tilespmem:s5+$0x10]  }
0x153: {  	v5 =	vld [tilespmem:s5+$0x18010]  }
0x154: {  	v6 =	vld [tilespmem:s5+$0x20]  }
0x155: {  	v7 =	vld [tilespmem:s5+$0x18020]  }
0x156: {  	v1 =	vadd.f32 v1, v0;
	v0 =	vld [tilespmem:s5+$0x30]  }
0x157: {  	v3 =	vadd.f32 v3, v2;
	v2 =	vld [tilespmem:s5+$0x18030]  }
0x158: {  	v5 =	vadd.f32 v5, v4;
	v4 =	vld [tilespmem:s5+$0x18040];
	[tilespmem:s5+$0x70] =	vst v1  }
0x159: {  	v1 =	vld [tilespmem:s5+$0x40];
	[tilespmem:s5+$0x0] =	vst v3  }
0x15a: {  	[tilespmem:s5+$0x10] =	vst v5;
	v5 =	vadd.f32 v7, v6;
	v3 =	vld [tilespmem:s5+$0x50]  }
.LBB2_12:
0x15b: {  	s6 =	sadd.s32 $0x8, s6;
	v6 =	vld [tilespmem:s5+$0x18050];
	s4 =	sadd.s32 $0x400, s4  }
0x15c: {  	s7 =	sand.u32 $0x380, s6;
	s8 =	sand.u32 $0x3C00, s4;
	p0 =	slt.u32 s6, $0x3F8;
	[tilespmem:s5+$0x20] =	vst v5;
	v0 =	vadd.f32 v2, v0;
	v2 =	vld [tilespmem:s5+$0x60]  }
0x15d: {  	s7 =	sor.u32 s7, s8;
	v5 =	vld [tilespmem:s5+$0x18060]  }
0x15e: {  	v7 =	vld [tilespmem:s7+$0x70];
	[tilespmem:s5+$0x30] =	vst v0;
	v0 =	vadd.f32 v4, v1  }
0x15f: {  	v1 =	vld [tilespmem:s7+$0x18070]  }
0x160: {  	v4 =	vld [tilespmem:s7+$0x0];
	[tilespmem:s5+$0x40] =	vst v0;
	v0 =	vadd.f32 v6, v3  }
0x161: {  	v3 =	vld [tilespmem:s7+$0x18000]  }
0x162: {  	v6 =	vld [tilespmem:s7+$0x10];
	[tilespmem:s5+$0x50] =	vst v0;
	v0 =	vadd.f32 v5, v2  }
0x163: {  	v5 =	vld [tilespmem:s7+$0x18010]  }
0x164: {  	v8 =	vld [tilespmem:s7+$0x20];
	v1 =	vadd.f32 v1, v7;
	[tilespmem:s5+$0x60] =	vst v0;
	s5 =	smov.u32 s7  }
0x165: {  	v7 =	vld [tilespmem:s5+$0x18020]  }
.Ltmp5:
0x166: {  	v3 =	vadd.f32 v3, v4;
	v0 =	vld [tilespmem:s5+$0x30];
	[tilespmem:s5+$0x70] =	vst v1;
	(pc) =	sbr.rel @p0 .LBB2_12-.Ltmp5, $4  }
0x167: {  	v2 =	vld [tilespmem:s5+$0x18030]  }
0x168: {  	[tilespmem:s5+$0x0] =	vst v3;
	v3 =	vadd.f32 v5, v6;
	v1 =	vld [tilespmem:s5+$0x40]  }
0x169: {  	v4 =	vld [tilespmem:s5+$0x18040]  }
0x16a: {  	[tilespmem:s5+$0x10] =	vst v3;
	v5 =	vadd.f32 v7, v8;
	v3 =	vld [tilespmem:s5+$0x50]  }
0x16b: {  	v6 =	vld [tilespmem:s5+$0x18050]  }
0x16c: {  	v7 =	vld [tilespmem:s5+$0x60]  }
0x16d: {  	v8 =	vld [tilespmem:s5+$0x18060];
	_ =	sdelay $0x1  }
0x16e: {  	v0 =	vadd.f32 v2, v0  }
0x16f: {  	[tilespmem:s5+$0x20] =	vst v5;
	v1 =	vadd.f32 v4, v1  }
0x170: {  	[tilespmem:s5+$0x30] =	vst v0;
	v0 =	vadd.f32 v6, v3  }
0x171: {  	[tilespmem:s5+$0x40] =	vst v1;
	v1 =	vadd.f32 v8, v7  }
0x172: {  	[tilespmem:s5+$0x50] =	vst v0  }
0x173: {  	[tilespmem:s5+$0x60] =	vst v1  }
0x174: {  	s4 =	simm.s32 $0x0;
	s5 =	rddreg [dreg:$0x12]  }
0x175: {  	[hbm4b:s5+s4] =	stream.linear.scatter [tilespmem:s4], [sflag:$0x6], $0x4000, $0x38;
	[tilespmem:$0x1C000] =	vst v63  }
0x176: {  	_ =	swait.ge [sflag:s2], $0x4000  }
0x177: {  	[sflag:s2] =	ssyncset.done $0x0  }
0x178: {  	s7 =	rddreg [dreg:$0x16];
	[sflag:s2] =	ssyncadd.s32 $0xFFFFC000  }
0x179: {  	[tilespmem:s22], [sflag:$0x5] =	stream.linear.gather [hbm4b:s7+s4], $0x4000, $0x38;
	[tilespmem:$0x1C000] =	vst v63  }
0x17a: {  	s6 =	simm.s32 $0x0;
	_ =	swait.ge [sflag:s23], $0x4000  }
0x17b: {  	s8 =	sand.u32 $0x380, s6;
	s7 =	sand.u32 $0x3C00, s4;
	[sflag:s23] =	ssyncset.done $0x0  }
0x17c: {  	s5 =	sor.u32 s8, s7;
	[sflag:s23] =	ssyncadd.s32 $0xFFFFC000  }
0x17d: {  	v0 =	vld [tilespmem:s5+$0x4070]  }
0x17e: {  	v1 =	vld [tilespmem:s5+$0x18070]  }
0x17f: {  	v2 =	vld [tilespmem:s5+$0x4000]  }
0x180: {  	v3 =	vld [tilespmem:s5+$0x18000]  }
0x181: {  	v4 =	vld [tilespmem:s5+$0x4010]  }
0x182: {  	v5 =	vld [tilespmem:s5+$0x18010]  }
0x183: {  	v6 =	vld [tilespmem:s5+$0x4020]  }
0x184: {  	v7 =	vld [tilespmem:s5+$0x18020]  }
0x185: {  	v1 =	vadd.f32 v1, v0;
	v0 =	vld [tilespmem:s5+$0x4030]  }
0x186: {  	v3 =	vadd.f32 v3, v2;
	v2 =	vld [tilespmem:s5+$0x18030]  }
0x187: {  	v5 =	vadd.f32 v5, v4;
	v4 =	vld [tilespmem:s5+$0x18040];
	[tilespmem:s5+$0x4070] =	vst v1  }
0x188: {  	v1 =	vld [tilespmem:s5+$0x4040];
	[tilespmem:s5+$0x4000] =	vst v3  }
0x189: {  	[tilespmem:s5+$0x4010] =	vst v5;
	v5 =	vadd.f32 v7, v6;
	v3 =	vld [tilespmem:s5+$0x4050]  }
.LBB2_14:
0x18a: {  	s6 =	sadd.s32 $0x8, s6;
	v6 =	vld [tilespmem:s5+$0x18050];
	s4 =	sadd.s32 $0x400, s4  }
0x18b: {  	s7 =	sand.u32 $0x380, s6;
	s8 =	sand.u32 $0x3C00, s4;
	p0 =	slt.u32 s6, $0x3F8;
	[tilespmem:s5+$0x4020] =	vst v5;
	v0 =	vadd.f32 v2, v0;
	v2 =	vld [tilespmem:s5+$0x4060]  }
0x18c: {  	s7 =	sor.u32 s7, s8;
	v5 =	vld [tilespmem:s5+$0x18060]  }
0x18d: {  	v7 =	vld [tilespmem:s7+$0x4070];
	[tilespmem:s5+$0x4030] =	vst v0;
	v0 =	vadd.f32 v4, v1  }
0x18e: {  	v1 =	vld [tilespmem:s7+$0x18070]  }
0x18f: {  	v4 =	vld [tilespmem:s7+$0x4000];
	[tilespmem:s5+$0x4040] =	vst v0;
	v0 =	vadd.f32 v6, v3  }
0x190: {  	v3 =	vld [tilespmem:s7+$0x18000]  }
0x191: {  	v6 =	vld [tilespmem:s7+$0x4010];
	[tilespmem:s5+$0x4050] =	vst v0;
	v0 =	vadd.f32 v5, v2  }
0x192: {  	v5 =	vld [tilespmem:s7+$0x18010]  }
0x193: {  	v8 =	vld [tilespmem:s7+$0x4020];
	v1 =	vadd.f32 v1, v7;
	[tilespmem:s5+$0x4060] =	vst v0;
	s5 =	smov.u32 s7  }
0x194: {  	v7 =	vld [tilespmem:s5+$0x18020]  }
.Ltmp6:
0x195: {  	v3 =	vadd.f32 v3, v4;
	v0 =	vld [tilespmem:s5+$0x4030];
	[tilespmem:s5+$0x4070] =	vst v1;
	(pc) =	sbr.rel @p0 .LBB2_14-.Ltmp6, $4  }
0x196: {  	v2 =	vld [tilespmem:s5+$0x18030]  }
0x197: {  	[tilespmem:s5+$0x4000] =	vst v3;
	v3 =	vadd.f32 v5, v6;
	v1 =	vld [tilespmem:s5+$0x4040]  }
0x198: {  	v4 =	vld [tilespmem:s5+$0x18040]  }
0x199: {  	[tilespmem:s5+$0x4010] =	vst v3;
	v5 =	vadd.f32 v7, v8;
	v3 =	vld [tilespmem:s5+$0x4050]  }
0x19a: {  	v6 =	vld [tilespmem:s5+$0x18050]  }
0x19b: {  	v7 =	vld [tilespmem:s5+$0x4060]  }
0x19c: {  	v8 =	vld [tilespmem:s5+$0x18060];
	_ =	sdelay $0x1  }
0x19d: {  	v0 =	vadd.f32 v2, v0  }
0x19e: {  	[tilespmem:s5+$0x4020] =	vst v5;
	v1 =	vadd.f32 v4, v1  }
0x19f: {  	[tilespmem:s5+$0x4030] =	vst v0;
	v0 =	vadd.f32 v6, v3  }
0x1a0: {  	[tilespmem:s5+$0x4040] =	vst v1;
	v1 =	vadd.f32 v8, v7  }
0x1a1: {  	[tilespmem:s5+$0x4050] =	vst v0  }
0x1a2: {  	[tilespmem:s5+$0x4060] =	vst v1  }
0x1a3: {  	s4 =	simm.s32 $0x0;
	s5 =	rddreg [dreg:$0x13]  }
0x1a4: {  	[hbm4b:s5+s4] =	stream.linear.scatter [tilespmem:s16], [sflag:$0x7], $0x4000, $0x38;
	[tilespmem:$0x1C000] =	vst v63  }
0x1a5: {  	_ =	swait.ge [sflag:s24], $0x4000  }
0x1a6: {  	[sflag:s24] =	ssyncset.done $0x0  }
0x1a7: {  	s7 =	rddreg [dreg:$0x18];
	[sflag:s24] =	ssyncadd.s32 $0xFFFFC000  }
0x1a8: {  	[tilespmem:s4], [sflag:$0x1] =	stream.linear.gather [hbm4b:s7+s4], $0x4000, $0x38;
	[tilespmem:$0x1C000] =	vst v63  }
0x1a9: {  	s6 =	simm.s32 $0x0;
	_ =	swait.ge [sflag:s25], $0x4000  }
0x1aa: {  	s8 =	sand.u32 $0x380, s6;
	s7 =	sand.u32 $0x3C00, s4;
	[sflag:s25] =	ssyncset.done $0x0  }
0x1ab: {  	s5 =	sor.u32 s8, s7;
	[sflag:s25] =	ssyncadd.s32 $0xFFFFC000  }
0x1ac: {  	v0 =	vld [tilespmem:s5+$0x8070]  }
0x1ad: {  	v1 =	vld [tilespmem:s5+$0x18070]  }
0x1ae: {  	v2 =	vld [tilespmem:s5+$0x8000]  }
0x1af: {  	v3 =	vld [tilespmem:s5+$0x18000]  }
0x1b0: {  	v4 =	vld [tilespmem:s5+$0x8010]  }
0x1b1: {  	v5 =	vld [tilespmem:s5+$0x18010]  }
0x1b2: {  	v6 =	vld [tilespmem:s5+$0x8020]  }
0x1b3: {  	v7 =	vld [tilespmem:s5+$0x18020]  }
0x1b4: {  	v1 =	vadd.f32 v1, v0;
	v0 =	vld [tilespmem:s5+$0x8030]  }
0x1b5: {  	v3 =	vadd.f32 v3, v2;
	v2 =	vld [tilespmem:s5+$0x18030]  }
0x1b6: {  	v5 =	vadd.f32 v5, v4;
	v4 =	vld [tilespmem:s5+$0x18040];
	[tilespmem:s5+$0x8070] =	vst v1  }
0x1b7: {  	v1 =	vld [tilespmem:s5+$0x8040];
	[tilespmem:s5+$0x8000] =	vst v3  }
0x1b8: {  	[tilespmem:s5+$0x8010] =	vst v5;
	v5 =	vadd.f32 v7, v6;
	v3 =	vld [tilespmem:s5+$0x8050]  }
.LBB2_16:
0x1b9: {  	s6 =	sadd.s32 $0x8, s6;
	v6 =	vld [tilespmem:s5+$0x18050];
	s4 =	sadd.s32 $0x400, s4  }
0x1ba: {  	s7 =	sand.u32 $0x380, s6;
	s8 =	sand.u32 $0x3C00, s4;
	p0 =	slt.u32 s6, $0x3F8;
	[tilespmem:s5+$0x8020] =	vst v5;
	v0 =	vadd.f32 v2, v0;
	v2 =	vld [tilespmem:s5+$0x8060]  }
0x1bb: {  	s7 =	sor.u32 s7, s8;
	v5 =	vld [tilespmem:s5+$0x18060]  }
0x1bc: {  	v7 =	vld [tilespmem:s7+$0x8070];
	[tilespmem:s5+$0x8030] =	vst v0;
	v0 =	vadd.f32 v4, v1  }
0x1bd: {  	v1 =	vld [tilespmem:s7+$0x18070]  }
0x1be: {  	v4 =	vld [tilespmem:s7+$0x8000];
	[tilespmem:s5+$0x8040] =	vst v0;
	v0 =	vadd.f32 v6, v3  }
0x1bf: {  	v3 =	vld [tilespmem:s7+$0x18000]  }
0x1c0: {  	v6 =	vld [tilespmem:s7+$0x8010];
	[tilespmem:s5+$0x8050] =	vst v0;
	v0 =	vadd.f32 v5, v2  }
0x1c1: {  	v5 =	vld [tilespmem:s7+$0x18010]  }
0x1c2: {  	v8 =	vld [tilespmem:s7+$0x8020];
	v1 =	vadd.f32 v1, v7;
	[tilespmem:s5+$0x8060] =	vst v0;
	s5 =	smov.u32 s7  }
0x1c3: {  	v7 =	vld [tilespmem:s5+$0x18020]  }
.Ltmp7:
0x1c4: {  	v3 =	vadd.f32 v3, v4;
	v0 =	vld [tilespmem:s5+$0x8030];
	[tilespmem:s5+$0x8070] =	vst v1;
	(pc) =	sbr.rel @p0 .LBB2_16-.Ltmp7, $4  }
0x1c5: {  	v2 =	vld [tilespmem:s5+$0x18030]  }
0x1c6: {  	[tilespmem:s5+$0x8000] =	vst v3;
	v3 =	vadd.f32 v5, v6;
	v1 =	vld [tilespmem:s5+$0x8040]  }
0x1c7: {  	v4 =	vld [tilespmem:s5+$0x18040]  }
0x1c8: {  	[tilespmem:s5+$0x8010] =	vst v3;
	v5 =	vadd.f32 v7, v8;
	v3 =	vld [tilespmem:s5+$0x8050]  }
0x1c9: {  	v6 =	vld [tilespmem:s5+$0x18050]  }
0x1ca: {  	v7 =	vld [tilespmem:s5+$0x8060]  }
0x1cb: {  	v8 =	vld [tilespmem:s5+$0x18060];
	_ =	sdelay $0x1  }
0x1cc: {  	v0 =	vadd.f32 v2, v0  }
0x1cd: {  	[tilespmem:s5+$0x8020] =	vst v5;
	v1 =	vadd.f32 v4, v1  }
0x1ce: {  	[tilespmem:s5+$0x8030] =	vst v0;
	v0 =	vadd.f32 v6, v3  }
0x1cf: {  	[tilespmem:s5+$0x8040] =	vst v1;
	v1 =	vadd.f32 v8, v7  }
0x1d0: {  	[tilespmem:s5+$0x8050] =	vst v0  }
0x1d1: {  	[tilespmem:s5+$0x8060] =	vst v1  }
0x1d2: {  	s4 =	simm.s32 $0x0;
	s5 =	rddreg [dreg:$0x14]  }
0x1d3: {  	[hbm4b:s5+s4] =	stream.linear.scatter [tilespmem:s17], [sflag:$0x8], $0x4000, $0x38;
	[tilespmem:$0x1C000] =	vst v63  }
0x1d4: {  	_ =	swait.ge [sflag:s26], $0x4000  }
0x1d5: {  	[sflag:s26] =	ssyncset.done $0x0  }
0x1d6: {  	s6 =	rddreg [dreg:$0x1a];
	[sflag:s26] =	ssyncadd.s32 $0xFFFFC000  }
0x1d7: {  	[tilespmem:s16], [sflag:$0x2] =	stream.linear.gather [hbm4b:s6+s4], $0x4000, $0x38;
	[tilespmem:$0x1C000] =	vst v63  }
0x1d8: {  	s7 =	rddreg [dreg:$0x1c]  }
0x1d9: {  	[tilespmem:s19], [sflag:$0xC] =	stream.linear.gather [hbm4b:s7+s4], $0x4000, $0x38;
	[tilespmem:$0x1C000] =	vst v63  }
0x1da: {  	_ =	swait.ge [sflag:s20], $0x4000  }
0x1db: {  	[sflag:s20] =	ssyncset.done $0x0  }
0x1dc: {  	[sflag:s20] =	ssyncadd.s32 $0xFFFFC000  }
0x1dd: {  	s6 =	simm.s32 $0x0;
	_ =	swait.ge [sflag:s28], $0x4000  }
0x1de: {  	s8 =	sand.u32 $0x380, s6;
	s7 =	sand.u32 $0x3C00, s4;
	[sflag:s28] =	ssyncset.done $0x0  }
0x1df: {  	s5 =	sor.u32 s8, s7;
	[sflag:s28] =	ssyncadd.s32 $0xFFFFC000  }
0x1e0: {  	v0 =	vld [tilespmem:s5+$0xC070]  }
0x1e1: {  	v1 =	vld [tilespmem:s5+$0x14070]  }
0x1e2: {  	v2 =	vld [tilespmem:s5+$0xC000]  }
0x1e3: {  	v3 =	vld [tilespmem:s5+$0x14000]  }
0x1e4: {  	v4 =	vld [tilespmem:s5+$0xC010]  }
0x1e5: {  	v5 =	vld [tilespmem:s5+$0x14010]  }
0x1e6: {  	v6 =	vld [tilespmem:s5+$0xC020]  }
0x1e7: {  	v7 =	vld [tilespmem:s5+$0x14020]  }
0x1e8: {  	v1 =	vadd.f32 v1, v0;
	v0 =	vld [tilespmem:s5+$0xC030]  }
0x1e9: {  	v3 =	vadd.f32 v3, v2;
	v2 =	vld [tilespmem:s5+$0x14030]  }
0x1ea: {  	v5 =	vadd.f32 v5, v4;
	v4 =	vld [tilespmem:s5+$0x14040];
	[tilespmem:s5+$0xC070] =	vst v1  }
0x1eb: {  	v1 =	vld [tilespmem:s5+$0xC040];
	[tilespmem:s5+$0xC000] =	vst v3  }
0x1ec: {  	[tilespmem:s5+$0xC010] =	vst v5;
	v5 =	vadd.f32 v7, v6;
	v3 =	vld [tilespmem:s5+$0xC050]  }
.LBB2_18:
0x1ed: {  	s6 =	sadd.s32 $0x8, s6;
	v6 =	vld [tilespmem:s5+$0x14050];
	s4 =	sadd.s32 $0x400, s4  }
0x1ee: {  	s7 =	sand.u32 $0x380, s6;
	s8 =	sand.u32 $0x3C00, s4;
	p0 =	slt.u32 s6, $0x3F8;
	[tilespmem:s5+$0xC020] =	vst v5;
	v0 =	vadd.f32 v2, v0;
	v2 =	vld [tilespmem:s5+$0xC060]  }
0x1ef: {  	s7 =	sor.u32 s7, s8;
	v5 =	vld [tilespmem:s5+$0x14060]  }
0x1f0: {  	v7 =	vld [tilespmem:s7+$0xC070];
	[tilespmem:s5+$0xC030] =	vst v0;
	v0 =	vadd.f32 v4, v1  }
0x1f1: {  	v1 =	vld [tilespmem:s7+$0x14070]  }
0x1f2: {  	v4 =	vld [tilespmem:s7+$0xC000];
	[tilespmem:s5+$0xC040] =	vst v0;
	v0 =	vadd.f32 v6, v3  }
0x1f3: {  	v3 =	vld [tilespmem:s7+$0x14000]  }
0x1f4: {  	v6 =	vld [tilespmem:s7+$0xC010];
	[tilespmem:s5+$0xC050] =	vst v0;
	v0 =	vadd.f32 v5, v2  }
0x1f5: {  	v5 =	vld [tilespmem:s7+$0x14010]  }
0x1f6: {  	v8 =	vld [tilespmem:s7+$0xC020];
	v1 =	vadd.f32 v1, v7;
	[tilespmem:s5+$0xC060] =	vst v0;
	s5 =	smov.u32 s7  }
0x1f7: {  	v7 =	vld [tilespmem:s5+$0x14020]  }
.Ltmp8:
0x1f8: {  	v3 =	vadd.f32 v3, v4;
	v0 =	vld [tilespmem:s5+$0xC030];
	[tilespmem:s5+$0xC070] =	vst v1;
	(pc) =	sbr.rel @p0 .LBB2_18-.Ltmp8, $4  }
0x1f9: {  	v2 =	vld [tilespmem:s5+$0x14030]  }
0x1fa: {  	[tilespmem:s5+$0xC000] =	vst v3;
	v3 =	vadd.f32 v5, v6;
	v1 =	vld [tilespmem:s5+$0xC040]  }
0x1fb: {  	v4 =	vld [tilespmem:s5+$0x14040]  }
0x1fc: {  	[tilespmem:s5+$0xC010] =	vst v3;
	v5 =	vadd.f32 v7, v8;
	v3 =	vld [tilespmem:s5+$0xC050]  }
0x1fd: {  	v6 =	vld [tilespmem:s5+$0x14050]  }
0x1fe: {  	v7 =	vld [tilespmem:s5+$0xC060]  }
0x1ff: {  	v8 =	vld [tilespmem:s5+$0x14060];
	_ =	sdelay $0x1  }
0x200: {  	v0 =	vadd.f32 v2, v0  }
0x201: {  	[tilespmem:s5+$0xC020] =	vst v5;
	v1 =	vadd.f32 v4, v1  }
0x202: {  	[tilespmem:s5+$0xC030] =	vst v0;
	v0 =	vadd.f32 v6, v3  }
0x203: {  	[tilespmem:s5+$0xC040] =	vst v1;
	v1 =	vadd.f32 v8, v7  }
0x204: {  	[tilespmem:s5+$0xC050] =	vst v0  }
0x205: {  	[tilespmem:s5+$0xC060] =	vst v1  }
0x206: {  	s4 =	simm.s32 $0x0;
	s5 =	rddreg [dreg:$0x15]  }
0x207: {  	[hbm4b:s5+s4] =	stream.linear.scatter [tilespmem:s18], [sflag:$0x9], $0x4000, $0x38;
	[tilespmem:$0x1C000] =	vst v63  }
0x208: {  	_ =	swait.ge [sflag:s29], $0x4000  }
0x209: {  	[sflag:s29] =	ssyncset.done $0x0  }
0x20a: {  	s7 =	rddreg [dreg:$0x1d];
	[sflag:s29] =	ssyncadd.s32 $0xFFFFC000  }
0x20b: {  	[tilespmem:s17], [sflag:$0x3] =	stream.linear.gather [hbm4b:s7+s4], $0x4000, $0x38;
	[tilespmem:$0x1C000] =	vst v63  }
0x20c: {  	s6 =	simm.s32 $0x0;
	_ =	swait.ge [sflag:s31], $0x4000  }
0x20d: {  	s8 =	sand.u32 $0x380, s6;
	s7 =	sand.u32 $0x3C00, s4;
	[sflag:s31] =	ssyncset.done $0x0  }
0x20e: {  	s5 =	sor.u32 s8, s7;
	[sflag:s31] =	ssyncadd.s32 $0xFFFFC000  }
0x20f: {  	v0 =	vld [tilespmem:s5+$0x10070]  }
0x210: {  	v1 =	vld [tilespmem:s5+$0x14070]  }
0x211: {  	v2 =	vld [tilespmem:s5+$0x10000]  }
0x212: {  	v3 =	vld [tilespmem:s5+$0x14000]  }
0x213: {  	v4 =	vld [tilespmem:s5+$0x10010]  }
0x214: {  	v5 =	vld [tilespmem:s5+$0x14010]  }
0x215: {  	v6 =	vld [tilespmem:s5+$0x10020]  }
0x216: {  	v7 =	vld [tilespmem:s5+$0x14020]  }
0x217: {  	v1 =	vadd.f32 v1, v0;
	v0 =	vld [tilespmem:s5+$0x10030]  }
0x218: {  	v3 =	vadd.f32 v3, v2;
	v2 =	vld [tilespmem:s5+$0x14030]  }
0x219: {  	v5 =	vadd.f32 v5, v4;
	v4 =	vld [tilespmem:s5+$0x14040];
	[tilespmem:s5+$0x10070] =	vst v1  }
0x21a: {  	v1 =	vld [tilespmem:s5+$0x10040];
	[tilespmem:s5+$0x10000] =	vst v3  }
0x21b: {  	[tilespmem:s5+$0x10010] =	vst v5;
	v5 =	vadd.f32 v7, v6;
	v3 =	vld [tilespmem:s5+$0x10050]  }
.LBB2_20:
0x21c: {  	s6 =	sadd.s32 $0x8, s6;
	v6 =	vld [tilespmem:s5+$0x14050];
	s4 =	sadd.s32 $0x400, s4  }
0x21d: {  	s7 =	sand.u32 $0x380, s6;
	s8 =	sand.u32 $0x3C00, s4;
	p0 =	slt.u32 s6, $0x3F8;
	[tilespmem:s5+$0x10020] =	vst v5;
	v0 =	vadd.f32 v2, v0;
	v2 =	vld [tilespmem:s5+$0x10060]  }
0x21e: {  	s7 =	sor.u32 s7, s8;
	v5 =	vld [tilespmem:s5+$0x14060]  }
0x21f: {  	v7 =	vld [tilespmem:s7+$0x10070];
	[tilespmem:s5+$0x10030] =	vst v0;
	v0 =	vadd.f32 v4, v1  }
0x220: {  	v1 =	vld [tilespmem:s7+$0x14070]  }
0x221: {  	v4 =	vld [tilespmem:s7+$0x10000];
	[tilespmem:s5+$0x10040] =	vst v0;
	v0 =	vadd.f32 v6, v3  }
0x222: {  	v3 =	vld [tilespmem:s7+$0x14000]  }
0x223: {  	v6 =	vld [tilespmem:s7+$0x10010];
	[tilespmem:s5+$0x10050] =	vst v0;
	v0 =	vadd.f32 v5, v2  }
0x224: {  	v5 =	vld [tilespmem:s7+$0x14010]  }
0x225: {  	v8 =	vld [tilespmem:s7+$0x10020];
	v1 =	vadd.f32 v1, v7;
	[tilespmem:s5+$0x10060] =	vst v0;
	s5 =	smov.u32 s7  }
0x226: {  	v7 =	vld [tilespmem:s5+$0x14020]  }
.Ltmp9:
0x227: {  	v3 =	vadd.f32 v3, v4;
	v0 =	vld [tilespmem:s5+$0x10030];
	[tilespmem:s5+$0x10070] =	vst v1;
	(pc) =	sbr.rel @p0 .LBB2_20-.Ltmp9, $4  }
0x228: {  	v2 =	vld [tilespmem:s5+$0x14030]  }
0x229: {  	[tilespmem:s5+$0x10000] =	vst v3;
	v3 =	vadd.f32 v5, v6;
	v1 =	vld [tilespmem:s5+$0x10040]  }
0x22a: {  	v4 =	vld [tilespmem:s5+$0x14040]  }
0x22b: {  	[tilespmem:s5+$0x10010] =	vst v3;
	v5 =	vadd.f32 v7, v8;
	v3 =	vld [tilespmem:s5+$0x10050]  }
0x22c: {  	v6 =	vld [tilespmem:s5+$0x14050]  }
0x22d: {  	v7 =	vld [tilespmem:s5+$0x10060]  }
0x22e: {  	v8 =	vld [tilespmem:s5+$0x14060];
	_ =	sdelay $0x1  }
0x22f: {  	v0 =	vadd.f32 v2, v0  }
0x230: {  	[tilespmem:s5+$0x10020] =	vst v5;
	v1 =	vadd.f32 v4, v1  }
0x231: {  	[tilespmem:s5+$0x10030] =	vst v0;
	v0 =	vadd.f32 v6, v3  }
0x232: {  	[tilespmem:s5+$0x10040] =	vst v1;
	v1 =	vadd.f32 v8, v7  }
0x233: {  	[tilespmem:s5+$0x10050] =	vst v0  }
0x234: {  	[tilespmem:s5+$0x10060] =	vst v1  }
0x235: {  	s4 =	simm.s32 $0x0;
	s5 =	rddreg [dreg:$0x17]  }
0x236: {  	[hbm4b:s5+s4] =	stream.linear.scatter [tilespmem:s22], [sflag:$0xA], $0x4000, $0x38;
	[tilespmem:$0x1C000] =	vst v63  }
0x237: {  	_ =	swait.ge [sflag:s0], $0x4000  }
0x238: {  	[sflag:s0] =	ssyncset.done $0x0  }
0x239: {  	s7 =	rddreg [dreg:$0x1f];
	[sflag:s0] =	ssyncadd.s32 $0xFFFFC000  }
0x23a: {  	[tilespmem:s18], [sflag:$0x4] =	stream.linear.gather [hbm4b:s7+s4], $0x4000, $0x38;
	[tilespmem:$0x1C000] =	vst v63  }
0x23b: {  	s6 =	simm.s32 $0x0;
	_ =	swait.ge [sflag:s21], $0x4000  }
0x23c: {  	s8 =	sand.u32 $0x380, s6;
	s7 =	sand.u32 $0x3C00, s4;
	[sflag:s21] =	ssyncset.done $0x0  }
0x23d: {  	s5 =	sor.u32 s8, s7;
	[sflag:s21] =	ssyncadd.s32 $0xFFFFC000  }
0x23e: {  	v0 =	vld [tilespmem:s5+$0x70]  }
0x23f: {  	v1 =	vld [tilespmem:s5+$0x14070]  }
0x240: {  	v2 =	vld [tilespmem:s5+$0x0]  }
0x241: {  	v3 =	vld [tilespmem:s5+$0x14000]  }
0x242: {  	v4 =	vld [tilespmem:s5+$0x10]  }
0x243: {  	v5 =	vld [tilespmem:s5+$0x14010]  }
0x244: {  	v6 =	vld [tilespmem:s5+$0x20]  }
0x245: {  	v7 =	vld [tilespmem:s5+$0x14020]  }
0x246: {  	v1 =	vadd.f32 v1, v0;
	v0 =	vld [tilespmem:s5+$0x30]  }
0x247: {  	v3 =	vadd.f32 v3, v2;
	v2 =	vld [tilespmem:s5+$0x14030]  }
0x248: {  	v5 =	vadd.f32 v5, v4;
	v4 =	vld [tilespmem:s5+$0x14040];
	[tilespmem:s5+$0x70] =	vst v1  }
0x249: {  	v1 =	vld [tilespmem:s5+$0x40];
	[tilespmem:s5+$0x0] =	vst v3  }
0x24a: {  	[tilespmem:s5+$0x10] =	vst v5;
	v5 =	vadd.f32 v7, v6;
	v3 =	vld [tilespmem:s5+$0x50]  }
.LBB2_22:
0x24b: {  	s6 =	sadd.s32 $0x8, s6;
	v6 =	vld [tilespmem:s5+$0x14050];
	s4 =	sadd.s32 $0x400, s4  }
0x24c: {  	s7 =	sand.u32 $0x380, s6;
	s8 =	sand.u32 $0x3C00, s4;
	p0 =	slt.u32 s6, $0x3F8;
	[tilespmem:s5+$0x20] =	vst v5;
	v0 =	vadd.f32 v2, v0;
	v2 =	vld [tilespmem:s5+$0x60]  }
0x24d: {  	s7 =	sor.u32 s7, s8;
	v5 =	vld [tilespmem:s5+$0x14060]  }
0x24e: {  	v7 =	vld [tilespmem:s7+$0x70];
	[tilespmem:s5+$0x30] =	vst v0;
	v0 =	vadd.f32 v4, v1  }
0x24f: {  	v1 =	vld [tilespmem:s7+$0x14070]  }
0x250: {  	v4 =	vld [tilespmem:s7+$0x0];
	[tilespmem:s5+$0x40] =	vst v0;
	v0 =	vadd.f32 v6, v3  }
0x251: {  	v3 =	vld [tilespmem:s7+$0x14000]  }
0x252: {  	v6 =	vld [tilespmem:s7+$0x10];
	[tilespmem:s5+$0x50] =	vst v0;
	v0 =	vadd.f32 v5, v2  }
0x253: {  	v5 =	vld [tilespmem:s7+$0x14010]  }
0x254: {  	v8 =	vld [tilespmem:s7+$0x20];
	v1 =	vadd.f32 v1, v7;
	[tilespmem:s5+$0x60] =	vst v0;
	s5 =	smov.u32 s7  }
0x255: {  	v7 =	vld [tilespmem:s5+$0x14020]  }
.Ltmp10:
0x256: {  	v3 =	vadd.f32 v3, v4;
	v0 =	vld [tilespmem:s5+$0x30];
	[tilespmem:s5+$0x70] =	vst v1;
	(pc) =	sbr.rel @p0 .LBB2_22-.Ltmp10, $4  }
0x257: {  	v2 =	vld [tilespmem:s5+$0x14030]  }
0x258: {  	[tilespmem:s5+$0x0] =	vst v3;
	v3 =	vadd.f32 v5, v6;
	v1 =	vld [tilespmem:s5+$0x40]  }
0x259: {  	v4 =	vld [tilespmem:s5+$0x14040]  }
0x25a: {  	[tilespmem:s5+$0x10] =	vst v3;
	v5 =	vadd.f32 v7, v8;
	v3 =	vld [tilespmem:s5+$0x50]  }
0x25b: {  	v6 =	vld [tilespmem:s5+$0x14050]  }
0x25c: {  	v7 =	vld [tilespmem:s5+$0x60]  }
0x25d: {  	v8 =	vld [tilespmem:s5+$0x14060];
	_ =	sdelay $0x1  }
0x25e: {  	v0 =	vadd.f32 v2, v0  }
0x25f: {  	[tilespmem:s5+$0x20] =	vst v5;
	v1 =	vadd.f32 v4, v1  }
0x260: {  	[tilespmem:s5+$0x30] =	vst v0;
	v0 =	vadd.f32 v6, v3  }
0x261: {  	[tilespmem:s5+$0x40] =	vst v1;
	v1 =	vadd.f32 v8, v7  }
0x262: {  	[tilespmem:s5+$0x50] =	vst v0  }
0x263: {  	[tilespmem:s5+$0x60] =	vst v1  }
0x264: {  	s4 =	simm.s32 $0x0;
	s5 =	rddreg [dreg:$0x19]  }
0x265: {  	[hbm4b:s5+s4] =	stream.linear.scatter [tilespmem:s4], [sflag:$0x6], $0x4000, $0x38;
	[tilespmem:$0x1C000] =	vst v63  }
0x266: {  	_ =	swait.ge [sflag:s2], $0x4000  }
0x267: {  	s7 =	sld [smem:$0x7D8]  }
0x268: {  	[sflag:s2] =	ssyncset.done $0x0  }
0x269: {  	[sflag:s2] =	ssyncadd.s32 $0xFFFFC000  }
0x26a: {  	[tilespmem:s22], [sflag:$0x5] =	stream.linear.gather [hbm4b:s7+s4], $0x4000, $0x38;
	[tilespmem:$0x1C000] =	vst v63  }
0x26b: {  	s6 =	simm.s32 $0x0;
	_ =	swait.ge [sflag:s23], $0x4000  }
0x26c: {  	s8 =	sand.u32 $0x380, s6;
	s7 =	sand.u32 $0x3C00, s4;
	[sflag:s23] =	ssyncset.done $0x0  }
0x26d: {  	s5 =	sor.u32 s8, s7;
	[sflag:s23] =	ssyncadd.s32 $0xFFFFC000  }
0x26e: {  	v0 =	vld [tilespmem:s5+$0x4070]  }
0x26f: {  	v1 =	vld [tilespmem:s5+$0x14070]  }
0x270: {  	v2 =	vld [tilespmem:s5+$0x4000]  }
0x271: {  	v3 =	vld [tilespmem:s5+$0x14000]  }
0x272: {  	v4 =	vld [tilespmem:s5+$0x4010]  }
0x273: {  	v5 =	vld [tilespmem:s5+$0x14010]  }
0x274: {  	v6 =	vld [tilespmem:s5+$0x4020]  }
0x275: {  	v7 =	vld [tilespmem:s5+$0x14020]  }
0x276: {  	v1 =	vadd.f32 v1, v0;
	v0 =	vld [tilespmem:s5+$0x4030]  }
0x277: {  	v3 =	vadd.f32 v3, v2;
	v2 =	vld [tilespmem:s5+$0x14030]  }
0x278: {  	v5 =	vadd.f32 v5, v4;
	v4 =	vld [tilespmem:s5+$0x14040];
	[tilespmem:s5+$0x4070] =	vst v1  }
0x279: {  	v1 =	vld [tilespmem:s5+$0x4040];
	[tilespmem:s5+$0x4000] =	vst v3  }
0x27a: {  	[tilespmem:s5+$0x4010] =	vst v5;
	v5 =	vadd.f32 v7, v6;
	v3 =	vld [tilespmem:s5+$0x4050]  }
.LBB2_24:
0x27b: {  	s6 =	sadd.s32 $0x8, s6;
	v6 =	vld [tilespmem:s5+$0x14050];
	s4 =	sadd.s32 $0x400, s4  }
0x27c: {  	s7 =	sand.u32 $0x380, s6;
	s8 =	sand.u32 $0x3C00, s4;
	p0 =	slt.u32 s6, $0x3F8;
	[tilespmem:s5+$0x4020] =	vst v5;
	v0 =	vadd.f32 v2, v0;
	v2 =	vld [tilespmem:s5+$0x4060]  }
0x27d: {  	s7 =	sor.u32 s7, s8;
	v5 =	vld [tilespmem:s5+$0x14060]  }
0x27e: {  	v7 =	vld [tilespmem:s7+$0x4070];
	[tilespmem:s5+$0x4030] =	vst v0;
	v0 =	vadd.f32 v4, v1  }
0x27f: {  	v1 =	vld [tilespmem:s7+$0x14070]  }
0x280: {  	v4 =	vld [tilespmem:s7+$0x4000];
	[tilespmem:s5+$0x4040] =	vst v0;
	v0 =	vadd.f32 v6, v3  }
0x281: {  	v3 =	vld [tilespmem:s7+$0x14000]  }
0x282: {  	v6 =	vld [tilespmem:s7+$0x4010];
	[tilespmem:s5+$0x4050] =	vst v0;
	v0 =	vadd.f32 v5, v2  }
0x283: {  	v5 =	vld [tilespmem:s7+$0x14010]  }
0x284: {  	v8 =	vld [tilespmem:s7+$0x4020];
	v1 =	vadd.f32 v1, v7;
	[tilespmem:s5+$0x4060] =	vst v0;
	s5 =	smov.u32 s7  }
0x285: {  	v7 =	vld [tilespmem:s5+$0x14020]  }
.Ltmp11:
0x286: {  	v3 =	vadd.f32 v3, v4;
	v0 =	vld [tilespmem:s5+$0x4030];
	[tilespmem:s5+$0x4070] =	vst v1;
	(pc) =	sbr.rel @p0 .LBB2_24-.Ltmp11, $4  }
0x287: {  	v2 =	vld [tilespmem:s5+$0x14030]  }
0x288: {  	[tilespmem:s5+$0x4000] =	vst v3;
	v3 =	vadd.f32 v5, v6;
	v1 =	vld [tilespmem:s5+$0x4040]  }
0x289: {  	v4 =	vld [tilespmem:s5+$0x14040]  }
0x28a: {  	[tilespmem:s5+$0x4010] =	vst v3;
	v5 =	vadd.f32 v7, v8;
	v3 =	vld [tilespmem:s5+$0x4050]  }
0x28b: {  	v6 =	vld [tilespmem:s5+$0x14050]  }
0x28c: {  	v7 =	vld [tilespmem:s5+$0x4060]  }
0x28d: {  	v8 =	vld [tilespmem:s5+$0x14060];
	_ =	sdelay $0x1  }
0x28e: {  	v0 =	vadd.f32 v2, v0  }
0x28f: {  	[tilespmem:s5+$0x4020] =	vst v5;
	v1 =	vadd.f32 v4, v1  }
0x290: {  	[tilespmem:s5+$0x4030] =	vst v0;
	v0 =	vadd.f32 v6, v3  }
0x291: {  	[tilespmem:s5+$0x4040] =	vst v1;
	v1 =	vadd.f32 v8, v7  }
0x292: {  	[tilespmem:s5+$0x4050] =	vst v0  }
0x293: {  	[tilespmem:s5+$0x4060] =	vst v1  }
0x294: {  	s4 =	simm.s32 $0x0;
	s5 =	rddreg [dreg:$0x1b]  }
0x295: {  	[hbm4b:s5+s4] =	stream.linear.scatter [tilespmem:s16], [sflag:$0x7], $0x4000, $0x38;
	[tilespmem:$0x1C000] =	vst v63  }
0x296: {  	_ =	swait.ge [sflag:s24], $0x4000  }
0x297: {  	s6 =	sld [smem:$0x7DA]  }
0x298: {  	[sflag:s24] =	ssyncset.done $0x0  }
0x299: {  	s7 =	sld [smem:$0x7DC];
	[sflag:s24] =	ssyncadd.s32 $0xFFFFC000  }
0x29a: {  	[tilespmem:s4], [sflag:$0x1] =	stream.linear.gather [hbm4b:s6+s4], $0x4000, $0x38;
	[tilespmem:$0x1C000] =	vst v63  }
0x29b: {  	_ = 	snop  }
0x29c: {  	[tilespmem:s15], [sflag:$0xB] =	stream.linear.gather [hbm4b:s7+s4], $0x4000, $0x38;
	[tilespmem:$0x1C000] =	vst v63  }
0x29d: {  	_ =	swait.ge [sflag:s30], $0x4000  }
0x29e: {  	[sflag:s30] =	ssyncset.done $0x0  }
0x29f: {  	[sflag:s30] =	ssyncadd.s32 $0xFFFFC000  }
0x2a0: {  	s6 =	simm.s32 $0x0;
	_ =	swait.ge [sflag:s25], $0x4000  }
0x2a1: {  	s8 =	sand.u32 $0x380, s6;
	s7 =	sand.u32 $0x3C00, s4;
	[sflag:s25] =	ssyncset.done $0x0  }
0x2a2: {  	s5 =	sor.u32 s8, s7;
	[sflag:s25] =	ssyncadd.s32 $0xFFFFC000  }
0x2a3: {  	v0 =	vld [tilespmem:s5+$0x8070]  }
0x2a4: {  	v1 =	vld [tilespmem:s5+$0x18070]  }
0x2a5: {  	v2 =	vld [tilespmem:s5+$0x8000]  }
0x2a6: {  	v3 =	vld [tilespmem:s5+$0x18000]  }
0x2a7: {  	v4 =	vld [tilespmem:s5+$0x8010]  }
0x2a8: {  	v5 =	vld [tilespmem:s5+$0x18010]  }
0x2a9: {  	v6 =	vld [tilespmem:s5+$0x8020]  }
0x2aa: {  	v7 =	vld [tilespmem:s5+$0x18020]  }
0x2ab: {  	v1 =	vadd.f32 v1, v0;
	v0 =	vld [tilespmem:s5+$0x8030]  }
0x2ac: {  	v3 =	vadd.f32 v3, v2;
	v2 =	vld [tilespmem:s5+$0x18030]  }
0x2ad: {  	v5 =	vadd.f32 v5, v4;
	v4 =	vld [tilespmem:s5+$0x18040];
	[tilespmem:s5+$0x8070] =	vst v1  }
0x2ae: {  	v1 =	vld [tilespmem:s5+$0x8040];
	[tilespmem:s5+$0x8000] =	vst v3  }
0x2af: {  	[tilespmem:s5+$0x8010] =	vst v5;
	v5 =	vadd.f32 v7, v6;
	v3 =	vld [tilespmem:s5+$0x8050]  }
.LBB2_26:
0x2b0: {  	s6 =	sadd.s32 $0x8, s6;
	v6 =	vld [tilespmem:s5+$0x18050];
	s4 =	sadd.s32 $0x400, s4  }
0x2b1: {  	s7 =	sand.u32 $0x380, s6;
	s8 =	sand.u32 $0x3C00, s4;
	p0 =	slt.u32 s6, $0x3F8;
	[tilespmem:s5+$0x8020] =	vst v5;
	v0 =	vadd.f32 v2, v0;
	v2 =	vld [tilespmem:s5+$0x8060]  }
0x2b2: {  	s7 =	sor.u32 s7, s8;
	v5 =	vld [tilespmem:s5+$0x18060]  }
0x2b3: {  	v7 =	vld [tilespmem:s7+$0x8070];
	[tilespmem:s5+$0x8030] =	vst v0;
	v0 =	vadd.f32 v4, v1  }
0x2b4: {  	v1 =	vld [tilespmem:s7+$0x18070]  }
0x2b5: {  	v4 =	vld [tilespmem:s7+$0x8000];
	[tilespmem:s5+$0x8040] =	vst v0;
	v0 =	vadd.f32 v6, v3  }
0x2b6: {  	v3 =	vld [tilespmem:s7+$0x18000]  }
0x2b7: {  	v6 =	vld [tilespmem:s7+$0x8010];
	[tilespmem:s5+$0x8050] =	vst v0;
	v0 =	vadd.f32 v5, v2  }
0x2b8: {  	v5 =	vld [tilespmem:s7+$0x18010]  }
0x2b9: {  	v8 =	vld [tilespmem:s7+$0x8020];
	v1 =	vadd.f32 v1, v7;
	[tilespmem:s5+$0x8060] =	vst v0;
	s5 =	smov.u32 s7  }
0x2ba: {  	v7 =	vld [tilespmem:s5+$0x18020]  }
.Ltmp12:
0x2bb: {  	v3 =	vadd.f32 v3, v4;
	v0 =	vld [tilespmem:s5+$0x8030];
	[tilespmem:s5+$0x8070] =	vst v1;
	(pc) =	sbr.rel @p0 .LBB2_26-.Ltmp12, $4  }
0x2bc: {  	v2 =	vld [tilespmem:s5+$0x18030]  }
0x2bd: {  	[tilespmem:s5+$0x8000] =	vst v3;
	v3 =	vadd.f32 v5, v6;
	v1 =	vld [tilespmem:s5+$0x8040]  }
0x2be: {  	v4 =	vld [tilespmem:s5+$0x18040]  }
0x2bf: {  	[tilespmem:s5+$0x8010] =	vst v3;
	v5 =	vadd.f32 v7, v8;
	v3 =	vld [tilespmem:s5+$0x8050]  }
0x2c0: {  	v6 =	vld [tilespmem:s5+$0x18050]  }
0x2c1: {  	v7 =	vld [tilespmem:s5+$0x8060]  }
0x2c2: {  	v8 =	vld [tilespmem:s5+$0x18060];
	_ =	sdelay $0x1  }
0x2c3: {  	v0 =	vadd.f32 v2, v0  }
0x2c4: {  	[tilespmem:s5+$0x8020] =	vst v5;
	v1 =	vadd.f32 v4, v1  }
0x2c5: {  	[tilespmem:s5+$0x8030] =	vst v0;
	v0 =	vadd.f32 v6, v3  }
0x2c6: {  	[tilespmem:s5+$0x8040] =	vst v1;
	v1 =	vadd.f32 v8, v7  }
0x2c7: {  	[tilespmem:s5+$0x8050] =	vst v0  }
0x2c8: {  	[tilespmem:s5+$0x8060] =	vst v1  }
0x2c9: {  	s4 =	simm.s32 $0x0;
	s5 =	rddreg [dreg:$0x1e]  }
0x2ca: {  	[hbm4b:s5+s4] =	stream.linear.scatter [tilespmem:s17], [sflag:$0x8], $0x4000, $0x38;
	[tilespmem:$0x1C000] =	vst v63  }
0x2cb: {  	_ =	swait.ge [sflag:s26], $0x4000  }
0x2cc: {  	s7 =	sld [smem:$0x7DD]  }
0x2cd: {  	[sflag:s26] =	ssyncset.done $0x0  }
0x2ce: {  	[sflag:s26] =	ssyncadd.s32 $0xFFFFC000  }
0x2cf: {  	[tilespmem:s16], [sflag:$0x2] =	stream.linear.gather [hbm4b:s7+s4], $0x4000, $0x38;
	[tilespmem:$0x1C000] =	vst v63  }
0x2d0: {  	s6 =	simm.s32 $0x0;
	_ =	swait.ge [sflag:s28], $0x4000  }
0x2d1: {  	s8 =	sand.u32 $0x380, s6;
	s7 =	sand.u32 $0x3C00, s4;
	[sflag:s28] =	ssyncset.done $0x0  }
0x2d2: {  	s5 =	sor.u32 s8, s7;
	[sflag:s28] =	ssyncadd.s32 $0xFFFFC000  }
0x2d3: {  	v0 =	vld [tilespmem:s5+$0xC070]  }
0x2d4: {  	v1 =	vld [tilespmem:s5+$0x18070]  }
0x2d5: {  	v2 =	vld [tilespmem:s5+$0xC000]  }
0x2d6: {  	v3 =	vld [tilespmem:s5+$0x18000]  }
0x2d7: {  	v4 =	vld [tilespmem:s5+$0xC010]  }
0x2d8: {  	v5 =	vld [tilespmem:s5+$0x18010]  }
0x2d9: {  	v6 =	vld [tilespmem:s5+$0xC020]  }
0x2da: {  	v7 =	vld [tilespmem:s5+$0x18020]  }
0x2db: {  	v1 =	vadd.f32 v1, v0;
	v0 =	vld [tilespmem:s5+$0xC030]  }
0x2dc: {  	v3 =	vadd.f32 v3, v2;
	v2 =	vld [tilespmem:s5+$0x18030]  }
0x2dd: {  	v5 =	vadd.f32 v5, v4;
	v4 =	vld [tilespmem:s5+$0x18040];
	[tilespmem:s5+$0xC070] =	vst v1  }
0x2de: {  	v1 =	vld [tilespmem:s5+$0xC040];
	[tilespmem:s5+$0xC000] =	vst v3  }
0x2df: {  	[tilespmem:s5+$0xC010] =	vst v5;
	v5 =	vadd.f32 v7, v6;
	v3 =	vld [tilespmem:s5+$0xC050]  }
.LBB2_28:
0x2e0: {  	s6 =	sadd.s32 $0x8, s6;
	v6 =	vld [tilespmem:s5+$0x18050];
	s4 =	sadd.s32 $0x400, s4  }
0x2e1: {  	s7 =	sand.u32 $0x380, s6;
	s8 =	sand.u32 $0x3C00, s4;
	p0 =	slt.u32 s6, $0x3F8;
	[tilespmem:s5+$0xC020] =	vst v5;
	v0 =	vadd.f32 v2, v0;
	v2 =	vld [tilespmem:s5+$0xC060]  }
0x2e2: {  	s7 =	sor.u32 s7, s8;
	v5 =	vld [tilespmem:s5+$0x18060]  }
0x2e3: {  	v7 =	vld [tilespmem:s7+$0xC070];
	[tilespmem:s5+$0xC030] =	vst v0;
	v0 =	vadd.f32 v4, v1  }
0x2e4: {  	v1 =	vld [tilespmem:s7+$0x18070]  }
0x2e5: {  	v4 =	vld [tilespmem:s7+$0xC000];
	[tilespmem:s5+$0xC040] =	vst v0;
	v0 =	vadd.f32 v6, v3  }
0x2e6: {  	v3 =	vld [tilespmem:s7+$0x18000]  }
0x2e7: {  	v6 =	vld [tilespmem:s7+$0xC010];
	[tilespmem:s5+$0xC050] =	vst v0;
	v0 =	vadd.f32 v5, v2  }
0x2e8: {  	v5 =	vld [tilespmem:s7+$0x18010]  }
0x2e9: {  	v8 =	vld [tilespmem:s7+$0xC020];
	v1 =	vadd.f32 v1, v7;
	[tilespmem:s5+$0xC060] =	vst v0;
	s5 =	smov.u32 s7  }
0x2ea: {  	v7 =	vld [tilespmem:s5+$0x18020]  }
.Ltmp13:
0x2eb: {  	v3 =	vadd.f32 v3, v4;
	v0 =	vld [tilespmem:s5+$0xC030];
	[tilespmem:s5+$0xC070] =	vst v1;
	(pc) =	sbr.rel @p0 .LBB2_28-.Ltmp13, $4  }
0x2ec: {  	v2 =	vld [tilespmem:s5+$0x18030]  }
0x2ed: {  	[tilespmem:s5+$0xC000] =	vst v3;
	v3 =	vadd.f32 v5, v6;
	v1 =	vld [tilespmem:s5+$0xC040]  }
0x2ee: {  	v4 =	vld [tilespmem:s5+$0x18040]  }
0x2ef: {  	[tilespmem:s5+$0xC010] =	vst v3;
	v5 =	vadd.f32 v7, v8;
	v3 =	vld [tilespmem:s5+$0xC050]  }
0x2f0: {  	v6 =	vld [tilespmem:s5+$0x18050]  }
0x2f1: {  	v7 =	vld [tilespmem:s5+$0xC060]  }
0x2f2: {  	v8 =	vld [tilespmem:s5+$0x18060];
	_ =	sdelay $0x1  }
0x2f3: {  	v0 =	vadd.f32 v2, v0  }
0x2f4: {  	[tilespmem:s5+$0xC020] =	vst v5;
	v1 =	vadd.f32 v4, v1  }
0x2f5: {  	[tilespmem:s5+$0xC030] =	vst v0;
	v0 =	vadd.f32 v6, v3  }
0x2f6: {  	[tilespmem:s5+$0xC040] =	vst v1;
	v1 =	vadd.f32 v8, v7  }
0x2f7: {  	[tilespmem:s5+$0xC050] =	vst v0  }
0x2f8: {  	[tilespmem:s5+$0xC060] =	vst v1  }
0x2f9: {  	s5 =	sld [smem:$0x7D7];
	_ =	sdelay $0x1  }
0x2fa: {  	s4 =	simm.s32 $0x0  }
0x2fb: {  	[hbm4b:s5+s4] =	stream.linear.scatter [tilespmem:s18], [sflag:$0x9], $0x4000, $0x38;
	[tilespmem:$0x1C000] =	vst v63  }
0x2fc: {  	_ =	swait.ge [sflag:s29], $0x4000  }
0x2fd: {  	s7 =	sld [smem:$0x7DF]  }
0x2fe: {  	[sflag:s29] =	ssyncset.done $0x0  }
0x2ff: {  	[sflag:s29] =	ssyncadd.s32 $0xFFFFC000  }
0x300: {  	[tilespmem:s17], [sflag:$0x3] =	stream.linear.gather [hbm4b:s7+s4], $0x4000, $0x38;
	[tilespmem:$0x1C000] =	vst v63  }
0x301: {  	s6 =	simm.s32 $0x0;
	_ =	swait.ge [sflag:s31], $0x4000  }
0x302: {  	s8 =	sand.u32 $0x380, s6;
	s7 =	sand.u32 $0x3C00, s4;
	[sflag:s31] =	ssyncset.done $0x0  }
0x303: {  	s5 =	sor.u32 s8, s7;
	[sflag:s31] =	ssyncadd.s32 $0xFFFFC000  }
0x304: {  	v0 =	vld [tilespmem:s5+$0x10070]  }
0x305: {  	v1 =	vld [tilespmem:s5+$0x18070]  }
0x306: {  	v2 =	vld [tilespmem:s5+$0x10000]  }
0x307: {  	v3 =	vld [tilespmem:s5+$0x18000]  }
0x308: {  	v4 =	vld [tilespmem:s5+$0x10010]  }
0x309: {  	v5 =	vld [tilespmem:s5+$0x18010]  }
0x30a: {  	v6 =	vld [tilespmem:s5+$0x10020]  }
0x30b: {  	v7 =	vld [tilespmem:s5+$0x18020]  }
0x30c: {  	v1 =	vadd.f32 v1, v0;
	v0 =	vld [tilespmem:s5+$0x10030]  }
0x30d: {  	v3 =	vadd.f32 v3, v2;
	v2 =	vld [tilespmem:s5+$0x18030]  }
0x30e: {  	v5 =	vadd.f32 v5, v4;
	v4 =	vld [tilespmem:s5+$0x18040];
	[tilespmem:s5+$0x10070] =	vst v1  }
0x30f: {  	v1 =	vld [tilespmem:s5+$0x10040];
	[tilespmem:s5+$0x10000] =	vst v3  }
0x310: {  	[tilespmem:s5+$0x10010] =	vst v5;
	v5 =	vadd.f32 v7, v6;
	v3 =	vld [tilespmem:s5+$0x10050]  }
.LBB2_30:
0x311: {  	s6 =	sadd.s32 $0x8, s6;
	v6 =	vld [tilespmem:s5+$0x18050];
	s4 =	sadd.s32 $0x400, s4  }
0x312: {  	s7 =	sand.u32 $0x380, s6;
	s8 =	sand.u32 $0x3C00, s4;
	p0 =	slt.u32 s6, $0x3F8;
	[tilespmem:s5+$0x10020] =	vst v5;
	v0 =	vadd.f32 v2, v0;
	v2 =	vld [tilespmem:s5+$0x10060]  }
0x313: {  	s7 =	sor.u32 s7, s8;
	v5 =	vld [tilespmem:s5+$0x18060]  }
0x314: {  	v7 =	vld [tilespmem:s7+$0x10070];
	[tilespmem:s5+$0x10030] =	vst v0;
	v0 =	vadd.f32 v4, v1  }
0x315: {  	v1 =	vld [tilespmem:s7+$0x18070]  }
0x316: {  	v4 =	vld [tilespmem:s7+$0x10000];
	[tilespmem:s5+$0x10040] =	vst v0;
	v0 =	vadd.f32 v6, v3  }
0x317: {  	v3 =	vld [tilespmem:s7+$0x18000]  }
0x318: {  	v6 =	vld [tilespmem:s7+$0x10010];
	[tilespmem:s5+$0x10050] =	vst v0;
	v0 =	vadd.f32 v5, v2  }
0x319: {  	v5 =	vld [tilespmem:s7+$0x18010]  }
0x31a: {  	v8 =	vld [tilespmem:s7+$0x10020];
	v1 =	vadd.f32 v1, v7;
	[tilespmem:s5+$0x10060] =	vst v0;
	s5 =	smov.u32 s7  }
0x31b: {  	v7 =	vld [tilespmem:s5+$0x18020]  }
.Ltmp14:
0x31c: {  	v3 =	vadd.f32 v3, v4;
	v0 =	vld [tilespmem:s5+$0x10030];
	[tilespmem:s5+$0x10070] =	vst v1;
	(pc) =	sbr.rel @p0 .LBB2_30-.Ltmp14, $4  }
0x31d: {  	v2 =	vld [tilespmem:s5+$0x18030]  }
0x31e: {  	[tilespmem:s5+$0x10000] =	vst v3;
	v3 =	vadd.f32 v5, v6;
	v1 =	vld [tilespmem:s5+$0x10040]  }
0x31f: {  	v4 =	vld [tilespmem:s5+$0x18040]  }
0x320: {  	[tilespmem:s5+$0x10010] =	vst v3;
	v5 =	vadd.f32 v7, v8;
	v3 =	vld [tilespmem:s5+$0x10050]  }
0x321: {  	v6 =	vld [tilespmem:s5+$0x18050]  }
0x322: {  	v7 =	vld [tilespmem:s5+$0x10060]  }
0x323: {  	v8 =	vld [tilespmem:s5+$0x18060];
	_ =	sdelay $0x1  }
0x324: {  	v0 =	vadd.f32 v2, v0  }
0x325: {  	[tilespmem:s5+$0x10020] =	vst v5;
	v1 =	vadd.f32 v4, v1  }
0x326: {  	[tilespmem:s5+$0x10030] =	vst v0;
	v0 =	vadd.f32 v6, v3  }
0x327: {  	[tilespmem:s5+$0x10040] =	vst v1;
	v1 =	vadd.f32 v8, v7  }
0x328: {  	[tilespmem:s5+$0x10050] =	vst v0  }
0x329: {  	[tilespmem:s5+$0x10060] =	vst v1  }
0x32a: {  	s5 =	sld [smem:$0x7D9];
	_ =	sdelay $0x1  }
0x32b: {  	s4 =	simm.s32 $0x0  }
0x32c: {  	[hbm4b:s5+s4] =	stream.linear.scatter [tilespmem:s22], [sflag:$0xA], $0x4000, $0x38;
	[tilespmem:$0x1C000] =	vst v63  }
0x32d: {  	_ =	swait.ge [sflag:s0], $0x4000  }
0x32e: {  	s7 =	sld [smem:$0x7E1]  }
0x32f: {  	[sflag:s0] =	ssyncset.done $0x0  }
0x330: {  	[sflag:s0] =	ssyncadd.s32 $0xFFFFC000  }
0x331: {  	[tilespmem:s18], [sflag:$0x4] =	stream.linear.gather [hbm4b:s7+s4], $0x4000, $0x38;
	[tilespmem:$0x1C000] =	vst v63  }
0x332: {  	s6 =	simm.s32 $0x0;
	_ =	swait.ge [sflag:s21], $0x4000  }
0x333: {  	s8 =	sand.u32 $0x380, s6;
	s7 =	sand.u32 $0x3C00, s4;
	[sflag:s21] =	ssyncset.done $0x0  }
0x334: {  	s5 =	sor.u32 s8, s7;
	[sflag:s21] =	ssyncadd.s32 $0xFFFFC000  }
0x335: {  	v0 =	vld [tilespmem:s5+$0x70]  }
0x336: {  	v1 =	vld [tilespmem:s5+$0x18070]  }
0x337: {  	v2 =	vld [tilespmem:s5+$0x0]  }
0x338: {  	v3 =	vld [tilespmem:s5+$0x18000]  }
0x339: {  	v4 =	vld [tilespmem:s5+$0x10]  }
0x33a: {  	v5 =	vld [tilespmem:s5+$0x18010]  }
0x33b: {  	v6 =	vld [tilespmem:s5+$0x20]  }
0x33c: {  	v7 =	vld [tilespmem:s5+$0x18020]  }
0x33d: {  	v1 =	vadd.f32 v1, v0;
	v0 =	vld [tilespmem:s5+$0x30]  }
0x33e: {  	v3 =	vadd.f32 v3, v2;
	v2 =	vld [tilespmem:s5+$0x18030]  }
0x33f: {  	v5 =	vadd.f32 v5, v4;
	v4 =	vld [tilespmem:s5+$0x18040];
	[tilespmem:s5+$0x70] =	vst v1  }
0x340: {  	v1 =	vld [tilespmem:s5+$0x40];
	[tilespmem:s5+$0x0] =	vst v3  }
0x341: {  	[tilespmem:s5+$0x10] =	vst v5;
	v5 =	vadd.f32 v7, v6;
	v3 =	vld [tilespmem:s5+$0x50]  }
.LBB2_32:
0x342: {  	s6 =	sadd.s32 $0x8, s6;
	v6 =	vld [tilespmem:s5+$0x18050];
	s4 =	sadd.s32 $0x400, s4  }
0x343: {  	s7 =	sand.u32 $0x380, s6;
	s8 =	sand.u32 $0x3C00, s4;
	p0 =	slt.u32 s6, $0x3F8;
	[tilespmem:s5+$0x20] =	vst v5;
	v0 =	vadd.f32 v2, v0;
	v2 =	vld [tilespmem:s5+$0x60]  }
0x344: {  	s7 =	sor.u32 s7, s8;
	v5 =	vld [tilespmem:s5+$0x18060]  }
0x345: {  	v7 =	vld [tilespmem:s7+$0x70];
	[tilespmem:s5+$0x30] =	vst v0;
	v0 =	vadd.f32 v4, v1  }
0x346: {  	v1 =	vld [tilespmem:s7+$0x18070]  }
0x347: {  	v4 =	vld [tilespmem:s7+$0x0];
	[tilespmem:s5+$0x40] =	vst v0;
	v0 =	vadd.f32 v6, v3  }
0x348: {  	v3 =	vld [tilespmem:s7+$0x18000]  }
0x349: {  	v6 =	vld [tilespmem:s7+$0x10];
	[tilespmem:s5+$0x50] =	vst v0;
	v0 =	vadd.f32 v5, v2  }
0x34a: {  	v5 =	vld [tilespmem:s7+$0x18010]  }
0x34b: {  	v8 =	vld [tilespmem:s7+$0x20];
	v1 =	vadd.f32 v1, v7;
	[tilespmem:s5+$0x60] =	vst v0;
	s5 =	smov.u32 s7  }
0x34c: {  	v7 =	vld [tilespmem:s5+$0x18020]  }
.Ltmp15:
0x34d: {  	v3 =	vadd.f32 v3, v4;
	v0 =	vld [tilespmem:s5+$0x30];
	[tilespmem:s5+$0x70] =	vst v1;
	(pc) =	sbr.rel @p0 .LBB2_32-.Ltmp15, $4  }
0x34e: {  	v2 =	vld [tilespmem:s5+$0x18030]  }
0x34f: {  	[tilespmem:s5+$0x0] =	vst v3;
	v3 =	vadd.f32 v5, v6;
	v1 =	vld [tilespmem:s5+$0x40]  }
0x350: {  	v4 =	vld [tilespmem:s5+$0x18040]  }
0x351: {  	[tilespmem:s5+$0x10] =	vst v3;
	v5 =	vadd.f32 v7, v8;
	v3 =	vld [tilespmem:s5+$0x50]  }
0x352: {  	v6 =	vld [tilespmem:s5+$0x18050]  }
0x353: {  	v7 =	vld [tilespmem:s5+$0x60]  }
0x354: {  	v8 =	vld [tilespmem:s5+$0x18060];
	_ =	sdelay $0x1  }
0x355: {  	v0 =	vadd.f32 v2, v0  }
0x356: {  	[tilespmem:s5+$0x20] =	vst v5;
	v1 =	vadd.f32 v4, v1  }
0x357: {  	[tilespmem:s5+$0x30] =	vst v0;
	v0 =	vadd.f32 v6, v3  }
0x358: {  	[tilespmem:s5+$0x40] =	vst v1;
	v1 =	vadd.f32 v8, v7  }
0x359: {  	[tilespmem:s5+$0x50] =	vst v0  }
0x35a: {  	[tilespmem:s5+$0x60] =	vst v1  }
0x35b: {  	s5 =	sld [smem:$0x7DB];
	_ =	sdelay $0x1  }
0x35c: {  	s4 =	simm.s32 $0x0  }
0x35d: {  	[hbm4b:s5+s4] =	stream.linear.scatter [tilespmem:s4], [sflag:$0x6], $0x4000, $0x38;
	[tilespmem:$0x1C000] =	vst v63  }
0x35e: {  	_ =	swait.ge [sflag:s2], $0x4000  }
0x35f: {  	s6 =	sld [smem:$0x7E3]  }
0x360: {  	[sflag:s2] =	ssyncset.done $0x0  }
0x361: {  	s7 =	sld [smem:$0x7E5];
	[sflag:s2] =	ssyncadd.s32 $0xFFFFC000  }
0x362: {  	[tilespmem:s22], [sflag:$0x5] =	stream.linear.gather [hbm4b:s6+s4], $0x4000, $0x38;
	[tilespmem:$0x1C000] =	vst v63  }
0x363: {  	_ = 	snop  }
0x364: {  	[tilespmem:s19], [sflag:$0xC] =	stream.linear.gather [hbm4b:s7+s4], $0x4000, $0x38;
	[tilespmem:$0x1C000] =	vst v63  }
0x365: {  	_ =	swait.ge [sflag:s20], $0x4000  }
0x366: {  	[sflag:s20] =	ssyncset.done $0x0  }
0x367: {  	[sflag:s20] =	ssyncadd.s32 $0xFFFFC000  }
0x368: {  	s6 =	simm.s32 $0x0;
	_ =	swait.ge [sflag:s23], $0x4000  }
0x369: {  	s8 =	sand.u32 $0x380, s6;
	s7 =	sand.u32 $0x3C00, s4;
	[sflag:s23] =	ssyncset.done $0x0  }
0x36a: {  	s5 =	sor.u32 s8, s7;
	[sflag:s23] =	ssyncadd.s32 $0xFFFFC000  }
0x36b: {  	v0 =	vld [tilespmem:s5+$0x4070]  }
0x36c: {  	v1 =	vld [tilespmem:s5+$0x14070]  }
0x36d: {  	v2 =	vld [tilespmem:s5+$0x4000]  }
0x36e: {  	v3 =	vld [tilespmem:s5+$0x14000]  }
0x36f: {  	v4 =	vld [tilespmem:s5+$0x4010]  }
0x370: {  	v5 =	vld [tilespmem:s5+$0x14010]  }
0x371: {  	v6 =	vld [tilespmem:s5+$0x4020]  }
0x372: {  	v7 =	vld [tilespmem:s5+$0x14020]  }
0x373: {  	v1 =	vadd.f32 v1, v0;
	v0 =	vld [tilespmem:s5+$0x4030]  }
0x374: {  	v3 =	vadd.f32 v3, v2;
	v2 =	vld [tilespmem:s5+$0x14030]  }
0x375: {  	v5 =	vadd.f32 v5, v4;
	v4 =	vld [tilespmem:s5+$0x14040];
	[tilespmem:s5+$0x4070] =	vst v1  }
0x376: {  	v1 =	vld [tilespmem:s5+$0x4040];
	[tilespmem:s5+$0x4000] =	vst v3  }
0x377: {  	[tilespmem:s5+$0x4010] =	vst v5;
	v5 =	vadd.f32 v7, v6;
	v3 =	vld [tilespmem:s5+$0x4050]  }
.LBB2_34:
0x378: {  	s6 =	sadd.s32 $0x8, s6;
	v6 =	vld [tilespmem:s5+$0x14050];
	s4 =	sadd.s32 $0x400, s4  }
0x379: {  	s7 =	sand.u32 $0x380, s6;
	s8 =	sand.u32 $0x3C00, s4;
	p0 =	slt.u32 s6, $0x3F8;
	[tilespmem:s5+$0x4020] =	vst v5;
	v0 =	vadd.f32 v2, v0;
	v2 =	vld [tilespmem:s5+$0x4060]  }
0x37a: {  	s7 =	sor.u32 s7, s8;
	v5 =	vld [tilespmem:s5+$0x14060]  }
0x37b: {  	v7 =	vld [tilespmem:s7+$0x4070];
	[tilespmem:s5+$0x4030] =	vst v0;
	v0 =	vadd.f32 v4, v1  }
0x37c: {  	v1 =	vld [tilespmem:s7+$0x14070]  }
0x37d: {  	v4 =	vld [tilespmem:s7+$0x4000];
	[tilespmem:s5+$0x4040] =	vst v0;
	v0 =	vadd.f32 v6, v3  }
0x37e: {  	v3 =	vld [tilespmem:s7+$0x14000]  }
0x37f: {  	v6 =	vld [tilespmem:s7+$0x4010];
	[tilespmem:s5+$0x4050] =	vst v0;
	v0 =	vadd.f32 v5, v2  }
0x380: {  	v5 =	vld [tilespmem:s7+$0x14010]  }
0x381: {  	v8 =	vld [tilespmem:s7+$0x4020];
	v1 =	vadd.f32 v1, v7;
	[tilespmem:s5+$0x4060] =	vst v0;
	s5 =	smov.u32 s7  }
0x382: {  	v7 =	vld [tilespmem:s5+$0x14020]  }
.Ltmp16:
0x383: {  	v3 =	vadd.f32 v3, v4;
	v0 =	vld [tilespmem:s5+$0x4030];
	[tilespmem:s5+$0x4070] =	vst v1;
	(pc) =	sbr.rel @p0 .LBB2_34-.Ltmp16, $4  }
0x384: {  	v2 =	vld [tilespmem:s5+$0x14030]  }
0x385: {  	[tilespmem:s5+$0x4000] =	vst v3;
	v3 =	vadd.f32 v5, v6;
	v1 =	vld [tilespmem:s5+$0x4040]  }
0x386: {  	v4 =	vld [tilespmem:s5+$0x14040]  }
0x387: {  	[tilespmem:s5+$0x4010] =	vst v3;
	v5 =	vadd.f32 v7, v8;
	v3 =	vld [tilespmem:s5+$0x4050]  }
0x388: {  	v6 =	vld [tilespmem:s5+$0x14050]  }
0x389: {  	v7 =	vld [tilespmem:s5+$0x4060]  }
0x38a: {  	v8 =	vld [tilespmem:s5+$0x14060];
	_ =	sdelay $0x1  }
0x38b: {  	v0 =	vadd.f32 v2, v0  }
0x38c: {  	[tilespmem:s5+$0x4020] =	vst v5;
	v1 =	vadd.f32 v4, v1  }
0x38d: {  	[tilespmem:s5+$0x4030] =	vst v0;
	v0 =	vadd.f32 v6, v3  }
0x38e: {  	[tilespmem:s5+$0x4040] =	vst v1;
	v1 =	vadd.f32 v8, v7  }
0x38f: {  	[tilespmem:s5+$0x4050] =	vst v0  }
0x390: {  	[tilespmem:s5+$0x4060] =	vst v1  }
0x391: {  	s5 =	sld [smem:$0x7DE];
	_ =	sdelay $0x1  }
0x392: {  	s4 =	simm.s32 $0x0  }
0x393: {  	[hbm4b:s5+s4] =	stream.linear.scatter [tilespmem:s16], [sflag:$0x7], $0x4000, $0x38;
	[tilespmem:$0x1C000] =	vst v63  }
0x394: {  	_ =	swait.ge [sflag:s24], $0x4000  }
0x395: {  	s7 =	sld [smem:$0x7E6]  }
0x396: {  	[sflag:s24] =	ssyncset.done $0x0  }
0x397: {  	[sflag:s24] =	ssyncadd.s32 $0xFFFFC000  }
0x398: {  	[tilespmem:s4], [sflag:$0x1] =	stream.linear.gather [hbm4b:s7+s4], $0x4000, $0x38;
	[tilespmem:$0x1C000] =	vst v63  }
0x399: {  	s6 =	simm.s32 $0x0;
	_ =	swait.ge [sflag:s25], $0x4000  }
0x39a: {  	s8 =	sand.u32 $0x380, s6;
	s7 =	sand.u32 $0x3C00, s4;
	[sflag:s25] =	ssyncset.done $0x0  }
0x39b: {  	s5 =	sor.u32 s8, s7;
	[sflag:s25] =	ssyncadd.s32 $0xFFFFC000  }
0x39c: {  	v0 =	vld [tilespmem:s5+$0x8070]  }
0x39d: {  	v1 =	vld [tilespmem:s5+$0x14070]  }
0x39e: {  	v2 =	vld [tilespmem:s5+$0x8000]  }
0x39f: {  	v3 =	vld [tilespmem:s5+$0x14000]  }
0x3a0: {  	v4 =	vld [tilespmem:s5+$0x8010]  }
0x3a1: {  	v5 =	vld [tilespmem:s5+$0x14010]  }
0x3a2: {  	v6 =	vld [tilespmem:s5+$0x8020]  }
0x3a3: {  	v7 =	vld [tilespmem:s5+$0x14020]  }
0x3a4: {  	v1 =	vadd.f32 v1, v0;
	v0 =	vld [tilespmem:s5+$0x8030]  }
0x3a5: {  	v3 =	vadd.f32 v3, v2;
	v2 =	vld [tilespmem:s5+$0x14030]  }
0x3a6: {  	v5 =	vadd.f32 v5, v4;
	v4 =	vld [tilespmem:s5+$0x14040];
	[tilespmem:s5+$0x8070] =	vst v1  }
0x3a7: {  	v1 =	vld [tilespmem:s5+$0x8040];
	[tilespmem:s5+$0x8000] =	vst v3  }
0x3a8: {  	[tilespmem:s5+$0x8010] =	vst v5;
	v5 =	vadd.f32 v7, v6;
	v3 =	vld [tilespmem:s5+$0x8050]  }
.LBB2_36:
0x3a9: {  	s6 =	sadd.s32 $0x8, s6;
	v6 =	vld [tilespmem:s5+$0x14050];
	s4 =	sadd.s32 $0x400, s4  }
0x3aa: {  	s7 =	sand.u32 $0x380, s6;
	s8 =	sand.u32 $0x3C00, s4;
	p0 =	slt.u32 s6, $0x3F8;
	[tilespmem:s5+$0x8020] =	vst v5;
	v0 =	vadd.f32 v2, v0;
	v2 =	vld [tilespmem:s5+$0x8060]  }
0x3ab: {  	s7 =	sor.u32 s7, s8;
	v5 =	vld [tilespmem:s5+$0x14060]  }
0x3ac: {  	v7 =	vld [tilespmem:s7+$0x8070];
	[tilespmem:s5+$0x8030] =	vst v0;
	v0 =	vadd.f32 v4, v1  }
0x3ad: {  	v1 =	vld [tilespmem:s7+$0x14070]  }
0x3ae: {  	v4 =	vld [tilespmem:s7+$0x8000];
	[tilespmem:s5+$0x8040] =	vst v0;
	v0 =	vadd.f32 v6, v3  }
0x3af: {  	v3 =	vld [tilespmem:s7+$0x14000]  }
0x3b0: {  	v6 =	vld [tilespmem:s7+$0x8010];
	[tilespmem:s5+$0x8050] =	vst v0;
	v0 =	vadd.f32 v5, v2  }
0x3b1: {  	v5 =	vld [tilespmem:s7+$0x14010]  }
0x3b2: {  	v8 =	vld [tilespmem:s7+$0x8020];
	v1 =	vadd.f32 v1, v7;
	[tilespmem:s5+$0x8060] =	vst v0;
	s5 =	smov.u32 s7  }
0x3b3: {  	v7 =	vld [tilespmem:s5+$0x14020]  }
.Ltmp17:
0x3b4: {  	v3 =	vadd.f32 v3, v4;
	v0 =	vld [tilespmem:s5+$0x8030];
	[tilespmem:s5+$0x8070] =	vst v1;
	(pc) =	sbr.rel @p0 .LBB2_36-.Ltmp17, $4  }
0x3b5: {  	v2 =	vld [tilespmem:s5+$0x14030]  }
0x3b6: {  	[tilespmem:s5+$0x8000] =	vst v3;
	v3 =	vadd.f32 v5, v6;
	v1 =	vld [tilespmem:s5+$0x8040]  }
0x3b7: {  	v4 =	vld [tilespmem:s5+$0x14040]  }
0x3b8: {  	[tilespmem:s5+$0x8010] =	vst v3;
	v5 =	vadd.f32 v7, v8;
	v3 =	vld [tilespmem:s5+$0x8050]  }
0x3b9: {  	v6 =	vld [tilespmem:s5+$0x14050]  }
0x3ba: {  	v7 =	vld [tilespmem:s5+$0x8060]  }
0x3bb: {  	v8 =	vld [tilespmem:s5+$0x14060];
	_ =	sdelay $0x1  }
0x3bc: {  	v0 =	vadd.f32 v2, v0  }
0x3bd: {  	[tilespmem:s5+$0x8020] =	vst v5;
	v1 =	vadd.f32 v4, v1  }
0x3be: {  	[tilespmem:s5+$0x8030] =	vst v0;
	v0 =	vadd.f32 v6, v3  }
0x3bf: {  	[tilespmem:s5+$0x8040] =	vst v1;
	v1 =	vadd.f32 v8, v7  }
0x3c0: {  	[tilespmem:s5+$0x8050] =	vst v0  }
0x3c1: {  	[tilespmem:s5+$0x8060] =	vst v1  }
0x3c2: {  	s5 =	sld [smem:$0x7E0];
	_ =	sdelay $0x1  }
0x3c3: {  	s4 =	simm.s32 $0x0  }
0x3c4: {  	[hbm4b:s5+s4] =	stream.linear.scatter [tilespmem:s17], [sflag:$0x8], $0x4000, $0x38;
	[tilespmem:$0x1C000] =	vst v63  }
0x3c5: {  	_ =	swait.ge [sflag:s26], $0x4000  }
0x3c6: {  	s7 =	sld [smem:$0x7E8]  }
0x3c7: {  	[sflag:s26] =	ssyncset.done $0x0  }
0x3c8: {  	[sflag:s26] =	ssyncadd.s32 $0xFFFFC000  }
0x3c9: {  	[tilespmem:s16], [sflag:$0x2] =	stream.linear.gather [hbm4b:s7+s4], $0x4000, $0x38;
	[tilespmem:$0x1C000] =	vst v63  }
0x3ca: {  	s6 =	simm.s32 $0x0;
	_ =	swait.ge [sflag:s28], $0x4000  }
0x3cb: {  	s8 =	sand.u32 $0x380, s6;
	s7 =	sand.u32 $0x3C00, s4;
	[sflag:s28] =	ssyncset.done $0x0  }
0x3cc: {  	s5 =	sor.u32 s8, s7;
	[sflag:s28] =	ssyncadd.s32 $0xFFFFC000  }
0x3cd: {  	v0 =	vld [tilespmem:s5+$0xC070]  }
0x3ce: {  	v1 =	vld [tilespmem:s5+$0x14070]  }
0x3cf: {  	v2 =	vld [tilespmem:s5+$0xC000]  }
0x3d0: {  	v3 =	vld [tilespmem:s5+$0x14000]  }
0x3d1: {  	v4 =	vld [tilespmem:s5+$0xC010]  }
0x3d2: {  	v5 =	vld [tilespmem:s5+$0x14010]  }
0x3d3: {  	v6 =	vld [tilespmem:s5+$0xC020]  }
0x3d4: {  	v7 =	vld [tilespmem:s5+$0x14020]  }
0x3d5: {  	v1 =	vadd.f32 v1, v0;
	v0 =	vld [tilespmem:s5+$0xC030]  }
0x3d6: {  	v3 =	vadd.f32 v3, v2;
	v2 =	vld [tilespmem:s5+$0x14030]  }
0x3d7: {  	v5 =	vadd.f32 v5, v4;
	v4 =	vld [tilespmem:s5+$0x14040];
	[tilespmem:s5+$0xC070] =	vst v1  }
0x3d8: {  	v1 =	vld [tilespmem:s5+$0xC040];
	[tilespmem:s5+$0xC000] =	vst v3  }
0x3d9: {  	[tilespmem:s5+$0xC010] =	vst v5;
	v5 =	vadd.f32 v7, v6;
	v3 =	vld [tilespmem:s5+$0xC050]  }
.LBB2_38:
0x3da: {  	s6 =	sadd.s32 $0x8, s6;
	v6 =	vld [tilespmem:s5+$0x14050];
	s4 =	sadd.s32 $0x400, s4  }
0x3db: {  	s7 =	sand.u32 $0x380, s6;
	s8 =	sand.u32 $0x3C00, s4;
	p0 =	slt.u32 s6, $0x3F8;
	[tilespmem:s5+$0xC020] =	vst v5;
	v0 =	vadd.f32 v2, v0;
	v2 =	vld [tilespmem:s5+$0xC060]  }
0x3dc: {  	s7 =	sor.u32 s7, s8;
	v5 =	vld [tilespmem:s5+$0x14060]  }
0x3dd: {  	v7 =	vld [tilespmem:s7+$0xC070];
	[tilespmem:s5+$0xC030] =	vst v0;
	v0 =	vadd.f32 v4, v1  }
0x3de: {  	v1 =	vld [tilespmem:s7+$0x14070]  }
0x3df: {  	v4 =	vld [tilespmem:s7+$0xC000];
	[tilespmem:s5+$0xC040] =	vst v0;
	v0 =	vadd.f32 v6, v3  }
0x3e0: {  	v3 =	vld [tilespmem:s7+$0x14000]  }
0x3e1: {  	v6 =	vld [tilespmem:s7+$0xC010];
	[tilespmem:s5+$0xC050] =	vst v0;
	v0 =	vadd.f32 v5, v2  }
0x3e2: {  	v5 =	vld [tilespmem:s7+$0x14010]  }
0x3e3: {  	v8 =	vld [tilespmem:s7+$0xC020];
	v1 =	vadd.f32 v1, v7;
	[tilespmem:s5+$0xC060] =	vst v0;
	s5 =	smov.u32 s7  }
0x3e4: {  	v7 =	vld [tilespmem:s5+$0x14020]  }
.Ltmp18:
0x3e5: {  	v3 =	vadd.f32 v3, v4;
	v0 =	vld [tilespmem:s5+$0xC030];
	[tilespmem:s5+$0xC070] =	vst v1;
	(pc) =	sbr.rel @p0 .LBB2_38-.Ltmp18, $4  }
0x3e6: {  	v2 =	vld [tilespmem:s5+$0x14030]  }
0x3e7: {  	[tilespmem:s5+$0xC000] =	vst v3;
	v3 =	vadd.f32 v5, v6;
	v1 =	vld [tilespmem:s5+$0xC040]  }
0x3e8: {  	v4 =	vld [tilespmem:s5+$0x14040]  }
0x3e9: {  	[tilespmem:s5+$0xC010] =	vst v3;
	v5 =	vadd.f32 v7, v8;
	v3 =	vld [tilespmem:s5+$0xC050]  }
0x3ea: {  	v6 =	vld [tilespmem:s5+$0x14050]  }
0x3eb: {  	v7 =	vld [tilespmem:s5+$0xC060]  }
0x3ec: {  	v8 =	vld [tilespmem:s5+$0x14060];
	_ =	sdelay $0x1  }
0x3ed: {  	v0 =	vadd.f32 v2, v0  }
0x3ee: {  	[tilespmem:s5+$0xC020] =	vst v5;
	v1 =	vadd.f32 v4, v1  }
0x3ef: {  	[tilespmem:s5+$0xC030] =	vst v0;
	v0 =	vadd.f32 v6, v3  }
0x3f0: {  	[tilespmem:s5+$0xC040] =	vst v1;
	v1 =	vadd.f32 v8, v7  }
0x3f1: {  	[tilespmem:s5+$0xC050] =	vst v0  }
0x3f2: {  	[tilespmem:s5+$0xC060] =	vst v1  }
0x3f3: {  	s5 =	sld [smem:$0x7E2];
	_ =	sdelay $0x1  }
0x3f4: {  	s4 =	simm.s32 $0x0  }
0x3f5: {  	[hbm4b:s5+s4] =	stream.linear.scatter [tilespmem:s18], [sflag:$0x9], $0x4000, $0x38;
	[tilespmem:$0x1C000] =	vst v63  }
0x3f6: {  	_ =	swait.ge [sflag:s29], $0x4000  }
0x3f7: {  	s7 =	sld [smem:$0x7EA]  }
0x3f8: {  	[sflag:s29] =	ssyncset.done $0x0  }
0x3f9: {  	[sflag:s29] =	ssyncadd.s32 $0xFFFFC000  }
0x3fa: {  	[tilespmem:s17], [sflag:$0x3] =	stream.linear.gather [hbm4b:s7+s4], $0x4000, $0x38;
	[tilespmem:$0x1C000] =	vst v63  }
0x3fb: {  	s6 =	simm.s32 $0x0;
	_ =	swait.ge [sflag:s31], $0x4000  }
0x3fc: {  	s8 =	sand.u32 $0x380, s6;
	s7 =	sand.u32 $0x3C00, s4;
	[sflag:s31] =	ssyncset.done $0x0  }
0x3fd: {  	s5 =	sor.u32 s8, s7;
	[sflag:s31] =	ssyncadd.s32 $0xFFFFC000  }
0x3fe: {  	v0 =	vld [tilespmem:s5+$0x10070]  }
0x3ff: {  	v1 =	vld [tilespmem:s5+$0x14070]  }
0x400: {  	v2 =	vld [tilespmem:s5+$0x10000]  }
0x401: {  	v3 =	vld [tilespmem:s5+$0x14000]  }
0x402: {  	v4 =	vld [tilespmem:s5+$0x10010]  }
0x403: {  	v5 =	vld [tilespmem:s5+$0x14010]  }
0x404: {  	v6 =	vld [tilespmem:s5+$0x10020]  }
0x405: {  	v7 =	vld [tilespmem:s5+$0x14020]  }
0x406: {  	v1 =	vadd.f32 v1, v0;
	v0 =	vld [tilespmem:s5+$0x10030]  }
0x407: {  	v3 =	vadd.f32 v3, v2;
	v2 =	vld [tilespmem:s5+$0x14030]  }
0x408: {  	v5 =	vadd.f32 v5, v4;
	v4 =	vld [tilespmem:s5+$0x14040];
	[tilespmem:s5+$0x10070] =	vst v1  }
0x409: {  	v1 =	vld [tilespmem:s5+$0x10040];
	[tilespmem:s5+$0x10000] =	vst v3  }
0x40a: {  	[tilespmem:s5+$0x10010] =	vst v5;
	v5 =	vadd.f32 v7, v6;
	v3 =	vld [tilespmem:s5+$0x10050]  }
.LBB2_40:
0x40b: {  	s6 =	sadd.s32 $0x8, s6;
	v6 =	vld [tilespmem:s5+$0x14050];
	s4 =	sadd.s32 $0x400, s4  }
0x40c: {  	s7 =	sand.u32 $0x380, s6;
	s8 =	sand.u32 $0x3C00, s4;
	p0 =	slt.u32 s6, $0x3F8;
	[tilespmem:s5+$0x10020] =	vst v5;
	v0 =	vadd.f32 v2, v0;
	v2 =	vld [tilespmem:s5+$0x10060]  }
0x40d: {  	s7 =	sor.u32 s7, s8;
	v5 =	vld [tilespmem:s5+$0x14060]  }
0x40e: {  	v7 =	vld [tilespmem:s7+$0x10070];
	[tilespmem:s5+$0x10030] =	vst v0;
	v0 =	vadd.f32 v4, v1  }
0x40f: {  	v1 =	vld [tilespmem:s7+$0x14070]  }
0x410: {  	v4 =	vld [tilespmem:s7+$0x10000];
	[tilespmem:s5+$0x10040] =	vst v0;
	v0 =	vadd.f32 v6, v3  }
0x411: {  	v3 =	vld [tilespmem:s7+$0x14000]  }
0x412: {  	v6 =	vld [tilespmem:s7+$0x10010];
	[tilespmem:s5+$0x10050] =	vst v0;
	v0 =	vadd.f32 v5, v2  }
0x413: {  	v5 =	vld [tilespmem:s7+$0x14010]  }
0x414: {  	v8 =	vld [tilespmem:s7+$0x10020];
	v1 =	vadd.f32 v1, v7;
	[tilespmem:s5+$0x10060] =	vst v0;
	s5 =	smov.u32 s7  }
0x415: {  	v7 =	vld [tilespmem:s5+$0x14020]  }
.Ltmp19:
0x416: {  	v3 =	vadd.f32 v3, v4;
	v0 =	vld [tilespmem:s5+$0x10030];
	[tilespmem:s5+$0x10070] =	vst v1;
	(pc) =	sbr.rel @p0 .LBB2_40-.Ltmp19, $4  }
0x417: {  	v2 =	vld [tilespmem:s5+$0x14030]  }
0x418: {  	[tilespmem:s5+$0x10000] =	vst v3;
	v3 =	vadd.f32 v5, v6;
	v1 =	vld [tilespmem:s5+$0x10040]  }
0x419: {  	v4 =	vld [tilespmem:s5+$0x14040]  }
0x41a: {  	[tilespmem:s5+$0x10010] =	vst v3;
	v5 =	vadd.f32 v7, v8;
	v3 =	vld [tilespmem:s5+$0x10050]  }
0x41b: {  	v6 =	vld [tilespmem:s5+$0x14050]  }
0x41c: {  	v7 =	vld [tilespmem:s5+$0x10060]  }
0x41d: {  	v8 =	vld [tilespmem:s5+$0x14060];
	_ =	sdelay $0x1  }
0x41e: {  	v0 =	vadd.f32 v2, v0  }
0x41f: {  	[tilespmem:s5+$0x10020] =	vst v5;
	v1 =	vadd.f32 v4, v1  }
0x420: {  	[tilespmem:s5+$0x10030] =	vst v0;
	v0 =	vadd.f32 v6, v3  }
0x421: {  	[tilespmem:s5+$0x10040] =	vst v1;
	v1 =	vadd.f32 v8, v7  }
0x422: {  	[tilespmem:s5+$0x10050] =	vst v0  }
0x423: {  	[tilespmem:s5+$0x10060] =	vst v1  }
0x424: {  	s5 =	sld [smem:$0x7E4];
	_ =	sdelay $0x1  }
0x425: {  	s4 =	simm.s32 $0x0  }
0x426: {  	[hbm4b:s5+s4] =	stream.linear.scatter [tilespmem:s22], [sflag:$0xA], $0x4000, $0x38;
	[tilespmem:$0x1C000] =	vst v63  }
0x427: {  	_ =	swait.ge [sflag:s0], $0x4000  }
0x428: {  	s6 =	sld [smem:$0x7EC]  }
0x429: {  	[sflag:s0] =	ssyncset.done $0x0  }
0x42a: {  	s7 =	sld [smem:$0x7EF];
	[sflag:s0] =	ssyncadd.s32 $0xFFFFC000  }
0x42b: {  	[tilespmem:s18], [sflag:$0x4] =	stream.linear.gather [hbm4b:s6+s4], $0x4000, $0x38;
	[tilespmem:$0x1C000] =	vst v63  }
0x42c: {  	_ = 	snop  }
0x42d: {  	[tilespmem:s15], [sflag:$0xB] =	stream.linear.gather [hbm4b:s7+s4], $0x4000, $0x38;
	[tilespmem:$0x1C000] =	vst v63  }
0x42e: {  	_ =	swait.ge [sflag:s30], $0x4000  }
0x42f: {  	[sflag:s30] =	ssyncset.done $0x0  }
0x430: {  	[sflag:s30] =	ssyncadd.s32 $0xFFFFC000  }
0x431: {  	s6 =	simm.s32 $0x0;
	_ =	swait.ge [sflag:s21], $0x4000  }
0x432: {  	s8 =	sand.u32 $0x380, s6;
	s7 =	sand.u32 $0x3C00, s4;
	[sflag:s21] =	ssyncset.done $0x0  }
0x433: {  	s5 =	sor.u32 s8, s7;
	[sflag:s21] =	ssyncadd.s32 $0xFFFFC000  }
0x434: {  	v0 =	vld [tilespmem:s5+$0x70]  }
0x435: {  	v1 =	vld [tilespmem:s5+$0x18070]  }
0x436: {  	v2 =	vld [tilespmem:s5+$0x0]  }
0x437: {  	v3 =	vld [tilespmem:s5+$0x18000]  }
0x438: {  	v4 =	vld [tilespmem:s5+$0x10]  }
0x439: {  	v5 =	vld [tilespmem:s5+$0x18010]  }
0x43a: {  	v6 =	vld [tilespmem:s5+$0x20]  }
0x43b: {  	v7 =	vld [tilespmem:s5+$0x18020]  }
0x43c: {  	v1 =	vadd.f32 v1, v0;
	v0 =	vld [tilespmem:s5+$0x30]  }
0x43d: {  	v3 =	vadd.f32 v3, v2;
	v2 =	vld [tilespmem:s5+$0x18030]  }
0x43e: {  	v5 =	vadd.f32 v5, v4;
	v4 =	vld [tilespmem:s5+$0x18040];
	[tilespmem:s5+$0x70] =	vst v1  }
0x43f: {  	v1 =	vld [tilespmem:s5+$0x40];
	[tilespmem:s5+$0x0] =	vst v3  }
0x440: {  	[tilespmem:s5+$0x10] =	vst v5;
	v5 =	vadd.f32 v7, v6;
	v3 =	vld [tilespmem:s5+$0x50]  }
.LBB2_42:
0x441: {  	s6 =	sadd.s32 $0x8, s6;
	v6 =	vld [tilespmem:s5+$0x18050];
	s4 =	sadd.s32 $0x400, s4  }
0x442: {  	s7 =	sand.u32 $0x380, s6;
	s8 =	sand.u32 $0x3C00, s4;
	p0 =	slt.u32 s6, $0x3F8;
	[tilespmem:s5+$0x20] =	vst v5;
	v0 =	vadd.f32 v2, v0;
	v2 =	vld [tilespmem:s5+$0x60]  }
0x443: {  	s7 =	sor.u32 s7, s8;
	v5 =	vld [tilespmem:s5+$0x18060]  }
0x444: {  	v7 =	vld [tilespmem:s7+$0x70];
	[tilespmem:s5+$0x30] =	vst v0;
	v0 =	vadd.f32 v4, v1  }
0x445: {  	v1 =	vld [tilespmem:s7+$0x18070]  }
0x446: {  	v4 =	vld [tilespmem:s7+$0x0];
	[tilespmem:s5+$0x40] =	vst v0;
	v0 =	vadd.f32 v6, v3  }
0x447: {  	v3 =	vld [tilespmem:s7+$0x18000]  }
0x448: {  	v6 =	vld [tilespmem:s7+$0x10];
	[tilespmem:s5+$0x50] =	vst v0;
	v0 =	vadd.f32 v5, v2  }
0x449: {  	v5 =	vld [tilespmem:s7+$0x18010]  }
0x44a: {  	v8 =	vld [tilespmem:s7+$0x20];
	v1 =	vadd.f32 v1, v7;
	[tilespmem:s5+$0x60] =	vst v0;
	s5 =	smov.u32 s7  }
0x44b: {  	v7 =	vld [tilespmem:s5+$0x18020]  }
.Ltmp20:
0x44c: {  	v3 =	vadd.f32 v3, v4;
	v0 =	vld [tilespmem:s5+$0x30];
	[tilespmem:s5+$0x70] =	vst v1;
	(pc) =	sbr.rel @p0 .LBB2_42-.Ltmp20, $4  }
0x44d: {  	v2 =	vld [tilespmem:s5+$0x18030]  }
0x44e: {  	[tilespmem:s5+$0x0] =	vst v3;
	v3 =	vadd.f32 v5, v6;
	v1 =	vld [tilespmem:s5+$0x40]  }
0x44f: {  	v4 =	vld [tilespmem:s5+$0x18040]  }
0x450: {  	[tilespmem:s5+$0x10] =	vst v3;
	v5 =	vadd.f32 v7, v8;
	v3 =	vld [tilespmem:s5+$0x50]  }
0x451: {  	v6 =	vld [tilespmem:s5+$0x18050]  }
0x452: {  	v7 =	vld [tilespmem:s5+$0x60]  }
0x453: {  	v8 =	vld [tilespmem:s5+$0x18060];
	_ =	sdelay $0x1  }
0x454: {  	v0 =	vadd.f32 v2, v0  }
0x455: {  	[tilespmem:s5+$0x20] =	vst v5;
	v1 =	vadd.f32 v4, v1  }
0x456: {  	[tilespmem:s5+$0x30] =	vst v0;
	v0 =	vadd.f32 v6, v3  }
0x457: {  	[tilespmem:s5+$0x40] =	vst v1;
	v1 =	vadd.f32 v8, v7  }
0x458: {  	[tilespmem:s5+$0x50] =	vst v0  }
0x459: {  	[tilespmem:s5+$0x60] =	vst v1  }
0x45a: {  	s5 =	sld [smem:$0x7E7];
	_ =	sdelay $0x1  }
0x45b: {  	s4 =	simm.s32 $0x0  }
0x45c: {  	[hbm4b:s5+s4] =	stream.linear.scatter [tilespmem:s4], [sflag:$0x6], $0x4000, $0x38;
	[tilespmem:$0x1C000] =	vst v63  }
0x45d: {  	_ =	swait.ge [sflag:s2], $0x4000  }
0x45e: {  	s7 =	sld [smem:$0x7F1]  }
0x45f: {  	[sflag:s2] =	ssyncset.done $0x0  }
0x460: {  	[sflag:s2] =	ssyncadd.s32 $0xFFFFC000  }
0x461: {  	[tilespmem:s22], [sflag:$0x5] =	stream.linear.gather [hbm4b:s7+s4], $0x4000, $0x38;
	[tilespmem:$0x1C000] =	vst v63  }
0x462: {  	s6 =	simm.s32 $0x0;
	_ =	swait.ge [sflag:s23], $0x4000  }
0x463: {  	s8 =	sand.u32 $0x380, s6;
	s7 =	sand.u32 $0x3C00, s4;
	[sflag:s23] =	ssyncset.done $0x0  }
0x464: {  	s5 =	sor.u32 s8, s7;
	[sflag:s23] =	ssyncadd.s32 $0xFFFFC000  }
0x465: {  	v0 =	vld [tilespmem:s5+$0x4070]  }
0x466: {  	v1 =	vld [tilespmem:s5+$0x18070]  }
0x467: {  	v2 =	vld [tilespmem:s5+$0x4000]  }
0x468: {  	v3 =	vld [tilespmem:s5+$0x18000]  }
0x469: {  	v4 =	vld [tilespmem:s5+$0x4010]  }
0x46a: {  	v5 =	vld [tilespmem:s5+$0x18010]  }
0x46b: {  	v6 =	vld [tilespmem:s5+$0x4020]  }
0x46c: {  	v7 =	vld [tilespmem:s5+$0x18020]  }
0x46d: {  	v1 =	vadd.f32 v1, v0;
	v0 =	vld [tilespmem:s5+$0x4030]  }
0x46e: {  	v3 =	vadd.f32 v3, v2;
	v2 =	vld [tilespmem:s5+$0x18030]  }
0x46f: {  	v5 =	vadd.f32 v5, v4;
	v4 =	vld [tilespmem:s5+$0x18040];
	[tilespmem:s5+$0x4070] =	vst v1  }
0x470: {  	v1 =	vld [tilespmem:s5+$0x4040];
	[tilespmem:s5+$0x4000] =	vst v3  }
0x471: {  	[tilespmem:s5+$0x4010] =	vst v5;
	v5 =	vadd.f32 v7, v6;
	v3 =	vld [tilespmem:s5+$0x4050]  }
.LBB2_44:
0x472: {  	s6 =	sadd.s32 $0x8, s6;
	v6 =	vld [tilespmem:s5+$0x18050];
	s4 =	sadd.s32 $0x400, s4  }
0x473: {  	s7 =	sand.u32 $0x380, s6;
	s8 =	sand.u32 $0x3C00, s4;
	p0 =	slt.u32 s6, $0x3F8;
	[tilespmem:s5+$0x4020] =	vst v5;
	v0 =	vadd.f32 v2, v0;
	v2 =	vld [tilespmem:s5+$0x4060]  }
0x474: {  	s7 =	sor.u32 s7, s8;
	v5 =	vld [tilespmem:s5+$0x18060]  }
0x475: {  	v7 =	vld [tilespmem:s7+$0x4070];
	[tilespmem:s5+$0x4030] =	vst v0;
	v0 =	vadd.f32 v4, v1  }
0x476: {  	v1 =	vld [tilespmem:s7+$0x18070]  }
0x477: {  	v4 =	vld [tilespmem:s7+$0x4000];
	[tilespmem:s5+$0x4040] =	vst v0;
	v0 =	vadd.f32 v6, v3  }
0x478: {  	v3 =	vld [tilespmem:s7+$0x18000]  }
0x479: {  	v6 =	vld [tilespmem:s7+$0x4010];
	[tilespmem:s5+$0x4050] =	vst v0;
	v0 =	vadd.f32 v5, v2  }
0x47a: {  	v5 =	vld [tilespmem:s7+$0x18010]  }
0x47b: {  	v8 =	vld [tilespmem:s7+$0x4020];
	v1 =	vadd.f32 v1, v7;
	[tilespmem:s5+$0x4060] =	vst v0;
	s5 =	smov.u32 s7  }
0x47c: {  	v7 =	vld [tilespmem:s5+$0x18020]  }
.Ltmp21:
0x47d: {  	v3 =	vadd.f32 v3, v4;
	v0 =	vld [tilespmem:s5+$0x4030];
	[tilespmem:s5+$0x4070] =	vst v1;
	(pc) =	sbr.rel @p0 .LBB2_44-.Ltmp21, $4  }
0x47e: {  	v2 =	vld [tilespmem:s5+$0x18030]  }
0x47f: {  	[tilespmem:s5+$0x4000] =	vst v3;
	v3 =	vadd.f32 v5, v6;
	v1 =	vld [tilespmem:s5+$0x4040]  }
0x480: {  	v4 =	vld [tilespmem:s5+$0x18040]  }
0x481: {  	[tilespmem:s5+$0x4010] =	vst v3;
	v5 =	vadd.f32 v7, v8;
	v3 =	vld [tilespmem:s5+$0x4050]  }
0x482: {  	v6 =	vld [tilespmem:s5+$0x18050]  }
0x483: {  	v7 =	vld [tilespmem:s5+$0x4060]  }
0x484: {  	v8 =	vld [tilespmem:s5+$0x18060];
	_ =	sdelay $0x1  }
0x485: {  	v0 =	vadd.f32 v2, v0  }
0x486: {  	[tilespmem:s5+$0x4020] =	vst v5;
	v1 =	vadd.f32 v4, v1  }
0x487: {  	[tilespmem:s5+$0x4030] =	vst v0;
	v0 =	vadd.f32 v6, v3  }
0x488: {  	[tilespmem:s5+$0x4040] =	vst v1;
	v1 =	vadd.f32 v8, v7  }
0x489: {  	[tilespmem:s5+$0x4050] =	vst v0  }
0x48a: {  	[tilespmem:s5+$0x4060] =	vst v1  }
0x48b: {  	s5 =	sld [smem:$0x7E9];
	_ =	sdelay $0x1  }
0x48c: {  	s4 =	simm.s32 $0x0  }
0x48d: {  	[hbm4b:s5+s4] =	stream.linear.scatter [tilespmem:s16], [sflag:$0x7], $0x4000, $0x38;
	[tilespmem:$0x1C000] =	vst v63  }
0x48e: {  	_ =	swait.ge [sflag:s24], $0x4000  }
0x48f: {  	s7 =	sld [smem:$0x7F3]  }
0x490: {  	[sflag:s24] =	ssyncset.done $0x0  }
0x491: {  	[sflag:s24] =	ssyncadd.s32 $0xFFFFC000  }
0x492: {  	[tilespmem:s4], [sflag:$0x1] =	stream.linear.gather [hbm4b:s7+s4], $0x4000, $0x38;
	[tilespmem:$0x1C000] =	vst v63  }
0x493: {  	s6 =	simm.s32 $0x0;
	_ =	swait.ge [sflag:s25], $0x4000  }
0x494: {  	s8 =	sand.u32 $0x380, s6;
	s7 =	sand.u32 $0x3C00, s4;
	[sflag:s25] =	ssyncset.done $0x0  }
0x495: {  	s5 =	sor.u32 s8, s7;
	[sflag:s25] =	ssyncadd.s32 $0xFFFFC000  }
0x496: {  	v0 =	vld [tilespmem:s5+$0x8070]  }
0x497: {  	v1 =	vld [tilespmem:s5+$0x18070]  }
0x498: {  	v2 =	vld [tilespmem:s5+$0x8000]  }
0x499: {  	v3 =	vld [tilespmem:s5+$0x18000]  }
0x49a: {  	v4 =	vld [tilespmem:s5+$0x8010]  }
0x49b: {  	v5 =	vld [tilespmem:s5+$0x18010]  }
0x49c: {  	v6 =	vld [tilespmem:s5+$0x8020]  }
0x49d: {  	v7 =	vld [tilespmem:s5+$0x18020]  }
0x49e: {  	v1 =	vadd.f32 v1, v0;
	v0 =	vld [tilespmem:s5+$0x8030]  }
0x49f: {  	v3 =	vadd.f32 v3, v2;
	v2 =	vld [tilespmem:s5+$0x18030]  }
0x4a0: {  	v5 =	vadd.f32 v5, v4;
	v4 =	vld [tilespmem:s5+$0x18040];
	[tilespmem:s5+$0x8070] =	vst v1  }
0x4a1: {  	v1 =	vld [tilespmem:s5+$0x8040];
	[tilespmem:s5+$0x8000] =	vst v3  }
0x4a2: {  	[tilespmem:s5+$0x8010] =	vst v5;
	v5 =	vadd.f32 v7, v6;
	v3 =	vld [tilespmem:s5+$0x8050]  }
.LBB2_46:
0x4a3: {  	s6 =	sadd.s32 $0x8, s6;
	v6 =	vld [tilespmem:s5+$0x18050];
	s4 =	sadd.s32 $0x400, s4  }
0x4a4: {  	s7 =	sand.u32 $0x380, s6;
	s8 =	sand.u32 $0x3C00, s4;
	p0 =	slt.u32 s6, $0x3F8;
	[tilespmem:s5+$0x8020] =	vst v5;
	v0 =	vadd.f32 v2, v0;
	v2 =	vld [tilespmem:s5+$0x8060]  }
0x4a5: {  	s7 =	sor.u32 s7, s8;
	v5 =	vld [tilespmem:s5+$0x18060]  }
0x4a6: {  	v7 =	vld [tilespmem:s7+$0x8070];
	[tilespmem:s5+$0x8030] =	vst v0;
	v0 =	vadd.f32 v4, v1  }
0x4a7: {  	v1 =	vld [tilespmem:s7+$0x18070]  }
0x4a8: {  	v4 =	vld [tilespmem:s7+$0x8000];
	[tilespmem:s5+$0x8040] =	vst v0;
	v0 =	vadd.f32 v6, v3  }
0x4a9: {  	v3 =	vld [tilespmem:s7+$0x18000]  }
0x4aa: {  	v6 =	vld [tilespmem:s7+$0x8010];
	[tilespmem:s5+$0x8050] =	vst v0;
	v0 =	vadd.f32 v5, v2  }
0x4ab: {  	v5 =	vld [tilespmem:s7+$0x18010]  }
0x4ac: {  	v8 =	vld [tilespmem:s7+$0x8020];
	v1 =	vadd.f32 v1, v7;
	[tilespmem:s5+$0x8060] =	vst v0;
	s5 =	smov.u32 s7  }
0x4ad: {  	v7 =	vld [tilespmem:s5+$0x18020]  }
.Ltmp22:
0x4ae: {  	v3 =	vadd.f32 v3, v4;
	v0 =	vld [tilespmem:s5+$0x8030];
	[tilespmem:s5+$0x8070] =	vst v1;
	(pc) =	sbr.rel @p0 .LBB2_46-.Ltmp22, $4  }
0x4af: {  	v2 =	vld [tilespmem:s5+$0x18030]  }
0x4b0: {  	[tilespmem:s5+$0x8000] =	vst v3;
	v3 =	vadd.f32 v5, v6;
	v1 =	vld [tilespmem:s5+$0x8040]  }
0x4b1: {  	v4 =	vld [tilespmem:s5+$0x18040]  }
0x4b2: {  	[tilespmem:s5+$0x8010] =	vst v3;
	v5 =	vadd.f32 v7, v8;
	v3 =	vld [tilespmem:s5+$0x8050]  }
0x4b3: {  	v6 =	vld [tilespmem:s5+$0x18050]  }
0x4b4: {  	v7 =	vld [tilespmem:s5+$0x8060]  }
0x4b5: {  	v8 =	vld [tilespmem:s5+$0x18060];
	_ =	sdelay $0x1  }
0x4b6: {  	v0 =	vadd.f32 v2, v0  }
0x4b7: {  	[tilespmem:s5+$0x8020] =	vst v5;
	v1 =	vadd.f32 v4, v1  }
0x4b8: {  	[tilespmem:s5+$0x8030] =	vst v0;
	v0 =	vadd.f32 v6, v3  }
0x4b9: {  	[tilespmem:s5+$0x8040] =	vst v1;
	v1 =	vadd.f32 v8, v7  }
0x4ba: {  	[tilespmem:s5+$0x8050] =	vst v0  }
0x4bb: {  	[tilespmem:s5+$0x8060] =	vst v1  }
0x4bc: {  	s5 =	sld [smem:$0x7EB];
	_ =	sdelay $0x1  }
0x4bd: {  	s4 =	simm.s32 $0x0  }
0x4be: {  	[hbm4b:s5+s4] =	stream.linear.scatter [tilespmem:s17], [sflag:$0x8], $0x4000, $0x38;
	[tilespmem:$0x1C000] =	vst v63  }
0x4bf: {  	_ =	swait.ge [sflag:s26], $0x4000  }
0x4c0: {  	s7 =	sld [smem:$0x7F5]  }
0x4c1: {  	[sflag:s26] =	ssyncset.done $0x0  }
0x4c2: {  	[sflag:s26] =	ssyncadd.s32 $0xFFFFC000  }
0x4c3: {  	[tilespmem:s16], [sflag:$0x2] =	stream.linear.gather [hbm4b:s7+s4], $0x4000, $0x38;
	[tilespmem:$0x1C000] =	vst v63  }
0x4c4: {  	s6 =	simm.s32 $0x0;
	_ =	swait.ge [sflag:s28], $0x4000  }
0x4c5: {  	s8 =	sand.u32 $0x380, s6;
	s7 =	sand.u32 $0x3C00, s4;
	[sflag:s28] =	ssyncset.done $0x0  }
0x4c6: {  	s5 =	sor.u32 s8, s7;
	[sflag:s28] =	ssyncadd.s32 $0xFFFFC000  }
0x4c7: {  	v0 =	vld [tilespmem:s5+$0xC070]  }
0x4c8: {  	v1 =	vld [tilespmem:s5+$0x18070]  }
0x4c9: {  	v2 =	vld [tilespmem:s5+$0xC000]  }
0x4ca: {  	v3 =	vld [tilespmem:s5+$0x18000]  }
0x4cb: {  	v4 =	vld [tilespmem:s5+$0xC010]  }
0x4cc: {  	v5 =	vld [tilespmem:s5+$0x18010]  }
0x4cd: {  	v6 =	vld [tilespmem:s5+$0xC020]  }
0x4ce: {  	v7 =	vld [tilespmem:s5+$0x18020]  }
0x4cf: {  	v1 =	vadd.f32 v1, v0;
	v0 =	vld [tilespmem:s5+$0xC030]  }
0x4d0: {  	v3 =	vadd.f32 v3, v2;
	v2 =	vld [tilespmem:s5+$0x18030]  }
0x4d1: {  	v5 =	vadd.f32 v5, v4;
	v4 =	vld [tilespmem:s5+$0x18040];
	[tilespmem:s5+$0xC070] =	vst v1  }
0x4d2: {  	v1 =	vld [tilespmem:s5+$0xC040];
	[tilespmem:s5+$0xC000] =	vst v3  }
0x4d3: {  	[tilespmem:s5+$0xC010] =	vst v5;
	v5 =	vadd.f32 v7, v6;
	v3 =	vld [tilespmem:s5+$0xC050]  }
.LBB2_48:
0x4d4: {  	s6 =	sadd.s32 $0x8, s6;
	v6 =	vld [tilespmem:s5+$0x18050];
	s4 =	sadd.s32 $0x400, s4  }
0x4d5: {  	s7 =	sand.u32 $0x380, s6;
	s8 =	sand.u32 $0x3C00, s4;
	p0 =	slt.u32 s6, $0x3F8;
	[tilespmem:s5+$0xC020] =	vst v5;
	v0 =	vadd.f32 v2, v0;
	v2 =	vld [tilespmem:s5+$0xC060]  }
0x4d6: {  	s7 =	sor.u32 s7, s8;
	v5 =	vld [tilespmem:s5+$0x18060]  }
0x4d7: {  	v7 =	vld [tilespmem:s7+$0xC070];
	[tilespmem:s5+$0xC030] =	vst v0;
	v0 =	vadd.f32 v4, v1  }
0x4d8: {  	v1 =	vld [tilespmem:s7+$0x18070]  }
0x4d9: {  	v4 =	vld [tilespmem:s7+$0xC000];
	[tilespmem:s5+$0xC040] =	vst v0;
	v0 =	vadd.f32 v6, v3  }
0x4da: {  	v3 =	vld [tilespmem:s7+$0x18000]  }
0x4db: {  	v6 =	vld [tilespmem:s7+$0xC010];
	[tilespmem:s5+$0xC050] =	vst v0;
	v0 =	vadd.f32 v5, v2  }
0x4dc: {  	v5 =	vld [tilespmem:s7+$0x18010]  }
0x4dd: {  	v8 =	vld [tilespmem:s7+$0xC020];
	v1 =	vadd.f32 v1, v7;
	[tilespmem:s5+$0xC060] =	vst v0;
	s5 =	smov.u32 s7  }
0x4de: {  	v7 =	vld [tilespmem:s5+$0x18020]  }
.Ltmp23:
0x4df: {  	v3 =	vadd.f32 v3, v4;
	v0 =	vld [tilespmem:s5+$0xC030];
	[tilespmem:s5+$0xC070] =	vst v1;
	(pc) =	sbr.rel @p0 .LBB2_48-.Ltmp23, $4  }
0x4e0: {  	v2 =	vld [tilespmem:s5+$0x18030]  }
0x4e1: {  	[tilespmem:s5+$0xC000] =	vst v3;
	v3 =	vadd.f32 v5, v6;
	v1 =	vld [tilespmem:s5+$0xC040]  }
0x4e2: {  	v4 =	vld [tilespmem:s5+$0x18040]  }
0x4e3: {  	[tilespmem:s5+$0xC010] =	vst v3;
	v5 =	vadd.f32 v7, v8;
	v3 =	vld [tilespmem:s5+$0xC050]  }
0x4e4: {  	v6 =	vld [tilespmem:s5+$0x18050]  }
0x4e5: {  	v7 =	vld [tilespmem:s5+$0xC060]  }
0x4e6: {  	v8 =	vld [tilespmem:s5+$0x18060];
	_ =	sdelay $0x1  }
0x4e7: {  	v0 =	vadd.f32 v2, v0  }
0x4e8: {  	[tilespmem:s5+$0xC020] =	vst v5;
	v1 =	vadd.f32 v4, v1  }
0x4e9: {  	[tilespmem:s5+$0xC030] =	vst v0;
	v0 =	vadd.f32 v6, v3  }
0x4ea: {  	[tilespmem:s5+$0xC040] =	vst v1;
	v1 =	vadd.f32 v8, v7  }
0x4eb: {  	[tilespmem:s5+$0xC050] =	vst v0  }
0x4ec: {  	[tilespmem:s5+$0xC060] =	vst v1  }
0x4ed: {  	s5 =	sld [smem:$0x7ED];
	_ =	sdelay $0x1  }
0x4ee: {  	s4 =	simm.s32 $0x0  }
0x4ef: {  	[hbm4b:s5+s4] =	stream.linear.scatter [tilespmem:s18], [sflag:$0x9], $0x4000, $0x38;
	[tilespmem:$0x1C000] =	vst v63  }
0x4f0: {  	_ =	swait.ge [sflag:s29], $0x4000  }
0x4f1: {  	s6 =	sld [smem:$0x7F7]  }
0x4f2: {  	[sflag:s29] =	ssyncset.done $0x0  }
0x4f3: {  	s7 =	sld [smem:$0x7F0];
	[sflag:s29] =	ssyncadd.s32 $0xFFFFC000  }
0x4f4: {  	[tilespmem:s17], [sflag:$0x3] =	stream.linear.gather [hbm4b:s6+s4], $0x4000, $0x38;
	[tilespmem:$0x1C000] =	vst v63  }
0x4f5: {  	_ = 	snop  }
0x4f6: {  	[tilespmem:s19], [sflag:$0xC] =	stream.linear.gather [hbm4b:s7+s4], $0x4000, $0x38;
	[tilespmem:$0x1C000] =	vst v63  }
0x4f7: {  	_ =	swait.ge [sflag:s20], $0x4000  }
0x4f8: {  	[sflag:s20] =	ssyncset.done $0x0  }
0x4f9: {  	[sflag:s20] =	ssyncadd.s32 $0xFFFFC000  }
0x4fa: {  	s6 =	simm.s32 $0x0;
	_ =	swait.ge [sflag:s31], $0x4000  }
0x4fb: {  	s8 =	sand.u32 $0x380, s6;
	s7 =	sand.u32 $0x3C00, s4;
	[sflag:s31] =	ssyncset.done $0x0  }
0x4fc: {  	s5 =	sor.u32 s8, s7;
	[sflag:s31] =	ssyncadd.s32 $0xFFFFC000  }
0x4fd: {  	v0 =	vld [tilespmem:s5+$0x10070]  }
0x4fe: {  	v1 =	vld [tilespmem:s5+$0x14070]  }
0x4ff: {  	v2 =	vld [tilespmem:s5+$0x10000]  }
0x500: {  	v3 =	vld [tilespmem:s5+$0x14000]  }
0x501: {  	v4 =	vld [tilespmem:s5+$0x10010]  }
0x502: {  	v5 =	vld [tilespmem:s5+$0x14010]  }
0x503: {  	v6 =	vld [tilespmem:s5+$0x10020]  }
0x504: {  	v7 =	vld [tilespmem:s5+$0x14020]  }
0x505: {  	v1 =	vadd.f32 v1, v0;
	v0 =	vld [tilespmem:s5+$0x10030]  }
0x506: {  	v3 =	vadd.f32 v3, v2;
	v2 =	vld [tilespmem:s5+$0x14030]  }
0x507: {  	v5 =	vadd.f32 v5, v4;
	v4 =	vld [tilespmem:s5+$0x14040];
	[tilespmem:s5+$0x10070] =	vst v1  }
0x508: {  	v1 =	vld [tilespmem:s5+$0x10040];
	[tilespmem:s5+$0x10000] =	vst v3  }
0x509: {  	[tilespmem:s5+$0x10010] =	vst v5;
	v5 =	vadd.f32 v7, v6;
	v3 =	vld [tilespmem:s5+$0x10050]  }
.LBB2_50:
0x50a: {  	s6 =	sadd.s32 $0x8, s6;
	v6 =	vld [tilespmem:s5+$0x14050];
	s4 =	sadd.s32 $0x400, s4  }
0x50b: {  	s7 =	sand.u32 $0x380, s6;
	s8 =	sand.u32 $0x3C00, s4;
	p0 =	slt.u32 s6, $0x3F8;
	[tilespmem:s5+$0x10020] =	vst v5;
	v0 =	vadd.f32 v2, v0;
	v2 =	vld [tilespmem:s5+$0x10060]  }
0x50c: {  	s7 =	sor.u32 s7, s8;
	v5 =	vld [tilespmem:s5+$0x14060]  }
0x50d: {  	v7 =	vld [tilespmem:s7+$0x10070];
	[tilespmem:s5+$0x10030] =	vst v0;
	v0 =	vadd.f32 v4, v1  }
0x50e: {  	v1 =	vld [tilespmem:s7+$0x14070]  }
0x50f: {  	v4 =	vld [tilespmem:s7+$0x10000];
	[tilespmem:s5+$0x10040] =	vst v0;
	v0 =	vadd.f32 v6, v3  }
0x510: {  	v3 =	vld [tilespmem:s7+$0x14000]  }
0x511: {  	v6 =	vld [tilespmem:s7+$0x10010];
	[tilespmem:s5+$0x10050] =	vst v0;
	v0 =	vadd.f32 v5, v2  }
0x512: {  	v5 =	vld [tilespmem:s7+$0x14010]  }
0x513: {  	v8 =	vld [tilespmem:s7+$0x10020];
	v1 =	vadd.f32 v1, v7;
	[tilespmem:s5+$0x10060] =	vst v0;
	s5 =	smov.u32 s7  }
0x514: {  	v7 =	vld [tilespmem:s5+$0x14020]  }
.Ltmp24:
0x515: {  	v3 =	vadd.f32 v3, v4;
	v0 =	vld [tilespmem:s5+$0x10030];
	[tilespmem:s5+$0x10070] =	vst v1;
	(pc) =	sbr.rel @p0 .LBB2_50-.Ltmp24, $4  }
0x516: {  	v2 =	vld [tilespmem:s5+$0x14030]  }
0x517: {  	[tilespmem:s5+$0x10000] =	vst v3;
	v3 =	vadd.f32 v5, v6;
	v1 =	vld [tilespmem:s5+$0x10040]  }
0x518: {  	v4 =	vld [tilespmem:s5+$0x14040]  }
0x519: {  	[tilespmem:s5+$0x10010] =	vst v3;
	v5 =	vadd.f32 v7, v8;
	v3 =	vld [tilespmem:s5+$0x10050]  }
0x51a: {  	v6 =	vld [tilespmem:s5+$0x14050]  }
0x51b: {  	v7 =	vld [tilespmem:s5+$0x10060]  }
0x51c: {  	v8 =	vld [tilespmem:s5+$0x14060];
	_ =	sdelay $0x1  }
0x51d: {  	v0 =	vadd.f32 v2, v0  }
0x51e: {  	[tilespmem:s5+$0x10020] =	vst v5;
	v1 =	vadd.f32 v4, v1  }
0x51f: {  	[tilespmem:s5+$0x10030] =	vst v0;
	v0 =	vadd.f32 v6, v3  }
0x520: {  	[tilespmem:s5+$0x10040] =	vst v1;
	v1 =	vadd.f32 v8, v7  }
0x521: {  	[tilespmem:s5+$0x10050] =	vst v0  }
0x522: {  	[tilespmem:s5+$0x10060] =	vst v1  }
0x523: {  	s5 =	sld [smem:$0x7F2];
	_ =	sdelay $0x1  }
0x524: {  	s4 =	simm.s32 $0x0  }
0x525: {  	[hbm4b:s5+s4] =	stream.linear.scatter [tilespmem:s22], [sflag:$0xA], $0x4000, $0x38;
	[tilespmem:$0x1C000] =	vst v63  }
0x526: {  	_ =	swait.ge [sflag:s0], $0x4000  }
0x527: {  	s7 =	sld [smem:$0x7FB]  }
0x528: {  	[sflag:s0] =	ssyncset.done $0x0  }
0x529: {  	[sflag:s0] =	ssyncadd.s32 $0xFFFFC000  }
0x52a: {  	[tilespmem:s18], [sflag:$0x4] =	stream.linear.gather [hbm4b:s7+s4], $0x4000, $0x38;
	[tilespmem:$0x1C000] =	vst v63  }
0x52b: {  	s6 =	simm.s32 $0x0;
	_ =	swait.ge [sflag:s21], $0x4000  }
0x52c: {  	s8 =	sand.u32 $0x380, s6;
	s7 =	sand.u32 $0x3C00, s4;
	[sflag:s21] =	ssyncset.done $0x0  }
0x52d: {  	s5 =	sor.u32 s8, s7;
	[sflag:s21] =	ssyncadd.s32 $0xFFFFC000  }
0x52e: {  	v0 =	vld [tilespmem:s5+$0x70]  }
0x52f: {  	v1 =	vld [tilespmem:s5+$0x14070]  }
0x530: {  	v2 =	vld [tilespmem:s5+$0x0]  }
0x531: {  	v3 =	vld [tilespmem:s5+$0x14000]  }
0x532: {  	v4 =	vld [tilespmem:s5+$0x10]  }
0x533: {  	v5 =	vld [tilespmem:s5+$0x14010]  }
0x534: {  	v6 =	vld [tilespmem:s5+$0x20]  }
0x535: {  	v7 =	vld [tilespmem:s5+$0x14020]  }
0x536: {  	v1 =	vadd.f32 v1, v0;
	v0 =	vld [tilespmem:s5+$0x30]  }
0x537: {  	v3 =	vadd.f32 v3, v2;
	v2 =	vld [tilespmem:s5+$0x14030]  }
0x538: {  	v5 =	vadd.f32 v5, v4;
	v4 =	vld [tilespmem:s5+$0x14040];
	[tilespmem:s5+$0x70] =	vst v1  }
0x539: {  	v1 =	vld [tilespmem:s5+$0x40];
	[tilespmem:s5+$0x0] =	vst v3  }
0x53a: {  	[tilespmem:s5+$0x10] =	vst v5;
	v5 =	vadd.f32 v7, v6;
	v3 =	vld [tilespmem:s5+$0x50]  }
.LBB2_52:
0x53b: {  	s6 =	sadd.s32 $0x8, s6;
	v6 =	vld [tilespmem:s5+$0x14050];
	s4 =	sadd.s32 $0x400, s4  }
0x53c: {  	s7 =	sand.u32 $0x380, s6;
	s8 =	sand.u32 $0x3C00, s4;
	p0 =	slt.u32 s6, $0x3F8;
	[tilespmem:s5+$0x20] =	vst v5;
	v0 =	vadd.f32 v2, v0;
	v2 =	vld [tilespmem:s5+$0x60]  }
0x53d: {  	s7 =	sor.u32 s7, s8;
	v5 =	vld [tilespmem:s5+$0x14060]  }
0x53e: {  	v7 =	vld [tilespmem:s7+$0x70];
	[tilespmem:s5+$0x30] =	vst v0;
	v0 =	vadd.f32 v4, v1  }
0x53f: {  	v1 =	vld [tilespmem:s7+$0x14070]  }
0x540: {  	v4 =	vld [tilespmem:s7+$0x0];
	[tilespmem:s5+$0x40] =	vst v0;
	v0 =	vadd.f32 v6, v3  }
0x541: {  	v3 =	vld [tilespmem:s7+$0x14000]  }
0x542: {  	v6 =	vld [tilespmem:s7+$0x10];
	[tilespmem:s5+$0x50] =	vst v0;
	v0 =	vadd.f32 v5, v2  }
0x543: {  	v5 =	vld [tilespmem:s7+$0x14010]  }
0x544: {  	v8 =	vld [tilespmem:s7+$0x20];
	v1 =	vadd.f32 v1, v7;
	[tilespmem:s5+$0x60] =	vst v0;
	s5 =	smov.u32 s7  }
0x545: {  	v7 =	vld [tilespmem:s5+$0x14020]  }
.Ltmp25:
0x546: {  	v3 =	vadd.f32 v3, v4;
	v0 =	vld [tilespmem:s5+$0x30];
	[tilespmem:s5+$0x70] =	vst v1;
	(pc) =	sbr.rel @p0 .LBB2_52-.Ltmp25, $4  }
0x547: {  	v2 =	vld [tilespmem:s5+$0x14030]  }
0x548: {  	[tilespmem:s5+$0x0] =	vst v3;
	v3 =	vadd.f32 v5, v6;
	v1 =	vld [tilespmem:s5+$0x40]  }
0x549: {  	v4 =	vld [tilespmem:s5+$0x14040]  }
0x54a: {  	[tilespmem:s5+$0x10] =	vst v3;
	v5 =	vadd.f32 v7, v8;
	v3 =	vld [tilespmem:s5+$0x50]  }
0x54b: {  	v6 =	vld [tilespmem:s5+$0x14050]  }
0x54c: {  	v7 =	vld [tilespmem:s5+$0x60]  }
0x54d: {  	v8 =	vld [tilespmem:s5+$0x14060];
	_ =	sdelay $0x1  }
0x54e: {  	v0 =	vadd.f32 v2, v0  }
0x54f: {  	[tilespmem:s5+$0x20] =	vst v5;
	v1 =	vadd.f32 v4, v1  }
0x550: {  	[tilespmem:s5+$0x30] =	vst v0;
	v0 =	vadd.f32 v6, v3  }
0x551: {  	[tilespmem:s5+$0x40] =	vst v1;
	v1 =	vadd.f32 v8, v7  }
0x552: {  	[tilespmem:s5+$0x50] =	vst v0  }
0x553: {  	[tilespmem:s5+$0x60] =	vst v1  }
0x554: {  	s5 =	sld [smem:$0x7F4];
	_ =	sdelay $0x1  }
0x555: {  	s4 =	simm.s32 $0x0  }
0x556: {  	[hbm4b:s5+s4] =	stream.linear.scatter [tilespmem:s4], [sflag:$0x6], $0x4000, $0x38;
	[tilespmem:$0x1C000] =	vst v63  }
0x557: {  	_ =	swait.ge [sflag:s2], $0x4000  }
0x558: {  	s7 =	sld [smem:$0x7FC]  }
0x559: {  	[sflag:s2] =	ssyncset.done $0x0  }
0x55a: {  	[sflag:s2] =	ssyncadd.s32 $0xFFFFC000  }
0x55b: {  	[tilespmem:s22], [sflag:$0x5] =	stream.linear.gather [hbm4b:s7+s4], $0x4000, $0x38;
	[tilespmem:$0x1C000] =	vst v63  }
0x55c: {  	s6 =	simm.s32 $0x0;
	_ =	swait.ge [sflag:s23], $0x4000  }
0x55d: {  	s8 =	sand.u32 $0x380, s6;
	s7 =	sand.u32 $0x3C00, s4;
	[sflag:s23] =	ssyncset.done $0x0  }
0x55e: {  	s5 =	sor.u32 s8, s7;
	[sflag:s23] =	ssyncadd.s32 $0xFFFFC000  }
0x55f: {  	v0 =	vld [tilespmem:s5+$0x4070]  }
0x560: {  	v1 =	vld [tilespmem:s5+$0x14070]  }
0x561: {  	v2 =	vld [tilespmem:s5+$0x4000]  }
0x562: {  	v3 =	vld [tilespmem:s5+$0x14000]  }
0x563: {  	v4 =	vld [tilespmem:s5+$0x4010]  }
0x564: {  	v5 =	vld [tilespmem:s5+$0x14010]  }
0x565: {  	v6 =	vld [tilespmem:s5+$0x4020]  }
0x566: {  	v7 =	vld [tilespmem:s5+$0x14020]  }
0x567: {  	v1 =	vadd.f32 v1, v0;
	v0 =	vld [tilespmem:s5+$0x4030]  }
0x568: {  	v3 =	vadd.f32 v3, v2;
	v2 =	vld [tilespmem:s5+$0x14030]  }
0x569: {  	v5 =	vadd.f32 v5, v4;
	v4 =	vld [tilespmem:s5+$0x14040];
	[tilespmem:s5+$0x4070] =	vst v1  }
0x56a: {  	v1 =	vld [tilespmem:s5+$0x4040];
	[tilespmem:s5+$0x4000] =	vst v3  }
0x56b: {  	[tilespmem:s5+$0x4010] =	vst v5;
	v5 =	vadd.f32 v7, v6;
	v3 =	vld [tilespmem:s5+$0x4050]  }
.LBB2_54:
0x56c: {  	s6 =	sadd.s32 $0x8, s6;
	v6 =	vld [tilespmem:s5+$0x14050];
	s4 =	sadd.s32 $0x400, s4  }
0x56d: {  	s7 =	sand.u32 $0x380, s6;
	s8 =	sand.u32 $0x3C00, s4;
	p0 =	slt.u32 s6, $0x3F8;
	[tilespmem:s5+$0x4020] =	vst v5;
	v0 =	vadd.f32 v2, v0;
	v2 =	vld [tilespmem:s5+$0x4060]  }
0x56e: {  	s7 =	sor.u32 s7, s8;
	v5 =	vld [tilespmem:s5+$0x14060]  }
0x56f: {  	v7 =	vld [tilespmem:s7+$0x4070];
	[tilespmem:s5+$0x4030] =	vst v0;
	v0 =	vadd.f32 v4, v1  }
0x570: {  	v1 =	vld [tilespmem:s7+$0x14070]  }
0x571: {  	v4 =	vld [tilespmem:s7+$0x4000];
	[tilespmem:s5+$0x4040] =	vst v0;
	v0 =	vadd.f32 v6, v3  }
0x572: {  	v3 =	vld [tilespmem:s7+$0x14000]  }
0x573: {  	v6 =	vld [tilespmem:s7+$0x4010];
	[tilespmem:s5+$0x4050] =	vst v0;
	v0 =	vadd.f32 v5, v2  }
0x574: {  	v5 =	vld [tilespmem:s7+$0x14010]  }
0x575: {  	v8 =	vld [tilespmem:s7+$0x4020];
	v1 =	vadd.f32 v1, v7;
	[tilespmem:s5+$0x4060] =	vst v0;
	s5 =	smov.u32 s7  }
0x576: {  	v7 =	vld [tilespmem:s5+$0x14020]  }
.Ltmp26:
0x577: {  	v3 =	vadd.f32 v3, v4;
	v0 =	vld [tilespmem:s5+$0x4030];
	[tilespmem:s5+$0x4070] =	vst v1;
	(pc) =	sbr.rel @p0 .LBB2_54-.Ltmp26, $4  }
0x578: {  	v2 =	vld [tilespmem:s5+$0x14030]  }
0x579: {  	[tilespmem:s5+$0x4000] =	vst v3;
	v3 =	vadd.f32 v5, v6;
	v1 =	vld [tilespmem:s5+$0x4040]  }
0x57a: {  	v4 =	vld [tilespmem:s5+$0x14040]  }
0x57b: {  	[tilespmem:s5+$0x4010] =	vst v3;
	v5 =	vadd.f32 v7, v8;
	v3 =	vld [tilespmem:s5+$0x4050]  }
0x57c: {  	v6 =	vld [tilespmem:s5+$0x14050]  }
0x57d: {  	v7 =	vld [tilespmem:s5+$0x4060]  }
0x57e: {  	v8 =	vld [tilespmem:s5+$0x14060];
	_ =	sdelay $0x1  }
0x57f: {  	v0 =	vadd.f32 v2, v0  }
0x580: {  	[tilespmem:s5+$0x4020] =	vst v5;
	v1 =	vadd.f32 v4, v1  }
0x581: {  	[tilespmem:s5+$0x4030] =	vst v0;
	v0 =	vadd.f32 v6, v3  }
0x582: {  	[tilespmem:s5+$0x4040] =	vst v1;
	v1 =	vadd.f32 v8, v7  }
0x583: {  	[tilespmem:s5+$0x4050] =	vst v0  }
0x584: {  	[tilespmem:s5+$0x4060] =	vst v1  }
0x585: {  	s5 =	sld [smem:$0x7F6];
	_ =	sdelay $0x1  }
0x586: {  	s4 =	simm.s32 $0x0  }
0x587: {  	[hbm4b:s5+s4] =	stream.linear.scatter [tilespmem:s16], [sflag:$0x7], $0x4000, $0x38;
	[tilespmem:$0x1C000] =	vst v63  }
0x588: {  	_ =	swait.ge [sflag:s24], $0x4000  }
0x589: {  	s7 =	sld [smem:$0x7FD]  }
0x58a: {  	[sflag:s24] =	ssyncset.done $0x0  }
0x58b: {  	[sflag:s24] =	ssyncadd.s32 $0xFFFFC000  }
0x58c: {  	[tilespmem:s4], [sflag:$0x1] =	stream.linear.gather [hbm4b:s7+s4], $0x4000, $0x38;
	[tilespmem:$0x1C000] =	vst v63  }
0x58d: {  	s6 =	simm.s32 $0x0;
	_ =	swait.ge [sflag:s25], $0x4000  }
0x58e: {  	s8 =	sand.u32 $0x380, s6;
	s7 =	sand.u32 $0x3C00, s4;
	[sflag:s25] =	ssyncset.done $0x0  }
0x58f: {  	s5 =	sor.u32 s8, s7;
	[sflag:s25] =	ssyncadd.s32 $0xFFFFC000  }
0x590: {  	v0 =	vld [tilespmem:s5+$0x8070]  }
0x591: {  	v1 =	vld [tilespmem:s5+$0x14070]  }
0x592: {  	v2 =	vld [tilespmem:s5+$0x8000]  }
0x593: {  	v3 =	vld [tilespmem:s5+$0x14000]  }
0x594: {  	v4 =	vld [tilespmem:s5+$0x8010]  }
0x595: {  	v5 =	vld [tilespmem:s5+$0x14010]  }
0x596: {  	v6 =	vld [tilespmem:s5+$0x8020]  }
0x597: {  	v7 =	vld [tilespmem:s5+$0x14020]  }
0x598: {  	v1 =	vadd.f32 v1, v0;
	v0 =	vld [tilespmem:s5+$0x8030]  }
0x599: {  	v3 =	vadd.f32 v3, v2;
	v2 =	vld [tilespmem:s5+$0x14030]  }
0x59a: {  	v5 =	vadd.f32 v5, v4;
	v4 =	vld [tilespmem:s5+$0x14040];
	[tilespmem:s5+$0x8070] =	vst v1  }
0x59b: {  	v1 =	vld [tilespmem:s5+$0x8040];
	[tilespmem:s5+$0x8000] =	vst v3  }
0x59c: {  	[tilespmem:s5+$0x8010] =	vst v5;
	v5 =	vadd.f32 v7, v6;
	v3 =	vld [tilespmem:s5+$0x8050]  }
.LBB2_56:
0x59d: {  	s6 =	sadd.s32 $0x8, s6;
	v6 =	vld [tilespmem:s5+$0x14050];
	s4 =	sadd.s32 $0x400, s4  }
0x59e: {  	s7 =	sand.u32 $0x380, s6;
	s8 =	sand.u32 $0x3C00, s4;
	p0 =	slt.u32 s6, $0x3F8;
	[tilespmem:s5+$0x8020] =	vst v5;
	v0 =	vadd.f32 v2, v0;
	v2 =	vld [tilespmem:s5+$0x8060]  }
0x59f: {  	s7 =	sor.u32 s7, s8;
	v5 =	vld [tilespmem:s5+$0x14060]  }
0x5a0: {  	v7 =	vld [tilespmem:s7+$0x8070];
	[tilespmem:s5+$0x8030] =	vst v0;
	v0 =	vadd.f32 v4, v1  }
0x5a1: {  	v1 =	vld [tilespmem:s7+$0x14070]  }
0x5a2: {  	v4 =	vld [tilespmem:s7+$0x8000];
	[tilespmem:s5+$0x8040] =	vst v0;
	v0 =	vadd.f32 v6, v3  }
0x5a3: {  	v3 =	vld [tilespmem:s7+$0x14000]  }
0x5a4: {  	v6 =	vld [tilespmem:s7+$0x8010];
	[tilespmem:s5+$0x8050] =	vst v0;
	v0 =	vadd.f32 v5, v2  }
0x5a5: {  	v5 =	vld [tilespmem:s7+$0x14010]  }
0x5a6: {  	v8 =	vld [tilespmem:s7+$0x8020];
	v1 =	vadd.f32 v1, v7;
	[tilespmem:s5+$0x8060] =	vst v0;
	s5 =	smov.u32 s7  }
0x5a7: {  	v7 =	vld [tilespmem:s5+$0x14020]  }
.Ltmp27:
0x5a8: {  	v3 =	vadd.f32 v3, v4;
	v0 =	vld [tilespmem:s5+$0x8030];
	[tilespmem:s5+$0x8070] =	vst v1;
	(pc) =	sbr.rel @p0 .LBB2_56-.Ltmp27, $4  }
0x5a9: {  	v2 =	vld [tilespmem:s5+$0x14030]  }
0x5aa: {  	[tilespmem:s5+$0x8000] =	vst v3;
	v3 =	vadd.f32 v5, v6;
	v1 =	vld [tilespmem:s5+$0x8040]  }
0x5ab: {  	v4 =	vld [tilespmem:s5+$0x14040]  }
0x5ac: {  	[tilespmem:s5+$0x8010] =	vst v3;
	v5 =	vadd.f32 v7, v8;
	v3 =	vld [tilespmem:s5+$0x8050]  }
0x5ad: {  	v6 =	vld [tilespmem:s5+$0x14050]  }
0x5ae: {  	v7 =	vld [tilespmem:s5+$0x8060]  }
0x5af: {  	v8 =	vld [tilespmem:s5+$0x14060];
	_ =	sdelay $0x1  }
0x5b0: {  	v0 =	vadd.f32 v2, v0  }
0x5b1: {  	[tilespmem:s5+$0x8020] =	vst v5;
	v1 =	vadd.f32 v4, v1  }
0x5b2: {  	[tilespmem:s5+$0x8030] =	vst v0;
	v0 =	vadd.f32 v6, v3  }
0x5b3: {  	[tilespmem:s5+$0x8040] =	vst v1;
	v1 =	vadd.f32 v8, v7  }
0x5b4: {  	[tilespmem:s5+$0x8050] =	vst v0  }
0x5b5: {  	[tilespmem:s5+$0x8060] =	vst v1  }
0x5b6: {  	s5 =	sld [smem:$0x7F8];
	_ =	sdelay $0x1  }
0x5b7: {  	s4 =	simm.s32 $0x0  }
0x5b8: {  	[hbm4b:s5+s4] =	stream.linear.scatter [tilespmem:s17], [sflag:$0x8], $0x4000, $0x38;
	[tilespmem:$0x1C000] =	vst v63  }
0x5b9: {  	_ =	swait.ge [sflag:s26], $0x4000  }
0x5ba: {  	[sflag:s26] =	ssyncset.done $0x0  }
0x5bb: {  	[sflag:s26] =	ssyncadd.s32 $0xFFFFC000  }
0x5bc: {  	[tilespmem:s16], [sflag:$0x2] =	stream.linear.gather [hbm4b:s9+s4], $0x4000, $0x38;
	[tilespmem:$0x1C000] =	vst v63  }
0x5bd: {  	_ =	swait.ge [sflag:s30], $0x4000  }
0x5be: {  	[sflag:s30] =	ssyncset.done $0x0  }
0x5bf: {  	[sflag:s30] =	ssyncadd.s32 $0xFFFFC000  }
0x5c0: {  	s6 =	simm.s32 $0x0;
	_ =	swait.ge [sflag:s28], $0x4000  }
0x5c1: {  	s8 =	sand.u32 $0x380, s6;
	s7 =	sand.u32 $0x3C00, s4;
	[sflag:s28] =	ssyncset.done $0x0  }
0x5c2: {  	s5 =	sor.u32 s8, s7;
	[sflag:s28] =	ssyncadd.s32 $0xFFFFC000  }
0x5c3: {  	v0 =	vld [tilespmem:s5+$0xC070]  }
0x5c4: {  	v1 =	vld [tilespmem:s5+$0x18070]  }
0x5c5: {  	v2 =	vld [tilespmem:s5+$0xC000]  }
0x5c6: {  	v3 =	vld [tilespmem:s5+$0x18000]  }
0x5c7: {  	v4 =	vld [tilespmem:s5+$0xC010]  }
0x5c8: {  	v5 =	vld [tilespmem:s5+$0x18010]  }
0x5c9: {  	v6 =	vld [tilespmem:s5+$0xC020]  }
0x5ca: {  	v7 =	vld [tilespmem:s5+$0x18020]  }
0x5cb: {  	v1 =	vadd.f32 v1, v0;
	v0 =	vld [tilespmem:s5+$0xC030]  }
0x5cc: {  	v3 =	vadd.f32 v3, v2;
	v2 =	vld [tilespmem:s5+$0x18030]  }
0x5cd: {  	v5 =	vadd.f32 v5, v4;
	v4 =	vld [tilespmem:s5+$0x18040];
	[tilespmem:s5+$0xC070] =	vst v1  }
0x5ce: {  	v1 =	vld [tilespmem:s5+$0xC040];
	[tilespmem:s5+$0xC000] =	vst v3  }
0x5cf: {  	[tilespmem:s5+$0xC010] =	vst v5;
	v5 =	vadd.f32 v7, v6;
	v3 =	vld [tilespmem:s5+$0xC050]  }
.LBB2_58:
0x5d0: {  	s6 =	sadd.s32 $0x8, s6;
	v6 =	vld [tilespmem:s5+$0x18050];
	s4 =	sadd.s32 $0x400, s4  }
0x5d1: {  	s7 =	sand.u32 $0x380, s6;
	s8 =	sand.u32 $0x3C00, s4;
	p0 =	slt.u32 s6, $0x3F8;
	[tilespmem:s5+$0xC020] =	vst v5;
	v0 =	vadd.f32 v2, v0;
	v2 =	vld [tilespmem:s5+$0xC060]  }
0x5d2: {  	s7 =	sor.u32 s7, s8;
	v5 =	vld [tilespmem:s5+$0x18060]  }
0x5d3: {  	v7 =	vld [tilespmem:s7+$0xC070];
	[tilespmem:s5+$0xC030] =	vst v0;
	v0 =	vadd.f32 v4, v1  }
0x5d4: {  	v1 =	vld [tilespmem:s7+$0x18070]  }
0x5d5: {  	v4 =	vld [tilespmem:s7+$0xC000];
	[tilespmem:s5+$0xC040] =	vst v0;
	v0 =	vadd.f32 v6, v3  }
0x5d6: {  	v3 =	vld [tilespmem:s7+$0x18000]  }
0x5d7: {  	v6 =	vld [tilespmem:s7+$0xC010];
	[tilespmem:s5+$0xC050] =	vst v0;
	v0 =	vadd.f32 v5, v2  }
0x5d8: {  	v5 =	vld [tilespmem:s7+$0x18010]  }
0x5d9: {  	v8 =	vld [tilespmem:s7+$0xC020];
	v1 =	vadd.f32 v1, v7;
	[tilespmem:s5+$0xC060] =	vst v0;
	s5 =	smov.u32 s7  }
0x5da: {  	v7 =	vld [tilespmem:s5+$0x18020]  }
.Ltmp28:
0x5db: {  	v3 =	vadd.f32 v3, v4;
	v0 =	vld [tilespmem:s5+$0xC030];
	[tilespmem:s5+$0xC070] =	vst v1;
	(pc) =	sbr.rel @p0 .LBB2_58-.Ltmp28, $4  }
0x5dc: {  	v2 =	vld [tilespmem:s5+$0x18030]  }
0x5dd: {  	[tilespmem:s5+$0xC000] =	vst v3;
	v3 =	vadd.f32 v5, v6;
	v1 =	vld [tilespmem:s5+$0xC040]  }
0x5de: {  	v4 =	vld [tilespmem:s5+$0x18040]  }
0x5df: {  	[tilespmem:s5+$0xC010] =	vst v3;
	v5 =	vadd.f32 v7, v8;
	v3 =	vld [tilespmem:s5+$0xC050]  }
0x5e0: {  	v6 =	vld [tilespmem:s5+$0x18050]  }
0x5e1: {  	v7 =	vld [tilespmem:s5+$0xC060]  }
0x5e2: {  	v8 =	vld [tilespmem:s5+$0x18060];
	_ =	sdelay $0x1  }
0x5e3: {  	v0 =	vadd.f32 v2, v0  }
0x5e4: {  	[tilespmem:s5+$0xC020] =	vst v5;
	v1 =	vadd.f32 v4, v1  }
0x5e5: {  	[tilespmem:s5+$0xC030] =	vst v0;
	v0 =	vadd.f32 v6, v3  }
0x5e6: {  	[tilespmem:s5+$0xC040] =	vst v1;
	v1 =	vadd.f32 v8, v7  }
0x5e7: {  	[tilespmem:s5+$0xC050] =	vst v0  }
0x5e8: {  	[tilespmem:s5+$0xC060] =	vst v1;
	s5 =	simm.s32 $0x0  }
0x5e9: {  	[hbm4b:s10+s5] =	stream.linear.scatter [tilespmem:s18], [sflag:$0x9], $0x4000, $0x38;
	[tilespmem:$0x1C000] =	vst v63  }
0x5ea: {  	s6 =	simm.s32 $0x0;
	_ =	swait.ge [sflag:s31], $0x4000  }
0x5eb: {  	s4 =	sand.u32 $0x380, s6;
	s7 =	sand.u32 $0x3C00, s5;
	[sflag:s31] =	ssyncset.done $0x0  }
0x5ec: {  	s4 =	sor.u32 s4, s7;
	[sflag:s31] =	ssyncadd.s32 $0xFFFFC000  }
0x5ed: {  	v0 =	vld [tilespmem:s4+$0x10070]  }
0x5ee: {  	v1 =	vld [tilespmem:s4+$0x18070]  }
0x5ef: {  	v2 =	vld [tilespmem:s4+$0x10000]  }
0x5f0: {  	v3 =	vld [tilespmem:s4+$0x18000]  }
0x5f1: {  	v4 =	vld [tilespmem:s4+$0x10010]  }
0x5f2: {  	v5 =	vld [tilespmem:s4+$0x18010]  }
0x5f3: {  	v6 =	vld [tilespmem:s4+$0x10020]  }
0x5f4: {  	v7 =	vld [tilespmem:s4+$0x18020]  }
0x5f5: {  	v1 =	vadd.f32 v1, v0;
	v0 =	vld [tilespmem:s4+$0x10030]  }
0x5f6: {  	v3 =	vadd.f32 v3, v2;
	v2 =	vld [tilespmem:s4+$0x18030]  }
0x5f7: {  	v5 =	vadd.f32 v5, v4;
	v4 =	vld [tilespmem:s4+$0x18040];
	[tilespmem:s4+$0x10070] =	vst v1  }
0x5f8: {  	v1 =	vld [tilespmem:s4+$0x10040];
	[tilespmem:s4+$0x10000] =	vst v3  }
0x5f9: {  	[tilespmem:s4+$0x10010] =	vst v5;
	v5 =	vadd.f32 v7, v6;
	v3 =	vld [tilespmem:s4+$0x10050]  }
.LBB2_60:
0x5fa: {  	s6 =	sadd.s32 $0x8, s6;
	v6 =	vld [tilespmem:s4+$0x18050];
	s5 =	sadd.s32 $0x400, s5  }
0x5fb: {  	s7 =	sand.u32 $0x380, s6;
	s8 =	sand.u32 $0x3C00, s5;
	p0 =	slt.u32 s6, $0x3F8;
	[tilespmem:s4+$0x10020] =	vst v5;
	v0 =	vadd.f32 v2, v0;
	v2 =	vld [tilespmem:s4+$0x10060]  }
0x5fc: {  	s7 =	sor.u32 s7, s8;
	v5 =	vld [tilespmem:s4+$0x18060]  }
0x5fd: {  	v7 =	vld [tilespmem:s7+$0x10070];
	[tilespmem:s4+$0x10030] =	vst v0;
	v0 =	vadd.f32 v4, v1  }
0x5fe: {  	v1 =	vld [tilespmem:s7+$0x18070]  }
0x5ff: {  	v4 =	vld [tilespmem:s7+$0x10000];
	[tilespmem:s4+$0x10040] =	vst v0;
	v0 =	vadd.f32 v6, v3  }
0x600: {  	v3 =	vld [tilespmem:s7+$0x18000]  }
0x601: {  	v6 =	vld [tilespmem:s7+$0x10010];
	[tilespmem:s4+$0x10050] =	vst v0;
	v0 =	vadd.f32 v5, v2  }
0x602: {  	v5 =	vld [tilespmem:s7+$0x18010]  }
0x603: {  	v8 =	vld [tilespmem:s7+$0x10020];
	v1 =	vadd.f32 v1, v7;
	[tilespmem:s4+$0x10060] =	vst v0;
	s4 =	smov.u32 s7  }
0x604: {  	v7 =	vld [tilespmem:s4+$0x18020]  }
.Ltmp29:
0x605: {  	v3 =	vadd.f32 v3, v4;
	v0 =	vld [tilespmem:s4+$0x10030];
	[tilespmem:s4+$0x10070] =	vst v1;
	(pc) =	sbr.rel @p0 .LBB2_60-.Ltmp29, $4  }
0x606: {  	v2 =	vld [tilespmem:s4+$0x18030]  }
0x607: {  	[tilespmem:s4+$0x10000] =	vst v3;
	v3 =	vadd.f32 v5, v6;
	v1 =	vld [tilespmem:s4+$0x10040]  }
0x608: {  	v4 =	vld [tilespmem:s4+$0x18040]  }
0x609: {  	[tilespmem:s4+$0x10010] =	vst v3;
	v5 =	vadd.f32 v7, v8;
	v3 =	vld [tilespmem:s4+$0x10050]  }
0x60a: {  	v6 =	vld [tilespmem:s4+$0x18050]  }
0x60b: {  	v7 =	vld [tilespmem:s4+$0x10060]  }
0x60c: {  	v8 =	vld [tilespmem:s4+$0x18060];
	_ =	sdelay $0x1  }
0x60d: {  	v0 =	vadd.f32 v2, v0  }
0x60e: {  	[tilespmem:s4+$0x10020] =	vst v5;
	v1 =	vadd.f32 v4, v1  }
0x60f: {  	[tilespmem:s4+$0x10030] =	vst v0;
	v0 =	vadd.f32 v6, v3  }
0x610: {  	[tilespmem:s4+$0x10040] =	vst v1;
	v1 =	vadd.f32 v8, v7  }
0x611: {  	[tilespmem:s4+$0x10050] =	vst v0  }
0x612: {  	s5 =	simm.s32 $0x0;
	[tilespmem:s4+$0x10060] =	vst v1  }
0x613: {  	[hbm4b:s11+s5] =	stream.linear.scatter [tilespmem:s22], [sflag:$0xA], $0x4000, $0x38;
	[tilespmem:$0x1C000] =	vst v63  }
0x614: {  	s6 =	simm.s32 $0x0;
	_ =	swait.ge [sflag:s21], $0x4000  }
0x615: {  	s8 =	sand.u32 $0x380, s6;
	s7 =	sand.u32 $0x3C00, s5;
	[sflag:s21] =	ssyncset.done $0x0  }
0x616: {  	s4 =	sor.u32 s8, s7;
	[sflag:s21] =	ssyncadd.s32 $0xFFFFC000  }
0x617: {  	v0 =	vld [tilespmem:s4+$0x70]  }
0x618: {  	v1 =	vld [tilespmem:s4+$0x18070]  }
0x619: {  	v2 =	vld [tilespmem:s4+$0x0]  }
0x61a: {  	v3 =	vld [tilespmem:s4+$0x18000]  }
0x61b: {  	v4 =	vld [tilespmem:s4+$0x10]  }
0x61c: {  	v5 =	vld [tilespmem:s4+$0x18010]  }
0x61d: {  	v6 =	vld [tilespmem:s4+$0x20]  }
0x61e: {  	v7 =	vld [tilespmem:s4+$0x18020]  }
0x61f: {  	v1 =	vadd.f32 v1, v0;
	v0 =	vld [tilespmem:s4+$0x30]  }
0x620: {  	v3 =	vadd.f32 v3, v2;
	v2 =	vld [tilespmem:s4+$0x18030]  }
0x621: {  	v5 =	vadd.f32 v5, v4;
	v4 =	vld [tilespmem:s4+$0x18040];
	[tilespmem:s4+$0x70] =	vst v1  }
0x622: {  	v1 =	vld [tilespmem:s4+$0x40];
	[tilespmem:s4+$0x0] =	vst v3  }
0x623: {  	[tilespmem:s4+$0x10] =	vst v5;
	v5 =	vadd.f32 v7, v6;
	v3 =	vld [tilespmem:s4+$0x50]  }
.LBB2_62:
0x624: {  	s6 =	sadd.s32 $0x8, s6;
	v6 =	vld [tilespmem:s4+$0x18050];
	s5 =	sadd.s32 $0x400, s5  }
0x625: {  	s7 =	sand.u32 $0x380, s6;
	s8 =	sand.u32 $0x3C00, s5;
	p0 =	slt.u32 s6, $0x3F8;
	[tilespmem:s4+$0x20] =	vst v5;
	v0 =	vadd.f32 v2, v0;
	v2 =	vld [tilespmem:s4+$0x60]  }
0x626: {  	s7 =	sor.u32 s7, s8;
	v5 =	vld [tilespmem:s4+$0x18060]  }
0x627: {  	v7 =	vld [tilespmem:s7+$0x70];
	[tilespmem:s4+$0x30] =	vst v0;
	v0 =	vadd.f32 v4, v1  }
0x628: {  	v1 =	vld [tilespmem:s7+$0x18070]  }
0x629: {  	v4 =	vld [tilespmem:s7+$0x0];
	[tilespmem:s4+$0x40] =	vst v0;
	v0 =	vadd.f32 v6, v3  }
0x62a: {  	v3 =	vld [tilespmem:s7+$0x18000]  }
0x62b: {  	v6 =	vld [tilespmem:s7+$0x10];
	[tilespmem:s4+$0x50] =	vst v0;
	v0 =	vadd.f32 v5, v2  }
0x62c: {  	v5 =	vld [tilespmem:s7+$0x18010]  }
0x62d: {  	v8 =	vld [tilespmem:s7+$0x20];
	v1 =	vadd.f32 v1, v7;
	[tilespmem:s4+$0x60] =	vst v0;
	s4 =	smov.u32 s7  }
0x62e: {  	v7 =	vld [tilespmem:s4+$0x18020]  }
.Ltmp30:
0x62f: {  	v3 =	vadd.f32 v3, v4;
	v0 =	vld [tilespmem:s4+$0x30];
	[tilespmem:s4+$0x70] =	vst v1;
	(pc) =	sbr.rel @p0 .LBB2_62-.Ltmp30, $4  }
0x630: {  	v2 =	vld [tilespmem:s4+$0x18030]  }
0x631: {  	[tilespmem:s4+$0x0] =	vst v3;
	v3 =	vadd.f32 v5, v6;
	v1 =	vld [tilespmem:s4+$0x40]  }
0x632: {  	v4 =	vld [tilespmem:s4+$0x18040]  }
0x633: {  	[tilespmem:s4+$0x10] =	vst v3;
	v5 =	vadd.f32 v7, v8;
	v3 =	vld [tilespmem:s4+$0x50]  }
0x634: {  	v6 =	vld [tilespmem:s4+$0x18050]  }
0x635: {  	v7 =	vld [tilespmem:s4+$0x60]  }
0x636: {  	v8 =	vld [tilespmem:s4+$0x18060];
	_ =	sdelay $0x1  }
0x637: {  	v0 =	vadd.f32 v2, v0  }
0x638: {  	[tilespmem:s4+$0x20] =	vst v5;
	v1 =	vadd.f32 v4, v1  }
0x639: {  	[tilespmem:s4+$0x30] =	vst v0;
	v0 =	vadd.f32 v6, v3  }
0x63a: {  	[tilespmem:s4+$0x40] =	vst v1;
	v1 =	vadd.f32 v8, v7  }
0x63b: {  	[tilespmem:s4+$0x50] =	vst v0  }
0x63c: {  	s5 =	simm.s32 $0x0;
	[tilespmem:s4+$0x60] =	vst v1  }
0x63d: {  	[hbm4b:s12+s5] =	stream.linear.scatter [tilespmem:s5], [sflag:$0x6], $0x4000, $0x38;
	[tilespmem:$0x1C000] =	vst v63  }
0x63e: {  	s6 =	simm.s32 $0x0;
	_ =	swait.ge [sflag:s23], $0x4000  }
0x63f: {  	s8 =	sand.u32 $0x380, s6;
	s7 =	sand.u32 $0x3C00, s5;
	[sflag:s23] =	ssyncset.done $0x0  }
0x640: {  	s4 =	sor.u32 s8, s7;
	[sflag:s23] =	ssyncadd.s32 $0xFFFFC000  }
0x641: {  	v0 =	vld [tilespmem:s4+$0x4070]  }
0x642: {  	v1 =	vld [tilespmem:s4+$0x18070]  }
0x643: {  	v2 =	vld [tilespmem:s4+$0x4000]  }
0x644: {  	v3 =	vld [tilespmem:s4+$0x18000]  }
0x645: {  	v4 =	vld [tilespmem:s4+$0x4010]  }
0x646: {  	v5 =	vld [tilespmem:s4+$0x18010]  }
0x647: {  	v6 =	vld [tilespmem:s4+$0x4020]  }
0x648: {  	v7 =	vld [tilespmem:s4+$0x18020]  }
0x649: {  	v1 =	vadd.f32 v1, v0;
	v0 =	vld [tilespmem:s4+$0x4030]  }
0x64a: {  	v3 =	vadd.f32 v3, v2;
	v2 =	vld [tilespmem:s4+$0x18030]  }
0x64b: {  	v5 =	vadd.f32 v5, v4;
	v4 =	vld [tilespmem:s4+$0x18040];
	[tilespmem:s4+$0x4070] =	vst v1  }
0x64c: {  	v1 =	vld [tilespmem:s4+$0x4040];
	[tilespmem:s4+$0x4000] =	vst v3  }
0x64d: {  	[tilespmem:s4+$0x4010] =	vst v5;
	v5 =	vadd.f32 v7, v6;
	v3 =	vld [tilespmem:s4+$0x4050]  }
.LBB2_64:
0x64e: {  	s6 =	sadd.s32 $0x8, s6;
	v6 =	vld [tilespmem:s4+$0x18050];
	s5 =	sadd.s32 $0x400, s5  }
0x64f: {  	s7 =	sand.u32 $0x380, s6;
	s8 =	sand.u32 $0x3C00, s5;
	p0 =	slt.u32 s6, $0x3F8;
	[tilespmem:s4+$0x4020] =	vst v5;
	v0 =	vadd.f32 v2, v0;
	v2 =	vld [tilespmem:s4+$0x4060]  }
0x650: {  	s7 =	sor.u32 s7, s8;
	v5 =	vld [tilespmem:s4+$0x18060]  }
0x651: {  	v7 =	vld [tilespmem:s7+$0x4070];
	[tilespmem:s4+$0x4030] =	vst v0;
	v0 =	vadd.f32 v4, v1  }
0x652: {  	v1 =	vld [tilespmem:s7+$0x18070]  }
0x653: {  	v4 =	vld [tilespmem:s7+$0x4000];
	[tilespmem:s4+$0x4040] =	vst v0;
	v0 =	vadd.f32 v6, v3  }
0x654: {  	v3 =	vld [tilespmem:s7+$0x18000]  }
0x655: {  	v6 =	vld [tilespmem:s7+$0x4010];
	[tilespmem:s4+$0x4050] =	vst v0;
	v0 =	vadd.f32 v5, v2  }
0x656: {  	v5 =	vld [tilespmem:s7+$0x18010]  }
0x657: {  	v8 =	vld [tilespmem:s7+$0x4020];
	v1 =	vadd.f32 v1, v7;
	[tilespmem:s4+$0x4060] =	vst v0;
	s4 =	smov.u32 s7  }
0x658: {  	v7 =	vld [tilespmem:s4+$0x18020]  }
.Ltmp31:
0x659: {  	v3 =	vadd.f32 v3, v4;
	v0 =	vld [tilespmem:s4+$0x4030];
	[tilespmem:s4+$0x4070] =	vst v1;
	(pc) =	sbr.rel @p0 .LBB2_64-.Ltmp31, $4  }
0x65a: {  	v2 =	vld [tilespmem:s4+$0x18030]  }
0x65b: {  	[tilespmem:s4+$0x4000] =	vst v3;
	v3 =	vadd.f32 v5, v6;
	v1 =	vld [tilespmem:s4+$0x4040]  }
0x65c: {  	v4 =	vld [tilespmem:s4+$0x18040]  }
0x65d: {  	[tilespmem:s4+$0x4010] =	vst v3;
	v5 =	vadd.f32 v7, v8;
	v3 =	vld [tilespmem:s4+$0x4050]  }
0x65e: {  	v6 =	vld [tilespmem:s4+$0x18050]  }
0x65f: {  	v7 =	vld [tilespmem:s4+$0x4060]  }
0x660: {  	v8 =	vld [tilespmem:s4+$0x18060];
	_ =	sdelay $0x1  }
0x661: {  	v0 =	vadd.f32 v2, v0  }
0x662: {  	[tilespmem:s4+$0x4020] =	vst v5;
	v1 =	vadd.f32 v4, v1  }
0x663: {  	[tilespmem:s4+$0x4030] =	vst v0;
	v62 =	vadd.f32 v6, v3  }
0x664: {  	[tilespmem:s4+$0x4040] =	vst v1;
	v63 =	vadd.f32 v8, v7  }
0x665: {  	[tilespmem:s4+$0x4050] =	vst v62  }
0x666: {  	[tilespmem:s4+$0x4060] =	vst v63  }
0x667: {  	[hbm4b:s13+s1] =	stream.linear.scatter [tilespmem:s16], [sflag:$0x7], $0x4000, $0x38;
	[tilespmem:$0x1C000] =	vst v63  }
0x668: {  	_ =	swait.ge [sflag:s29], $0x4000  }
0x669: {  	[sflag:s29] =	ssyncset.done $0x0  }
0x66a: {  	[sflag:s29] =	ssyncadd.s32 $0xFFFFC000  }
0x66b: {  	_ =	swait.ge [sflag:s0], $0x4000  }
0x66c: {  	[sflag:s0] =	ssyncset.done $0x0  }
0x66d: {  	[sflag:s0] =	ssyncadd.s32 $0xFFFFC000  }
0x66e: {  	_ =	swait.ge [sflag:s2], $0x4000  }
0x66f: {  	[sflag:s2] =	ssyncset.done $0x0  }
0x670: {  	s3 =	sadd.s32 $0x1, s3;
	[sflag:s2] =	ssyncadd.s32 $0xFFFFC000  }
0x671: {  	p0 =	sne.s32 s3, s14;
	_ =	swait.ge [sflag:s24], $0x4000  }
.Ltmp32:
0x672: {  	[sflag:s24] =	ssyncset.done $0x0;
	(pc) =	sbr.rel @p0 .LBB2_1-.Ltmp32, $4  }
0x673: {  	[sflag:s24] =	ssyncadd.s32 $0xFFFFC000  }
0x674: {  	_ =	swait.ge [sflag:s26], $0x4000  }
0x675: {  	[sflag:s26] =	ssyncset.done $0x0  }
0x676: {  	[sflag:s26] =	ssyncadd.s32 $0xFFFFC000  }
0x677: {  	_ =	sfence.sel $0x180000  }
0x678: {  	[bflag:$0x0] =	sbarrier.arrive $0xFFFF  }
0x679: {  	_ =	strace $0x90000047  }
0x67a: {  	s0 =	stileid.u32;
	[bflag:$0x2] =	sbarrier.arrive $0xFFFF  }
0x67b: {  	p0 =	sne.s32 s0, $0x0;
	s0 =	rddreg [dreg:$0x3]  }
0x67c: {  	s0 =	sadd.s32 @!p0 $0x100000, s0  }
0x67d: {  	[sflag:s0] =	ssyncadd.tile.s32 @!p0 $0x1;
	_ =	shalt  }
.Lfunc_end2:
_tile_overlayer_lowered:
.L_overlay_start_2:
0x67e: {  	(tag) =	ssettag $0x2  }
0x67f: {  	s0 =	rddreg [dreg:$0x0];
	s2 =	stileid.u32  }
0x680: {  	s1 =	rddreg [dreg:$0x1];
	p0 =	sne.s32 s2, $0x0  }
0x681: {  	s3 =	rddreg [dreg:$0x2];
	[bflag:$0x3] =	sbarrier.arrive $0xFFFF;
	s2 =	simm.s32 @!p0 $0x1C0D  }
0x682: {  	[timem:s3], [sflag:s2] =	dma.local @!p0 [hbm:s0], s1  }
0x683: {  	s0 =	simm.s32 @!p0 $0xD  }
0x684: {  	_ =	swait.ge @!p0 [sflag:s0], s1  }
0x685: {  	s1 =	ssub.s32 @!p0 $0x0, s1;
	[sflag:s0] =	ssyncset.done @!p0 $0x0  }
0x686: {  	[sflag:s0] =	ssyncadd.s32 @!p0 s1  }
0x687: {  	[bflag:$0x3] =	sbarrier.arrive $0xFFFF  }
0x688: {  	_ =	shalt  }

</sc_bundles>
